<compile_context>
chip_gen: v7x
topology: tpu7x:2x2x1
jax: 0.10.2.dev20260603
libtpu: 0.0.44.dev20260713+nightly
codegen_flags: <defaults>
</compile_context>

<pallas_src>
import numpy as np
import jax
import jax.numpy as jnp
from jax import lax
from jax.experimental import pallas as pl
from jax.experimental.pallas import tpu as pltpu
from jax.experimental.pallas import tpu_sc as plsc

_FEAT_STRIDE = 16
_PRE = 6000
_POST = 300
_THRESH = 0.7
_FH, _FW, _A = 50, 75, 9
_N = _FH * _FW * _A
_ROWS = 264
_LANES = 128
_NPAD = _ROWS * _LANES
_B = 2

_NC, _NS = 2, 16
_CHUNK = _NPAD // _NS
_CROWS = 17
_CPAD = _CROWS * 128
_N2ROWS = 47
_N2 = _N2ROWS * _LANES
_OUTROWS = 8192
_DUMP = 6016

def _np_anchors():
    def whctrs(a):
        w = a[2] - a[0] + 1
        h = a[3] - a[1] + 1
        return w, h, a[0] + 0.5 * (w - 1), a[1] + 0.5 * (h - 1)

    def mk(ws, hs, xc, yc):
        ws = ws[:, None]
        hs = hs[:, None]
        return np.hstack((xc - 0.5 * (ws - 1), yc - 0.5 * (hs - 1),
                          xc + 0.5 * (ws - 1), yc + 0.5 * (hs - 1)))

    base = np.array([1, 1, _FEAT_STRIDE, _FEAT_STRIDE], dtype=np.float64) - 1
    ratios = np.array([0.5, 1.0, 2.0])
    scales = np.array([8, 16, 32])
    w, h, xc, yc = whctrs(base)
    size_ratios = (w * h) / ratios
    ws = np.round(np.sqrt(size_ratios))
    hs = np.round(ws * ratios)
    ra = mk(ws, hs, xc, yc)
    outs = []
    for i in range(ra.shape[0]):
        w, h, xc, yc = whctrs(ra[i, :])
        outs.append(mk(w * scales, h * scales, xc, yc))
    anch = np.vstack(outs).astype(np.float32)

    sx = np.arange(_FW, dtype=np.float32) * _FEAT_STRIDE
    sy = np.arange(_FH, dtype=np.float32) * _FEAT_STRIDE
    SX, SY = np.meshgrid(sx, sy)
    shifts = np.stack([SX.ravel(), SY.ravel(), SX.ravel(), SY.ravel()], 1)
    full = (anch[None, :, :] + shifts[:, None, :]).reshape(-1, 4)
    aw = full[:, 2] - full[:, 0] + 1.0
    ah = full[:, 3] - full[:, 1] + 1.0
    ax = full[:, 0] + 0.5 * aw
    ay = full[:, 1] + 0.5 * ah

    def pad(v, fill):
        return np.concatenate([v, np.full(_NPAD - _N, fill, np.float32)]
                              ).astype(np.float32).reshape(_ROWS, _LANES)

    return pad(aw, 1.0), pad(ah, 1.0), pad(ax, 0.0), pad(ay, 0.0)


_AW, _AH, _AX, _AY = _np_anchors()
_TI = np.zeros((7, 128, 2048), np.float32)
for _l in range(128):
    for _c in range(7):
        _TI[_c, _l, _l * 16 + _c] = 1.0
_TU = np.transpose(_TI, (0, 2, 1)).copy()
_UT = np.triu(np.ones((_LANES, _LANES), np.float32), k=1)
_SL = np.tril(np.ones((_ROWS, _ROWS), np.float32), k=-1)


def _i32c(v):
    v = int(v) & 0xFFFFFFFF
    if v >= 1 << 31:
        v -= 1 << 32
    return jnp.int32(v)



def _tc1_body(info_ref, sc_ref, dx_ref, dy_ref, dw_ref, dh_ref,
              aw_ref, ah_ref, ax_ref, ay_ref, ut_ref, sl_ref, ti_ref,
              table_o, dest_o):
    i32 = jnp.int32
    MIN32 = _i32c(0x80000000)
    lin = (lax.broadcasted_iota(i32, (_ROWS, _LANES), 0) * _LANES
           + lax.broadcasted_iota(i32, (_ROWS, _LANES), 1))
    in_range = lin < _N
    aw = aw_ref[...]
    ah = ah_ref[...]
    ax = ax_ref[...]
    ay = ay_ref[...]
    ut = ut_ref[...]
    sl = sl_ref[...]

    for b in range(_B):
        s = sc_ref[b]
        pcx = dx_ref[b] * aw + ax
        pcy = dy_ref[b] * ah + ay
        pw = jnp.exp(dw_ref[b]) * aw
        ph = jnp.exp(dh_ref[b]) * ah
        x1 = pcx - 0.5 * pw
        y1 = pcy - 0.5 * ph
        x2 = pcx + 0.5 * pw
        y2 = pcy + 0.5 * ph
        hm1 = info_ref[b, 0:1, :] - 1.0
        wm1 = info_ref[b, 1:2, :] - 1.0
        x1 = jnp.minimum(jnp.maximum(x1, 0.0), wm1)
        y1 = jnp.minimum(jnp.maximum(y1, 0.0), hm1)
        x2 = jnp.minimum(jnp.maximum(x2, 0.0), wm1)
        y2 = jnp.minimum(jnp.maximum(y2, 0.0), hm1)
        area = (x2 - x1 + 1.0) * (y2 - y1 + 1.0)

        bits = lax.bitcast_convert_type(s, i32)
        ku = jnp.where(bits >= 0, bits | MIN32, ~bits)
        ks = ku ^ MIN32

        p = i32(0)
        rem = i32(_PRE)
        for j in range(31, -1, -1):
            hi_mask = _i32c(~((1 << (j + 1)) - 1)) if j < 31 else i32(0)
            bit = _i32c(1 << j)
            match = ((ku & hi_mask) == p) & in_range
            cnt = jnp.sum(jnp.where(match & ((ku & bit) != 0), 1, 0))
            take = cnt >= rem
            p = jnp.where(take, p | bit, p)
            rem = jnp.where(take, rem, rem - cnt)
        tau_s = p ^ MIN32
        gt = (ks > tau_s) & in_range
        tie = (ks == tau_s) & in_range
        lo = i32(0)
        hi = i32(_N)
        for _ in range(16):
            mid = (lo + hi) // 2
            c = jnp.sum(jnp.where(tie & (lin < mid), 1, 0))
            geq = c >= rem
            hi = jnp.where(geq, mid, hi)
            lo = jnp.where(geq, lo, mid + 1)
        valid = gt | (tie & (lin < hi))

        mf = jnp.where(valid, 1.0, 0.0)
        lanecum = jnp.dot(mf, ut, preferred_element_type=jnp.float32, precision=lax.Precision.HIGHEST)
        rowtot = jnp.sum(mf, axis=1, keepdims=True)
        rowpre = jnp.dot(sl, rowtot, preferred_element_type=jnp.float32, precision=lax.Precision.HIGHEST)
        rank = (rowpre + lanecum).astype(i32)
        dump = i32(_DUMP) + (lin & i32(2047))
        dest = jnp.where(valid, rank, dump) + i32(b * _OUTROWS)
        dest_o[b] = dest

        ku2 = ks ^ MIN32
        khi = ((ku2 >> 16) & 0xFFFF).astype(jnp.float32)
        klo = (ku2 & 0xFFFF).astype(jnp.float32)
        comps = (x1, y1, x2, y2, area, khi, klo)
        acc = jnp.zeros((_ROWS, 2048), jnp.float32)
        for c in range(7):
            acc = acc + jnp.dot(comps[c], ti_ref[c],
                                preferred_element_type=jnp.float32, precision=lax.Precision.HIGHEST)
        table_o[b] = acc



def _sc_body(table_ref, idx_ref, out_ref, idxv, rowsv, sem):
    c = lax.axis_index("c")
    s = lax.axis_index("s")
    w = c * _NS + s
    ebase = w * _CHUNK
    pltpu.sync_copy(idx_ref.at[w], idxv)
    pltpu.sync_copy(table_ref.at[pl.ds(ebase, _CHUNK)],
                    rowsv.at[pl.ds(0, _CHUNK)])
    copies = []
    for j in range(_CROWS):
        copies.append(pltpu.async_copy(rowsv.at[pl.ds(j * 128, 128)],
                                       out_ref.at[idxv.at[j]], sem))
    for cp in copies:
        cp.wait()



def _tc2_body(ctab_ref, tu_ref, out0_ref, out1_ref, plane0_ref, plane1_ref):
    outs = (out0_ref, out1_ref)
    i32 = jnp.int32
    MIN32 = _i32c(0x80000000)
    IMAX = _i32c(0x7FFFFFFF)
    lin = (lax.broadcasted_iota(i32, (_N2ROWS, _LANES), 0) * _LANES
           + lax.broadcasted_iota(i32, (_N2ROWS, _LANES), 1))
    lane = lax.broadcasted_iota(i32, (1, _LANES), 1)
    planes = (plane0_ref, plane1_ref)

    batches = []
    for b in range(_B):
        pr = planes[b]
        ct = ctab_ref[b]
        for c in range(5):
            pr[c] = jnp.dot(ct, tu_ref[c],
                            preferred_element_type=jnp.float32, precision=lax.Precision.HIGHEST)
        khi = jnp.dot(ct, tu_ref[5], preferred_element_type=jnp.float32, precision=lax.Precision.HIGHEST)
        klo = jnp.dot(ct, tu_ref[6], preferred_element_type=jnp.float32, precision=lax.Precision.HIGHEST)
        ku2 = (khi.astype(i32) << 16) | klo.astype(i32)
        batches.append(ku2 ^ MIN32)

    v_init = jnp.where(lin < _PRE, 1, 0)

    def step(k, carry):
        newv = []
        for b in range(_B):
            v = carry[b] != 0
            ks = batches[b]
            pr = planes[b]
            mk = jnp.max(jnp.where(v, ks, MIN32))
            flag = mk != MIN32
            ii = jnp.min(jnp.where(v & (ks == mk), lin, IMAX))
            iic = jnp.minimum(ii, i32(_N2 - 1))
            r0 = iic // _LANES
            l0 = iic - r0 * _LANES
            lsel = lane == l0
            px1 = jnp.sum(jnp.where(lsel, pr[0, pl.ds(r0, 1), :], 0.0))
            py1 = jnp.sum(jnp.where(lsel, pr[1, pl.ds(r0, 1), :], 0.0))
            px2 = jnp.sum(jnp.where(lsel, pr[2, pl.ds(r0, 1), :], 0.0))
            py2 = jnp.sum(jnp.where(lsel, pr[3, pl.ds(r0, 1), :], 0.0))
            pa = jnp.sum(jnp.where(lsel, pr[4, pl.ds(r0, 1), :], 0.0))
            x1 = pr[0]
            y1 = pr[1]
            x2 = pr[2]
            y2 = pr[3]
            area = pr[4]
            xx1 = jnp.maximum(px1, x1)
            yy1 = jnp.maximum(py1, y1)
            xx2 = jnp.minimum(px2, x2)
            yy2 = jnp.minimum(py2, y2)
            inter = (jnp.maximum(xx2 - xx1 + 1.0, 0.0)
                     * jnp.maximum(yy2 - yy1 + 1.0, 0.0))
            iou = inter / (pa + area - inter)
            vn = v & (iou <= _THRESH)
            fgate = jnp.where(flag, 1.0, 0.0)
            row = (jnp.where(lane == 0, px1, 0.0)
                   + jnp.where(lane == 1, py1, 0.0)
                   + jnp.where(lane == 2, px2, 0.0)
                   + jnp.where(lane == 3, py2, 0.0)) * fgate
            outs[b][pl.ds(k, 1), :] = row
            newv.append(jnp.where(vn, 1, 0))
        return tuple(newv)

    lax.fori_loop(0, _POST, step, (v_init, v_init))



def _pad_to_grid(x):
    pad = jnp.zeros((_B, _NPAD - _N), x.dtype)
    return jnp.concatenate([x, pad], axis=1).reshape(_B, _ROWS, _LANES)


def kernel(scores, bbox_deltas, im_info, ignore_region, num_ignore):
    del ignore_region
    B = scores.shape[0]
    obj = jnp.transpose(scores[:, _A:, :, :], (0, 2, 3, 1)).reshape(B, _N)
    obj = obj + jnp.asarray(num_ignore, dtype=obj.dtype)
    dl = jnp.transpose(bbox_deltas, (0, 2, 3, 1)).reshape(B, _N, 4)

    neg = jnp.full((_B, _NPAD - _N), -jnp.inf, jnp.float32)
    sc = jnp.concatenate([obj, neg], axis=1).reshape(_B, _ROWS, _LANES)
    dx = _pad_to_grid(dl[..., 0])
    dy = _pad_to_grid(dl[..., 1])
    dw = _pad_to_grid(dl[..., 2])
    dh = _pad_to_grid(dl[..., 3])

    info = jnp.stack([
        jnp.broadcast_to(im_info[:, 0][:, None], (_B, _LANES)),
        jnp.broadcast_to(im_info[:, 1][:, None], (_B, _LANES)),
    ], axis=1)
    info = jnp.concatenate(
        [info, jnp.zeros((_B, 6, _LANES), jnp.float32)], axis=1)

    table, dest = pl.pallas_call(
        _tc1_body,
        out_shape=[jax.ShapeDtypeStruct((_B, _ROWS, 2048), jnp.float32),
                   jax.ShapeDtypeStruct((_B, _ROWS, _LANES), jnp.int32)],
    )(info, sc, dx, dy, dw, dh,
      jnp.asarray(_AW), jnp.asarray(_AH), jnp.asarray(_AX), jnp.asarray(_AY),
      jnp.asarray(_UT), jnp.asarray(_SL), jnp.asarray(_TI))

    table = table.reshape(_B * _NPAD, 16)

    dflat = dest.reshape(_B, _NS, _CHUNK)
    dump = (jnp.broadcast_to(
        _DUMP + (jnp.arange(_NS * (_CPAD - _CHUNK), dtype=jnp.int32)
                 & 2047).reshape(_NS, _CPAD - _CHUNK),
        (_B, _NS, _CPAD - _CHUNK))
            + (jnp.arange(_B, dtype=jnp.int32) * _OUTROWS)[:, None, None])
    didx = jnp.concatenate([dflat, dump], axis=2).reshape(_B * _NS, _CROWS, 128)

    compacted = pl.kernel(
        _sc_body,
        mesh=plsc.VectorSubcoreMesh(core_axis_name="c", subcore_axis_name="s"),
        out_type=jax.ShapeDtypeStruct((_B * _OUTROWS, 16), jnp.float32),
        scratch_types=[pltpu.VMEM((_CROWS, 128), jnp.int32),
                       pltpu.VMEM((_CPAD, 16), jnp.float32),
                       pltpu.SemaphoreType.DMA],
        compiler_params=pltpu.CompilerParams(use_tc_tiling_on_sc=False),
    )(table, didx)

    ctab = compacted.reshape(_B, _OUTROWS, 16)[:, :_N2, :]
    ctab = ctab.reshape(_B, _N2ROWS, 2048)

    out0, out1 = pl.pallas_call(
        _tc2_body,
        out_shape=[jax.ShapeDtypeStruct((304, _LANES), jnp.float32),
                   jax.ShapeDtypeStruct((304, _LANES), jnp.float32)],
        scratch_shapes=[pltpu.VMEM((5, _N2ROWS, _LANES), jnp.float32),
                        pltpu.VMEM((5, _N2ROWS, _LANES), jnp.float32)],
    )(ctab, jnp.asarray(_TU))
    out = jnp.stack([out0, out1], axis=0)

    kept = out[:, :_POST, :4]
    col0 = jnp.broadcast_to(
        jnp.arange(B, dtype=jnp.float32)[:, None, None], (B, _POST, 1))
    return jnp.concatenate([col0, kept], axis=2)

# --- scband reference (transcript-rebuilt; emitter-appended) ---
"""Pipeline reference for scband-proposal-layer-63393717289576 (READ-ONLY COPY).

The authoritative reference and input builder live on the scoring server;
editing this copy changes nothing except your own understanding.
"""

import jax, jax.numpy as jnp
import numpy as np

FEAT_STRIDE = 16
PRE_NMS_TOP_N = 6000
POST_NMS_TOP_N = 300
NMS_THRESH = 0.7
BATCH = 2
FEAT_H, FEAT_W = 50, 75
NUM_ANCHORS = 9


def _whctrs(anchor):
    w = anchor[2] - anchor[0] + 1
    h = anchor[3] - anchor[1] + 1
    x_ctr = anchor[0] + 0.5 * (w - 1)
    y_ctr = anchor[1] + 0.5 * (h - 1)
    return w, h, x_ctr, y_ctr


def _mkanchors(ws, hs, x_ctr, y_ctr):
    ws = ws[:, None]
    hs = hs[:, None]
    return np.hstack((x_ctr - 0.5 * (ws - 1), y_ctr - 0.5 * (hs - 1), x_ctr + 0.5 * (ws - 1), y_ctr + 0.5 * (hs - 1)))


def _ratio_enum(anchor, ratios):
    w, h, x_ctr, y_ctr = _whctrs(anchor)
    size = w * h
    size_ratios = size / ratios
    ws = np.round(np.sqrt(size_ratios))
    hs = np.round(ws * ratios)
    return _mkanchors(ws, hs, x_ctr, y_ctr)


def _scale_enum(anchor, scales):
    w, h, x_ctr, y_ctr = _whctrs(anchor)
    ws = w * scales
    hs = h * scales
    return _mkanchors(ws, hs, x_ctr, y_ctr)


def generate_anchors(base_size=16, ratios=np.array([0.5, 1.0, 2.0]), scales=np.array([8, 16, 32])):
    base_anchor = np.array([1, 1, base_size, base_size], dtype=np.float64) - 1
    ratio_anchors = _ratio_enum(base_anchor, ratios)
    return np.vstack([_scale_enum(ratio_anchors[i, :], scales) for i in range(ratio_anchors.shape[0])])


ANCHORS = jnp.asarray(generate_anchors(base_size=FEAT_STRIDE), dtype=jnp.float32)


def bbox_transform_inv(boxes, deltas):
    widths = boxes[:, :, 2] - boxes[:, :, 0] + 1.0
    heights = boxes[:, :, 3] - boxes[:, :, 1] + 1.0
    ctr_x = boxes[:, :, 0] + 0.5 * widths
    ctr_y = boxes[:, :, 1] + 0.5 * heights
    dx = deltas[:, :, 0]
    dy = deltas[:, :, 1]
    dw = deltas[:, :, 2]
    dh = deltas[:, :, 3]
    pred_ctr_x = dx * widths + ctr_x
    pred_ctr_y = dy * heights + ctr_y
    pred_w = jnp.exp(dw) * widths
    pred_h = jnp.exp(dh) * heights
    return jnp.stack([pred_ctr_x - 0.5 * pred_w, pred_ctr_y - 0.5 * pred_h, pred_ctr_x + 0.5 * pred_w, pred_ctr_y + 0.5 * pred_h], axis=2)


def clip_boxes(boxes, im_info):
    h = im_info[:, 0][:, None]
    w = im_info[:, 1][:, None]
    x1 = jnp.minimum(jnp.maximum(boxes[:, :, 0], 0.0), w - 1.0)
    y1 = jnp.minimum(jnp.maximum(boxes[:, :, 1], 0.0), h - 1.0)
    x2 = jnp.minimum(jnp.maximum(boxes[:, :, 2], 0.0), w - 1.0)
    y2 = jnp.minimum(jnp.maximum(boxes[:, :, 3], 0.0), h - 1.0)
    return jnp.stack([x1, y1, x2, y2], axis=2)


def nms_sorted_boxes(boxes, thresh, max_keep):
    # boxes already sorted descending by score; greedy NMS with fixed iteration count
    x1 = boxes[:, 0]
    y1 = boxes[:, 1]
    x2 = boxes[:, 2]
    y2 = boxes[:, 3]
    areas = (x2 - x1 + 1.0) * (y2 - y1 + 1.0)
    valid = jnp.ones(boxes.shape[0], dtype=bool)
    idxs = []
    flags = []
    for _ in range(max_keep):
        has = jnp.any(valid)
        i = jnp.argmax(valid)  # first remaining (highest-score) box
        xx1 = jnp.maximum(x1[i], x1)
        yy1 = jnp.maximum(y1[i], y1)
        xx2 = jnp.minimum(x2[i], x2)
        yy2 = jnp.minimum(y2[i], y2)
        inter = jnp.maximum(xx2 - xx1 + 1.0, 0.0) * jnp.maximum(yy2 - yy1 + 1.0, 0.0)
        iou = inter / (areas[i] + areas - inter)
        valid = valid & (iou <= thresh) & has
        idxs.append(i)
        flags.append(has)
    return jnp.stack(idxs), jnp.stack(flags)


def setup_inputs(seed: int = 0):
    key = jax.random.key(seed)
    k1, k2 = jax.random.split(key)
    scores = jax.random.normal(k1, (BATCH, 2 * NUM_ANCHORS, FEAT_H, FEAT_W), dtype=jnp.float32)
    bbox_deltas = jax.random.normal(k2, (BATCH, 4 * NUM_ANCHORS, FEAT_H, FEAT_W), dtype=jnp.float32)
    im_info = jnp.ones((BATCH, 3), dtype=jnp.float32) * jnp.array([FEAT_H * FEAT_STRIDE, FEAT_W * FEAT_STRIDE, 1.0], dtype=jnp.float32)
    ignore_region = jnp.zeros((BATCH, 1, 5), dtype=jnp.float32)
    return {"scores": scores, "bbox_deltas": bbox_deltas, "im_info": im_info, "ignore_region": ignore_region, "num_ignore": 0}


def reference(scores, bbox_deltas, im_info, ignore_region, num_ignore):
    # num_ignore == 0 path: ignore_label is all-ones (legacy byte-mask => keep everything)
    B = scores.shape[0]
    obj_scores = scores[:, NUM_ANCHORS:, :, :]
    fh, fw = obj_scores.shape[2], obj_scores.shape[3]
    shift_x = jnp.arange(fw, dtype=jnp.float32) * FEAT_STRIDE
    shift_y = jnp.arange(fh, dtype=jnp.float32) * FEAT_STRIDE
    sx, sy = jnp.meshgrid(shift_x, shift_y)
    shifts = jnp.stack([sx.ravel(), sy.ravel(), sx.ravel(), sy.ravel()], axis=1)
    anchors = (ANCHORS[None, :, :] + shifts[:, None, :]).reshape(1, -1, 4)
    anchors = jnp.broadcast_to(anchors, (B, anchors.shape[1], 4))
    deltas = jnp.transpose(bbox_deltas, (0, 2, 3, 1)).reshape(B, -1, 4)
    sc = jnp.transpose(obj_scores, (0, 2, 3, 1)).reshape(B, -1)
    sc = sc + jnp.asarray(num_ignore, dtype=sc.dtype)
    proposals = bbox_transform_inv(anchors, deltas)
    proposals = clip_boxes(proposals, im_info)
    outs = []
    for i in range(B):
        order = jnp.argsort(-sc[i])[:PRE_NMS_TOP_N]
        props = proposals[i][order]
        keep_idx, flags = nms_sorted_boxes(props, NMS_THRESH, POST_NMS_TOP_N)
        kept = props[keep_idx] * flags[:, None].astype(props.dtype)
        col0 = jnp.full((POST_NMS_TOP_N, 1), float(i), dtype=props.dtype)
        outs.append(jnp.concatenate([col0, kept], axis=1))
    return jnp.stack(outs, axis=0)

if __name__ == "__main__":
    import jax
    _d = setup_inputs()
    print(jax.jit(kernel)(*tuple(_d.values())))

</pallas_src>

<mosaic_0001>
#map = affine_map<(d0, d1) -> (0, 0)>
#map1 = affine_map<(d0, d1) -> (0, 0, 0)>
module attributes {stable_mosaic.version = 14 : i64} {
  func.func @_sc_body(%arg0: i32, %arg1: i32, %arg2: memref<67584x16xf32, #tpu.memory_space<hbm>>, %arg3: memref<32x17x128xi32, #tpu.memory_space<hbm>>, %arg4: memref<16384x16xf32, #tpu.memory_space<hbm>>, %arg5: memref<17x128xi32, #tpu.memory_space<vmem>>, %arg6: memref<2176x16xf32, #tpu.memory_space<vmem>>, %arg7: memref<!tpu.dma_semaphore, #tpu.memory_space<semaphore_mem>>) attributes {dimension_semantics = [#tpu.dimension_semantics<core_parallel>, #tpu.dimension_semantics<subcore_parallel>], iteration_bounds = array<i64: 2, 16>, scalar_prefetch = 0 : i64, scratch_operands = 3 : i64, tpu.core_type = #tpu.core_type<sc_vector_subcore>, window_params = [{transform_indices = #map}, {transform_indices = #map1}, {transform_indices = #map}]} {
    %mul3A = arith.constant 16 : i32
    %mul3A_0 = arith.muli %arg0, %mul3A : i32
    %add3A = arith.addi %mul3A_0, %arg1 : i32
    %mul3A_1 = arith.constant 2112 : i32
    %mul3A_2 = arith.muli %add3A, %mul3A_1 : i32
    "tpu.region"() ({
      %run_scoped3A = tpu.sem_alloc : memref<!tpu.dma_semaphore, #tpu.memory_space<semaphore_mem>>
      %dma_start3A_341 = arith.constant 0 : i32
      %dma_start3A_342 = arith.constant 0 : i32
      %dma_start3A_343 = tpu.memref_slice %arg3[%add3A, %dma_start3A_341, %dma_start3A_342] : memref<32x17x128xi32, #tpu.memory_space<hbm>> -> memref<1x17x128xi32, #tpu.memory_space<hbm>>
      %dma_start3A_344 = tpu.memref_squeeze %dma_start3A_343 : memref<1x17x128xi32, #tpu.memory_space<hbm>> -> memref<17x128xi32, #tpu.memory_space<hbm>>
      %dma_start3A_345 = arith.constant 0 : i32
      %dma_start3A_346 = arith.constant 0 : i32
      %dma_start3A_347 = tpu.memref_slice %arg3[%add3A, %dma_start3A_345, %dma_start3A_346] : memref<32x17x128xi32, #tpu.memory_space<hbm>> -> memref<1x17x128xi32, #tpu.memory_space<hbm>>
      %dma_start3A_348 = tpu.memref_squeeze %dma_start3A_347 : memref<1x17x128xi32, #tpu.memory_space<hbm>> -> memref<17x128xi32, #tpu.memory_space<hbm>>
      tpu.enqueue_dma source(%dma_start3A_348 : memref<17x128xi32, #tpu.memory_space<hbm>>) target(%arg5 : memref<17x128xi32, #tpu.memory_space<vmem>>) target_semaphore(%run_scoped3A : memref<!tpu.dma_semaphore, #tpu.memory_space<semaphore_mem>>)
      %dma_wait3A_349 = arith.constant 0 : i32
      %dma_wait3A_350 = arith.constant 0 : i32
      %dma_wait3A_351 = tpu.memref_slice %arg3[%add3A, %dma_wait3A_349, %dma_wait3A_350] : memref<32x17x128xi32, #tpu.memory_space<hbm>> -> memref<1x17x128xi32, #tpu.memory_space<hbm>>
      %dma_wait3A_352 = tpu.memref_squeeze %dma_wait3A_351 : memref<1x17x128xi32, #tpu.memory_space<hbm>> -> memref<17x128xi32, #tpu.memory_space<hbm>>
      %dma_wait3A_353 = arith.constant 0 : i32
      %dma_wait3A_354 = arith.constant 0 : i32
      %dma_wait3A_355 = tpu.memref_slice %arg3[%add3A, %dma_wait3A_353, %dma_wait3A_354] : memref<32x17x128xi32, #tpu.memory_space<hbm>> -> memref<1x17x128xi32, #tpu.memory_space<hbm>>
      %dma_wait3A_356 = tpu.memref_squeeze %dma_wait3A_355 : memref<1x17x128xi32, #tpu.memory_space<hbm>> -> memref<17x128xi32, #tpu.memory_space<hbm>>
      tpu.wait_dma2 semaphore(%run_scoped3A : memref<!tpu.dma_semaphore, #tpu.memory_space<semaphore_mem>>) src(%dma_wait3A_356 : memref<17x128xi32, #tpu.memory_space<hbm>>) dst(%arg5 : memref<17x128xi32, #tpu.memory_space<vmem>>)
      tpu.yield
    }) : () -> ()
    "tpu.region"() ({
      %run_scoped3A = tpu.sem_alloc : memref<!tpu.dma_semaphore, #tpu.memory_space<semaphore_mem>>
      %dma_start3A_341 = arith.constant 0 : i32
      %dma_start3A_342 = arith.constant 0 : i32
      %dma_start3A_343 = tpu.memref_slice %arg6[%dma_start3A_341, %dma_start3A_342] : memref<2176x16xf32, #tpu.memory_space<vmem>> -> memref<2112x16xf32, #tpu.memory_space<vmem>>
      %dma_start3A_344 = arith.constant 0 : i32
      %dma_start3A_345 = tpu.memref_slice %arg2[%mul3A_2, %dma_start3A_344] : memref<67584x16xf32, #tpu.memory_space<hbm>> -> memref<2112x16xf32, #tpu.memory_space<hbm>>
      %dma_start3A_346 = arith.constant 0 : i32
      %dma_start3A_347 = arith.constant 0 : i32
      %dma_start3A_348 = tpu.memref_slice %arg6[%dma_start3A_346, %dma_start3A_347] : memref<2176x16xf32, #tpu.memory_space<vmem>> -> memref<2112x16xf32, #tpu.memory_space<vmem>>
      %dma_start3A_349 = arith.constant 0 : i32
      %dma_start3A_350 = tpu.memref_slice %arg2[%mul3A_2, %dma_start3A_349] : memref<67584x16xf32, #tpu.memory_space<hbm>> -> memref<2112x16xf32, #tpu.memory_space<hbm>>
      tpu.enqueue_dma source(%dma_start3A_350 : memref<2112x16xf32, #tpu.memory_space<hbm>>) target(%dma_start3A_348 : memref<2112x16xf32, #tpu.memory_space<vmem>>) target_semaphore(%run_scoped3A : memref<!tpu.dma_semaphore, #tpu.memory_space<semaphore_mem>>)
      %dma_wait3A_351 = arith.constant 0 : i32
      %dma_wait3A_352 = arith.constant 0 : i32
      %dma_wait3A_353 = tpu.memref_slice %arg6[%dma_wait3A_351, %dma_wait3A_352] : memref<2176x16xf32, #tpu.memory_space<vmem>> -> memref<2112x16xf32, #tpu.memory_space<vmem>>
      %dma_wait3A_354 = arith.constant 0 : i32
      %dma_wait3A_355 = tpu.memref_slice %arg2[%mul3A_2, %dma_wait3A_354] : memref<67584x16xf32, #tpu.memory_space<hbm>> -> memref<2112x16xf32, #tpu.memory_space<hbm>>
      %dma_wait3A_356 = arith.constant 0 : i32
      %dma_wait3A_357 = arith.constant 0 : i32
      %dma_wait3A_358 = tpu.memref_slice %arg6[%dma_wait3A_356, %dma_wait3A_357] : memref<2176x16xf32, #tpu.memory_space<vmem>> -> memref<2112x16xf32, #tpu.memory_space<vmem>>
      %dma_wait3A_359 = arith.constant 0 : i32
      %dma_wait3A_360 = tpu.memref_slice %arg2[%mul3A_2, %dma_wait3A_359] : memref<67584x16xf32, #tpu.memory_space<hbm>> -> memref<2112x16xf32, #tpu.memory_space<hbm>>
      tpu.wait_dma2 semaphore(%run_scoped3A : memref<!tpu.dma_semaphore, #tpu.memory_space<semaphore_mem>>) src(%dma_wait3A_360 : memref<2112x16xf32, #tpu.memory_space<hbm>>) dst(%dma_wait3A_358 : memref<2112x16xf32, #tpu.memory_space<vmem>>)
      tpu.yield
    }) : () -> ()
    %dma_start3A = arith.constant 0 : i32
    %dma_start3A_3 = arith.constant 0 : i32
    %dma_start3A_4 = arith.constant 0 : i32
    %dma_start3A_5 = tpu.memref_slice %arg6[%dma_start3A_3, %dma_start3A_4] : memref<2176x16xf32, #tpu.memory_space<vmem>> -> memref<128x16xf32, #tpu.memory_space<vmem>>
    %dma_start3A_6 = arith.constant 0 : i32
    %dma_start3A_7 = tpu.memref_slice %arg5[%dma_start3A, %dma_start3A_6] : memref<17x128xi32, #tpu.memory_space<vmem>> -> memref<1x128xi32, #tpu.memory_space<vmem>>
    %dma_start3A_8 = tpu.memref_squeeze %dma_start3A_7 : memref<1x128xi32, #tpu.memory_space<vmem>> -> memref<128xi32, #tpu.memory_space<vmem>>
    %dma_start3A_9 = arith.constant 0 : i32
    %dma_start3A_10 = arith.constant 0 : i32
    %dma_start3A_11 = tpu.memref_slice %arg4[%dma_start3A_9, %dma_start3A_10] : memref<16384x16xf32, #tpu.memory_space<hbm>> -> memref<16384x16xf32, #tpu.memory_space<hbm>>
    tpu.enqueue_indirect_dma source(%dma_start3A_5 : memref<128x16xf32, #tpu.memory_space<vmem>>) target(%dma_start3A_11 : memref<16384x16xf32, #tpu.memory_space<hbm>>) offsets(%dma_start3A_8 : memref<128xi32, #tpu.memory_space<vmem>>) semaphore(%arg7 : memref<!tpu.dma_semaphore, #tpu.memory_space<semaphore_mem>>)
    %dma_start3A_12 = arith.constant 1 : i32
    %dma_start3A_13 = arith.constant 128 : i32
    %dma_start3A_14 = arith.constant 0 : i32
    %dma_start3A_15 = tpu.memref_slice %arg6[%dma_start3A_13, %dma_start3A_14] : memref<2176x16xf32, #tpu.memory_space<vmem>> -> memref<128x16xf32, #tpu.memory_space<vmem>>
    %dma_start3A_16 = arith.constant 0 : i32
    %dma_start3A_17 = tpu.memref_slice %arg5[%dma_start3A_12, %dma_start3A_16] : memref<17x128xi32, #tpu.memory_space<vmem>> -> memref<1x128xi32, #tpu.memory_space<vmem>>
    %dma_start3A_18 = tpu.memref_squeeze %dma_start3A_17 : memref<1x128xi32, #tpu.memory_space<vmem>> -> memref<128xi32, #tpu.memory_space<vmem>>
    %dma_start3A_19 = arith.constant 0 : i32
    %dma_start3A_20 = arith.constant 0 : i32
    %dma_start3A_21 = tpu.memref_slice %arg4[%dma_start3A_19, %dma_start3A_20] : memref<16384x16xf32, #tpu.memory_space<hbm>> -> memref<16384x16xf32, #tpu.memory_space<hbm>>
    tpu.enqueue_indirect_dma source(%dma_start3A_15 : memref<128x16xf32, #tpu.memory_space<vmem>>) target(%dma_start3A_21 : memref<16384x16xf32, #tpu.memory_space<hbm>>) offsets(%dma_start3A_18 : memref<128xi32, #tpu.memory_space<vmem>>) semaphore(%arg7 : memref<!tpu.dma_semaphore, #tpu.memory_space<semaphore_mem>>)
    %dma_start3A_22 = arith.constant 2 : i32
    %dma_start3A_23 = arith.constant 256 : i32
    %dma_start3A_24 = arith.constant 0 : i32
    %dma_start3A_25 = tpu.memref_slice %arg6[%dma_start3A_23, %dma_start3A_24] : memref<2176x16xf32, #tpu.memory_space<vmem>> -> memref<128x16xf32, #tpu.memory_space<vmem>>
    %dma_start3A_26 = arith.constant 0 : i32
    %dma_start3A_27 = tpu.memref_slice %arg5[%dma_start3A_22, %dma_start3A_26] : memref<17x128xi32, #tpu.memory_space<vmem>> -> memref<1x128xi32, #tpu.memory_space<vmem>>
    %dma_start3A_28 = tpu.memref_squeeze %dma_start3A_27 : memref<1x128xi32, #tpu.memory_space<vmem>> -> memref<128xi32, #tpu.memory_space<vmem>>
    %dma_start3A_29 = arith.constant 0 : i32
    %dma_start3A_30 = arith.constant 0 : i32
    %dma_start3A_31 = tpu.memref_slice %arg4[%dma_start3A_29, %dma_start3A_30] : memref<16384x16xf32, #tpu.memory_space<hbm>> -> memref<16384x16xf32, #tpu.memory_space<hbm>>
    tpu.enqueue_indirect_dma source(%dma_start3A_25 : memref<128x16xf32, #tpu.memory_space<vmem>>) target(%dma_start3A_31 : memref<16384x16xf32, #tpu.memory_space<hbm>>) offsets(%dma_start3A_28 : memref<128xi32, #tpu.memory_space<vmem>>) semaphore(%arg7 : memref<!tpu.dma_semaphore, #tpu.memory_space<semaphore_mem>>)
    %dma_start3A_32 = arith.constant 3 : i32
    %dma_start3A_33 = arith.constant 384 : i32
    %dma_start3A_34 = arith.constant 0 : i32
    %dma_start3A_35 = tpu.memref_slice %arg6[%dma_start3A_33, %dma_start3A_34] : memref<2176x16xf32, #tpu.memory_space<vmem>> -> memref<128x16xf32, #tpu.memory_space<vmem>>
    %dma_start3A_36 = arith.constant 0 : i32
    %dma_start3A_37 = tpu.memref_slice %arg5[%dma_start3A_32, %dma_start3A_36] : memref<17x128xi32, #tpu.memory_space<vmem>> -> memref<1x128xi32, #tpu.memory_space<vmem>>
    %dma_start3A_38 = tpu.memref_squeeze %dma_start3A_37 : memref<1x128xi32, #tpu.memory_space<vmem>> -> memref<128xi32, #tpu.memory_space<vmem>>
    %dma_start3A_39 = arith.constant 0 : i32
    %dma_start3A_40 = arith.constant 0 : i32
    %dma_start3A_41 = tpu.memref_slice %arg4[%dma_start3A_39, %dma_start3A_40] : memref<16384x16xf32, #tpu.memory_space<hbm>> -> memref<16384x16xf32, #tpu.memory_space<hbm>>
    tpu.enqueue_indirect_dma source(%dma_start3A_35 : memref<128x16xf32, #tpu.memory_space<vmem>>) target(%dma_start3A_41 : memref<16384x16xf32, #tpu.memory_space<hbm>>) offsets(%dma_start3A_38 : memref<128xi32, #tpu.memory_space<vmem>>) semaphore(%arg7 : memref<!tpu.dma_semaphore, #tpu.memory_space<semaphore_mem>>)
    %dma_start3A_42 = arith.constant 4 : i32
    %dma_start3A_43 = arith.constant 512 : i32
    %dma_start3A_44 = arith.constant 0 : i32
    %dma_start3A_45 = tpu.memref_slice %arg6[%dma_start3A_43, %dma_start3A_44] : memref<2176x16xf32, #tpu.memory_space<vmem>> -> memref<128x16xf32, #tpu.memory_space<vmem>>
    %dma_start3A_46 = arith.constant 0 : i32
    %dma_start3A_47 = tpu.memref_slice %arg5[%dma_start3A_42, %dma_start3A_46] : memref<17x128xi32, #tpu.memory_space<vmem>> -> memref<1x128xi32, #tpu.memory_space<vmem>>
    %dma_start3A_48 = tpu.memref_squeeze %dma_start3A_47 : memref<1x128xi32, #tpu.memory_space<vmem>> -> memref<128xi32, #tpu.memory_space<vmem>>
    %dma_start3A_49 = arith.constant 0 : i32
    %dma_start3A_50 = arith.constant 0 : i32
    %dma_start3A_51 = tpu.memref_slice %arg4[%dma_start3A_49, %dma_start3A_50] : memref<16384x16xf32, #tpu.memory_space<hbm>> -> memref<16384x16xf32, #tpu.memory_space<hbm>>
    tpu.enqueue_indirect_dma source(%dma_start3A_45 : memref<128x16xf32, #tpu.memory_space<vmem>>) target(%dma_start3A_51 : memref<16384x16xf32, #tpu.memory_space<hbm>>) offsets(%dma_start3A_48 : memref<128xi32, #tpu.memory_space<vmem>>) semaphore(%arg7 : memref<!tpu.dma_semaphore, #tpu.memory_space<semaphore_mem>>)
    %dma_start3A_52 = arith.constant 5 : i32
    %dma_start3A_53 = arith.constant 640 : i32
    %dma_start3A_54 = arith.constant 0 : i32
    %dma_start3A_55 = tpu.memref_slice %arg6[%dma_start3A_53, %dma_start3A_54] : memref<2176x16xf32, #tpu.memory_space<vmem>> -> memref<128x16xf32, #tpu.memory_space<vmem>>
    %dma_start3A_56 = arith.constant 0 : i32
    %dma_start3A_57 = tpu.memref_slice %arg5[%dma_start3A_52, %dma_start3A_56] : memref<17x128xi32, #tpu.memory_space<vmem>> -> memref<1x128xi32, #tpu.memory_space<vmem>>
    %dma_start3A_58 = tpu.memref_squeeze %dma_start3A_57 : memref<1x128xi32, #tpu.memory_space<vmem>> -> memref<128xi32, #tpu.memory_space<vmem>>
    %dma_start3A_59 = arith.constant 0 : i32
    %dma_start3A_60 = arith.constant 0 : i32
    %dma_start3A_61 = tpu.memref_slice %arg4[%dma_start3A_59, %dma_start3A_60] : memref<16384x16xf32, #tpu.memory_space<hbm>> -> memref<16384x16xf32, #tpu.memory_space<hbm>>
    tpu.enqueue_indirect_dma source(%dma_start3A_55 : memref<128x16xf32, #tpu.memory_space<vmem>>) target(%dma_start3A_61 : memref<16384x16xf32, #tpu.memory_space<hbm>>) offsets(%dma_start3A_58 : memref<128xi32, #tpu.memory_space<vmem>>) semaphore(%arg7 : memref<!tpu.dma_semaphore, #tpu.memory_space<semaphore_mem>>)
    %dma_start3A_62 = arith.constant 6 : i32
    %dma_start3A_63 = arith.constant 768 : i32
    %dma_start3A_64 = arith.constant 0 : i32
    %dma_start3A_65 = tpu.memref_slice %arg6[%dma_start3A_63, %dma_start3A_64] : memref<2176x16xf32, #tpu.memory_space<vmem>> -> memref<128x16xf32, #tpu.memory_space<vmem>>
    %dma_start3A_66 = arith.constant 0 : i32
    %dma_start3A_67 = tpu.memref_slice %arg5[%dma_start3A_62, %dma_start3A_66] : memref<17x128xi32, #tpu.memory_space<vmem>> -> memref<1x128xi32, #tpu.memory_space<vmem>>
    %dma_start3A_68 = tpu.memref_squeeze %dma_start3A_67 : memref<1x128xi32, #tpu.memory_space<vmem>> -> memref<128xi32, #tpu.memory_space<vmem>>
    %dma_start3A_69 = arith.constant 0 : i32
    %dma_start3A_70 = arith.constant 0 : i32
    %dma_start3A_71 = tpu.memref_slice %arg4[%dma_start3A_69, %dma_start3A_70] : memref<16384x16xf32, #tpu.memory_space<hbm>> -> memref<16384x16xf32, #tpu.memory_space<hbm>>
    tpu.enqueue_indirect_dma source(%dma_start3A_65 : memref<128x16xf32, #tpu.memory_space<vmem>>) target(%dma_start3A_71 : memref<16384x16xf32, #tpu.memory_space<hbm>>) offsets(%dma_start3A_68 : memref<128xi32, #tpu.memory_space<vmem>>) semaphore(%arg7 : memref<!tpu.dma_semaphore, #tpu.memory_space<semaphore_mem>>)
    %dma_start3A_72 = arith.constant 7 : i32
    %dma_start3A_73 = arith.constant 896 : i32
    %dma_start3A_74 = arith.constant 0 : i32
    %dma_start3A_75 = tpu.memref_slice %arg6[%dma_start3A_73, %dma_start3A_74] : memref<2176x16xf32, #tpu.memory_space<vmem>> -> memref<128x16xf32, #tpu.memory_space<vmem>>
    %dma_start3A_76 = arith.constant 0 : i32
    %dma_start3A_77 = tpu.memref_slice %arg5[%dma_start3A_72, %dma_start3A_76] : memref<17x128xi32, #tpu.memory_space<vmem>> -> memref<1x128xi32, #tpu.memory_space<vmem>>
    %dma_start3A_78 = tpu.memref_squeeze %dma_start3A_77 : memref<1x128xi32, #tpu.memory_space<vmem>> -> memref<128xi32, #tpu.memory_space<vmem>>
    %dma_start3A_79 = arith.constant 0 : i32
    %dma_start3A_80 = arith.constant 0 : i32
    %dma_start3A_81 = tpu.memref_slice %arg4[%dma_start3A_79, %dma_start3A_80] : memref<16384x16xf32, #tpu.memory_space<hbm>> -> memref<16384x16xf32, #tpu.memory_space<hbm>>
    tpu.enqueue_indirect_dma source(%dma_start3A_75 : memref<128x16xf32, #tpu.memory_space<vmem>>) target(%dma_start3A_81 : memref<16384x16xf32, #tpu.memory_space<hbm>>) offsets(%dma_start3A_78 : memref<128xi32, #tpu.memory_space<vmem>>) semaphore(%arg7 : memref<!tpu.dma_semaphore, #tpu.memory_space<semaphore_mem>>)
    %dma_start3A_82 = arith.constant 8 : i32
    %dma_start3A_83 = arith.constant 1024 : i32
    %dma_start3A_84 = arith.constant 0 : i32
    %dma_start3A_85 = tpu.memref_slice %arg6[%dma_start3A_83, %dma_start3A_84] : memref<2176x16xf32, #tpu.memory_space<vmem>> -> memref<128x16xf32, #tpu.memory_space<vmem>>
    %dma_start3A_86 = arith.constant 0 : i32
    %dma_start3A_87 = tpu.memref_slice %arg5[%dma_start3A_82, %dma_start3A_86] : memref<17x128xi32, #tpu.memory_space<vmem>> -> memref<1x128xi32, #tpu.memory_space<vmem>>
    %dma_start3A_88 = tpu.memref_squeeze %dma_start3A_87 : memref<1x128xi32, #tpu.memory_space<vmem>> -> memref<128xi32, #tpu.memory_space<vmem>>
    %dma_start3A_89 = arith.constant 0 : i32
    %dma_start3A_90 = arith.constant 0 : i32
    %dma_start3A_91 = tpu.memref_slice %arg4[%dma_start3A_89, %dma_start3A_90] : memref<16384x16xf32, #tpu.memory_space<hbm>> -> memref<16384x16xf32, #tpu.memory_space<hbm>>
    tpu.enqueue_indirect_dma source(%dma_start3A_85 : memref<128x16xf32, #tpu.memory_space<vmem>>) target(%dma_start3A_91 : memref<16384x16xf32, #tpu.memory_space<hbm>>) offsets(%dma_start3A_88 : memref<128xi32, #tpu.memory_space<vmem>>) semaphore(%arg7 : memref<!tpu.dma_semaphore, #tpu.memory_space<semaphore_mem>>)
    %dma_start3A_92 = arith.constant 9 : i32
    %dma_start3A_93 = arith.constant 1152 : i32
    %dma_start3A_94 = arith.constant 0 : i32
    %dma_start3A_95 = tpu.memref_slice %arg6[%dma_start3A_93, %dma_start3A_94] : memref<2176x16xf32, #tpu.memory_space<vmem>> -> memref<128x16xf32, #tpu.memory_space<vmem>>
    %dma_start3A_96 = arith.constant 0 : i32
    %dma_start3A_97 = tpu.memref_slice %arg5[%dma_start3A_92, %dma_start3A_96] : memref<17x128xi32, #tpu.memory_space<vmem>> -> memref<1x128xi32, #tpu.memory_space<vmem>>
    %dma_start3A_98 = tpu.memref_squeeze %dma_start3A_97 : memref<1x128xi32, #tpu.memory_space<vmem>> -> memref<128xi32, #tpu.memory_space<vmem>>
    %dma_start3A_99 = arith.constant 0 : i32
    %dma_start3A_100 = arith.constant 0 : i32
    %dma_start3A_101 = tpu.memref_slice %arg4[%dma_start3A_99, %dma_start3A_100] : memref<16384x16xf32, #tpu.memory_space<hbm>> -> memref<16384x16xf32, #tpu.memory_space<hbm>>
    tpu.enqueue_indirect_dma source(%dma_start3A_95 : memref<128x16xf32, #tpu.memory_space<vmem>>) target(%dma_start3A_101 : memref<16384x16xf32, #tpu.memory_space<hbm>>) offsets(%dma_start3A_98 : memref<128xi32, #tpu.memory_space<vmem>>) semaphore(%arg7 : memref<!tpu.dma_semaphore, #tpu.memory_space<semaphore_mem>>)
    %dma_start3A_102 = arith.constant 10 : i32
    %dma_start3A_103 = arith.constant 1280 : i32
    %dma_start3A_104 = arith.constant 0 : i32
    %dma_start3A_105 = tpu.memref_slice %arg6[%dma_start3A_103, %dma_start3A_104] : memref<2176x16xf32, #tpu.memory_space<vmem>> -> memref<128x16xf32, #tpu.memory_space<vmem>>
    %dma_start3A_106 = arith.constant 0 : i32
    %dma_start3A_107 = tpu.memref_slice %arg5[%dma_start3A_102, %dma_start3A_106] : memref<17x128xi32, #tpu.memory_space<vmem>> -> memref<1x128xi32, #tpu.memory_space<vmem>>
    %dma_start3A_108 = tpu.memref_squeeze %dma_start3A_107 : memref<1x128xi32, #tpu.memory_space<vmem>> -> memref<128xi32, #tpu.memory_space<vmem>>
    %dma_start3A_109 = arith.constant 0 : i32
    %dma_start3A_110 = arith.constant 0 : i32
    %dma_start3A_111 = tpu.memref_slice %arg4[%dma_start3A_109, %dma_start3A_110] : memref<16384x16xf32, #tpu.memory_space<hbm>> -> memref<16384x16xf32, #tpu.memory_space<hbm>>
    tpu.enqueue_indirect_dma source(%dma_start3A_105 : memref<128x16xf32, #tpu.memory_space<vmem>>) target(%dma_start3A_111 : memref<16384x16xf32, #tpu.memory_space<hbm>>) offsets(%dma_start3A_108 : memref<128xi32, #tpu.memory_space<vmem>>) semaphore(%arg7 : memref<!tpu.dma_semaphore, #tpu.memory_space<semaphore_mem>>)
    %dma_start3A_112 = arith.constant 11 : i32
    %dma_start3A_113 = arith.constant 1408 : i32
    %dma_start3A_114 = arith.constant 0 : i32
    %dma_start3A_115 = tpu.memref_slice %arg6[%dma_start3A_113, %dma_start3A_114] : memref<2176x16xf32, #tpu.memory_space<vmem>> -> memref<128x16xf32, #tpu.memory_space<vmem>>
    %dma_start3A_116 = arith.constant 0 : i32
    %dma_start3A_117 = tpu.memref_slice %arg5[%dma_start3A_112, %dma_start3A_116] : memref<17x128xi32, #tpu.memory_space<vmem>> -> memref<1x128xi32, #tpu.memory_space<vmem>>
    %dma_start3A_118 = tpu.memref_squeeze %dma_start3A_117 : memref<1x128xi32, #tpu.memory_space<vmem>> -> memref<128xi32, #tpu.memory_space<vmem>>
    %dma_start3A_119 = arith.constant 0 : i32
    %dma_start3A_120 = arith.constant 0 : i32
    %dma_start3A_121 = tpu.memref_slice %arg4[%dma_start3A_119, %dma_start3A_120] : memref<16384x16xf32, #tpu.memory_space<hbm>> -> memref<16384x16xf32, #tpu.memory_space<hbm>>
    tpu.enqueue_indirect_dma source(%dma_start3A_115 : memref<128x16xf32, #tpu.memory_space<vmem>>) target(%dma_start3A_121 : memref<16384x16xf32, #tpu.memory_space<hbm>>) offsets(%dma_start3A_118 : memref<128xi32, #tpu.memory_space<vmem>>) semaphore(%arg7 : memref<!tpu.dma_semaphore, #tpu.memory_space<semaphore_mem>>)
    %dma_start3A_122 = arith.constant 12 : i32
    %dma_start3A_123 = arith.constant 1536 : i32
    %dma_start3A_124 = arith.constant 0 : i32
    %dma_start3A_125 = tpu.memref_slice %arg6[%dma_start3A_123, %dma_start3A_124] : memref<2176x16xf32, #tpu.memory_space<vmem>> -> memref<128x16xf32, #tpu.memory_space<vmem>>
    %dma_start3A_126 = arith.constant 0 : i32
    %dma_start3A_127 = tpu.memref_slice %arg5[%dma_start3A_122, %dma_start3A_126] : memref<17x128xi32, #tpu.memory_space<vmem>> -> memref<1x128xi32, #tpu.memory_space<vmem>>
    %dma_start3A_128 = tpu.memref_squeeze %dma_start3A_127 : memref<1x128xi32, #tpu.memory_space<vmem>> -> memref<128xi32, #tpu.memory_space<vmem>>
    %dma_start3A_129 = arith.constant 0 : i32
    %dma_start3A_130 = arith.constant 0 : i32
    %dma_start3A_131 = tpu.memref_slice %arg4[%dma_start3A_129, %dma_start3A_130] : memref<16384x16xf32, #tpu.memory_space<hbm>> -> memref<16384x16xf32, #tpu.memory_space<hbm>>
    tpu.enqueue_indirect_dma source(%dma_start3A_125 : memref<128x16xf32, #tpu.memory_space<vmem>>) target(%dma_start3A_131 : memref<16384x16xf32, #tpu.memory_space<hbm>>) offsets(%dma_start3A_128 : memref<128xi32, #tpu.memory_space<vmem>>) semaphore(%arg7 : memref<!tpu.dma_semaphore, #tpu.memory_space<semaphore_mem>>)
    %dma_start3A_132 = arith.constant 13 : i32
    %dma_start3A_133 = arith.constant 1664 : i32
    %dma_start3A_134 = arith.constant 0 : i32
    %dma_start3A_135 = tpu.memref_slice %arg6[%dma_start3A_133, %dma_start3A_134] : memref<2176x16xf32, #tpu.memory_space<vmem>> -> memref<128x16xf32, #tpu.memory_space<vmem>>
    %dma_start3A_136 = arith.constant 0 : i32
    %dma_start3A_137 = tpu.memref_slice %arg5[%dma_start3A_132, %dma_start3A_136] : memref<17x128xi32, #tpu.memory_space<vmem>> -> memref<1x128xi32, #tpu.memory_space<vmem>>
    %dma_start3A_138 = tpu.memref_squeeze %dma_start3A_137 : memref<1x128xi32, #tpu.memory_space<vmem>> -> memref<128xi32, #tpu.memory_space<vmem>>
    %dma_start3A_139 = arith.constant 0 : i32
    %dma_start3A_140 = arith.constant 0 : i32
    %dma_start3A_141 = tpu.memref_slice %arg4[%dma_start3A_139, %dma_start3A_140] : memref<16384x16xf32, #tpu.memory_space<hbm>> -> memref<16384x16xf32, #tpu.memory_space<hbm>>
    tpu.enqueue_indirect_dma source(%dma_start3A_135 : memref<128x16xf32, #tpu.memory_space<vmem>>) target(%dma_start3A_141 : memref<16384x16xf32, #tpu.memory_space<hbm>>) offsets(%dma_start3A_138 : memref<128xi32, #tpu.memory_space<vmem>>) semaphore(%arg7 : memref<!tpu.dma_semaphore, #tpu.memory_space<semaphore_mem>>)
    %dma_start3A_142 = arith.constant 14 : i32
    %dma_start3A_143 = arith.constant 1792 : i32
    %dma_start3A_144 = arith.constant 0 : i32
    %dma_start3A_145 = tpu.memref_slice %arg6[%dma_start3A_143, %dma_start3A_144] : memref<2176x16xf32, #tpu.memory_space<vmem>> -> memref<128x16xf32, #tpu.memory_space<vmem>>
    %dma_start3A_146 = arith.constant 0 : i32
    %dma_start3A_147 = tpu.memref_slice %arg5[%dma_start3A_142, %dma_start3A_146] : memref<17x128xi32, #tpu.memory_space<vmem>> -> memref<1x128xi32, #tpu.memory_space<vmem>>
    %dma_start3A_148 = tpu.memref_squeeze %dma_start3A_147 : memref<1x128xi32, #tpu.memory_space<vmem>> -> memref<128xi32, #tpu.memory_space<vmem>>
    %dma_start3A_149 = arith.constant 0 : i32
    %dma_start3A_150 = arith.constant 0 : i32
    %dma_start3A_151 = tpu.memref_slice %arg4[%dma_start3A_149, %dma_start3A_150] : memref<16384x16xf32, #tpu.memory_space<hbm>> -> memref<16384x16xf32, #tpu.memory_space<hbm>>
    tpu.enqueue_indirect_dma source(%dma_start3A_145 : memref<128x16xf32, #tpu.memory_space<vmem>>) target(%dma_start3A_151 : memref<16384x16xf32, #tpu.memory_space<hbm>>) offsets(%dma_start3A_148 : memref<128xi32, #tpu.memory_space<vmem>>) semaphore(%arg7 : memref<!tpu.dma_semaphore, #tpu.memory_space<semaphore_mem>>)
    %dma_start3A_152 = arith.constant 15 : i32
    %dma_start3A_153 = arith.constant 1920 : i32
    %dma_start3A_154 = arith.constant 0 : i32
    %dma_start3A_155 = tpu.memref_slice %arg6[%dma_start3A_153, %dma_start3A_154] : memref<2176x16xf32, #tpu.memory_space<vmem>> -> memref<128x16xf32, #tpu.memory_space<vmem>>
    %dma_start3A_156 = arith.constant 0 : i32
    %dma_start3A_157 = tpu.memref_slice %arg5[%dma_start3A_152, %dma_start3A_156] : memref<17x128xi32, #tpu.memory_space<vmem>> -> memref<1x128xi32, #tpu.memory_space<vmem>>
    %dma_start3A_158 = tpu.memref_squeeze %dma_start3A_157 : memref<1x128xi32, #tpu.memory_space<vmem>> -> memref<128xi32, #tpu.memory_space<vmem>>
    %dma_start3A_159 = arith.constant 0 : i32
    %dma_start3A_160 = arith.constant 0 : i32
    %dma_start3A_161 = tpu.memref_slice %arg4[%dma_start3A_159, %dma_start3A_160] : memref<16384x16xf32, #tpu.memory_space<hbm>> -> memref<16384x16xf32, #tpu.memory_space<hbm>>
    tpu.enqueue_indirect_dma source(%dma_start3A_155 : memref<128x16xf32, #tpu.memory_space<vmem>>) target(%dma_start3A_161 : memref<16384x16xf32, #tpu.memory_space<hbm>>) offsets(%dma_start3A_158 : memref<128xi32, #tpu.memory_space<vmem>>) semaphore(%arg7 : memref<!tpu.dma_semaphore, #tpu.memory_space<semaphore_mem>>)
    %dma_start3A_162 = arith.constant 16 : i32
    %dma_start3A_163 = arith.constant 2048 : i32
    %dma_start3A_164 = arith.constant 0 : i32
    %dma_start3A_165 = tpu.memref_slice %arg6[%dma_start3A_163, %dma_start3A_164] : memref<2176x16xf32, #tpu.memory_space<vmem>> -> memref<128x16xf32, #tpu.memory_space<vmem>>
    %dma_start3A_166 = arith.constant 0 : i32
    %dma_start3A_167 = tpu.memref_slice %arg5[%dma_start3A_162, %dma_start3A_166] : memref<17x128xi32, #tpu.memory_space<vmem>> -> memref<1x128xi32, #tpu.memory_space<vmem>>
    %dma_start3A_168 = tpu.memref_squeeze %dma_start3A_167 : memref<1x128xi32, #tpu.memory_space<vmem>> -> memref<128xi32, #tpu.memory_space<vmem>>
    %dma_start3A_169 = arith.constant 0 : i32
    %dma_start3A_170 = arith.constant 0 : i32
    %dma_start3A_171 = tpu.memref_slice %arg4[%dma_start3A_169, %dma_start3A_170] : memref<16384x16xf32, #tpu.memory_space<hbm>> -> memref<16384x16xf32, #tpu.memory_space<hbm>>
    tpu.enqueue_indirect_dma source(%dma_start3A_165 : memref<128x16xf32, #tpu.memory_space<vmem>>) target(%dma_start3A_171 : memref<16384x16xf32, #tpu.memory_space<hbm>>) offsets(%dma_start3A_168 : memref<128xi32, #tpu.memory_space<vmem>>) semaphore(%arg7 : memref<!tpu.dma_semaphore, #tpu.memory_space<semaphore_mem>>)
    %dma_wait3A = arith.constant 0 : i32
    %dma_wait3A_172 = arith.constant 0 : i32
    %dma_wait3A_173 = arith.constant 0 : i32
    %dma_wait3A_174 = tpu.memref_slice %arg6[%dma_wait3A_172, %dma_wait3A_173] : memref<2176x16xf32, #tpu.memory_space<vmem>> -> memref<128x16xf32, #tpu.memory_space<vmem>>
    %dma_wait3A_175 = arith.constant 0 : i32
    %dma_wait3A_176 = tpu.memref_slice %arg5[%dma_wait3A, %dma_wait3A_175] : memref<17x128xi32, #tpu.memory_space<vmem>> -> memref<1x128xi32, #tpu.memory_space<vmem>>
    %dma_wait3A_177 = tpu.memref_squeeze %dma_wait3A_176 : memref<1x128xi32, #tpu.memory_space<vmem>> -> memref<128xi32, #tpu.memory_space<vmem>>
    %dma_wait3A_178 = arith.constant 0 : i32
    %dma_wait3A_179 = arith.constant 0 : i32
    %dma_wait3A_180 = tpu.memref_slice %arg4[%dma_wait3A_178, %dma_wait3A_179] : memref<16384x16xf32, #tpu.memory_space<hbm>> -> memref<16384x16xf32, #tpu.memory_space<hbm>>
    tpu.wait_indirect_dma semaphore(%arg7 : memref<!tpu.dma_semaphore, #tpu.memory_space<semaphore_mem>>) src(%dma_wait3A_174 : memref<128x16xf32, #tpu.memory_space<vmem>>) dst(%dma_wait3A_180 : memref<16384x16xf32, #tpu.memory_space<hbm>>)
    %dma_wait3A_181 = arith.constant 1 : i32
    %dma_wait3A_182 = arith.constant 128 : i32
    %dma_wait3A_183 = arith.constant 0 : i32
    %dma_wait3A_184 = tpu.memref_slice %arg6[%dma_wait3A_182, %dma_wait3A_183] : memref<2176x16xf32, #tpu.memory_space<vmem>> -> memref<128x16xf32, #tpu.memory_space<vmem>>
    %dma_wait3A_185 = arith.constant 0 : i32
    %dma_wait3A_186 = tpu.memref_slice %arg5[%dma_wait3A_181, %dma_wait3A_185] : memref<17x128xi32, #tpu.memory_space<vmem>> -> memref<1x128xi32, #tpu.memory_space<vmem>>
    %dma_wait3A_187 = tpu.memref_squeeze %dma_wait3A_186 : memref<1x128xi32, #tpu.memory_space<vmem>> -> memref<128xi32, #tpu.memory_space<vmem>>
    %dma_wait3A_188 = arith.constant 0 : i32
    %dma_wait3A_189 = arith.constant 0 : i32
    %dma_wait3A_190 = tpu.memref_slice %arg4[%dma_wait3A_188, %dma_wait3A_189] : memref<16384x16xf32, #tpu.memory_space<hbm>> -> memref<16384x16xf32, #tpu.memory_space<hbm>>
    tpu.wait_indirect_dma semaphore(%arg7 : memref<!tpu.dma_semaphore, #tpu.memory_space<semaphore_mem>>) src(%dma_wait3A_184 : memref<128x16xf32, #tpu.memory_space<vmem>>) dst(%dma_wait3A_190 : memref<16384x16xf32, #tpu.memory_space<hbm>>)
    %dma_wait3A_191 = arith.constant 2 : i32
    %dma_wait3A_192 = arith.constant 256 : i32
    %dma_wait3A_193 = arith.constant 0 : i32
    %dma_wait3A_194 = tpu.memref_slice %arg6[%dma_wait3A_192, %dma_wait3A_193] : memref<2176x16xf32, #tpu.memory_space<vmem>> -> memref<128x16xf32, #tpu.memory_space<vmem>>
    %dma_wait3A_195 = arith.constant 0 : i32
    %dma_wait3A_196 = tpu.memref_slice %arg5[%dma_wait3A_191, %dma_wait3A_195] : memref<17x128xi32, #tpu.memory_space<vmem>> -> memref<1x128xi32, #tpu.memory_space<vmem>>
    %dma_wait3A_197 = tpu.memref_squeeze %dma_wait3A_196 : memref<1x128xi32, #tpu.memory_space<vmem>> -> memref<128xi32, #tpu.memory_space<vmem>>
    %dma_wait3A_198 = arith.constant 0 : i32
    %dma_wait3A_199 = arith.constant 0 : i32
    %dma_wait3A_200 = tpu.memref_slice %arg4[%dma_wait3A_198, %dma_wait3A_199] : memref<16384x16xf32, #tpu.memory_space<hbm>> -> memref<16384x16xf32, #tpu.memory_space<hbm>>
    tpu.wait_indirect_dma semaphore(%arg7 : memref<!tpu.dma_semaphore, #tpu.memory_space<semaphore_mem>>) src(%dma_wait3A_194 : memref<128x16xf32, #tpu.memory_space<vmem>>) dst(%dma_wait3A_200 : memref<16384x16xf32, #tpu.memory_space<hbm>>)
    %dma_wait3A_201 = arith.constant 3 : i32
    %dma_wait3A_202 = arith.constant 384 : i32
    %dma_wait3A_203 = arith.constant 0 : i32
    %dma_wait3A_204 = tpu.memref_slice %arg6[%dma_wait3A_202, %dma_wait3A_203] : memref<2176x16xf32, #tpu.memory_space<vmem>> -> memref<128x16xf32, #tpu.memory_space<vmem>>
    %dma_wait3A_205 = arith.constant 0 : i32
    %dma_wait3A_206 = tpu.memref_slice %arg5[%dma_wait3A_201, %dma_wait3A_205] : memref<17x128xi32, #tpu.memory_space<vmem>> -> memref<1x128xi32, #tpu.memory_space<vmem>>
    %dma_wait3A_207 = tpu.memref_squeeze %dma_wait3A_206 : memref<1x128xi32, #tpu.memory_space<vmem>> -> memref<128xi32, #tpu.memory_space<vmem>>
    %dma_wait3A_208 = arith.constant 0 : i32
    %dma_wait3A_209 = arith.constant 0 : i32
    %dma_wait3A_210 = tpu.memref_slice %arg4[%dma_wait3A_208, %dma_wait3A_209] : memref<16384x16xf32, #tpu.memory_space<hbm>> -> memref<16384x16xf32, #tpu.memory_space<hbm>>
    tpu.wait_indirect_dma semaphore(%arg7 : memref<!tpu.dma_semaphore, #tpu.memory_space<semaphore_mem>>) src(%dma_wait3A_204 : memref<128x16xf32, #tpu.memory_space<vmem>>) dst(%dma_wait3A_210 : memref<16384x16xf32, #tpu.memory_space<hbm>>)
    %dma_wait3A_211 = arith.constant 4 : i32
    %dma_wait3A_212 = arith.constant 512 : i32
    %dma_wait3A_213 = arith.constant 0 : i32
    %dma_wait3A_214 = tpu.memref_slice %arg6[%dma_wait3A_212, %dma_wait3A_213] : memref<2176x16xf32, #tpu.memory_space<vmem>> -> memref<128x16xf32, #tpu.memory_space<vmem>>
    %dma_wait3A_215 = arith.constant 0 : i32
    %dma_wait3A_216 = tpu.memref_slice %arg5[%dma_wait3A_211, %dma_wait3A_215] : memref<17x128xi32, #tpu.memory_space<vmem>> -> memref<1x128xi32, #tpu.memory_space<vmem>>
    %dma_wait3A_217 = tpu.memref_squeeze %dma_wait3A_216 : memref<1x128xi32, #tpu.memory_space<vmem>> -> memref<128xi32, #tpu.memory_space<vmem>>
    %dma_wait3A_218 = arith.constant 0 : i32
    %dma_wait3A_219 = arith.constant 0 : i32
    %dma_wait3A_220 = tpu.memref_slice %arg4[%dma_wait3A_218, %dma_wait3A_219] : memref<16384x16xf32, #tpu.memory_space<hbm>> -> memref<16384x16xf32, #tpu.memory_space<hbm>>
    tpu.wait_indirect_dma semaphore(%arg7 : memref<!tpu.dma_semaphore, #tpu.memory_space<semaphore_mem>>) src(%dma_wait3A_214 : memref<128x16xf32, #tpu.memory_space<vmem>>) dst(%dma_wait3A_220 : memref<16384x16xf32, #tpu.memory_space<hbm>>)
    %dma_wait3A_221 = arith.constant 5 : i32
    %dma_wait3A_222 = arith.constant 640 : i32
    %dma_wait3A_223 = arith.constant 0 : i32
    %dma_wait3A_224 = tpu.memref_slice %arg6[%dma_wait3A_222, %dma_wait3A_223] : memref<2176x16xf32, #tpu.memory_space<vmem>> -> memref<128x16xf32, #tpu.memory_space<vmem>>
    %dma_wait3A_225 = arith.constant 0 : i32
    %dma_wait3A_226 = tpu.memref_slice %arg5[%dma_wait3A_221, %dma_wait3A_225] : memref<17x128xi32, #tpu.memory_space<vmem>> -> memref<1x128xi32, #tpu.memory_space<vmem>>
    %dma_wait3A_227 = tpu.memref_squeeze %dma_wait3A_226 : memref<1x128xi32, #tpu.memory_space<vmem>> -> memref<128xi32, #tpu.memory_space<vmem>>
    %dma_wait3A_228 = arith.constant 0 : i32
    %dma_wait3A_229 = arith.constant 0 : i32
    %dma_wait3A_230 = tpu.memref_slice %arg4[%dma_wait3A_228, %dma_wait3A_229] : memref<16384x16xf32, #tpu.memory_space<hbm>> -> memref<16384x16xf32, #tpu.memory_space<hbm>>
    tpu.wait_indirect_dma semaphore(%arg7 : memref<!tpu.dma_semaphore, #tpu.memory_space<semaphore_mem>>) src(%dma_wait3A_224 : memref<128x16xf32, #tpu.memory_space<vmem>>) dst(%dma_wait3A_230 : memref<16384x16xf32, #tpu.memory_space<hbm>>)
    %dma_wait3A_231 = arith.constant 6 : i32
    %dma_wait3A_232 = arith.constant 768 : i32
    %dma_wait3A_233 = arith.constant 0 : i32
    %dma_wait3A_234 = tpu.memref_slice %arg6[%dma_wait3A_232, %dma_wait3A_233] : memref<2176x16xf32, #tpu.memory_space<vmem>> -> memref<128x16xf32, #tpu.memory_space<vmem>>
    %dma_wait3A_235 = arith.constant 0 : i32
    %dma_wait3A_236 = tpu.memref_slice %arg5[%dma_wait3A_231, %dma_wait3A_235] : memref<17x128xi32, #tpu.memory_space<vmem>> -> memref<1x128xi32, #tpu.memory_space<vmem>>
    %dma_wait3A_237 = tpu.memref_squeeze %dma_wait3A_236 : memref<1x128xi32, #tpu.memory_space<vmem>> -> memref<128xi32, #tpu.memory_space<vmem>>
    %dma_wait3A_238 = arith.constant 0 : i32
    %dma_wait3A_239 = arith.constant 0 : i32
    %dma_wait3A_240 = tpu.memref_slice %arg4[%dma_wait3A_238, %dma_wait3A_239] : memref<16384x16xf32, #tpu.memory_space<hbm>> -> memref<16384x16xf32, #tpu.memory_space<hbm>>
    tpu.wait_indirect_dma semaphore(%arg7 : memref<!tpu.dma_semaphore, #tpu.memory_space<semaphore_mem>>) src(%dma_wait3A_234 : memref<128x16xf32, #tpu.memory_space<vmem>>) dst(%dma_wait3A_240 : memref<16384x16xf32, #tpu.memory_space<hbm>>)
    %dma_wait3A_241 = arith.constant 7 : i32
    %dma_wait3A_242 = arith.constant 896 : i32
    %dma_wait3A_243 = arith.constant 0 : i32
    %dma_wait3A_244 = tpu.memref_slice %arg6[%dma_wait3A_242, %dma_wait3A_243] : memref<2176x16xf32, #tpu.memory_space<vmem>> -> memref<128x16xf32, #tpu.memory_space<vmem>>
    %dma_wait3A_245 = arith.constant 0 : i32
    %dma_wait3A_246 = tpu.memref_slice %arg5[%dma_wait3A_241, %dma_wait3A_245] : memref<17x128xi32, #tpu.memory_space<vmem>> -> memref<1x128xi32, #tpu.memory_space<vmem>>
    %dma_wait3A_247 = tpu.memref_squeeze %dma_wait3A_246 : memref<1x128xi32, #tpu.memory_space<vmem>> -> memref<128xi32, #tpu.memory_space<vmem>>
    %dma_wait3A_248 = arith.constant 0 : i32
    %dma_wait3A_249 = arith.constant 0 : i32
    %dma_wait3A_250 = tpu.memref_slice %arg4[%dma_wait3A_248, %dma_wait3A_249] : memref<16384x16xf32, #tpu.memory_space<hbm>> -> memref<16384x16xf32, #tpu.memory_space<hbm>>
    tpu.wait_indirect_dma semaphore(%arg7 : memref<!tpu.dma_semaphore, #tpu.memory_space<semaphore_mem>>) src(%dma_wait3A_244 : memref<128x16xf32, #tpu.memory_space<vmem>>) dst(%dma_wait3A_250 : memref<16384x16xf32, #tpu.memory_space<hbm>>)
    %dma_wait3A_251 = arith.constant 8 : i32
    %dma_wait3A_252 = arith.constant 1024 : i32
    %dma_wait3A_253 = arith.constant 0 : i32
    %dma_wait3A_254 = tpu.memref_slice %arg6[%dma_wait3A_252, %dma_wait3A_253] : memref<2176x16xf32, #tpu.memory_space<vmem>> -> memref<128x16xf32, #tpu.memory_space<vmem>>
    %dma_wait3A_255 = arith.constant 0 : i32
    %dma_wait3A_256 = tpu.memref_slice %arg5[%dma_wait3A_251, %dma_wait3A_255] : memref<17x128xi32, #tpu.memory_space<vmem>> -> memref<1x128xi32, #tpu.memory_space<vmem>>
    %dma_wait3A_257 = tpu.memref_squeeze %dma_wait3A_256 : memref<1x128xi32, #tpu.memory_space<vmem>> -> memref<128xi32, #tpu.memory_space<vmem>>
    %dma_wait3A_258 = arith.constant 0 : i32
    %dma_wait3A_259 = arith.constant 0 : i32
    %dma_wait3A_260 = tpu.memref_slice %arg4[%dma_wait3A_258, %dma_wait3A_259] : memref<16384x16xf32, #tpu.memory_space<hbm>> -> memref<16384x16xf32, #tpu.memory_space<hbm>>
    tpu.wait_indirect_dma semaphore(%arg7 : memref<!tpu.dma_semaphore, #tpu.memory_space<semaphore_mem>>) src(%dma_wait3A_254 : memref<128x16xf32, #tpu.memory_space<vmem>>) dst(%dma_wait3A_260 : memref<16384x16xf32, #tpu.memory_space<hbm>>)
    %dma_wait3A_261 = arith.constant 9 : i32
    %dma_wait3A_262 = arith.constant 1152 : i32
    %dma_wait3A_263 = arith.constant 0 : i32
    %dma_wait3A_264 = tpu.memref_slice %arg6[%dma_wait3A_262, %dma_wait3A_263] : memref<2176x16xf32, #tpu.memory_space<vmem>> -> memref<128x16xf32, #tpu.memory_space<vmem>>
    %dma_wait3A_265 = arith.constant 0 : i32
    %dma_wait3A_266 = tpu.memref_slice %arg5[%dma_wait3A_261, %dma_wait3A_265] : memref<17x128xi32, #tpu.memory_space<vmem>> -> memref<1x128xi32, #tpu.memory_space<vmem>>
    %dma_wait3A_267 = tpu.memref_squeeze %dma_wait3A_266 : memref<1x128xi32, #tpu.memory_space<vmem>> -> memref<128xi32, #tpu.memory_space<vmem>>
    %dma_wait3A_268 = arith.constant 0 : i32
    %dma_wait3A_269 = arith.constant 0 : i32
    %dma_wait3A_270 = tpu.memref_slice %arg4[%dma_wait3A_268, %dma_wait3A_269] : memref<16384x16xf32, #tpu.memory_space<hbm>> -> memref<16384x16xf32, #tpu.memory_space<hbm>>
    tpu.wait_indirect_dma semaphore(%arg7 : memref<!tpu.dma_semaphore, #tpu.memory_space<semaphore_mem>>) src(%dma_wait3A_264 : memref<128x16xf32, #tpu.memory_space<vmem>>) dst(%dma_wait3A_270 : memref<16384x16xf32, #tpu.memory_space<hbm>>)
    %dma_wait3A_271 = arith.constant 10 : i32
    %dma_wait3A_272 = arith.constant 1280 : i32
    %dma_wait3A_273 = arith.constant 0 : i32
    %dma_wait3A_274 = tpu.memref_slice %arg6[%dma_wait3A_272, %dma_wait3A_273] : memref<2176x16xf32, #tpu.memory_space<vmem>> -> memref<128x16xf32, #tpu.memory_space<vmem>>
    %dma_wait3A_275 = arith.constant 0 : i32
    %dma_wait3A_276 = tpu.memref_slice %arg5[%dma_wait3A_271, %dma_wait3A_275] : memref<17x128xi32, #tpu.memory_space<vmem>> -> memref<1x128xi32, #tpu.memory_space<vmem>>
    %dma_wait3A_277 = tpu.memref_squeeze %dma_wait3A_276 : memref<1x128xi32, #tpu.memory_space<vmem>> -> memref<128xi32, #tpu.memory_space<vmem>>
    %dma_wait3A_278 = arith.constant 0 : i32
    %dma_wait3A_279 = arith.constant 0 : i32
    %dma_wait3A_280 = tpu.memref_slice %arg4[%dma_wait3A_278, %dma_wait3A_279] : memref<16384x16xf32, #tpu.memory_space<hbm>> -> memref<16384x16xf32, #tpu.memory_space<hbm>>
    tpu.wait_indirect_dma semaphore(%arg7 : memref<!tpu.dma_semaphore, #tpu.memory_space<semaphore_mem>>) src(%dma_wait3A_274 : memref<128x16xf32, #tpu.memory_space<vmem>>) dst(%dma_wait3A_280 : memref<16384x16xf32, #tpu.memory_space<hbm>>)
    %dma_wait3A_281 = arith.constant 11 : i32
    %dma_wait3A_282 = arith.constant 1408 : i32
    %dma_wait3A_283 = arith.constant 0 : i32
    %dma_wait3A_284 = tpu.memref_slice %arg6[%dma_wait3A_282, %dma_wait3A_283] : memref<2176x16xf32, #tpu.memory_space<vmem>> -> memref<128x16xf32, #tpu.memory_space<vmem>>
    %dma_wait3A_285 = arith.constant 0 : i32
    %dma_wait3A_286 = tpu.memref_slice %arg5[%dma_wait3A_281, %dma_wait3A_285] : memref<17x128xi32, #tpu.memory_space<vmem>> -> memref<1x128xi32, #tpu.memory_space<vmem>>
    %dma_wait3A_287 = tpu.memref_squeeze %dma_wait3A_286 : memref<1x128xi32, #tpu.memory_space<vmem>> -> memref<128xi32, #tpu.memory_space<vmem>>
    %dma_wait3A_288 = arith.constant 0 : i32
    %dma_wait3A_289 = arith.constant 0 : i32
    %dma_wait3A_290 = tpu.memref_slice %arg4[%dma_wait3A_288, %dma_wait3A_289] : memref<16384x16xf32, #tpu.memory_space<hbm>> -> memref<16384x16xf32, #tpu.memory_space<hbm>>
    tpu.wait_indirect_dma semaphore(%arg7 : memref<!tpu.dma_semaphore, #tpu.memory_space<semaphore_mem>>) src(%dma_wait3A_284 : memref<128x16xf32, #tpu.memory_space<vmem>>) dst(%dma_wait3A_290 : memref<16384x16xf32, #tpu.memory_space<hbm>>)
    %dma_wait3A_291 = arith.constant 12 : i32
    %dma_wait3A_292 = arith.constant 1536 : i32
    %dma_wait3A_293 = arith.constant 0 : i32
    %dma_wait3A_294 = tpu.memref_slice %arg6[%dma_wait3A_292, %dma_wait3A_293] : memref<2176x16xf32, #tpu.memory_space<vmem>> -> memref<128x16xf32, #tpu.memory_space<vmem>>
    %dma_wait3A_295 = arith.constant 0 : i32
    %dma_wait3A_296 = tpu.memref_slice %arg5[%dma_wait3A_291, %dma_wait3A_295] : memref<17x128xi32, #tpu.memory_space<vmem>> -> memref<1x128xi32, #tpu.memory_space<vmem>>
    %dma_wait3A_297 = tpu.memref_squeeze %dma_wait3A_296 : memref<1x128xi32, #tpu.memory_space<vmem>> -> memref<128xi32, #tpu.memory_space<vmem>>
    %dma_wait3A_298 = arith.constant 0 : i32
    %dma_wait3A_299 = arith.constant 0 : i32
    %dma_wait3A_300 = tpu.memref_slice %arg4[%dma_wait3A_298, %dma_wait3A_299] : memref<16384x16xf32, #tpu.memory_space<hbm>> -> memref<16384x16xf32, #tpu.memory_space<hbm>>
    tpu.wait_indirect_dma semaphore(%arg7 : memref<!tpu.dma_semaphore, #tpu.memory_space<semaphore_mem>>) src(%dma_wait3A_294 : memref<128x16xf32, #tpu.memory_space<vmem>>) dst(%dma_wait3A_300 : memref<16384x16xf32, #tpu.memory_space<hbm>>)
    %dma_wait3A_301 = arith.constant 13 : i32
    %dma_wait3A_302 = arith.constant 1664 : i32
    %dma_wait3A_303 = arith.constant 0 : i32
    %dma_wait3A_304 = tpu.memref_slice %arg6[%dma_wait3A_302, %dma_wait3A_303] : memref<2176x16xf32, #tpu.memory_space<vmem>> -> memref<128x16xf32, #tpu.memory_space<vmem>>
    %dma_wait3A_305 = arith.constant 0 : i32
    %dma_wait3A_306 = tpu.memref_slice %arg5[%dma_wait3A_301, %dma_wait3A_305] : memref<17x128xi32, #tpu.memory_space<vmem>> -> memref<1x128xi32, #tpu.memory_space<vmem>>
    %dma_wait3A_307 = tpu.memref_squeeze %dma_wait3A_306 : memref<1x128xi32, #tpu.memory_space<vmem>> -> memref<128xi32, #tpu.memory_space<vmem>>
    %dma_wait3A_308 = arith.constant 0 : i32
    %dma_wait3A_309 = arith.constant 0 : i32
    %dma_wait3A_310 = tpu.memref_slice %arg4[%dma_wait3A_308, %dma_wait3A_309] : memref<16384x16xf32, #tpu.memory_space<hbm>> -> memref<16384x16xf32, #tpu.memory_space<hbm>>
    tpu.wait_indirect_dma semaphore(%arg7 : memref<!tpu.dma_semaphore, #tpu.memory_space<semaphore_mem>>) src(%dma_wait3A_304 : memref<128x16xf32, #tpu.memory_space<vmem>>) dst(%dma_wait3A_310 : memref<16384x16xf32, #tpu.memory_space<hbm>>)
    %dma_wait3A_311 = arith.constant 14 : i32
    %dma_wait3A_312 = arith.constant 1792 : i32
    %dma_wait3A_313 = arith.constant 0 : i32
    %dma_wait3A_314 = tpu.memref_slice %arg6[%dma_wait3A_312, %dma_wait3A_313] : memref<2176x16xf32, #tpu.memory_space<vmem>> -> memref<128x16xf32, #tpu.memory_space<vmem>>
    %dma_wait3A_315 = arith.constant 0 : i32
    %dma_wait3A_316 = tpu.memref_slice %arg5[%dma_wait3A_311, %dma_wait3A_315] : memref<17x128xi32, #tpu.memory_space<vmem>> -> memref<1x128xi32, #tpu.memory_space<vmem>>
    %dma_wait3A_317 = tpu.memref_squeeze %dma_wait3A_316 : memref<1x128xi32, #tpu.memory_space<vmem>> -> memref<128xi32, #tpu.memory_space<vmem>>
    %dma_wait3A_318 = arith.constant 0 : i32
    %dma_wait3A_319 = arith.constant 0 : i32
    %dma_wait3A_320 = tpu.memref_slice %arg4[%dma_wait3A_318, %dma_wait3A_319] : memref<16384x16xf32, #tpu.memory_space<hbm>> -> memref<16384x16xf32, #tpu.memory_space<hbm>>
    tpu.wait_indirect_dma semaphore(%arg7 : memref<!tpu.dma_semaphore, #tpu.memory_space<semaphore_mem>>) src(%dma_wait3A_314 : memref<128x16xf32, #tpu.memory_space<vmem>>) dst(%dma_wait3A_320 : memref<16384x16xf32, #tpu.memory_space<hbm>>)
    %dma_wait3A_321 = arith.constant 15 : i32
    %dma_wait3A_322 = arith.constant 1920 : i32
    %dma_wait3A_323 = arith.constant 0 : i32
    %dma_wait3A_324 = tpu.memref_slice %arg6[%dma_wait3A_322, %dma_wait3A_323] : memref<2176x16xf32, #tpu.memory_space<vmem>> -> memref<128x16xf32, #tpu.memory_space<vmem>>
    %dma_wait3A_325 = arith.constant 0 : i32
    %dma_wait3A_326 = tpu.memref_slice %arg5[%dma_wait3A_321, %dma_wait3A_325] : memref<17x128xi32, #tpu.memory_space<vmem>> -> memref<1x128xi32, #tpu.memory_space<vmem>>
    %dma_wait3A_327 = tpu.memref_squeeze %dma_wait3A_326 : memref<1x128xi32, #tpu.memory_space<vmem>> -> memref<128xi32, #tpu.memory_space<vmem>>
    %dma_wait3A_328 = arith.constant 0 : i32
    %dma_wait3A_329 = arith.constant 0 : i32
    %dma_wait3A_330 = tpu.memref_slice %arg4[%dma_wait3A_328, %dma_wait3A_329] : memref<16384x16xf32, #tpu.memory_space<hbm>> -> memref<16384x16xf32, #tpu.memory_space<hbm>>
    tpu.wait_indirect_dma semaphore(%arg7 : memref<!tpu.dma_semaphore, #tpu.memory_space<semaphore_mem>>) src(%dma_wait3A_324 : memref<128x16xf32, #tpu.memory_space<vmem>>) dst(%dma_wait3A_330 : memref<16384x16xf32, #tpu.memory_space<hbm>>)
    %dma_wait3A_331 = arith.constant 16 : i32
    %dma_wait3A_332 = arith.constant 2048 : i32
    %dma_wait3A_333 = arith.constant 0 : i32
    %dma_wait3A_334 = tpu.memref_slice %arg6[%dma_wait3A_332, %dma_wait3A_333] : memref<2176x16xf32, #tpu.memory_space<vmem>> -> memref<128x16xf32, #tpu.memory_space<vmem>>
    %dma_wait3A_335 = arith.constant 0 : i32
    %dma_wait3A_336 = tpu.memref_slice %arg5[%dma_wait3A_331, %dma_wait3A_335] : memref<17x128xi32, #tpu.memory_space<vmem>> -> memref<1x128xi32, #tpu.memory_space<vmem>>
    %dma_wait3A_337 = tpu.memref_squeeze %dma_wait3A_336 : memref<1x128xi32, #tpu.memory_space<vmem>> -> memref<128xi32, #tpu.memory_space<vmem>>
    %dma_wait3A_338 = arith.constant 0 : i32
    %dma_wait3A_339 = arith.constant 0 : i32
    %dma_wait3A_340 = tpu.memref_slice %arg4[%dma_wait3A_338, %dma_wait3A_339] : memref<16384x16xf32, #tpu.memory_space<hbm>> -> memref<16384x16xf32, #tpu.memory_space<hbm>>
    tpu.wait_indirect_dma semaphore(%arg7 : memref<!tpu.dma_semaphore, #tpu.memory_space<semaphore_mem>>) src(%dma_wait3A_334 : memref<128x16xf32, #tpu.memory_space<vmem>>) dst(%dma_wait3A_340 : memref<16384x16xf32, #tpu.memory_space<hbm>>)
    return
  }
}

module attributes {stable_mosaic.version = 14 : i64} {
  func.func @_tc1_body(%arg0: memref<2x8x128xf32, #tpu.memory_space<vmem>>, %arg1: memref<2x264x128xf32, #tpu.memory_space<vmem>>, %arg2: memref<2x264x128xf32, #tpu.memory_space<vmem>>, %arg3: memref<2x264x128xf32, #tpu.memory_space<vmem>>, %arg4: memref<2x264x128xf32, #tpu.memory_space<vmem>>, %arg5: memref<2x264x128xf32, #tpu.memory_space<vmem>>, %arg6: memref<264x128xf32, #tpu.memory_space<vmem>>, %arg7: memref<264x128xf32, #tpu.memory_space<vmem>>, %arg8: memref<264x128xf32, #tpu.memory_space<vmem>>, %arg9: memref<264x128xf32, #tpu.memory_space<vmem>>, %arg10: memref<128x128xf32, #tpu.memory_space<vmem>>, %arg11: memref<264x264xf32, #tpu.memory_space<vmem>>, %arg12: memref<7x128x2048xf32, #tpu.memory_space<vmem>>, %arg13: memref<2x264x2048xf32, #tpu.memory_space<vmem>>, %arg14: memref<2x264x128xi32, #tpu.memory_space<vmem>>) attributes {dimension_semantics = [], scalar_prefetch = 0 : i64, scratch_operands = 0 : i64, tpu.core_type = #tpu.core_type<tc>} {
    %iota3A = tpu.iota {dimensions = array<i32: 0>} : vector<264x128xi32>
    %mul3A = arith.constant 128 : i32
    %mul3A_0 = vector.broadcast %mul3A : i32 to vector<264x128xi32>
    %mul3A_1 = arith.muli %iota3A, %mul3A_0 : vector<264x128xi32>
    %iota3A_2 = tpu.iota {dimensions = array<i32: 1>} : vector<264x128xi32>
    %add3A = arith.addi %mul3A_1, %iota3A_2 : vector<264x128xi32>
    %lt3A = arith.constant 33750 : i32
    %lt3A_3 = vector.broadcast %lt3A : i32 to vector<264x128xi32>
    %lt3A_4 = arith.cmpi slt, %add3A, %lt3A_3 : vector<264x128xi32>
    %get3A = arith.constant 0 : index
    %get3A_5 = arith.constant 0 : index
    %get3A_6 = vector.load %arg6[%get3A, %get3A_5] : memref<264x128xf32, #tpu.memory_space<vmem>>, vector<264x128xf32>
    %get3A_7 = arith.constant 0 : index
    %get3A_8 = arith.constant 0 : index
    %get3A_9 = vector.load %arg7[%get3A_7, %get3A_8] : memref<264x128xf32, #tpu.memory_space<vmem>>, vector<264x128xf32>
    %get3A_10 = arith.constant 0 : index
    %get3A_11 = arith.constant 0 : index
    %get3A_12 = vector.load %arg8[%get3A_10, %get3A_11] : memref<264x128xf32, #tpu.memory_space<vmem>>, vector<264x128xf32>
    %get3A_13 = arith.constant 0 : index
    %get3A_14 = arith.constant 0 : index
    %get3A_15 = vector.load %arg9[%get3A_13, %get3A_14] : memref<264x128xf32, #tpu.memory_space<vmem>>, vector<264x128xf32>
    %get3A_16 = arith.constant 0 : index
    %get3A_17 = arith.constant 0 : index
    %get3A_18 = vector.load %arg10[%get3A_16, %get3A_17] : memref<128x128xf32, #tpu.memory_space<vmem>>, vector<128x128xf32>
    %get3A_19 = arith.constant 0 : index
    %get3A_20 = arith.constant 0 : index
    %get3A_21 = vector.load %arg11[%get3A_19, %get3A_20] : memref<264x264xf32, #tpu.memory_space<vmem>>, vector<264x264xf32>
    %get3A_22 = arith.constant 0 : index
    %get3A_23 = arith.constant 0 : index
    %get3A_24 = arith.constant 0 : index
    %get3A_25 = vector.load %arg1[%get3A_22, %get3A_23, %get3A_24] : memref<2x264x128xf32, #tpu.memory_space<vmem>>, vector<1x264x128xf32>
    %get3A_26 = vector.shape_cast %get3A_25 : vector<1x264x128xf32> to vector<264x128xf32>
    %get3A_27 = arith.constant 0 : index
    %get3A_28 = arith.constant 0 : index
    %get3A_29 = arith.constant 0 : index
    %get3A_30 = vector.load %arg2[%get3A_27, %get3A_28, %get3A_29] : memref<2x264x128xf32, #tpu.memory_space<vmem>>, vector<1x264x128xf32>
    %get3A_31 = vector.shape_cast %get3A_30 : vector<1x264x128xf32> to vector<264x128xf32>
    %mul3A_32 = arith.mulf %get3A_31, %get3A_6 : vector<264x128xf32>
    %add3A_33 = arith.addf %mul3A_32, %get3A_12 : vector<264x128xf32>
    %get3A_34 = arith.constant 0 : index
    %get3A_35 = arith.constant 0 : index
    %get3A_36 = arith.constant 0 : index
    %get3A_37 = vector.load %arg3[%get3A_34, %get3A_35, %get3A_36] : memref<2x264x128xf32, #tpu.memory_space<vmem>>, vector<1x264x128xf32>
    %get3A_38 = vector.shape_cast %get3A_37 : vector<1x264x128xf32> to vector<264x128xf32>
    %mul3A_39 = arith.mulf %get3A_38, %get3A_9 : vector<264x128xf32>
    %add3A_40 = arith.addf %mul3A_39, %get3A_15 : vector<264x128xf32>
    %get3A_41 = arith.constant 0 : index
    %get3A_42 = arith.constant 0 : index
    %get3A_43 = arith.constant 0 : index
    %get3A_44 = vector.load %arg4[%get3A_41, %get3A_42, %get3A_43] : memref<2x264x128xf32, #tpu.memory_space<vmem>>, vector<1x264x128xf32>
    %get3A_45 = vector.shape_cast %get3A_44 : vector<1x264x128xf32> to vector<264x128xf32>
    %exp3A = math.exp %get3A_45 : vector<264x128xf32>
    %mul3A_46 = arith.mulf %exp3A, %get3A_6 : vector<264x128xf32>
    %get3A_47 = arith.constant 0 : index
    %get3A_48 = arith.constant 0 : index
    %get3A_49 = arith.constant 0 : index
    %get3A_50 = vector.load %arg5[%get3A_47, %get3A_48, %get3A_49] : memref<2x264x128xf32, #tpu.memory_space<vmem>>, vector<1x264x128xf32>
    %get3A_51 = vector.shape_cast %get3A_50 : vector<1x264x128xf32> to vector<264x128xf32>
    %exp3A_52 = math.exp %get3A_51 : vector<264x128xf32>
    %mul3A_53 = arith.mulf %exp3A_52, %get3A_9 : vector<264x128xf32>
    %mul3A_54 = arith.constant 5.000000e-01 : f32
    %mul3A_55 = vector.broadcast %mul3A_54 : f32 to vector<264x128xf32>
    %mul3A_56 = arith.mulf %mul3A_55, %mul3A_46 : vector<264x128xf32>
    %sub3A = arith.subf %add3A_33, %mul3A_56 : vector<264x128xf32>
    %mul3A_57 = arith.constant 5.000000e-01 : f32
    %mul3A_58 = vector.broadcast %mul3A_57 : f32 to vector<264x128xf32>
    %mul3A_59 = arith.mulf %mul3A_58, %mul3A_53 : vector<264x128xf32>
    %sub3A_60 = arith.subf %add3A_40, %mul3A_59 : vector<264x128xf32>
    %mul3A_61 = arith.constant 5.000000e-01 : f32
    %mul3A_62 = vector.broadcast %mul3A_61 : f32 to vector<264x128xf32>
    %mul3A_63 = arith.mulf %mul3A_62, %mul3A_46 : vector<264x128xf32>
    %add3A_64 = arith.addf %add3A_33, %mul3A_63 : vector<264x128xf32>
    %mul3A_65 = arith.constant 5.000000e-01 : f32
    %mul3A_66 = vector.broadcast %mul3A_65 : f32 to vector<264x128xf32>
    %mul3A_67 = arith.mulf %mul3A_66, %mul3A_53 : vector<264x128xf32>
    %add3A_68 = arith.addf %add3A_40, %mul3A_67 : vector<264x128xf32>
    %get3A_69 = arith.constant 0 : index
    %get3A_70 = arith.constant 0 : index
    %get3A_71 = arith.constant 0 : index
    %get3A_72 = vector.load %arg0[%get3A_69, %get3A_70, %get3A_71] : memref<2x8x128xf32, #tpu.memory_space<vmem>>, vector<1x1x128xf32>
    %get3A_73 = vector.shape_cast %get3A_72 : vector<1x1x128xf32> to vector<1x128xf32>
    %sub3A_74 = arith.constant 1.000000e+00 : f32
    %sub3A_75 = vector.broadcast %sub3A_74 : f32 to vector<1x128xf32>
    %sub3A_76 = arith.subf %get3A_73, %sub3A_75 : vector<1x128xf32>
    %get3A_77 = arith.constant 0 : index
    %get3A_78 = arith.constant 1 : index
    %get3A_79 = arith.constant 0 : index
    %get3A_80 = vector.load %arg0[%get3A_77, %get3A_78, %get3A_79] : memref<2x8x128xf32, #tpu.memory_space<vmem>>, vector<1x1x128xf32>
    %get3A_81 = vector.shape_cast %get3A_80 : vector<1x1x128xf32> to vector<1x128xf32>
    %sub3A_82 = arith.constant 1.000000e+00 : f32
    %sub3A_83 = vector.broadcast %sub3A_82 : f32 to vector<1x128xf32>
    %sub3A_84 = arith.subf %get3A_81, %sub3A_83 : vector<1x128xf32>
    %max3A = arith.constant 0.000000e+00 : f32
    %max3A_85 = vector.broadcast %max3A : f32 to vector<264x128xf32>
    %max3A_86 = arith.maximumf %sub3A, %max3A_85 : vector<264x128xf32>
    %min3A = vector.broadcast %sub3A_84 : vector<1x128xf32> to vector<264x128xf32>
    %min3A_87 = arith.minimumf %max3A_86, %min3A : vector<264x128xf32>
    %max3A_88 = arith.constant 0.000000e+00 : f32
    %max3A_89 = vector.broadcast %max3A_88 : f32 to vector<264x128xf32>
    %max3A_90 = arith.maximumf %sub3A_60, %max3A_89 : vector<264x128xf32>
    %min3A_91 = vector.broadcast %sub3A_76 : vector<1x128xf32> to vector<264x128xf32>
    %min3A_92 = arith.minimumf %max3A_90, %min3A_91 : vector<264x128xf32>
    %max3A_93 = arith.constant 0.000000e+00 : f32
    %max3A_94 = vector.broadcast %max3A_93 : f32 to vector<264x128xf32>
    %max3A_95 = arith.maximumf %add3A_64, %max3A_94 : vector<264x128xf32>
    %min3A_96 = vector.broadcast %sub3A_84 : vector<1x128xf32> to vector<264x128xf32>
    %min3A_97 = arith.minimumf %max3A_95, %min3A_96 : vector<264x128xf32>
    %max3A_98 = arith.constant 0.000000e+00 : f32
    %max3A_99 = vector.broadcast %max3A_98 : f32 to vector<264x128xf32>
    %max3A_100 = arith.maximumf %add3A_68, %max3A_99 : vector<264x128xf32>
    %min3A_101 = vector.broadcast %sub3A_76 : vector<1x128xf32> to vector<264x128xf32>
    %min3A_102 = arith.minimumf %max3A_100, %min3A_101 : vector<264x128xf32>
    %sub3A_103 = arith.subf %min3A_97, %min3A_87 : vector<264x128xf32>
    %add3A_104 = arith.constant 1.000000e+00 : f32
    %add3A_105 = vector.broadcast %add3A_104 : f32 to vector<264x128xf32>
    %add3A_106 = arith.addf %sub3A_103, %add3A_105 : vector<264x128xf32>
    %sub3A_107 = arith.subf %min3A_102, %min3A_92 : vector<264x128xf32>
    %add3A_108 = arith.constant 1.000000e+00 : f32
    %add3A_109 = vector.broadcast %add3A_108 : f32 to vector<264x128xf32>
    %add3A_110 = arith.addf %sub3A_107, %add3A_109 : vector<264x128xf32>
    %mul3A_111 = arith.mulf %add3A_106, %add3A_110 : vector<264x128xf32>
    %bitcast_convert_type3A = tpu.bitcast %get3A_26 : vector<264x128xf32> -> vector<264x128xi32>
    %ge3A = arith.constant 0 : i32
    %ge3A_112 = vector.broadcast %ge3A : i32 to vector<264x128xi32>
    %ge3A_113 = arith.cmpi sge, %bitcast_convert_type3A, %ge3A_112 : vector<264x128xi32>
    %or3A = arith.constant -2147483648 : i32
    %or3A_114 = vector.broadcast %or3A : i32 to vector<264x128xi32>
    %or3A_115 = arith.ori %bitcast_convert_type3A, %or3A_114 : vector<264x128xi32>
    %not3A = arith.constant dense<-1> : vector<264x128xi32>
    %not3A_116 = arith.xori %bitcast_convert_type3A, %not3A : vector<264x128xi32>
    %select_n3A = arith.select %ge3A_113, %or3A_115, %not3A_116 : vector<264x128xi1>, vector<264x128xi32>
    %xor3A = arith.constant -2147483648 : i32
    %xor3A_117 = vector.broadcast %xor3A : i32 to vector<264x128xi32>
    %xor3A_118 = arith.xori %select_n3A, %xor3A_117 : vector<264x128xi32>
    %and3A = arith.constant 0 : i32
    %and3A_119 = vector.broadcast %and3A : i32 to vector<264x128xi32>
    %and3A_120 = arith.andi %select_n3A, %and3A_119 : vector<264x128xi32>
    %eq3A = arith.constant 0 : i32
    %eq3A_121 = vector.broadcast %eq3A : i32 to vector<264x128xi32>
    %eq3A_122 = arith.cmpi eq, %and3A_120, %eq3A_121 : vector<264x128xi32>
    %and3A_123 = arith.andi %eq3A_122, %lt3A_4 : vector<264x128xi1>
    %and3A_124 = arith.constant -2147483648 : i32
    %and3A_125 = vector.broadcast %and3A_124 : i32 to vector<264x128xi32>
    %and3A_126 = arith.andi %select_n3A, %and3A_125 : vector<264x128xi32>
    %ne3A = arith.constant 0 : i32
    %ne3A_127 = vector.broadcast %ne3A : i32 to vector<264x128xi32>
    %ne3A_128 = arith.cmpi ne, %and3A_126, %ne3A_127 : vector<264x128xi32>
    %and3A_129 = arith.andi %and3A_123, %ne3A_128 : vector<264x128xi1>
    %jit3A = arith.constant 1 : i32
    %jit3A_130 = arith.constant 0 : i32
    %broadcast_in_dim3A = vector.broadcast %jit3A : i32 to vector<264x128xi32>
    %broadcast_in_dim3A_131 = vector.broadcast %jit3A_130 : i32 to vector<264x128xi32>
    %select_n3A_132 = arith.select %and3A_129, %broadcast_in_dim3A, %broadcast_in_dim3A_131 : vector<264x128xi1>, vector<264x128xi32>
    %reduce_sum3A = vector.shape_cast %select_n3A_132 : vector<264x128xi32> to vector<1x264x128xi32>
    %reduce_sum3A_133 = arith.constant dense<0> : vector<1xi32>
    %reduce_sum3A_134 = vector.multi_reduction <add>, %reduce_sum3A, %reduce_sum3A_133 [1, 2] : vector<1x264x128xi32> to vector<1xi32>
    %reduce_sum3A_135 = vector.shape_cast %reduce_sum3A_134 : vector<1xi32> to vector<1x1x1xi32>
    %reduce_sum3A_136 = vector.extract %reduce_sum3A_135[0, 0, 0] : i32 from vector<1x1x1xi32>
    %ge3A_137 = arith.constant 6000 : i32
    %ge3A_138 = arith.cmpi sge, %reduce_sum3A_136, %ge3A_137 : i32
    %or3A_139 = arith.constant 0 : i32
    %or3A_140 = arith.constant -2147483648 : i32
    %or3A_141 = arith.ori %or3A_139, %or3A_140 : i32
    %jit3A_142 = arith.constant 0 : i32
    %select_n3A_143 = arith.select %ge3A_138, %or3A_141, %jit3A_142 : i32
    %sub3A_144 = arith.constant 6000 : i32
    %sub3A_145 = arith.subi %sub3A_144, %reduce_sum3A_136 : i32
    %jit3A_146 = arith.constant 6000 : i32
    %select_n3A_147 = arith.select %ge3A_138, %jit3A_146, %sub3A_145 : i32
    %and3A_148 = arith.constant -2147483648 : i32
    %and3A_149 = vector.broadcast %and3A_148 : i32 to vector<264x128xi32>
    %and3A_150 = arith.andi %select_n3A, %and3A_149 : vector<264x128xi32>
    %eq3A_151 = vector.broadcast %select_n3A_143 : i32 to vector<264x128xi32>
    %eq3A_152 = arith.cmpi eq, %and3A_150, %eq3A_151 : vector<264x128xi32>
    %and3A_153 = arith.andi %eq3A_152, %lt3A_4 : vector<264x128xi1>
    %and3A_154 = arith.constant 1073741824 : i32
    %and3A_155 = vector.broadcast %and3A_154 : i32 to vector<264x128xi32>
    %and3A_156 = arith.andi %select_n3A, %and3A_155 : vector<264x128xi32>
    %ne3A_157 = arith.constant 0 : i32
    %ne3A_158 = vector.broadcast %ne3A_157 : i32 to vector<264x128xi32>
    %ne3A_159 = arith.cmpi ne, %and3A_156, %ne3A_158 : vector<264x128xi32>
    %and3A_160 = arith.andi %and3A_153, %ne3A_159 : vector<264x128xi1>
    %jit3A_161 = arith.constant 1 : i32
    %jit3A_162 = arith.constant 0 : i32
    %broadcast_in_dim3A_163 = vector.broadcast %jit3A_161 : i32 to vector<264x128xi32>
    %broadcast_in_dim3A_164 = vector.broadcast %jit3A_162 : i32 to vector<264x128xi32>
    %select_n3A_165 = arith.select %and3A_160, %broadcast_in_dim3A_163, %broadcast_in_dim3A_164 : vector<264x128xi1>, vector<264x128xi32>
    %reduce_sum3A_166 = vector.shape_cast %select_n3A_165 : vector<264x128xi32> to vector<1x264x128xi32>
    %reduce_sum3A_167 = arith.constant dense<0> : vector<1xi32>
    %reduce_sum3A_168 = vector.multi_reduction <add>, %reduce_sum3A_166, %reduce_sum3A_167 [1, 2] : vector<1x264x128xi32> to vector<1xi32>
    %reduce_sum3A_169 = vector.shape_cast %reduce_sum3A_168 : vector<1xi32> to vector<1x1x1xi32>
    %reduce_sum3A_170 = vector.extract %reduce_sum3A_169[0, 0, 0] : i32 from vector<1x1x1xi32>
    %ge3A_171 = arith.cmpi sge, %reduce_sum3A_170, %select_n3A_147 : i32
    %or3A_172 = arith.constant 1073741824 : i32
    %or3A_173 = arith.ori %select_n3A_143, %or3A_172 : i32
    %select_n3A_174 = arith.select %ge3A_171, %or3A_173, %select_n3A_143 : i32
    %sub3A_175 = arith.subi %select_n3A_147, %reduce_sum3A_170 : i32
    %select_n3A_176 = arith.select %ge3A_171, %select_n3A_147, %sub3A_175 : i32
    %and3A_177 = arith.constant -1073741824 : i32
    %and3A_178 = vector.broadcast %and3A_177 : i32 to vector<264x128xi32>
    %and3A_179 = arith.andi %select_n3A, %and3A_178 : vector<264x128xi32>
    %eq3A_180 = vector.broadcast %select_n3A_174 : i32 to vector<264x128xi32>
    %eq3A_181 = arith.cmpi eq, %and3A_179, %eq3A_180 : vector<264x128xi32>
    %and3A_182 = arith.andi %eq3A_181, %lt3A_4 : vector<264x128xi1>
    %and3A_183 = arith.constant 536870912 : i32
    %and3A_184 = vector.broadcast %and3A_183 : i32 to vector<264x128xi32>
    %and3A_185 = arith.andi %select_n3A, %and3A_184 : vector<264x128xi32>
    %ne3A_186 = arith.constant 0 : i32
    %ne3A_187 = vector.broadcast %ne3A_186 : i32 to vector<264x128xi32>
    %ne3A_188 = arith.cmpi ne, %and3A_185, %ne3A_187 : vector<264x128xi32>
    %and3A_189 = arith.andi %and3A_182, %ne3A_188 : vector<264x128xi1>
    %jit3A_190 = arith.constant 1 : i32
    %jit3A_191 = arith.constant 0 : i32
    %broadcast_in_dim3A_192 = vector.broadcast %jit3A_190 : i32 to vector<264x128xi32>
    %broadcast_in_dim3A_193 = vector.broadcast %jit3A_191 : i32 to vector<264x128xi32>
    %select_n3A_194 = arith.select %and3A_189, %broadcast_in_dim3A_192, %broadcast_in_dim3A_193 : vector<264x128xi1>, vector<264x128xi32>
    %reduce_sum3A_195 = vector.shape_cast %select_n3A_194 : vector<264x128xi32> to vector<1x264x128xi32>
    %reduce_sum3A_196 = arith.constant dense<0> : vector<1xi32>
    %reduce_sum3A_197 = vector.multi_reduction <add>, %reduce_sum3A_195, %reduce_sum3A_196 [1, 2] : vector<1x264x128xi32> to vector<1xi32>
    %reduce_sum3A_198 = vector.shape_cast %reduce_sum3A_197 : vector<1xi32> to vector<1x1x1xi32>
    %reduce_sum3A_199 = vector.extract %reduce_sum3A_198[0, 0, 0] : i32 from vector<1x1x1xi32>
    %ge3A_200 = arith.cmpi sge, %reduce_sum3A_199, %select_n3A_176 : i32
    %or3A_201 = arith.constant 536870912 : i32
    %or3A_202 = arith.ori %select_n3A_174, %or3A_201 : i32
    %select_n3A_203 = arith.select %ge3A_200, %or3A_202, %select_n3A_174 : i32
    %sub3A_204 = arith.subi %select_n3A_176, %reduce_sum3A_199 : i32
    %select_n3A_205 = arith.select %ge3A_200, %select_n3A_176, %sub3A_204 : i32
    %and3A_206 = arith.constant -536870912 : i32
    %and3A_207 = vector.broadcast %and3A_206 : i32 to vector<264x128xi32>
    %and3A_208 = arith.andi %select_n3A, %and3A_207 : vector<264x128xi32>
    %eq3A_209 = vector.broadcast %select_n3A_203 : i32 to vector<264x128xi32>
    %eq3A_210 = arith.cmpi eq, %and3A_208, %eq3A_209 : vector<264x128xi32>
    %and3A_211 = arith.andi %eq3A_210, %lt3A_4 : vector<264x128xi1>
    %and3A_212 = arith.constant 268435456 : i32
    %and3A_213 = vector.broadcast %and3A_212 : i32 to vector<264x128xi32>
    %and3A_214 = arith.andi %select_n3A, %and3A_213 : vector<264x128xi32>
    %ne3A_215 = arith.constant 0 : i32
    %ne3A_216 = vector.broadcast %ne3A_215 : i32 to vector<264x128xi32>
    %ne3A_217 = arith.cmpi ne, %and3A_214, %ne3A_216 : vector<264x128xi32>
    %and3A_218 = arith.andi %and3A_211, %ne3A_217 : vector<264x128xi1>
    %jit3A_219 = arith.constant 1 : i32
    %jit3A_220 = arith.constant 0 : i32
    %broadcast_in_dim3A_221 = vector.broadcast %jit3A_219 : i32 to vector<264x128xi32>
    %broadcast_in_dim3A_222 = vector.broadcast %jit3A_220 : i32 to vector<264x128xi32>
    %select_n3A_223 = arith.select %and3A_218, %broadcast_in_dim3A_221, %broadcast_in_dim3A_222 : vector<264x128xi1>, vector<264x128xi32>
    %reduce_sum3A_224 = vector.shape_cast %select_n3A_223 : vector<264x128xi32> to vector<1x264x128xi32>
    %reduce_sum3A_225 = arith.constant dense<0> : vector<1xi32>
    %reduce_sum3A_226 = vector.multi_reduction <add>, %reduce_sum3A_224, %reduce_sum3A_225 [1, 2] : vector<1x264x128xi32> to vector<1xi32>
    %reduce_sum3A_227 = vector.shape_cast %reduce_sum3A_226 : vector<1xi32> to vector<1x1x1xi32>
    %reduce_sum3A_228 = vector.extract %reduce_sum3A_227[0, 0, 0] : i32 from vector<1x1x1xi32>
    %ge3A_229 = arith.cmpi sge, %reduce_sum3A_228, %select_n3A_205 : i32
    %or3A_230 = arith.constant 268435456 : i32
    %or3A_231 = arith.ori %select_n3A_203, %or3A_230 : i32
    %select_n3A_232 = arith.select %ge3A_229, %or3A_231, %select_n3A_203 : i32
    %sub3A_233 = arith.subi %select_n3A_205, %reduce_sum3A_228 : i32
    %select_n3A_234 = arith.select %ge3A_229, %select_n3A_205, %sub3A_233 : i32
    %and3A_235 = arith.constant -268435456 : i32
    %and3A_236 = vector.broadcast %and3A_235 : i32 to vector<264x128xi32>
    %and3A_237 = arith.andi %select_n3A, %and3A_236 : vector<264x128xi32>
    %eq3A_238 = vector.broadcast %select_n3A_232 : i32 to vector<264x128xi32>
    %eq3A_239 = arith.cmpi eq, %and3A_237, %eq3A_238 : vector<264x128xi32>
    %and3A_240 = arith.andi %eq3A_239, %lt3A_4 : vector<264x128xi1>
    %and3A_241 = arith.constant 134217728 : i32
    %and3A_242 = vector.broadcast %and3A_241 : i32 to vector<264x128xi32>
    %and3A_243 = arith.andi %select_n3A, %and3A_242 : vector<264x128xi32>
    %ne3A_244 = arith.constant 0 : i32
    %ne3A_245 = vector.broadcast %ne3A_244 : i32 to vector<264x128xi32>
    %ne3A_246 = arith.cmpi ne, %and3A_243, %ne3A_245 : vector<264x128xi32>
    %and3A_247 = arith.andi %and3A_240, %ne3A_246 : vector<264x128xi1>
    %jit3A_248 = arith.constant 1 : i32
    %jit3A_249 = arith.constant 0 : i32
    %broadcast_in_dim3A_250 = vector.broadcast %jit3A_248 : i32 to vector<264x128xi32>
    %broadcast_in_dim3A_251 = vector.broadcast %jit3A_249 : i32 to vector<264x128xi32>
    %select_n3A_252 = arith.select %and3A_247, %broadcast_in_dim3A_250, %broadcast_in_dim3A_251 : vector<264x128xi1>, vector<264x128xi32>
    %reduce_sum3A_253 = vector.shape_cast %select_n3A_252 : vector<264x128xi32> to vector<1x264x128xi32>
    %reduce_sum3A_254 = arith.constant dense<0> : vector<1xi32>
    %reduce_sum3A_255 = vector.multi_reduction <add>, %reduce_sum3A_253, %reduce_sum3A_254 [1, 2] : vector<1x264x128xi32> to vector<1xi32>
    %reduce_sum3A_256 = vector.shape_cast %reduce_sum3A_255 : vector<1xi32> to vector<1x1x1xi32>
    %reduce_sum3A_257 = vector.extract %reduce_sum3A_256[0, 0, 0] : i32 from vector<1x1x1xi32>
    %ge3A_258 = arith.cmpi sge, %reduce_sum3A_257, %select_n3A_234 : i32
    %or3A_259 = arith.constant 134217728 : i32
    %or3A_260 = arith.ori %select_n3A_232, %or3A_259 : i32
    %select_n3A_261 = arith.select %ge3A_258, %or3A_260, %select_n3A_232 : i32
    %sub3A_262 = arith.subi %select_n3A_234, %reduce_sum3A_257 : i32
    %select_n3A_263 = arith.select %ge3A_258, %select_n3A_234, %sub3A_262 : i32
    %and3A_264 = arith.constant -134217728 : i32
    %and3A_265 = vector.broadcast %and3A_264 : i32 to vector<264x128xi32>
    %and3A_266 = arith.andi %select_n3A, %and3A_265 : vector<264x128xi32>
    %eq3A_267 = vector.broadcast %select_n3A_261 : i32 to vector<264x128xi32>
    %eq3A_268 = arith.cmpi eq, %and3A_266, %eq3A_267 : vector<264x128xi32>
    %and3A_269 = arith.andi %eq3A_268, %lt3A_4 : vector<264x128xi1>
    %and3A_270 = arith.constant 67108864 : i32
    %and3A_271 = vector.broadcast %and3A_270 : i32 to vector<264x128xi32>
    %and3A_272 = arith.andi %select_n3A, %and3A_271 : vector<264x128xi32>
    %ne3A_273 = arith.constant 0 : i32
    %ne3A_274 = vector.broadcast %ne3A_273 : i32 to vector<264x128xi32>
    %ne3A_275 = arith.cmpi ne, %and3A_272, %ne3A_274 : vector<264x128xi32>
    %and3A_276 = arith.andi %and3A_269, %ne3A_275 : vector<264x128xi1>
    %jit3A_277 = arith.constant 1 : i32
    %jit3A_278 = arith.constant 0 : i32
    %broadcast_in_dim3A_279 = vector.broadcast %jit3A_277 : i32 to vector<264x128xi32>
    %broadcast_in_dim3A_280 = vector.broadcast %jit3A_278 : i32 to vector<264x128xi32>
    %select_n3A_281 = arith.select %and3A_276, %broadcast_in_dim3A_279, %broadcast_in_dim3A_280 : vector<264x128xi1>, vector<264x128xi32>
    %reduce_sum3A_282 = vector.shape_cast %select_n3A_281 : vector<264x128xi32> to vector<1x264x128xi32>
    %reduce_sum3A_283 = arith.constant dense<0> : vector<1xi32>
    %reduce_sum3A_284 = vector.multi_reduction <add>, %reduce_sum3A_282, %reduce_sum3A_283 [1, 2] : vector<1x264x128xi32> to vector<1xi32>
    %reduce_sum3A_285 = vector.shape_cast %reduce_sum3A_284 : vector<1xi32> to vector<1x1x1xi32>
    %reduce_sum3A_286 = vector.extract %reduce_sum3A_285[0, 0, 0] : i32 from vector<1x1x1xi32>
    %ge3A_287 = arith.cmpi sge, %reduce_sum3A_286, %select_n3A_263 : i32
    %or3A_288 = arith.constant 67108864 : i32
    %or3A_289 = arith.ori %select_n3A_261, %or3A_288 : i32
    %select_n3A_290 = arith.select %ge3A_287, %or3A_289, %select_n3A_261 : i32
    %sub3A_291 = arith.subi %select_n3A_263, %reduce_sum3A_286 : i32
    %select_n3A_292 = arith.select %ge3A_287, %select_n3A_263, %sub3A_291 : i32
    %and3A_293 = arith.constant -67108864 : i32
    %and3A_294 = vector.broadcast %and3A_293 : i32 to vector<264x128xi32>
    %and3A_295 = arith.andi %select_n3A, %and3A_294 : vector<264x128xi32>
    %eq3A_296 = vector.broadcast %select_n3A_290 : i32 to vector<264x128xi32>
    %eq3A_297 = arith.cmpi eq, %and3A_295, %eq3A_296 : vector<264x128xi32>
    %and3A_298 = arith.andi %eq3A_297, %lt3A_4 : vector<264x128xi1>
    %and3A_299 = arith.constant 33554432 : i32
    %and3A_300 = vector.broadcast %and3A_299 : i32 to vector<264x128xi32>
    %and3A_301 = arith.andi %select_n3A, %and3A_300 : vector<264x128xi32>
    %ne3A_302 = arith.constant 0 : i32
    %ne3A_303 = vector.broadcast %ne3A_302 : i32 to vector<264x128xi32>
    %ne3A_304 = arith.cmpi ne, %and3A_301, %ne3A_303 : vector<264x128xi32>
    %and3A_305 = arith.andi %and3A_298, %ne3A_304 : vector<264x128xi1>
    %jit3A_306 = arith.constant 1 : i32
    %jit3A_307 = arith.constant 0 : i32
    %broadcast_in_dim3A_308 = vector.broadcast %jit3A_306 : i32 to vector<264x128xi32>
    %broadcast_in_dim3A_309 = vector.broadcast %jit3A_307 : i32 to vector<264x128xi32>
    %select_n3A_310 = arith.select %and3A_305, %broadcast_in_dim3A_308, %broadcast_in_dim3A_309 : vector<264x128xi1>, vector<264x128xi32>
    %reduce_sum3A_311 = vector.shape_cast %select_n3A_310 : vector<264x128xi32> to vector<1x264x128xi32>
    %reduce_sum3A_312 = arith.constant dense<0> : vector<1xi32>
    %reduce_sum3A_313 = vector.multi_reduction <add>, %reduce_sum3A_311, %reduce_sum3A_312 [1, 2] : vector<1x264x128xi32> to vector<1xi32>
    %reduce_sum3A_314 = vector.shape_cast %reduce_sum3A_313 : vector<1xi32> to vector<1x1x1xi32>
    %reduce_sum3A_315 = vector.extract %reduce_sum3A_314[0, 0, 0] : i32 from vector<1x1x1xi32>
    %ge3A_316 = arith.cmpi sge, %reduce_sum3A_315, %select_n3A_292 : i32
    %or3A_317 = arith.constant 33554432 : i32
    %or3A_318 = arith.ori %select_n3A_290, %or3A_317 : i32
    %select_n3A_319 = arith.select %ge3A_316, %or3A_318, %select_n3A_290 : i32
    %sub3A_320 = arith.subi %select_n3A_292, %reduce_sum3A_315 : i32
    %select_n3A_321 = arith.select %ge3A_316, %select_n3A_292, %sub3A_320 : i32
    %and3A_322 = arith.constant -33554432 : i32
    %and3A_323 = vector.broadcast %and3A_322 : i32 to vector<264x128xi32>
    %and3A_324 = arith.andi %select_n3A, %and3A_323 : vector<264x128xi32>
    %eq3A_325 = vector.broadcast %select_n3A_319 : i32 to vector<264x128xi32>
    %eq3A_326 = arith.cmpi eq, %and3A_324, %eq3A_325 : vector<264x128xi32>
    %and3A_327 = arith.andi %eq3A_326, %lt3A_4 : vector<264x128xi1>
    %and3A_328 = arith.constant 16777216 : i32
    %and3A_329 = vector.broadcast %and3A_328 : i32 to vector<264x128xi32>
    %and3A_330 = arith.andi %select_n3A, %and3A_329 : vector<264x128xi32>
    %ne3A_331 = arith.constant 0 : i32
    %ne3A_332 = vector.broadcast %ne3A_331 : i32 to vector<264x128xi32>
    %ne3A_333 = arith.cmpi ne, %and3A_330, %ne3A_332 : vector<264x128xi32>
    %and3A_334 = arith.andi %and3A_327, %ne3A_333 : vector<264x128xi1>
    %jit3A_335 = arith.constant 1 : i32
    %jit3A_336 = arith.constant 0 : i32
    %broadcast_in_dim3A_337 = vector.broadcast %jit3A_335 : i32 to vector<264x128xi32>
    %broadcast_in_dim3A_338 = vector.broadcast %jit3A_336 : i32 to vector<264x128xi32>
    %select_n3A_339 = arith.select %and3A_334, %broadcast_in_dim3A_337, %broadcast_in_dim3A_338 : vector<264x128xi1>, vector<264x128xi32>
    %reduce_sum3A_340 = vector.shape_cast %select_n3A_339 : vector<264x128xi32> to vector<1x264x128xi32>
    %reduce_sum3A_341 = arith.constant dense<0> : vector<1xi32>
    %reduce_sum3A_342 = vector.multi_reduction <add>, %reduce_sum3A_340, %reduce_sum3A_341 [1, 2] : vector<1x264x128xi32> to vector<1xi32>
    %reduce_sum3A_343 = vector.shape_cast %reduce_sum3A_342 : vector<1xi32> to vector<1x1x1xi32>
    %reduce_sum3A_344 = vector.extract %reduce_sum3A_343[0, 0, 0] : i32 from vector<1x1x1xi32>
    %ge3A_345 = arith.cmpi sge, %reduce_sum3A_344, %select_n3A_321 : i32
    %or3A_346 = arith.constant 16777216 : i32
    %or3A_347 = arith.ori %select_n3A_319, %or3A_346 : i32
    %select_n3A_348 = arith.select %ge3A_345, %or3A_347, %select_n3A_319 : i32
    %sub3A_349 = arith.subi %select_n3A_321, %reduce_sum3A_344 : i32
    %select_n3A_350 = arith.select %ge3A_345, %select_n3A_321, %sub3A_349 : i32
    %and3A_351 = arith.constant -16777216 : i32
    %and3A_352 = vector.broadcast %and3A_351 : i32 to vector<264x128xi32>
    %and3A_353 = arith.andi %select_n3A, %and3A_352 : vector<264x128xi32>
    %eq3A_354 = vector.broadcast %select_n3A_348 : i32 to vector<264x128xi32>
    %eq3A_355 = arith.cmpi eq, %and3A_353, %eq3A_354 : vector<264x128xi32>
    %and3A_356 = arith.andi %eq3A_355, %lt3A_4 : vector<264x128xi1>
    %and3A_357 = arith.constant 8388608 : i32
    %and3A_358 = vector.broadcast %and3A_357 : i32 to vector<264x128xi32>
    %and3A_359 = arith.andi %select_n3A, %and3A_358 : vector<264x128xi32>
    %ne3A_360 = arith.constant 0 : i32
    %ne3A_361 = vector.broadcast %ne3A_360 : i32 to vector<264x128xi32>
    %ne3A_362 = arith.cmpi ne, %and3A_359, %ne3A_361 : vector<264x128xi32>
    %and3A_363 = arith.andi %and3A_356, %ne3A_362 : vector<264x128xi1>
    %jit3A_364 = arith.constant 1 : i32
    %jit3A_365 = arith.constant 0 : i32
    %broadcast_in_dim3A_366 = vector.broadcast %jit3A_364 : i32 to vector<264x128xi32>
    %broadcast_in_dim3A_367 = vector.broadcast %jit3A_365 : i32 to vector<264x128xi32>
    %select_n3A_368 = arith.select %and3A_363, %broadcast_in_dim3A_366, %broadcast_in_dim3A_367 : vector<264x128xi1>, vector<264x128xi32>
    %reduce_sum3A_369 = vector.shape_cast %select_n3A_368 : vector<264x128xi32> to vector<1x264x128xi32>
    %reduce_sum3A_370 = arith.constant dense<0> : vector<1xi32>
    %reduce_sum3A_371 = vector.multi_reduction <add>, %reduce_sum3A_369, %reduce_sum3A_370 [1, 2] : vector<1x264x128xi32> to vector<1xi32>
    %reduce_sum3A_372 = vector.shape_cast %reduce_sum3A_371 : vector<1xi32> to vector<1x1x1xi32>
    %reduce_sum3A_373 = vector.extract %reduce_sum3A_372[0, 0, 0] : i32 from vector<1x1x1xi32>
    %ge3A_374 = arith.cmpi sge, %reduce_sum3A_373, %select_n3A_350 : i32
    %or3A_375 = arith.constant 8388608 : i32
    %or3A_376 = arith.ori %select_n3A_348, %or3A_375 : i32
    %select_n3A_377 = arith.select %ge3A_374, %or3A_376, %select_n3A_348 : i32
    %sub3A_378 = arith.subi %select_n3A_350, %reduce_sum3A_373 : i32
    %select_n3A_379 = arith.select %ge3A_374, %select_n3A_350, %sub3A_378 : i32
    %and3A_380 = arith.constant -8388608 : i32
    %and3A_381 = vector.broadcast %and3A_380 : i32 to vector<264x128xi32>
    %and3A_382 = arith.andi %select_n3A, %and3A_381 : vector<264x128xi32>
    %eq3A_383 = vector.broadcast %select_n3A_377 : i32 to vector<264x128xi32>
    %eq3A_384 = arith.cmpi eq, %and3A_382, %eq3A_383 : vector<264x128xi32>
    %and3A_385 = arith.andi %eq3A_384, %lt3A_4 : vector<264x128xi1>
    %and3A_386 = arith.constant 4194304 : i32
    %and3A_387 = vector.broadcast %and3A_386 : i32 to vector<264x128xi32>
    %and3A_388 = arith.andi %select_n3A, %and3A_387 : vector<264x128xi32>
    %ne3A_389 = arith.constant 0 : i32
    %ne3A_390 = vector.broadcast %ne3A_389 : i32 to vector<264x128xi32>
    %ne3A_391 = arith.cmpi ne, %and3A_388, %ne3A_390 : vector<264x128xi32>
    %and3A_392 = arith.andi %and3A_385, %ne3A_391 : vector<264x128xi1>
    %jit3A_393 = arith.constant 1 : i32
    %jit3A_394 = arith.constant 0 : i32
    %broadcast_in_dim3A_395 = vector.broadcast %jit3A_393 : i32 to vector<264x128xi32>
    %broadcast_in_dim3A_396 = vector.broadcast %jit3A_394 : i32 to vector<264x128xi32>
    %select_n3A_397 = arith.select %and3A_392, %broadcast_in_dim3A_395, %broadcast_in_dim3A_396 : vector<264x128xi1>, vector<264x128xi32>
    %reduce_sum3A_398 = vector.shape_cast %select_n3A_397 : vector<264x128xi32> to vector<1x264x128xi32>
    %reduce_sum3A_399 = arith.constant dense<0> : vector<1xi32>
    %reduce_sum3A_400 = vector.multi_reduction <add>, %reduce_sum3A_398, %reduce_sum3A_399 [1, 2] : vector<1x264x128xi32> to vector<1xi32>
    %reduce_sum3A_401 = vector.shape_cast %reduce_sum3A_400 : vector<1xi32> to vector<1x1x1xi32>
    %reduce_sum3A_402 = vector.extract %reduce_sum3A_401[0, 0, 0] : i32 from vector<1x1x1xi32>
    %ge3A_403 = arith.cmpi sge, %reduce_sum3A_402, %select_n3A_379 : i32
    %or3A_404 = arith.constant 4194304 : i32
    %or3A_405 = arith.ori %select_n3A_377, %or3A_404 : i32
    %select_n3A_406 = arith.select %ge3A_403, %or3A_405, %select_n3A_377 : i32
    %sub3A_407 = arith.subi %select_n3A_379, %reduce_sum3A_402 : i32
    %select_n3A_408 = arith.select %ge3A_403, %select_n3A_379, %sub3A_407 : i32
    %and3A_409 = arith.constant -4194304 : i32
    %and3A_410 = vector.broadcast %and3A_409 : i32 to vector<264x128xi32>
    %and3A_411 = arith.andi %select_n3A, %and3A_410 : vector<264x128xi32>
    %eq3A_412 = vector.broadcast %select_n3A_406 : i32 to vector<264x128xi32>
    %eq3A_413 = arith.cmpi eq, %and3A_411, %eq3A_412 : vector<264x128xi32>
    %and3A_414 = arith.andi %eq3A_413, %lt3A_4 : vector<264x128xi1>
    %and3A_415 = arith.constant 2097152 : i32
    %and3A_416 = vector.broadcast %and3A_415 : i32 to vector<264x128xi32>
    %and3A_417 = arith.andi %select_n3A, %and3A_416 : vector<264x128xi32>
    %ne3A_418 = arith.constant 0 : i32
    %ne3A_419 = vector.broadcast %ne3A_418 : i32 to vector<264x128xi32>
    %ne3A_420 = arith.cmpi ne, %and3A_417, %ne3A_419 : vector<264x128xi32>
    %and3A_421 = arith.andi %and3A_414, %ne3A_420 : vector<264x128xi1>
    %jit3A_422 = arith.constant 1 : i32
    %jit3A_423 = arith.constant 0 : i32
    %broadcast_in_dim3A_424 = vector.broadcast %jit3A_422 : i32 to vector<264x128xi32>
    %broadcast_in_dim3A_425 = vector.broadcast %jit3A_423 : i32 to vector<264x128xi32>
    %select_n3A_426 = arith.select %and3A_421, %broadcast_in_dim3A_424, %broadcast_in_dim3A_425 : vector<264x128xi1>, vector<264x128xi32>
    %reduce_sum3A_427 = vector.shape_cast %select_n3A_426 : vector<264x128xi32> to vector<1x264x128xi32>
    %reduce_sum3A_428 = arith.constant dense<0> : vector<1xi32>
    %reduce_sum3A_429 = vector.multi_reduction <add>, %reduce_sum3A_427, %reduce_sum3A_428 [1, 2] : vector<1x264x128xi32> to vector<1xi32>
    %reduce_sum3A_430 = vector.shape_cast %reduce_sum3A_429 : vector<1xi32> to vector<1x1x1xi32>
    %reduce_sum3A_431 = vector.extract %reduce_sum3A_430[0, 0, 0] : i32 from vector<1x1x1xi32>
    %ge3A_432 = arith.cmpi sge, %reduce_sum3A_431, %select_n3A_408 : i32
    %or3A_433 = arith.constant 2097152 : i32
    %or3A_434 = arith.ori %select_n3A_406, %or3A_433 : i32
    %select_n3A_435 = arith.select %ge3A_432, %or3A_434, %select_n3A_406 : i32
    %sub3A_436 = arith.subi %select_n3A_408, %reduce_sum3A_431 : i32
    %select_n3A_437 = arith.select %ge3A_432, %select_n3A_408, %sub3A_436 : i32
    %and3A_438 = arith.constant -2097152 : i32
    %and3A_439 = vector.broadcast %and3A_438 : i32 to vector<264x128xi32>
    %and3A_440 = arith.andi %select_n3A, %and3A_439 : vector<264x128xi32>
    %eq3A_441 = vector.broadcast %select_n3A_435 : i32 to vector<264x128xi32>
    %eq3A_442 = arith.cmpi eq, %and3A_440, %eq3A_441 : vector<264x128xi32>
    %and3A_443 = arith.andi %eq3A_442, %lt3A_4 : vector<264x128xi1>
    %and3A_444 = arith.constant 1048576 : i32
    %and3A_445 = vector.broadcast %and3A_444 : i32 to vector<264x128xi32>
    %and3A_446 = arith.andi %select_n3A, %and3A_445 : vector<264x128xi32>
    %ne3A_447 = arith.constant 0 : i32
    %ne3A_448 = vector.broadcast %ne3A_447 : i32 to vector<264x128xi32>
    %ne3A_449 = arith.cmpi ne, %and3A_446, %ne3A_448 : vector<264x128xi32>
    %and3A_450 = arith.andi %and3A_443, %ne3A_449 : vector<264x128xi1>
    %jit3A_451 = arith.constant 1 : i32
    %jit3A_452 = arith.constant 0 : i32
    %broadcast_in_dim3A_453 = vector.broadcast %jit3A_451 : i32 to vector<264x128xi32>
    %broadcast_in_dim3A_454 = vector.broadcast %jit3A_452 : i32 to vector<264x128xi32>
    %select_n3A_455 = arith.select %and3A_450, %broadcast_in_dim3A_453, %broadcast_in_dim3A_454 : vector<264x128xi1>, vector<264x128xi32>
    %reduce_sum3A_456 = vector.shape_cast %select_n3A_455 : vector<264x128xi32> to vector<1x264x128xi32>
    %reduce_sum3A_457 = arith.constant dense<0> : vector<1xi32>
    %reduce_sum3A_458 = vector.multi_reduction <add>, %reduce_sum3A_456, %reduce_sum3A_457 [1, 2] : vector<1x264x128xi32> to vector<1xi32>
    %reduce_sum3A_459 = vector.shape_cast %reduce_sum3A_458 : vector<1xi32> to vector<1x1x1xi32>
    %reduce_sum3A_460 = vector.extract %reduce_sum3A_459[0, 0, 0] : i32 from vector<1x1x1xi32>
    %ge3A_461 = arith.cmpi sge, %reduce_sum3A_460, %select_n3A_437 : i32
    %or3A_462 = arith.constant 1048576 : i32
    %or3A_463 = arith.ori %select_n3A_435, %or3A_462 : i32
    %select_n3A_464 = arith.select %ge3A_461, %or3A_463, %select_n3A_435 : i32
    %sub3A_465 = arith.subi %select_n3A_437, %reduce_sum3A_460 : i32
    %select_n3A_466 = arith.select %ge3A_461, %select_n3A_437, %sub3A_465 : i32
    %and3A_467 = arith.constant -1048576 : i32
    %and3A_468 = vector.broadcast %and3A_467 : i32 to vector<264x128xi32>
    %and3A_469 = arith.andi %select_n3A, %and3A_468 : vector<264x128xi32>
    %eq3A_470 = vector.broadcast %select_n3A_464 : i32 to vector<264x128xi32>
    %eq3A_471 = arith.cmpi eq, %and3A_469, %eq3A_470 : vector<264x128xi32>
    %and3A_472 = arith.andi %eq3A_471, %lt3A_4 : vector<264x128xi1>
    %and3A_473 = arith.constant 524288 : i32
    %and3A_474 = vector.broadcast %and3A_473 : i32 to vector<264x128xi32>
    %and3A_475 = arith.andi %select_n3A, %and3A_474 : vector<264x128xi32>
    %ne3A_476 = arith.constant 0 : i32
    %ne3A_477 = vector.broadcast %ne3A_476 : i32 to vector<264x128xi32>
    %ne3A_478 = arith.cmpi ne, %and3A_475, %ne3A_477 : vector<264x128xi32>
    %and3A_479 = arith.andi %and3A_472, %ne3A_478 : vector<264x128xi1>
    %jit3A_480 = arith.constant 1 : i32
    %jit3A_481 = arith.constant 0 : i32
    %broadcast_in_dim3A_482 = vector.broadcast %jit3A_480 : i32 to vector<264x128xi32>
    %broadcast_in_dim3A_483 = vector.broadcast %jit3A_481 : i32 to vector<264x128xi32>
    %select_n3A_484 = arith.select %and3A_479, %broadcast_in_dim3A_482, %broadcast_in_dim3A_483 : vector<264x128xi1>, vector<264x128xi32>
    %reduce_sum3A_485 = vector.shape_cast %select_n3A_484 : vector<264x128xi32> to vector<1x264x128xi32>
    %reduce_sum3A_486 = arith.constant dense<0> : vector<1xi32>
    %reduce_sum3A_487 = vector.multi_reduction <add>, %reduce_sum3A_485, %reduce_sum3A_486 [1, 2] : vector<1x264x128xi32> to vector<1xi32>
    %reduce_sum3A_488 = vector.shape_cast %reduce_sum3A_487 : vector<1xi32> to vector<1x1x1xi32>
    %reduce_sum3A_489 = vector.extract %reduce_sum3A_488[0, 0, 0] : i32 from vector<1x1x1xi32>
    %ge3A_490 = arith.cmpi sge, %reduce_sum3A_489, %select_n3A_466 : i32
    %or3A_491 = arith.constant 524288 : i32
    %or3A_492 = arith.ori %select_n3A_464, %or3A_491 : i32
    %select_n3A_493 = arith.select %ge3A_490, %or3A_492, %select_n3A_464 : i32
    %sub3A_494 = arith.subi %select_n3A_466, %reduce_sum3A_489 : i32
    %select_n3A_495 = arith.select %ge3A_490, %select_n3A_466, %sub3A_494 : i32
    %and3A_496 = arith.constant -524288 : i32
    %and3A_497 = vector.broadcast %and3A_496 : i32 to vector<264x128xi32>
    %and3A_498 = arith.andi %select_n3A, %and3A_497 : vector<264x128xi32>
    %eq3A_499 = vector.broadcast %select_n3A_493 : i32 to vector<264x128xi32>
    %eq3A_500 = arith.cmpi eq, %and3A_498, %eq3A_499 : vector<264x128xi32>
    %and3A_501 = arith.andi %eq3A_500, %lt3A_4 : vector<264x128xi1>
    %and3A_502 = arith.constant 262144 : i32
    %and3A_503 = vector.broadcast %and3A_502 : i32 to vector<264x128xi32>
    %and3A_504 = arith.andi %select_n3A, %and3A_503 : vector<264x128xi32>
    %ne3A_505 = arith.constant 0 : i32
    %ne3A_506 = vector.broadcast %ne3A_505 : i32 to vector<264x128xi32>
    %ne3A_507 = arith.cmpi ne, %and3A_504, %ne3A_506 : vector<264x128xi32>
    %and3A_508 = arith.andi %and3A_501, %ne3A_507 : vector<264x128xi1>
    %jit3A_509 = arith.constant 1 : i32
    %jit3A_510 = arith.constant 0 : i32
    %broadcast_in_dim3A_511 = vector.broadcast %jit3A_509 : i32 to vector<264x128xi32>
    %broadcast_in_dim3A_512 = vector.broadcast %jit3A_510 : i32 to vector<264x128xi32>
    %select_n3A_513 = arith.select %and3A_508, %broadcast_in_dim3A_511, %broadcast_in_dim3A_512 : vector<264x128xi1>, vector<264x128xi32>
    %reduce_sum3A_514 = vector.shape_cast %select_n3A_513 : vector<264x128xi32> to vector<1x264x128xi32>
    %reduce_sum3A_515 = arith.constant dense<0> : vector<1xi32>
    %reduce_sum3A_516 = vector.multi_reduction <add>, %reduce_sum3A_514, %reduce_sum3A_515 [1, 2] : vector<1x264x128xi32> to vector<1xi32>
    %reduce_sum3A_517 = vector.shape_cast %reduce_sum3A_516 : vector<1xi32> to vector<1x1x1xi32>
    %reduce_sum3A_518 = vector.extract %reduce_sum3A_517[0, 0, 0] : i32 from vector<1x1x1xi32>
    %ge3A_519 = arith.cmpi sge, %reduce_sum3A_518, %select_n3A_495 : i32
    %or3A_520 = arith.constant 262144 : i32
    %or3A_521 = arith.ori %select_n3A_493, %or3A_520 : i32
    %select_n3A_522 = arith.select %ge3A_519, %or3A_521, %select_n3A_493 : i32
    %sub3A_523 = arith.subi %select_n3A_495, %reduce_sum3A_518 : i32
    %select_n3A_524 = arith.select %ge3A_519, %select_n3A_495, %sub3A_523 : i32
    %and3A_525 = arith.constant -262144 : i32
    %and3A_526 = vector.broadcast %and3A_525 : i32 to vector<264x128xi32>
    %and3A_527 = arith.andi %select_n3A, %and3A_526 : vector<264x128xi32>
    %eq3A_528 = vector.broadcast %select_n3A_522 : i32 to vector<264x128xi32>
    %eq3A_529 = arith.cmpi eq, %and3A_527, %eq3A_528 : vector<264x128xi32>
    %and3A_530 = arith.andi %eq3A_529, %lt3A_4 : vector<264x128xi1>
    %and3A_531 = arith.constant 131072 : i32
    %and3A_532 = vector.broadcast %and3A_531 : i32 to vector<264x128xi32>
    %and3A_533 = arith.andi %select_n3A, %and3A_532 : vector<264x128xi32>
    %ne3A_534 = arith.constant 0 : i32
    %ne3A_535 = vector.broadcast %ne3A_534 : i32 to vector<264x128xi32>
    %ne3A_536 = arith.cmpi ne, %and3A_533, %ne3A_535 : vector<264x128xi32>
    %and3A_537 = arith.andi %and3A_530, %ne3A_536 : vector<264x128xi1>
    %jit3A_538 = arith.constant 1 : i32
    %jit3A_539 = arith.constant 0 : i32
    %broadcast_in_dim3A_540 = vector.broadcast %jit3A_538 : i32 to vector<264x128xi32>
    %broadcast_in_dim3A_541 = vector.broadcast %jit3A_539 : i32 to vector<264x128xi32>
    %select_n3A_542 = arith.select %and3A_537, %broadcast_in_dim3A_540, %broadcast_in_dim3A_541 : vector<264x128xi1>, vector<264x128xi32>
    %reduce_sum3A_543 = vector.shape_cast %select_n3A_542 : vector<264x128xi32> to vector<1x264x128xi32>
    %reduce_sum3A_544 = arith.constant dense<0> : vector<1xi32>
    %reduce_sum3A_545 = vector.multi_reduction <add>, %reduce_sum3A_543, %reduce_sum3A_544 [1, 2] : vector<1x264x128xi32> to vector<1xi32>
    %reduce_sum3A_546 = vector.shape_cast %reduce_sum3A_545 : vector<1xi32> to vector<1x1x1xi32>
    %reduce_sum3A_547 = vector.extract %reduce_sum3A_546[0, 0, 0] : i32 from vector<1x1x1xi32>
    %ge3A_548 = arith.cmpi sge, %reduce_sum3A_547, %select_n3A_524 : i32
    %or3A_549 = arith.constant 131072 : i32
    %or3A_550 = arith.ori %select_n3A_522, %or3A_549 : i32
    %select_n3A_551 = arith.select %ge3A_548, %or3A_550, %select_n3A_522 : i32
    %sub3A_552 = arith.subi %select_n3A_524, %reduce_sum3A_547 : i32
    %select_n3A_553 = arith.select %ge3A_548, %select_n3A_524, %sub3A_552 : i32
    %and3A_554 = arith.constant -131072 : i32
    %and3A_555 = vector.broadcast %and3A_554 : i32 to vector<264x128xi32>
    %and3A_556 = arith.andi %select_n3A, %and3A_555 : vector<264x128xi32>
    %eq3A_557 = vector.broadcast %select_n3A_551 : i32 to vector<264x128xi32>
    %eq3A_558 = arith.cmpi eq, %and3A_556, %eq3A_557 : vector<264x128xi32>
    %and3A_559 = arith.andi %eq3A_558, %lt3A_4 : vector<264x128xi1>
    %and3A_560 = arith.constant 65536 : i32
    %and3A_561 = vector.broadcast %and3A_560 : i32 to vector<264x128xi32>
    %and3A_562 = arith.andi %select_n3A, %and3A_561 : vector<264x128xi32>
    %ne3A_563 = arith.constant 0 : i32
    %ne3A_564 = vector.broadcast %ne3A_563 : i32 to vector<264x128xi32>
    %ne3A_565 = arith.cmpi ne, %and3A_562, %ne3A_564 : vector<264x128xi32>
    %and3A_566 = arith.andi %and3A_559, %ne3A_565 : vector<264x128xi1>
    %jit3A_567 = arith.constant 1 : i32
    %jit3A_568 = arith.constant 0 : i32
    %broadcast_in_dim3A_569 = vector.broadcast %jit3A_567 : i32 to vector<264x128xi32>
    %broadcast_in_dim3A_570 = vector.broadcast %jit3A_568 : i32 to vector<264x128xi32>
    %select_n3A_571 = arith.select %and3A_566, %broadcast_in_dim3A_569, %broadcast_in_dim3A_570 : vector<264x128xi1>, vector<264x128xi32>
    %reduce_sum3A_572 = vector.shape_cast %select_n3A_571 : vector<264x128xi32> to vector<1x264x128xi32>
    %reduce_sum3A_573 = arith.constant dense<0> : vector<1xi32>
    %reduce_sum3A_574 = vector.multi_reduction <add>, %reduce_sum3A_572, %reduce_sum3A_573 [1, 2] : vector<1x264x128xi32> to vector<1xi32>
    %reduce_sum3A_575 = vector.shape_cast %reduce_sum3A_574 : vector<1xi32> to vector<1x1x1xi32>
    %reduce_sum3A_576 = vector.extract %reduce_sum3A_575[0, 0, 0] : i32 from vector<1x1x1xi32>
    %ge3A_577 = arith.cmpi sge, %reduce_sum3A_576, %select_n3A_553 : i32
    %or3A_578 = arith.constant 65536 : i32
    %or3A_579 = arith.ori %select_n3A_551, %or3A_578 : i32
    %select_n3A_580 = arith.select %ge3A_577, %or3A_579, %select_n3A_551 : i32
    %sub3A_581 = arith.subi %select_n3A_553, %reduce_sum3A_576 : i32
    %select_n3A_582 = arith.select %ge3A_577, %select_n3A_553, %sub3A_581 : i32
    %and3A_583 = arith.constant -65536 : i32
    %and3A_584 = vector.broadcast %and3A_583 : i32 to vector<264x128xi32>
    %and3A_585 = arith.andi %select_n3A, %and3A_584 : vector<264x128xi32>
    %eq3A_586 = vector.broadcast %select_n3A_580 : i32 to vector<264x128xi32>
    %eq3A_587 = arith.cmpi eq, %and3A_585, %eq3A_586 : vector<264x128xi32>
    %and3A_588 = arith.andi %eq3A_587, %lt3A_4 : vector<264x128xi1>
    %and3A_589 = arith.constant 32768 : i32
    %and3A_590 = vector.broadcast %and3A_589 : i32 to vector<264x128xi32>
    %and3A_591 = arith.andi %select_n3A, %and3A_590 : vector<264x128xi32>
    %ne3A_592 = arith.constant 0 : i32
    %ne3A_593 = vector.broadcast %ne3A_592 : i32 to vector<264x128xi32>
    %ne3A_594 = arith.cmpi ne, %and3A_591, %ne3A_593 : vector<264x128xi32>
    %and3A_595 = arith.andi %and3A_588, %ne3A_594 : vector<264x128xi1>
    %jit3A_596 = arith.constant 1 : i32
    %jit3A_597 = arith.constant 0 : i32
    %broadcast_in_dim3A_598 = vector.broadcast %jit3A_596 : i32 to vector<264x128xi32>
    %broadcast_in_dim3A_599 = vector.broadcast %jit3A_597 : i32 to vector<264x128xi32>
    %select_n3A_600 = arith.select %and3A_595, %broadcast_in_dim3A_598, %broadcast_in_dim3A_599 : vector<264x128xi1>, vector<264x128xi32>
    %reduce_sum3A_601 = vector.shape_cast %select_n3A_600 : vector<264x128xi32> to vector<1x264x128xi32>
    %reduce_sum3A_602 = arith.constant dense<0> : vector<1xi32>
    %reduce_sum3A_603 = vector.multi_reduction <add>, %reduce_sum3A_601, %reduce_sum3A_602 [1, 2] : vector<1x264x128xi32> to vector<1xi32>
    %reduce_sum3A_604 = vector.shape_cast %reduce_sum3A_603 : vector<1xi32> to vector<1x1x1xi32>
    %reduce_sum3A_605 = vector.extract %reduce_sum3A_604[0, 0, 0] : i32 from vector<1x1x1xi32>
    %ge3A_606 = arith.cmpi sge, %reduce_sum3A_605, %select_n3A_582 : i32
    %or3A_607 = arith.constant 32768 : i32
    %or3A_608 = arith.ori %select_n3A_580, %or3A_607 : i32
    %select_n3A_609 = arith.select %ge3A_606, %or3A_608, %select_n3A_580 : i32
    %sub3A_610 = arith.subi %select_n3A_582, %reduce_sum3A_605 : i32
    %select_n3A_611 = arith.select %ge3A_606, %select_n3A_582, %sub3A_610 : i32
    %and3A_612 = arith.constant -32768 : i32
    %and3A_613 = vector.broadcast %and3A_612 : i32 to vector<264x128xi32>
    %and3A_614 = arith.andi %select_n3A, %and3A_613 : vector<264x128xi32>
    %eq3A_615 = vector.broadcast %select_n3A_609 : i32 to vector<264x128xi32>
    %eq3A_616 = arith.cmpi eq, %and3A_614, %eq3A_615 : vector<264x128xi32>
    %and3A_617 = arith.andi %eq3A_616, %lt3A_4 : vector<264x128xi1>
    %and3A_618 = arith.constant 16384 : i32
    %and3A_619 = vector.broadcast %and3A_618 : i32 to vector<264x128xi32>
    %and3A_620 = arith.andi %select_n3A, %and3A_619 : vector<264x128xi32>
    %ne3A_621 = arith.constant 0 : i32
    %ne3A_622 = vector.broadcast %ne3A_621 : i32 to vector<264x128xi32>
    %ne3A_623 = arith.cmpi ne, %and3A_620, %ne3A_622 : vector<264x128xi32>
    %and3A_624 = arith.andi %and3A_617, %ne3A_623 : vector<264x128xi1>
    %jit3A_625 = arith.constant 1 : i32
    %jit3A_626 = arith.constant 0 : i32
    %broadcast_in_dim3A_627 = vector.broadcast %jit3A_625 : i32 to vector<264x128xi32>
    %broadcast_in_dim3A_628 = vector.broadcast %jit3A_626 : i32 to vector<264x128xi32>
    %select_n3A_629 = arith.select %and3A_624, %broadcast_in_dim3A_627, %broadcast_in_dim3A_628 : vector<264x128xi1>, vector<264x128xi32>
    %reduce_sum3A_630 = vector.shape_cast %select_n3A_629 : vector<264x128xi32> to vector<1x264x128xi32>
    %reduce_sum3A_631 = arith.constant dense<0> : vector<1xi32>
    %reduce_sum3A_632 = vector.multi_reduction <add>, %reduce_sum3A_630, %reduce_sum3A_631 [1, 2] : vector<1x264x128xi32> to vector<1xi32>
    %reduce_sum3A_633 = vector.shape_cast %reduce_sum3A_632 : vector<1xi32> to vector<1x1x1xi32>
    %reduce_sum3A_634 = vector.extract %reduce_sum3A_633[0, 0, 0] : i32 from vector<1x1x1xi32>
    %ge3A_635 = arith.cmpi sge, %reduce_sum3A_634, %select_n3A_611 : i32
    %or3A_636 = arith.constant 16384 : i32
    %or3A_637 = arith.ori %select_n3A_609, %or3A_636 : i32
    %select_n3A_638 = arith.select %ge3A_635, %or3A_637, %select_n3A_609 : i32
    %sub3A_639 = arith.subi %select_n3A_611, %reduce_sum3A_634 : i32
    %select_n3A_640 = arith.select %ge3A_635, %select_n3A_611, %sub3A_639 : i32
    %and3A_641 = arith.constant -16384 : i32
    %and3A_642 = vector.broadcast %and3A_641 : i32 to vector<264x128xi32>
    %and3A_643 = arith.andi %select_n3A, %and3A_642 : vector<264x128xi32>
    %eq3A_644 = vector.broadcast %select_n3A_638 : i32 to vector<264x128xi32>
    %eq3A_645 = arith.cmpi eq, %and3A_643, %eq3A_644 : vector<264x128xi32>
    %and3A_646 = arith.andi %eq3A_645, %lt3A_4 : vector<264x128xi1>
    %and3A_647 = arith.constant 8192 : i32
    %and3A_648 = vector.broadcast %and3A_647 : i32 to vector<264x128xi32>
    %and3A_649 = arith.andi %select_n3A, %and3A_648 : vector<264x128xi32>
    %ne3A_650 = arith.constant 0 : i32
    %ne3A_651 = vector.broadcast %ne3A_650 : i32 to vector<264x128xi32>
    %ne3A_652 = arith.cmpi ne, %and3A_649, %ne3A_651 : vector<264x128xi32>
    %and3A_653 = arith.andi %and3A_646, %ne3A_652 : vector<264x128xi1>
    %jit3A_654 = arith.constant 1 : i32
    %jit3A_655 = arith.constant 0 : i32
    %broadcast_in_dim3A_656 = vector.broadcast %jit3A_654 : i32 to vector<264x128xi32>
    %broadcast_in_dim3A_657 = vector.broadcast %jit3A_655 : i32 to vector<264x128xi32>
    %select_n3A_658 = arith.select %and3A_653, %broadcast_in_dim3A_656, %broadcast_in_dim3A_657 : vector<264x128xi1>, vector<264x128xi32>
    %reduce_sum3A_659 = vector.shape_cast %select_n3A_658 : vector<264x128xi32> to vector<1x264x128xi32>
    %reduce_sum3A_660 = arith.constant dense<0> : vector<1xi32>
    %reduce_sum3A_661 = vector.multi_reduction <add>, %reduce_sum3A_659, %reduce_sum3A_660 [1, 2] : vector<1x264x128xi32> to vector<1xi32>
    %reduce_sum3A_662 = vector.shape_cast %reduce_sum3A_661 : vector<1xi32> to vector<1x1x1xi32>
    %reduce_sum3A_663 = vector.extract %reduce_sum3A_662[0, 0, 0] : i32 from vector<1x1x1xi32>
    %ge3A_664 = arith.cmpi sge, %reduce_sum3A_663, %select_n3A_640 : i32
    %or3A_665 = arith.constant 8192 : i32
    %or3A_666 = arith.ori %select_n3A_638, %or3A_665 : i32
    %select_n3A_667 = arith.select %ge3A_664, %or3A_666, %select_n3A_638 : i32
    %sub3A_668 = arith.subi %select_n3A_640, %reduce_sum3A_663 : i32
    %select_n3A_669 = arith.select %ge3A_664, %select_n3A_640, %sub3A_668 : i32
    %and3A_670 = arith.constant -8192 : i32
    %and3A_671 = vector.broadcast %and3A_670 : i32 to vector<264x128xi32>
    %and3A_672 = arith.andi %select_n3A, %and3A_671 : vector<264x128xi32>
    %eq3A_673 = vector.broadcast %select_n3A_667 : i32 to vector<264x128xi32>
    %eq3A_674 = arith.cmpi eq, %and3A_672, %eq3A_673 : vector<264x128xi32>
    %and3A_675 = arith.andi %eq3A_674, %lt3A_4 : vector<264x128xi1>
    %and3A_676 = arith.constant 4096 : i32
    %and3A_677 = vector.broadcast %and3A_676 : i32 to vector<264x128xi32>
    %and3A_678 = arith.andi %select_n3A, %and3A_677 : vector<264x128xi32>
    %ne3A_679 = arith.constant 0 : i32
    %ne3A_680 = vector.broadcast %ne3A_679 : i32 to vector<264x128xi32>
    %ne3A_681 = arith.cmpi ne, %and3A_678, %ne3A_680 : vector<264x128xi32>
    %and3A_682 = arith.andi %and3A_675, %ne3A_681 : vector<264x128xi1>
    %jit3A_683 = arith.constant 1 : i32
    %jit3A_684 = arith.constant 0 : i32
    %broadcast_in_dim3A_685 = vector.broadcast %jit3A_683 : i32 to vector<264x128xi32>
    %broadcast_in_dim3A_686 = vector.broadcast %jit3A_684 : i32 to vector<264x128xi32>
    %select_n3A_687 = arith.select %and3A_682, %broadcast_in_dim3A_685, %broadcast_in_dim3A_686 : vector<264x128xi1>, vector<264x128xi32>
    %reduce_sum3A_688 = vector.shape_cast %select_n3A_687 : vector<264x128xi32> to vector<1x264x128xi32>
    %reduce_sum3A_689 = arith.constant dense<0> : vector<1xi32>
    %reduce_sum3A_690 = vector.multi_reduction <add>, %reduce_sum3A_688, %reduce_sum3A_689 [1, 2] : vector<1x264x128xi32> to vector<1xi32>
    %reduce_sum3A_691 = vector.shape_cast %reduce_sum3A_690 : vector<1xi32> to vector<1x1x1xi32>
    %reduce_sum3A_692 = vector.extract %reduce_sum3A_691[0, 0, 0] : i32 from vector<1x1x1xi32>
    %ge3A_693 = arith.cmpi sge, %reduce_sum3A_692, %select_n3A_669 : i32
    %or3A_694 = arith.constant 4096 : i32
    %or3A_695 = arith.ori %select_n3A_667, %or3A_694 : i32
    %select_n3A_696 = arith.select %ge3A_693, %or3A_695, %select_n3A_667 : i32
    %sub3A_697 = arith.subi %select_n3A_669, %reduce_sum3A_692 : i32
    %select_n3A_698 = arith.select %ge3A_693, %select_n3A_669, %sub3A_697 : i32
    %and3A_699 = arith.constant -4096 : i32
    %and3A_700 = vector.broadcast %and3A_699 : i32 to vector<264x128xi32>
    %and3A_701 = arith.andi %select_n3A, %and3A_700 : vector<264x128xi32>
    %eq3A_702 = vector.broadcast %select_n3A_696 : i32 to vector<264x128xi32>
    %eq3A_703 = arith.cmpi eq, %and3A_701, %eq3A_702 : vector<264x128xi32>
    %and3A_704 = arith.andi %eq3A_703, %lt3A_4 : vector<264x128xi1>
    %and3A_705 = arith.constant 2048 : i32
    %and3A_706 = vector.broadcast %and3A_705 : i32 to vector<264x128xi32>
    %and3A_707 = arith.andi %select_n3A, %and3A_706 : vector<264x128xi32>
    %ne3A_708 = arith.constant 0 : i32
    %ne3A_709 = vector.broadcast %ne3A_708 : i32 to vector<264x128xi32>
    %ne3A_710 = arith.cmpi ne, %and3A_707, %ne3A_709 : vector<264x128xi32>
    %and3A_711 = arith.andi %and3A_704, %ne3A_710 : vector<264x128xi1>
    %jit3A_712 = arith.constant 1 : i32
    %jit3A_713 = arith.constant 0 : i32
    %broadcast_in_dim3A_714 = vector.broadcast %jit3A_712 : i32 to vector<264x128xi32>
    %broadcast_in_dim3A_715 = vector.broadcast %jit3A_713 : i32 to vector<264x128xi32>
    %select_n3A_716 = arith.select %and3A_711, %broadcast_in_dim3A_714, %broadcast_in_dim3A_715 : vector<264x128xi1>, vector<264x128xi32>
    %reduce_sum3A_717 = vector.shape_cast %select_n3A_716 : vector<264x128xi32> to vector<1x264x128xi32>
    %reduce_sum3A_718 = arith.constant dense<0> : vector<1xi32>
    %reduce_sum3A_719 = vector.multi_reduction <add>, %reduce_sum3A_717, %reduce_sum3A_718 [1, 2] : vector<1x264x128xi32> to vector<1xi32>
    %reduce_sum3A_720 = vector.shape_cast %reduce_sum3A_719 : vector<1xi32> to vector<1x1x1xi32>
    %reduce_sum3A_721 = vector.extract %reduce_sum3A_720[0, 0, 0] : i32 from vector<1x1x1xi32>
    %ge3A_722 = arith.cmpi sge, %reduce_sum3A_721, %select_n3A_698 : i32
    %or3A_723 = arith.constant 2048 : i32
    %or3A_724 = arith.ori %select_n3A_696, %or3A_723 : i32
    %select_n3A_725 = arith.select %ge3A_722, %or3A_724, %select_n3A_696 : i32
    %sub3A_726 = arith.subi %select_n3A_698, %reduce_sum3A_721 : i32
    %select_n3A_727 = arith.select %ge3A_722, %select_n3A_698, %sub3A_726 : i32
    %and3A_728 = arith.constant -2048 : i32
    %and3A_729 = vector.broadcast %and3A_728 : i32 to vector<264x128xi32>
    %and3A_730 = arith.andi %select_n3A, %and3A_729 : vector<264x128xi32>
    %eq3A_731 = vector.broadcast %select_n3A_725 : i32 to vector<264x128xi32>
    %eq3A_732 = arith.cmpi eq, %and3A_730, %eq3A_731 : vector<264x128xi32>
    %and3A_733 = arith.andi %eq3A_732, %lt3A_4 : vector<264x128xi1>
    %and3A_734 = arith.constant 1024 : i32
    %and3A_735 = vector.broadcast %and3A_734 : i32 to vector<264x128xi32>
    %and3A_736 = arith.andi %select_n3A, %and3A_735 : vector<264x128xi32>
    %ne3A_737 = arith.constant 0 : i32
    %ne3A_738 = vector.broadcast %ne3A_737 : i32 to vector<264x128xi32>
    %ne3A_739 = arith.cmpi ne, %and3A_736, %ne3A_738 : vector<264x128xi32>
    %and3A_740 = arith.andi %and3A_733, %ne3A_739 : vector<264x128xi1>
    %jit3A_741 = arith.constant 1 : i32
    %jit3A_742 = arith.constant 0 : i32
    %broadcast_in_dim3A_743 = vector.broadcast %jit3A_741 : i32 to vector<264x128xi32>
    %broadcast_in_dim3A_744 = vector.broadcast %jit3A_742 : i32 to vector<264x128xi32>
    %select_n3A_745 = arith.select %and3A_740, %broadcast_in_dim3A_743, %broadcast_in_dim3A_744 : vector<264x128xi1>, vector<264x128xi32>
    %reduce_sum3A_746 = vector.shape_cast %select_n3A_745 : vector<264x128xi32> to vector<1x264x128xi32>
    %reduce_sum3A_747 = arith.constant dense<0> : vector<1xi32>
    %reduce_sum3A_748 = vector.multi_reduction <add>, %reduce_sum3A_746, %reduce_sum3A_747 [1, 2] : vector<1x264x128xi32> to vector<1xi32>
    %reduce_sum3A_749 = vector.shape_cast %reduce_sum3A_748 : vector<1xi32> to vector<1x1x1xi32>
    %reduce_sum3A_750 = vector.extract %reduce_sum3A_749[0, 0, 0] : i32 from vector<1x1x1xi32>
    %ge3A_751 = arith.cmpi sge, %reduce_sum3A_750, %select_n3A_727 : i32
    %or3A_752 = arith.constant 1024 : i32
    %or3A_753 = arith.ori %select_n3A_725, %or3A_752 : i32
    %select_n3A_754 = arith.select %ge3A_751, %or3A_753, %select_n3A_725 : i32
    %sub3A_755 = arith.subi %select_n3A_727, %reduce_sum3A_750 : i32
    %select_n3A_756 = arith.select %ge3A_751, %select_n3A_727, %sub3A_755 : i32
    %and3A_757 = arith.constant -1024 : i32
    %and3A_758 = vector.broadcast %and3A_757 : i32 to vector<264x128xi32>
    %and3A_759 = arith.andi %select_n3A, %and3A_758 : vector<264x128xi32>
    %eq3A_760 = vector.broadcast %select_n3A_754 : i32 to vector<264x128xi32>
    %eq3A_761 = arith.cmpi eq, %and3A_759, %eq3A_760 : vector<264x128xi32>
    %and3A_762 = arith.andi %eq3A_761, %lt3A_4 : vector<264x128xi1>
    %and3A_763 = arith.constant 512 : i32
    %and3A_764 = vector.broadcast %and3A_763 : i32 to vector<264x128xi32>
    %and3A_765 = arith.andi %select_n3A, %and3A_764 : vector<264x128xi32>
    %ne3A_766 = arith.constant 0 : i32
    %ne3A_767 = vector.broadcast %ne3A_766 : i32 to vector<264x128xi32>
    %ne3A_768 = arith.cmpi ne, %and3A_765, %ne3A_767 : vector<264x128xi32>
    %and3A_769 = arith.andi %and3A_762, %ne3A_768 : vector<264x128xi1>
    %jit3A_770 = arith.constant 1 : i32
    %jit3A_771 = arith.constant 0 : i32
    %broadcast_in_dim3A_772 = vector.broadcast %jit3A_770 : i32 to vector<264x128xi32>
    %broadcast_in_dim3A_773 = vector.broadcast %jit3A_771 : i32 to vector<264x128xi32>
    %select_n3A_774 = arith.select %and3A_769, %broadcast_in_dim3A_772, %broadcast_in_dim3A_773 : vector<264x128xi1>, vector<264x128xi32>
    %reduce_sum3A_775 = vector.shape_cast %select_n3A_774 : vector<264x128xi32> to vector<1x264x128xi32>
    %reduce_sum3A_776 = arith.constant dense<0> : vector<1xi32>
    %reduce_sum3A_777 = vector.multi_reduction <add>, %reduce_sum3A_775, %reduce_sum3A_776 [1, 2] : vector<1x264x128xi32> to vector<1xi32>
    %reduce_sum3A_778 = vector.shape_cast %reduce_sum3A_777 : vector<1xi32> to vector<1x1x1xi32>
    %reduce_sum3A_779 = vector.extract %reduce_sum3A_778[0, 0, 0] : i32 from vector<1x1x1xi32>
    %ge3A_780 = arith.cmpi sge, %reduce_sum3A_779, %select_n3A_756 : i32
    %or3A_781 = arith.constant 512 : i32
    %or3A_782 = arith.ori %select_n3A_754, %or3A_781 : i32
    %select_n3A_783 = arith.select %ge3A_780, %or3A_782, %select_n3A_754 : i32
    %sub3A_784 = arith.subi %select_n3A_756, %reduce_sum3A_779 : i32
    %select_n3A_785 = arith.select %ge3A_780, %select_n3A_756, %sub3A_784 : i32
    %and3A_786 = arith.constant -512 : i32
    %and3A_787 = vector.broadcast %and3A_786 : i32 to vector<264x128xi32>
    %and3A_788 = arith.andi %select_n3A, %and3A_787 : vector<264x128xi32>
    %eq3A_789 = vector.broadcast %select_n3A_783 : i32 to vector<264x128xi32>
    %eq3A_790 = arith.cmpi eq, %and3A_788, %eq3A_789 : vector<264x128xi32>
    %and3A_791 = arith.andi %eq3A_790, %lt3A_4 : vector<264x128xi1>
    %and3A_792 = arith.constant 256 : i32
    %and3A_793 = vector.broadcast %and3A_792 : i32 to vector<264x128xi32>
    %and3A_794 = arith.andi %select_n3A, %and3A_793 : vector<264x128xi32>
    %ne3A_795 = arith.constant 0 : i32
    %ne3A_796 = vector.broadcast %ne3A_795 : i32 to vector<264x128xi32>
    %ne3A_797 = arith.cmpi ne, %and3A_794, %ne3A_796 : vector<264x128xi32>
    %and3A_798 = arith.andi %and3A_791, %ne3A_797 : vector<264x128xi1>
    %jit3A_799 = arith.constant 1 : i32
    %jit3A_800 = arith.constant 0 : i32
    %broadcast_in_dim3A_801 = vector.broadcast %jit3A_799 : i32 to vector<264x128xi32>
    %broadcast_in_dim3A_802 = vector.broadcast %jit3A_800 : i32 to vector<264x128xi32>
    %select_n3A_803 = arith.select %and3A_798, %broadcast_in_dim3A_801, %broadcast_in_dim3A_802 : vector<264x128xi1>, vector<264x128xi32>
    %reduce_sum3A_804 = vector.shape_cast %select_n3A_803 : vector<264x128xi32> to vector<1x264x128xi32>
    %reduce_sum3A_805 = arith.constant dense<0> : vector<1xi32>
    %reduce_sum3A_806 = vector.multi_reduction <add>, %reduce_sum3A_804, %reduce_sum3A_805 [1, 2] : vector<1x264x128xi32> to vector<1xi32>
    %reduce_sum3A_807 = vector.shape_cast %reduce_sum3A_806 : vector<1xi32> to vector<1x1x1xi32>
    %reduce_sum3A_808 = vector.extract %reduce_sum3A_807[0, 0, 0] : i32 from vector<1x1x1xi32>
    %ge3A_809 = arith.cmpi sge, %reduce_sum3A_808, %select_n3A_785 : i32
    %or3A_810 = arith.constant 256 : i32
    %or3A_811 = arith.ori %select_n3A_783, %or3A_810 : i32
    %select_n3A_812 = arith.select %ge3A_809, %or3A_811, %select_n3A_783 : i32
    %sub3A_813 = arith.subi %select_n3A_785, %reduce_sum3A_808 : i32
    %select_n3A_814 = arith.select %ge3A_809, %select_n3A_785, %sub3A_813 : i32
    %and3A_815 = arith.constant -256 : i32
    %and3A_816 = vector.broadcast %and3A_815 : i32 to vector<264x128xi32>
    %and3A_817 = arith.andi %select_n3A, %and3A_816 : vector<264x128xi32>
    %eq3A_818 = vector.broadcast %select_n3A_812 : i32 to vector<264x128xi32>
    %eq3A_819 = arith.cmpi eq, %and3A_817, %eq3A_818 : vector<264x128xi32>
    %and3A_820 = arith.andi %eq3A_819, %lt3A_4 : vector<264x128xi1>
    %and3A_821 = arith.constant 128 : i32
    %and3A_822 = vector.broadcast %and3A_821 : i32 to vector<264x128xi32>
    %and3A_823 = arith.andi %select_n3A, %and3A_822 : vector<264x128xi32>
    %ne3A_824 = arith.constant 0 : i32
    %ne3A_825 = vector.broadcast %ne3A_824 : i32 to vector<264x128xi32>
    %ne3A_826 = arith.cmpi ne, %and3A_823, %ne3A_825 : vector<264x128xi32>
    %and3A_827 = arith.andi %and3A_820, %ne3A_826 : vector<264x128xi1>
    %jit3A_828 = arith.constant 1 : i32
    %jit3A_829 = arith.constant 0 : i32
    %broadcast_in_dim3A_830 = vector.broadcast %jit3A_828 : i32 to vector<264x128xi32>
    %broadcast_in_dim3A_831 = vector.broadcast %jit3A_829 : i32 to vector<264x128xi32>
    %select_n3A_832 = arith.select %and3A_827, %broadcast_in_dim3A_830, %broadcast_in_dim3A_831 : vector<264x128xi1>, vector<264x128xi32>
    %reduce_sum3A_833 = vector.shape_cast %select_n3A_832 : vector<264x128xi32> to vector<1x264x128xi32>
    %reduce_sum3A_834 = arith.constant dense<0> : vector<1xi32>
    %reduce_sum3A_835 = vector.multi_reduction <add>, %reduce_sum3A_833, %reduce_sum3A_834 [1, 2] : vector<1x264x128xi32> to vector<1xi32>
    %reduce_sum3A_836 = vector.shape_cast %reduce_sum3A_835 : vector<1xi32> to vector<1x1x1xi32>
    %reduce_sum3A_837 = vector.extract %reduce_sum3A_836[0, 0, 0] : i32 from vector<1x1x1xi32>
    %ge3A_838 = arith.cmpi sge, %reduce_sum3A_837, %select_n3A_814 : i32
    %or3A_839 = arith.constant 128 : i32
    %or3A_840 = arith.ori %select_n3A_812, %or3A_839 : i32
    %select_n3A_841 = arith.select %ge3A_838, %or3A_840, %select_n3A_812 : i32
    %sub3A_842 = arith.subi %select_n3A_814, %reduce_sum3A_837 : i32
    %select_n3A_843 = arith.select %ge3A_838, %select_n3A_814, %sub3A_842 : i32
    %and3A_844 = arith.constant -128 : i32
    %and3A_845 = vector.broadcast %and3A_844 : i32 to vector<264x128xi32>
    %and3A_846 = arith.andi %select_n3A, %and3A_845 : vector<264x128xi32>
    %eq3A_847 = vector.broadcast %select_n3A_841 : i32 to vector<264x128xi32>
    %eq3A_848 = arith.cmpi eq, %and3A_846, %eq3A_847 : vector<264x128xi32>
    %and3A_849 = arith.andi %eq3A_848, %lt3A_4 : vector<264x128xi1>
    %and3A_850 = arith.constant 64 : i32
    %and3A_851 = vector.broadcast %and3A_850 : i32 to vector<264x128xi32>
    %and3A_852 = arith.andi %select_n3A, %and3A_851 : vector<264x128xi32>
    %ne3A_853 = arith.constant 0 : i32
    %ne3A_854 = vector.broadcast %ne3A_853 : i32 to vector<264x128xi32>
    %ne3A_855 = arith.cmpi ne, %and3A_852, %ne3A_854 : vector<264x128xi32>
    %and3A_856 = arith.andi %and3A_849, %ne3A_855 : vector<264x128xi1>
    %jit3A_857 = arith.constant 1 : i32
    %jit3A_858 = arith.constant 0 : i32
    %broadcast_in_dim3A_859 = vector.broadcast %jit3A_857 : i32 to vector<264x128xi32>
    %broadcast_in_dim3A_860 = vector.broadcast %jit3A_858 : i32 to vector<264x128xi32>
    %select_n3A_861 = arith.select %and3A_856, %broadcast_in_dim3A_859, %broadcast_in_dim3A_860 : vector<264x128xi1>, vector<264x128xi32>
    %reduce_sum3A_862 = vector.shape_cast %select_n3A_861 : vector<264x128xi32> to vector<1x264x128xi32>
    %reduce_sum3A_863 = arith.constant dense<0> : vector<1xi32>
    %reduce_sum3A_864 = vector.multi_reduction <add>, %reduce_sum3A_862, %reduce_sum3A_863 [1, 2] : vector<1x264x128xi32> to vector<1xi32>
    %reduce_sum3A_865 = vector.shape_cast %reduce_sum3A_864 : vector<1xi32> to vector<1x1x1xi32>
    %reduce_sum3A_866 = vector.extract %reduce_sum3A_865[0, 0, 0] : i32 from vector<1x1x1xi32>
    %ge3A_867 = arith.cmpi sge, %reduce_sum3A_866, %select_n3A_843 : i32
    %or3A_868 = arith.constant 64 : i32
    %or3A_869 = arith.ori %select_n3A_841, %or3A_868 : i32
    %select_n3A_870 = arith.select %ge3A_867, %or3A_869, %select_n3A_841 : i32
    %sub3A_871 = arith.subi %select_n3A_843, %reduce_sum3A_866 : i32
    %select_n3A_872 = arith.select %ge3A_867, %select_n3A_843, %sub3A_871 : i32
    %and3A_873 = arith.constant -64 : i32
    %and3A_874 = vector.broadcast %and3A_873 : i32 to vector<264x128xi32>
    %and3A_875 = arith.andi %select_n3A, %and3A_874 : vector<264x128xi32>
    %eq3A_876 = vector.broadcast %select_n3A_870 : i32 to vector<264x128xi32>
    %eq3A_877 = arith.cmpi eq, %and3A_875, %eq3A_876 : vector<264x128xi32>
    %and3A_878 = arith.andi %eq3A_877, %lt3A_4 : vector<264x128xi1>
    %and3A_879 = arith.constant 32 : i32
    %and3A_880 = vector.broadcast %and3A_879 : i32 to vector<264x128xi32>
    %and3A_881 = arith.andi %select_n3A, %and3A_880 : vector<264x128xi32>
    %ne3A_882 = arith.constant 0 : i32
    %ne3A_883 = vector.broadcast %ne3A_882 : i32 to vector<264x128xi32>
    %ne3A_884 = arith.cmpi ne, %and3A_881, %ne3A_883 : vector<264x128xi32>
    %and3A_885 = arith.andi %and3A_878, %ne3A_884 : vector<264x128xi1>
    %jit3A_886 = arith.constant 1 : i32
    %jit3A_887 = arith.constant 0 : i32
    %broadcast_in_dim3A_888 = vector.broadcast %jit3A_886 : i32 to vector<264x128xi32>
    %broadcast_in_dim3A_889 = vector.broadcast %jit3A_887 : i32 to vector<264x128xi32>
    %select_n3A_890 = arith.select %and3A_885, %broadcast_in_dim3A_888, %broadcast_in_dim3A_889 : vector<264x128xi1>, vector<264x128xi32>
    %reduce_sum3A_891 = vector.shape_cast %select_n3A_890 : vector<264x128xi32> to vector<1x264x128xi32>
    %reduce_sum3A_892 = arith.constant dense<0> : vector<1xi32>
    %reduce_sum3A_893 = vector.multi_reduction <add>, %reduce_sum3A_891, %reduce_sum3A_892 [1, 2] : vector<1x264x128xi32> to vector<1xi32>
    %reduce_sum3A_894 = vector.shape_cast %reduce_sum3A_893 : vector<1xi32> to vector<1x1x1xi32>
    %reduce_sum3A_895 = vector.extract %reduce_sum3A_894[0, 0, 0] : i32 from vector<1x1x1xi32>
    %ge3A_896 = arith.cmpi sge, %reduce_sum3A_895, %select_n3A_872 : i32
    %or3A_897 = arith.constant 32 : i32
    %or3A_898 = arith.ori %select_n3A_870, %or3A_897 : i32
    %select_n3A_899 = arith.select %ge3A_896, %or3A_898, %select_n3A_870 : i32
    %sub3A_900 = arith.subi %select_n3A_872, %reduce_sum3A_895 : i32
    %select_n3A_901 = arith.select %ge3A_896, %select_n3A_872, %sub3A_900 : i32
    %and3A_902 = arith.constant -32 : i32
    %and3A_903 = vector.broadcast %and3A_902 : i32 to vector<264x128xi32>
    %and3A_904 = arith.andi %select_n3A, %and3A_903 : vector<264x128xi32>
    %eq3A_905 = vector.broadcast %select_n3A_899 : i32 to vector<264x128xi32>
    %eq3A_906 = arith.cmpi eq, %and3A_904, %eq3A_905 : vector<264x128xi32>
    %and3A_907 = arith.andi %eq3A_906, %lt3A_4 : vector<264x128xi1>
    %and3A_908 = arith.constant 16 : i32
    %and3A_909 = vector.broadcast %and3A_908 : i32 to vector<264x128xi32>
    %and3A_910 = arith.andi %select_n3A, %and3A_909 : vector<264x128xi32>
    %ne3A_911 = arith.constant 0 : i32
    %ne3A_912 = vector.broadcast %ne3A_911 : i32 to vector<264x128xi32>
    %ne3A_913 = arith.cmpi ne, %and3A_910, %ne3A_912 : vector<264x128xi32>
    %and3A_914 = arith.andi %and3A_907, %ne3A_913 : vector<264x128xi1>
    %jit3A_915 = arith.constant 1 : i32
    %jit3A_916 = arith.constant 0 : i32
    %broadcast_in_dim3A_917 = vector.broadcast %jit3A_915 : i32 to vector<264x128xi32>
    %broadcast_in_dim3A_918 = vector.broadcast %jit3A_916 : i32 to vector<264x128xi32>
    %select_n3A_919 = arith.select %and3A_914, %broadcast_in_dim3A_917, %broadcast_in_dim3A_918 : vector<264x128xi1>, vector<264x128xi32>
    %reduce_sum3A_920 = vector.shape_cast %select_n3A_919 : vector<264x128xi32> to vector<1x264x128xi32>
    %reduce_sum3A_921 = arith.constant dense<0> : vector<1xi32>
    %reduce_sum3A_922 = vector.multi_reduction <add>, %reduce_sum3A_920, %reduce_sum3A_921 [1, 2] : vector<1x264x128xi32> to vector<1xi32>
    %reduce_sum3A_923 = vector.shape_cast %reduce_sum3A_922 : vector<1xi32> to vector<1x1x1xi32>
    %reduce_sum3A_924 = vector.extract %reduce_sum3A_923[0, 0, 0] : i32 from vector<1x1x1xi32>
    %ge3A_925 = arith.cmpi sge, %reduce_sum3A_924, %select_n3A_901 : i32
    %or3A_926 = arith.constant 16 : i32
    %or3A_927 = arith.ori %select_n3A_899, %or3A_926 : i32
    %select_n3A_928 = arith.select %ge3A_925, %or3A_927, %select_n3A_899 : i32
    %sub3A_929 = arith.subi %select_n3A_901, %reduce_sum3A_924 : i32
    %select_n3A_930 = arith.select %ge3A_925, %select_n3A_901, %sub3A_929 : i32
    %and3A_931 = arith.constant -16 : i32
    %and3A_932 = vector.broadcast %and3A_931 : i32 to vector<264x128xi32>
    %and3A_933 = arith.andi %select_n3A, %and3A_932 : vector<264x128xi32>
    %eq3A_934 = vector.broadcast %select_n3A_928 : i32 to vector<264x128xi32>
    %eq3A_935 = arith.cmpi eq, %and3A_933, %eq3A_934 : vector<264x128xi32>
    %and3A_936 = arith.andi %eq3A_935, %lt3A_4 : vector<264x128xi1>
    %and3A_937 = arith.constant 8 : i32
    %and3A_938 = vector.broadcast %and3A_937 : i32 to vector<264x128xi32>
    %and3A_939 = arith.andi %select_n3A, %and3A_938 : vector<264x128xi32>
    %ne3A_940 = arith.constant 0 : i32
    %ne3A_941 = vector.broadcast %ne3A_940 : i32 to vector<264x128xi32>
    %ne3A_942 = arith.cmpi ne, %and3A_939, %ne3A_941 : vector<264x128xi32>
    %and3A_943 = arith.andi %and3A_936, %ne3A_942 : vector<264x128xi1>
    %jit3A_944 = arith.constant 1 : i32
    %jit3A_945 = arith.constant 0 : i32
    %broadcast_in_dim3A_946 = vector.broadcast %jit3A_944 : i32 to vector<264x128xi32>
    %broadcast_in_dim3A_947 = vector.broadcast %jit3A_945 : i32 to vector<264x128xi32>
    %select_n3A_948 = arith.select %and3A_943, %broadcast_in_dim3A_946, %broadcast_in_dim3A_947 : vector<264x128xi1>, vector<264x128xi32>
    %reduce_sum3A_949 = vector.shape_cast %select_n3A_948 : vector<264x128xi32> to vector<1x264x128xi32>
    %reduce_sum3A_950 = arith.constant dense<0> : vector<1xi32>
    %reduce_sum3A_951 = vector.multi_reduction <add>, %reduce_sum3A_949, %reduce_sum3A_950 [1, 2] : vector<1x264x128xi32> to vector<1xi32>
    %reduce_sum3A_952 = vector.shape_cast %reduce_sum3A_951 : vector<1xi32> to vector<1x1x1xi32>
    %reduce_sum3A_953 = vector.extract %reduce_sum3A_952[0, 0, 0] : i32 from vector<1x1x1xi32>
    %ge3A_954 = arith.cmpi sge, %reduce_sum3A_953, %select_n3A_930 : i32
    %or3A_955 = arith.constant 8 : i32
    %or3A_956 = arith.ori %select_n3A_928, %or3A_955 : i32
    %select_n3A_957 = arith.select %ge3A_954, %or3A_956, %select_n3A_928 : i32
    %sub3A_958 = arith.subi %select_n3A_930, %reduce_sum3A_953 : i32
    %select_n3A_959 = arith.select %ge3A_954, %select_n3A_930, %sub3A_958 : i32
    %and3A_960 = arith.constant -8 : i32
    %and3A_961 = vector.broadcast %and3A_960 : i32 to vector<264x128xi32>
    %and3A_962 = arith.andi %select_n3A, %and3A_961 : vector<264x128xi32>
    %eq3A_963 = vector.broadcast %select_n3A_957 : i32 to vector<264x128xi32>
    %eq3A_964 = arith.cmpi eq, %and3A_962, %eq3A_963 : vector<264x128xi32>
    %and3A_965 = arith.andi %eq3A_964, %lt3A_4 : vector<264x128xi1>
    %and3A_966 = arith.constant 4 : i32
    %and3A_967 = vector.broadcast %and3A_966 : i32 to vector<264x128xi32>
    %and3A_968 = arith.andi %select_n3A, %and3A_967 : vector<264x128xi32>
    %ne3A_969 = arith.constant 0 : i32
    %ne3A_970 = vector.broadcast %ne3A_969 : i32 to vector<264x128xi32>
    %ne3A_971 = arith.cmpi ne, %and3A_968, %ne3A_970 : vector<264x128xi32>
    %and3A_972 = arith.andi %and3A_965, %ne3A_971 : vector<264x128xi1>
    %jit3A_973 = arith.constant 1 : i32
    %jit3A_974 = arith.constant 0 : i32
    %broadcast_in_dim3A_975 = vector.broadcast %jit3A_973 : i32 to vector<264x128xi32>
    %broadcast_in_dim3A_976 = vector.broadcast %jit3A_974 : i32 to vector<264x128xi32>
    %select_n3A_977 = arith.select %and3A_972, %broadcast_in_dim3A_975, %broadcast_in_dim3A_976 : vector<264x128xi1>, vector<264x128xi32>
    %reduce_sum3A_978 = vector.shape_cast %select_n3A_977 : vector<264x128xi32> to vector<1x264x128xi32>
    %reduce_sum3A_979 = arith.constant dense<0> : vector<1xi32>
    %reduce_sum3A_980 = vector.multi_reduction <add>, %reduce_sum3A_978, %reduce_sum3A_979 [1, 2] : vector<1x264x128xi32> to vector<1xi32>
    %reduce_sum3A_981 = vector.shape_cast %reduce_sum3A_980 : vector<1xi32> to vector<1x1x1xi32>
    %reduce_sum3A_982 = vector.extract %reduce_sum3A_981[0, 0, 0] : i32 from vector<1x1x1xi32>
    %ge3A_983 = arith.cmpi sge, %reduce_sum3A_982, %select_n3A_959 : i32
    %or3A_984 = arith.constant 4 : i32
    %or3A_985 = arith.ori %select_n3A_957, %or3A_984 : i32
    %select_n3A_986 = arith.select %ge3A_983, %or3A_985, %select_n3A_957 : i32
    %sub3A_987 = arith.subi %select_n3A_959, %reduce_sum3A_982 : i32
    %select_n3A_988 = arith.select %ge3A_983, %select_n3A_959, %sub3A_987 : i32
    %and3A_989 = arith.constant -4 : i32
    %and3A_990 = vector.broadcast %and3A_989 : i32 to vector<264x128xi32>
    %and3A_991 = arith.andi %select_n3A, %and3A_990 : vector<264x128xi32>
    %eq3A_992 = vector.broadcast %select_n3A_986 : i32 to vector<264x128xi32>
    %eq3A_993 = arith.cmpi eq, %and3A_991, %eq3A_992 : vector<264x128xi32>
    %and3A_994 = arith.andi %eq3A_993, %lt3A_4 : vector<264x128xi1>
    %and3A_995 = arith.constant 2 : i32
    %and3A_996 = vector.broadcast %and3A_995 : i32 to vector<264x128xi32>
    %and3A_997 = arith.andi %select_n3A, %and3A_996 : vector<264x128xi32>
    %ne3A_998 = arith.constant 0 : i32
    %ne3A_999 = vector.broadcast %ne3A_998 : i32 to vector<264x128xi32>
    %ne3A_1000 = arith.cmpi ne, %and3A_997, %ne3A_999 : vector<264x128xi32>
    %and3A_1001 = arith.andi %and3A_994, %ne3A_1000 : vector<264x128xi1>
    %jit3A_1002 = arith.constant 1 : i32
    %jit3A_1003 = arith.constant 0 : i32
    %broadcast_in_dim3A_1004 = vector.broadcast %jit3A_1002 : i32 to vector<264x128xi32>
    %broadcast_in_dim3A_1005 = vector.broadcast %jit3A_1003 : i32 to vector<264x128xi32>
    %select_n3A_1006 = arith.select %and3A_1001, %broadcast_in_dim3A_1004, %broadcast_in_dim3A_1005 : vector<264x128xi1>, vector<264x128xi32>
    %reduce_sum3A_1007 = vector.shape_cast %select_n3A_1006 : vector<264x128xi32> to vector<1x264x128xi32>
    %reduce_sum3A_1008 = arith.constant dense<0> : vector<1xi32>
    %reduce_sum3A_1009 = vector.multi_reduction <add>, %reduce_sum3A_1007, %reduce_sum3A_1008 [1, 2] : vector<1x264x128xi32> to vector<1xi32>
    %reduce_sum3A_1010 = vector.shape_cast %reduce_sum3A_1009 : vector<1xi32> to vector<1x1x1xi32>
    %reduce_sum3A_1011 = vector.extract %reduce_sum3A_1010[0, 0, 0] : i32 from vector<1x1x1xi32>
    %ge3A_1012 = arith.cmpi sge, %reduce_sum3A_1011, %select_n3A_988 : i32
    %or3A_1013 = arith.constant 2 : i32
    %or3A_1014 = arith.ori %select_n3A_986, %or3A_1013 : i32
    %select_n3A_1015 = arith.select %ge3A_1012, %or3A_1014, %select_n3A_986 : i32
    %sub3A_1016 = arith.subi %select_n3A_988, %reduce_sum3A_1011 : i32
    %select_n3A_1017 = arith.select %ge3A_1012, %select_n3A_988, %sub3A_1016 : i32
    %and3A_1018 = arith.constant -2 : i32
    %and3A_1019 = vector.broadcast %and3A_1018 : i32 to vector<264x128xi32>
    %and3A_1020 = arith.andi %select_n3A, %and3A_1019 : vector<264x128xi32>
    %eq3A_1021 = vector.broadcast %select_n3A_1015 : i32 to vector<264x128xi32>
    %eq3A_1022 = arith.cmpi eq, %and3A_1020, %eq3A_1021 : vector<264x128xi32>
    %and3A_1023 = arith.andi %eq3A_1022, %lt3A_4 : vector<264x128xi1>
    %and3A_1024 = arith.constant 1 : i32
    %and3A_1025 = vector.broadcast %and3A_1024 : i32 to vector<264x128xi32>
    %and3A_1026 = arith.andi %select_n3A, %and3A_1025 : vector<264x128xi32>
    %ne3A_1027 = arith.constant 0 : i32
    %ne3A_1028 = vector.broadcast %ne3A_1027 : i32 to vector<264x128xi32>
    %ne3A_1029 = arith.cmpi ne, %and3A_1026, %ne3A_1028 : vector<264x128xi32>
    %and3A_1030 = arith.andi %and3A_1023, %ne3A_1029 : vector<264x128xi1>
    %jit3A_1031 = arith.constant 1 : i32
    %jit3A_1032 = arith.constant 0 : i32
    %broadcast_in_dim3A_1033 = vector.broadcast %jit3A_1031 : i32 to vector<264x128xi32>
    %broadcast_in_dim3A_1034 = vector.broadcast %jit3A_1032 : i32 to vector<264x128xi32>
    %select_n3A_1035 = arith.select %and3A_1030, %broadcast_in_dim3A_1033, %broadcast_in_dim3A_1034 : vector<264x128xi1>, vector<264x128xi32>
    %reduce_sum3A_1036 = vector.shape_cast %select_n3A_1035 : vector<264x128xi32> to vector<1x264x128xi32>
    %reduce_sum3A_1037 = arith.constant dense<0> : vector<1xi32>
    %reduce_sum3A_1038 = vector.multi_reduction <add>, %reduce_sum3A_1036, %reduce_sum3A_1037 [1, 2] : vector<1x264x128xi32> to vector<1xi32>
    %reduce_sum3A_1039 = vector.shape_cast %reduce_sum3A_1038 : vector<1xi32> to vector<1x1x1xi32>
    %reduce_sum3A_1040 = vector.extract %reduce_sum3A_1039[0, 0, 0] : i32 from vector<1x1x1xi32>
    %ge3A_1041 = arith.cmpi sge, %reduce_sum3A_1040, %select_n3A_1017 : i32
    %or3A_1042 = arith.constant 1 : i32
    %or3A_1043 = arith.ori %select_n3A_1015, %or3A_1042 : i32
    %select_n3A_1044 = arith.select %ge3A_1041, %or3A_1043, %select_n3A_1015 : i32
    %sub3A_1045 = arith.subi %select_n3A_1017, %reduce_sum3A_1040 : i32
    %select_n3A_1046 = arith.select %ge3A_1041, %select_n3A_1017, %sub3A_1045 : i32
    %xor3A_1047 = arith.constant -2147483648 : i32
    %xor3A_1048 = arith.xori %select_n3A_1044, %xor3A_1047 : i32
    %gt3A = vector.broadcast %xor3A_1048 : i32 to vector<264x128xi32>
    %gt3A_1049 = arith.cmpi sgt, %xor3A_118, %gt3A : vector<264x128xi32>
    %and3A_1050 = arith.andi %gt3A_1049, %lt3A_4 : vector<264x128xi1>
    %eq3A_1051 = vector.broadcast %xor3A_1048 : i32 to vector<264x128xi32>
    %eq3A_1052 = arith.cmpi eq, %xor3A_118, %eq3A_1051 : vector<264x128xi32>
    %and3A_1053 = arith.andi %eq3A_1052, %lt3A_4 : vector<264x128xi1>
    %add3A_1054 = arith.constant 0 : i32
    %add3A_1055 = arith.constant 33750 : i32
    %add3A_1056 = arith.addi %add3A_1054, %add3A_1055 : i32
    %jit3A_1057 = arith.constant 2 : i32
    %div3A = arith.divsi %add3A_1056, %jit3A_1057 : i32
    %sign3A = arith.constant 0 : i32
    %sign3A_1058 = arith.cmpi sgt, %add3A_1056, %sign3A : i32
    %sign3A_1059 = arith.extui %sign3A_1058 : i1 to i32
    %sign3A_1060 = arith.constant 0 : i32
    %sign3A_1061 = arith.cmpi slt, %add3A_1056, %sign3A_1060 : i32
    %sign3A_1062 = arith.extui %sign3A_1061 : i1 to i32
    %sign3A_1063 = arith.subi %sign3A_1059, %sign3A_1062 : i32
    %sign3A_1064 = arith.constant 0 : i32
    %sign3A_1065 = arith.cmpi sgt, %jit3A_1057, %sign3A_1064 : i32
    %sign3A_1066 = arith.extui %sign3A_1065 : i1 to i32
    %sign3A_1067 = arith.constant 0 : i32
    %sign3A_1068 = arith.cmpi slt, %jit3A_1057, %sign3A_1067 : i32
    %sign3A_1069 = arith.extui %sign3A_1068 : i1 to i32
    %sign3A_1070 = arith.subi %sign3A_1066, %sign3A_1069 : i32
    %ne3A_1071 = arith.cmpi ne, %sign3A_1063, %sign3A_1070 : i32
    %rem3A = arith.remsi %add3A_1056, %jit3A_1057 : i32
    %ne3A_1072 = arith.constant 0 : i32
    %ne3A_1073 = arith.cmpi ne, %rem3A, %ne3A_1072 : i32
    %and3A_1074 = arith.andi %ne3A_1071, %ne3A_1073 : i1
    %sub3A_1075 = arith.constant 1 : i32
    %sub3A_1076 = arith.subi %div3A, %sub3A_1075 : i32
    %select_n3A_1077 = arith.select %and3A_1074, %sub3A_1076, %div3A : i32
    %lt3A_1078 = vector.broadcast %select_n3A_1077 : i32 to vector<264x128xi32>
    %lt3A_1079 = arith.cmpi slt, %add3A, %lt3A_1078 : vector<264x128xi32>
    %and3A_1080 = arith.andi %and3A_1053, %lt3A_1079 : vector<264x128xi1>
    %jit3A_1081 = arith.constant 1 : i32
    %jit3A_1082 = arith.constant 0 : i32
    %broadcast_in_dim3A_1083 = vector.broadcast %jit3A_1081 : i32 to vector<264x128xi32>
    %broadcast_in_dim3A_1084 = vector.broadcast %jit3A_1082 : i32 to vector<264x128xi32>
    %select_n3A_1085 = arith.select %and3A_1080, %broadcast_in_dim3A_1083, %broadcast_in_dim3A_1084 : vector<264x128xi1>, vector<264x128xi32>
    %reduce_sum3A_1086 = vector.shape_cast %select_n3A_1085 : vector<264x128xi32> to vector<1x264x128xi32>
    %reduce_sum3A_1087 = arith.constant dense<0> : vector<1xi32>
    %reduce_sum3A_1088 = vector.multi_reduction <add>, %reduce_sum3A_1086, %reduce_sum3A_1087 [1, 2] : vector<1x264x128xi32> to vector<1xi32>
    %reduce_sum3A_1089 = vector.shape_cast %reduce_sum3A_1088 : vector<1xi32> to vector<1x1x1xi32>
    %reduce_sum3A_1090 = vector.extract %reduce_sum3A_1089[0, 0, 0] : i32 from vector<1x1x1xi32>
    %ge3A_1091 = arith.cmpi sge, %reduce_sum3A_1090, %select_n3A_1046 : i32
    %jit3A_1092 = arith.constant 33750 : i32
    %select_n3A_1093 = arith.select %ge3A_1091, %select_n3A_1077, %jit3A_1092 : i32
    %add3A_1094 = arith.constant 1 : i32
    %add3A_1095 = arith.addi %select_n3A_1077, %add3A_1094 : i32
    %jit3A_1096 = arith.constant 0 : i32
    %select_n3A_1097 = arith.select %ge3A_1091, %jit3A_1096, %add3A_1095 : i32
    %add3A_1098 = arith.addi %select_n3A_1097, %select_n3A_1093 : i32
    %jit3A_1099 = arith.constant 2 : i32
    %div3A_1100 = arith.divsi %add3A_1098, %jit3A_1099 : i32
    %sign3A_1101 = arith.constant 0 : i32
    %sign3A_1102 = arith.cmpi sgt, %add3A_1098, %sign3A_1101 : i32
    %sign3A_1103 = arith.extui %sign3A_1102 : i1 to i32
    %sign3A_1104 = arith.constant 0 : i32
    %sign3A_1105 = arith.cmpi slt, %add3A_1098, %sign3A_1104 : i32
    %sign3A_1106 = arith.extui %sign3A_1105 : i1 to i32
    %sign3A_1107 = arith.subi %sign3A_1103, %sign3A_1106 : i32
    %sign3A_1108 = arith.constant 0 : i32
    %sign3A_1109 = arith.cmpi sgt, %jit3A_1099, %sign3A_1108 : i32
    %sign3A_1110 = arith.extui %sign3A_1109 : i1 to i32
    %sign3A_1111 = arith.constant 0 : i32
    %sign3A_1112 = arith.cmpi slt, %jit3A_1099, %sign3A_1111 : i32
    %sign3A_1113 = arith.extui %sign3A_1112 : i1 to i32
    %sign3A_1114 = arith.subi %sign3A_1110, %sign3A_1113 : i32
    %ne3A_1115 = arith.cmpi ne, %sign3A_1107, %sign3A_1114 : i32
    %rem3A_1116 = arith.remsi %add3A_1098, %jit3A_1099 : i32
    %ne3A_1117 = arith.constant 0 : i32
    %ne3A_1118 = arith.cmpi ne, %rem3A_1116, %ne3A_1117 : i32
    %and3A_1119 = arith.andi %ne3A_1115, %ne3A_1118 : i1
    %sub3A_1120 = arith.constant 1 : i32
    %sub3A_1121 = arith.subi %div3A_1100, %sub3A_1120 : i32
    %select_n3A_1122 = arith.select %and3A_1119, %sub3A_1121, %div3A_1100 : i32
    %lt3A_1123 = vector.broadcast %select_n3A_1122 : i32 to vector<264x128xi32>
    %lt3A_1124 = arith.cmpi slt, %add3A, %lt3A_1123 : vector<264x128xi32>
    %and3A_1125 = arith.andi %and3A_1053, %lt3A_1124 : vector<264x128xi1>
    %jit3A_1126 = arith.constant 1 : i32
    %jit3A_1127 = arith.constant 0 : i32
    %broadcast_in_dim3A_1128 = vector.broadcast %jit3A_1126 : i32 to vector<264x128xi32>
    %broadcast_in_dim3A_1129 = vector.broadcast %jit3A_1127 : i32 to vector<264x128xi32>
    %select_n3A_1130 = arith.select %and3A_1125, %broadcast_in_dim3A_1128, %broadcast_in_dim3A_1129 : vector<264x128xi1>, vector<264x128xi32>
    %reduce_sum3A_1131 = vector.shape_cast %select_n3A_1130 : vector<264x128xi32> to vector<1x264x128xi32>
    %reduce_sum3A_1132 = arith.constant dense<0> : vector<1xi32>
    %reduce_sum3A_1133 = vector.multi_reduction <add>, %reduce_sum3A_1131, %reduce_sum3A_1132 [1, 2] : vector<1x264x128xi32> to vector<1xi32>
    %reduce_sum3A_1134 = vector.shape_cast %reduce_sum3A_1133 : vector<1xi32> to vector<1x1x1xi32>
    %reduce_sum3A_1135 = vector.extract %reduce_sum3A_1134[0, 0, 0] : i32 from vector<1x1x1xi32>
    %ge3A_1136 = arith.cmpi sge, %reduce_sum3A_1135, %select_n3A_1046 : i32
    %select_n3A_1137 = arith.select %ge3A_1136, %select_n3A_1122, %select_n3A_1093 : i32
    %add3A_1138 = arith.constant 1 : i32
    %add3A_1139 = arith.addi %select_n3A_1122, %add3A_1138 : i32
    %select_n3A_1140 = arith.select %ge3A_1136, %select_n3A_1097, %add3A_1139 : i32
    %add3A_1141 = arith.addi %select_n3A_1140, %select_n3A_1137 : i32
    %jit3A_1142 = arith.constant 2 : i32
    %div3A_1143 = arith.divsi %add3A_1141, %jit3A_1142 : i32
    %sign3A_1144 = arith.constant 0 : i32
    %sign3A_1145 = arith.cmpi sgt, %add3A_1141, %sign3A_1144 : i32
    %sign3A_1146 = arith.extui %sign3A_1145 : i1 to i32
    %sign3A_1147 = arith.constant 0 : i32
    %sign3A_1148 = arith.cmpi slt, %add3A_1141, %sign3A_1147 : i32
    %sign3A_1149 = arith.extui %sign3A_1148 : i1 to i32
    %sign3A_1150 = arith.subi %sign3A_1146, %sign3A_1149 : i32
    %sign3A_1151 = arith.constant 0 : i32
    %sign3A_1152 = arith.cmpi sgt, %jit3A_1142, %sign3A_1151 : i32
    %sign3A_1153 = arith.extui %sign3A_1152 : i1 to i32
    %sign3A_1154 = arith.constant 0 : i32
    %sign3A_1155 = arith.cmpi slt, %jit3A_1142, %sign3A_1154 : i32
    %sign3A_1156 = arith.extui %sign3A_1155 : i1 to i32
    %sign3A_1157 = arith.subi %sign3A_1153, %sign3A_1156 : i32
    %ne3A_1158 = arith.cmpi ne, %sign3A_1150, %sign3A_1157 : i32
    %rem3A_1159 = arith.remsi %add3A_1141, %jit3A_1142 : i32
    %ne3A_1160 = arith.constant 0 : i32
    %ne3A_1161 = arith.cmpi ne, %rem3A_1159, %ne3A_1160 : i32
    %and3A_1162 = arith.andi %ne3A_1158, %ne3A_1161 : i1
    %sub3A_1163 = arith.constant 1 : i32
    %sub3A_1164 = arith.subi %div3A_1143, %sub3A_1163 : i32
    %select_n3A_1165 = arith.select %and3A_1162, %sub3A_1164, %div3A_1143 : i32
    %lt3A_1166 = vector.broadcast %select_n3A_1165 : i32 to vector<264x128xi32>
    %lt3A_1167 = arith.cmpi slt, %add3A, %lt3A_1166 : vector<264x128xi32>
    %and3A_1168 = arith.andi %and3A_1053, %lt3A_1167 : vector<264x128xi1>
    %jit3A_1169 = arith.constant 1 : i32
    %jit3A_1170 = arith.constant 0 : i32
    %broadcast_in_dim3A_1171 = vector.broadcast %jit3A_1169 : i32 to vector<264x128xi32>
    %broadcast_in_dim3A_1172 = vector.broadcast %jit3A_1170 : i32 to vector<264x128xi32>
    %select_n3A_1173 = arith.select %and3A_1168, %broadcast_in_dim3A_1171, %broadcast_in_dim3A_1172 : vector<264x128xi1>, vector<264x128xi32>
    %reduce_sum3A_1174 = vector.shape_cast %select_n3A_1173 : vector<264x128xi32> to vector<1x264x128xi32>
    %reduce_sum3A_1175 = arith.constant dense<0> : vector<1xi32>
    %reduce_sum3A_1176 = vector.multi_reduction <add>, %reduce_sum3A_1174, %reduce_sum3A_1175 [1, 2] : vector<1x264x128xi32> to vector<1xi32>
    %reduce_sum3A_1177 = vector.shape_cast %reduce_sum3A_1176 : vector<1xi32> to vector<1x1x1xi32>
    %reduce_sum3A_1178 = vector.extract %reduce_sum3A_1177[0, 0, 0] : i32 from vector<1x1x1xi32>
    %ge3A_1179 = arith.cmpi sge, %reduce_sum3A_1178, %select_n3A_1046 : i32
    %select_n3A_1180 = arith.select %ge3A_1179, %select_n3A_1165, %select_n3A_1137 : i32
    %add3A_1181 = arith.constant 1 : i32
    %add3A_1182 = arith.addi %select_n3A_1165, %add3A_1181 : i32
    %select_n3A_1183 = arith.select %ge3A_1179, %select_n3A_1140, %add3A_1182 : i32
    %add3A_1184 = arith.addi %select_n3A_1183, %select_n3A_1180 : i32
    %jit3A_1185 = arith.constant 2 : i32
    %div3A_1186 = arith.divsi %add3A_1184, %jit3A_1185 : i32
    %sign3A_1187 = arith.constant 0 : i32
    %sign3A_1188 = arith.cmpi sgt, %add3A_1184, %sign3A_1187 : i32
    %sign3A_1189 = arith.extui %sign3A_1188 : i1 to i32
    %sign3A_1190 = arith.constant 0 : i32
    %sign3A_1191 = arith.cmpi slt, %add3A_1184, %sign3A_1190 : i32
    %sign3A_1192 = arith.extui %sign3A_1191 : i1 to i32
    %sign3A_1193 = arith.subi %sign3A_1189, %sign3A_1192 : i32
    %sign3A_1194 = arith.constant 0 : i32
    %sign3A_1195 = arith.cmpi sgt, %jit3A_1185, %sign3A_1194 : i32
    %sign3A_1196 = arith.extui %sign3A_1195 : i1 to i32
    %sign3A_1197 = arith.constant 0 : i32
    %sign3A_1198 = arith.cmpi slt, %jit3A_1185, %sign3A_1197 : i32
    %sign3A_1199 = arith.extui %sign3A_1198 : i1 to i32
    %sign3A_1200 = arith.subi %sign3A_1196, %sign3A_1199 : i32
    %ne3A_1201 = arith.cmpi ne, %sign3A_1193, %sign3A_1200 : i32
    %rem3A_1202 = arith.remsi %add3A_1184, %jit3A_1185 : i32
    %ne3A_1203 = arith.constant 0 : i32
    %ne3A_1204 = arith.cmpi ne, %rem3A_1202, %ne3A_1203 : i32
    %and3A_1205 = arith.andi %ne3A_1201, %ne3A_1204 : i1
    %sub3A_1206 = arith.constant 1 : i32
    %sub3A_1207 = arith.subi %div3A_1186, %sub3A_1206 : i32
    %select_n3A_1208 = arith.select %and3A_1205, %sub3A_1207, %div3A_1186 : i32
    %lt3A_1209 = vector.broadcast %select_n3A_1208 : i32 to vector<264x128xi32>
    %lt3A_1210 = arith.cmpi slt, %add3A, %lt3A_1209 : vector<264x128xi32>
    %and3A_1211 = arith.andi %and3A_1053, %lt3A_1210 : vector<264x128xi1>
    %jit3A_1212 = arith.constant 1 : i32
    %jit3A_1213 = arith.constant 0 : i32
    %broadcast_in_dim3A_1214 = vector.broadcast %jit3A_1212 : i32 to vector<264x128xi32>
    %broadcast_in_dim3A_1215 = vector.broadcast %jit3A_1213 : i32 to vector<264x128xi32>
    %select_n3A_1216 = arith.select %and3A_1211, %broadcast_in_dim3A_1214, %broadcast_in_dim3A_1215 : vector<264x128xi1>, vector<264x128xi32>
    %reduce_sum3A_1217 = vector.shape_cast %select_n3A_1216 : vector<264x128xi32> to vector<1x264x128xi32>
    %reduce_sum3A_1218 = arith.constant dense<0> : vector<1xi32>
    %reduce_sum3A_1219 = vector.multi_reduction <add>, %reduce_sum3A_1217, %reduce_sum3A_1218 [1, 2] : vector<1x264x128xi32> to vector<1xi32>
    %reduce_sum3A_1220 = vector.shape_cast %reduce_sum3A_1219 : vector<1xi32> to vector<1x1x1xi32>
    %reduce_sum3A_1221 = vector.extract %reduce_sum3A_1220[0, 0, 0] : i32 from vector<1x1x1xi32>
    %ge3A_1222 = arith.cmpi sge, %reduce_sum3A_1221, %select_n3A_1046 : i32
    %select_n3A_1223 = arith.select %ge3A_1222, %select_n3A_1208, %select_n3A_1180 : i32
    %add3A_1224 = arith.constant 1 : i32
    %add3A_1225 = arith.addi %select_n3A_1208, %add3A_1224 : i32
    %select_n3A_1226 = arith.select %ge3A_1222, %select_n3A_1183, %add3A_1225 : i32
    %add3A_1227 = arith.addi %select_n3A_1226, %select_n3A_1223 : i32
    %jit3A_1228 = arith.constant 2 : i32
    %div3A_1229 = arith.divsi %add3A_1227, %jit3A_1228 : i32
    %sign3A_1230 = arith.constant 0 : i32
    %sign3A_1231 = arith.cmpi sgt, %add3A_1227, %sign3A_1230 : i32
    %sign3A_1232 = arith.extui %sign3A_1231 : i1 to i32
    %sign3A_1233 = arith.constant 0 : i32
    %sign3A_1234 = arith.cmpi slt, %add3A_1227, %sign3A_1233 : i32
    %sign3A_1235 = arith.extui %sign3A_1234 : i1 to i32
    %sign3A_1236 = arith.subi %sign3A_1232, %sign3A_1235 : i32
    %sign3A_1237 = arith.constant 0 : i32
    %sign3A_1238 = arith.cmpi sgt, %jit3A_1228, %sign3A_1237 : i32
    %sign3A_1239 = arith.extui %sign3A_1238 : i1 to i32
    %sign3A_1240 = arith.constant 0 : i32
    %sign3A_1241 = arith.cmpi slt, %jit3A_1228, %sign3A_1240 : i32
    %sign3A_1242 = arith.extui %sign3A_1241 : i1 to i32
    %sign3A_1243 = arith.subi %sign3A_1239, %sign3A_1242 : i32
    %ne3A_1244 = arith.cmpi ne, %sign3A_1236, %sign3A_1243 : i32
    %rem3A_1245 = arith.remsi %add3A_1227, %jit3A_1228 : i32
    %ne3A_1246 = arith.constant 0 : i32
    %ne3A_1247 = arith.cmpi ne, %rem3A_1245, %ne3A_1246 : i32
    %and3A_1248 = arith.andi %ne3A_1244, %ne3A_1247 : i1
    %sub3A_1249 = arith.constant 1 : i32
    %sub3A_1250 = arith.subi %div3A_1229, %sub3A_1249 : i32
    %select_n3A_1251 = arith.select %and3A_1248, %sub3A_1250, %div3A_1229 : i32
    %lt3A_1252 = vector.broadcast %select_n3A_1251 : i32 to vector<264x128xi32>
    %lt3A_1253 = arith.cmpi slt, %add3A, %lt3A_1252 : vector<264x128xi32>
    %and3A_1254 = arith.andi %and3A_1053, %lt3A_1253 : vector<264x128xi1>
    %jit3A_1255 = arith.constant 1 : i32
    %jit3A_1256 = arith.constant 0 : i32
    %broadcast_in_dim3A_1257 = vector.broadcast %jit3A_1255 : i32 to vector<264x128xi32>
    %broadcast_in_dim3A_1258 = vector.broadcast %jit3A_1256 : i32 to vector<264x128xi32>
    %select_n3A_1259 = arith.select %and3A_1254, %broadcast_in_dim3A_1257, %broadcast_in_dim3A_1258 : vector<264x128xi1>, vector<264x128xi32>
    %reduce_sum3A_1260 = vector.shape_cast %select_n3A_1259 : vector<264x128xi32> to vector<1x264x128xi32>
    %reduce_sum3A_1261 = arith.constant dense<0> : vector<1xi32>
    %reduce_sum3A_1262 = vector.multi_reduction <add>, %reduce_sum3A_1260, %reduce_sum3A_1261 [1, 2] : vector<1x264x128xi32> to vector<1xi32>
    %reduce_sum3A_1263 = vector.shape_cast %reduce_sum3A_1262 : vector<1xi32> to vector<1x1x1xi32>
    %reduce_sum3A_1264 = vector.extract %reduce_sum3A_1263[0, 0, 0] : i32 from vector<1x1x1xi32>
    %ge3A_1265 = arith.cmpi sge, %reduce_sum3A_1264, %select_n3A_1046 : i32
    %select_n3A_1266 = arith.select %ge3A_1265, %select_n3A_1251, %select_n3A_1223 : i32
    %add3A_1267 = arith.constant 1 : i32
    %add3A_1268 = arith.addi %select_n3A_1251, %add3A_1267 : i32
    %select_n3A_1269 = arith.select %ge3A_1265, %select_n3A_1226, %add3A_1268 : i32
    %add3A_1270 = arith.addi %select_n3A_1269, %select_n3A_1266 : i32
    %jit3A_1271 = arith.constant 2 : i32
    %div3A_1272 = arith.divsi %add3A_1270, %jit3A_1271 : i32
    %sign3A_1273 = arith.constant 0 : i32
    %sign3A_1274 = arith.cmpi sgt, %add3A_1270, %sign3A_1273 : i32
    %sign3A_1275 = arith.extui %sign3A_1274 : i1 to i32
    %sign3A_1276 = arith.constant 0 : i32
    %sign3A_1277 = arith.cmpi slt, %add3A_1270, %sign3A_1276 : i32
    %sign3A_1278 = arith.extui %sign3A_1277 : i1 to i32
    %sign3A_1279 = arith.subi %sign3A_1275, %sign3A_1278 : i32
    %sign3A_1280 = arith.constant 0 : i32
    %sign3A_1281 = arith.cmpi sgt, %jit3A_1271, %sign3A_1280 : i32
    %sign3A_1282 = arith.extui %sign3A_1281 : i1 to i32
    %sign3A_1283 = arith.constant 0 : i32
    %sign3A_1284 = arith.cmpi slt, %jit3A_1271, %sign3A_1283 : i32
    %sign3A_1285 = arith.extui %sign3A_1284 : i1 to i32
    %sign3A_1286 = arith.subi %sign3A_1282, %sign3A_1285 : i32
    %ne3A_1287 = arith.cmpi ne, %sign3A_1279, %sign3A_1286 : i32
    %rem3A_1288 = arith.remsi %add3A_1270, %jit3A_1271 : i32
    %ne3A_1289 = arith.constant 0 : i32
    %ne3A_1290 = arith.cmpi ne, %rem3A_1288, %ne3A_1289 : i32
    %and3A_1291 = arith.andi %ne3A_1287, %ne3A_1290 : i1
    %sub3A_1292 = arith.constant 1 : i32
    %sub3A_1293 = arith.subi %div3A_1272, %sub3A_1292 : i32
    %select_n3A_1294 = arith.select %and3A_1291, %sub3A_1293, %div3A_1272 : i32
    %lt3A_1295 = vector.broadcast %select_n3A_1294 : i32 to vector<264x128xi32>
    %lt3A_1296 = arith.cmpi slt, %add3A, %lt3A_1295 : vector<264x128xi32>
    %and3A_1297 = arith.andi %and3A_1053, %lt3A_1296 : vector<264x128xi1>
    %jit3A_1298 = arith.constant 1 : i32
    %jit3A_1299 = arith.constant 0 : i32
    %broadcast_in_dim3A_1300 = vector.broadcast %jit3A_1298 : i32 to vector<264x128xi32>
    %broadcast_in_dim3A_1301 = vector.broadcast %jit3A_1299 : i32 to vector<264x128xi32>
    %select_n3A_1302 = arith.select %and3A_1297, %broadcast_in_dim3A_1300, %broadcast_in_dim3A_1301 : vector<264x128xi1>, vector<264x128xi32>
    %reduce_sum3A_1303 = vector.shape_cast %select_n3A_1302 : vector<264x128xi32> to vector<1x264x128xi32>
    %reduce_sum3A_1304 = arith.constant dense<0> : vector<1xi32>
    %reduce_sum3A_1305 = vector.multi_reduction <add>, %reduce_sum3A_1303, %reduce_sum3A_1304 [1, 2] : vector<1x264x128xi32> to vector<1xi32>
    %reduce_sum3A_1306 = vector.shape_cast %reduce_sum3A_1305 : vector<1xi32> to vector<1x1x1xi32>
    %reduce_sum3A_1307 = vector.extract %reduce_sum3A_1306[0, 0, 0] : i32 from vector<1x1x1xi32>
    %ge3A_1308 = arith.cmpi sge, %reduce_sum3A_1307, %select_n3A_1046 : i32
    %select_n3A_1309 = arith.select %ge3A_1308, %select_n3A_1294, %select_n3A_1266 : i32
    %add3A_1310 = arith.constant 1 : i32
    %add3A_1311 = arith.addi %select_n3A_1294, %add3A_1310 : i32
    %select_n3A_1312 = arith.select %ge3A_1308, %select_n3A_1269, %add3A_1311 : i32
    %add3A_1313 = arith.addi %select_n3A_1312, %select_n3A_1309 : i32
    %jit3A_1314 = arith.constant 2 : i32
    %div3A_1315 = arith.divsi %add3A_1313, %jit3A_1314 : i32
    %sign3A_1316 = arith.constant 0 : i32
    %sign3A_1317 = arith.cmpi sgt, %add3A_1313, %sign3A_1316 : i32
    %sign3A_1318 = arith.extui %sign3A_1317 : i1 to i32
    %sign3A_1319 = arith.constant 0 : i32
    %sign3A_1320 = arith.cmpi slt, %add3A_1313, %sign3A_1319 : i32
    %sign3A_1321 = arith.extui %sign3A_1320 : i1 to i32
    %sign3A_1322 = arith.subi %sign3A_1318, %sign3A_1321 : i32
    %sign3A_1323 = arith.constant 0 : i32
    %sign3A_1324 = arith.cmpi sgt, %jit3A_1314, %sign3A_1323 : i32
    %sign3A_1325 = arith.extui %sign3A_1324 : i1 to i32
    %sign3A_1326 = arith.constant 0 : i32
    %sign3A_1327 = arith.cmpi slt, %jit3A_1314, %sign3A_1326 : i32
    %sign3A_1328 = arith.extui %sign3A_1327 : i1 to i32
    %sign3A_1329 = arith.subi %sign3A_1325, %sign3A_1328 : i32
    %ne3A_1330 = arith.cmpi ne, %sign3A_1322, %sign3A_1329 : i32
    %rem3A_1331 = arith.remsi %add3A_1313, %jit3A_1314 : i32
    %ne3A_1332 = arith.constant 0 : i32
    %ne3A_1333 = arith.cmpi ne, %rem3A_1331, %ne3A_1332 : i32
    %and3A_1334 = arith.andi %ne3A_1330, %ne3A_1333 : i1
    %sub3A_1335 = arith.constant 1 : i32
    %sub3A_1336 = arith.subi %div3A_1315, %sub3A_1335 : i32
    %select_n3A_1337 = arith.select %and3A_1334, %sub3A_1336, %div3A_1315 : i32
    %lt3A_1338 = vector.broadcast %select_n3A_1337 : i32 to vector<264x128xi32>
    %lt3A_1339 = arith.cmpi slt, %add3A, %lt3A_1338 : vector<264x128xi32>
    %and3A_1340 = arith.andi %and3A_1053, %lt3A_1339 : vector<264x128xi1>
    %jit3A_1341 = arith.constant 1 : i32
    %jit3A_1342 = arith.constant 0 : i32
    %broadcast_in_dim3A_1343 = vector.broadcast %jit3A_1341 : i32 to vector<264x128xi32>
    %broadcast_in_dim3A_1344 = vector.broadcast %jit3A_1342 : i32 to vector<264x128xi32>
    %select_n3A_1345 = arith.select %and3A_1340, %broadcast_in_dim3A_1343, %broadcast_in_dim3A_1344 : vector<264x128xi1>, vector<264x128xi32>
    %reduce_sum3A_1346 = vector.shape_cast %select_n3A_1345 : vector<264x128xi32> to vector<1x264x128xi32>
    %reduce_sum3A_1347 = arith.constant dense<0> : vector<1xi32>
    %reduce_sum3A_1348 = vector.multi_reduction <add>, %reduce_sum3A_1346, %reduce_sum3A_1347 [1, 2] : vector<1x264x128xi32> to vector<1xi32>
    %reduce_sum3A_1349 = vector.shape_cast %reduce_sum3A_1348 : vector<1xi32> to vector<1x1x1xi32>
    %reduce_sum3A_1350 = vector.extract %reduce_sum3A_1349[0, 0, 0] : i32 from vector<1x1x1xi32>
    %ge3A_1351 = arith.cmpi sge, %reduce_sum3A_1350, %select_n3A_1046 : i32
    %select_n3A_1352 = arith.select %ge3A_1351, %select_n3A_1337, %select_n3A_1309 : i32
    %add3A_1353 = arith.constant 1 : i32
    %add3A_1354 = arith.addi %select_n3A_1337, %add3A_1353 : i32
    %select_n3A_1355 = arith.select %ge3A_1351, %select_n3A_1312, %add3A_1354 : i32
    %add3A_1356 = arith.addi %select_n3A_1355, %select_n3A_1352 : i32
    %jit3A_1357 = arith.constant 2 : i32
    %div3A_1358 = arith.divsi %add3A_1356, %jit3A_1357 : i32
    %sign3A_1359 = arith.constant 0 : i32
    %sign3A_1360 = arith.cmpi sgt, %add3A_1356, %sign3A_1359 : i32
    %sign3A_1361 = arith.extui %sign3A_1360 : i1 to i32
    %sign3A_1362 = arith.constant 0 : i32
    %sign3A_1363 = arith.cmpi slt, %add3A_1356, %sign3A_1362 : i32
    %sign3A_1364 = arith.extui %sign3A_1363 : i1 to i32
    %sign3A_1365 = arith.subi %sign3A_1361, %sign3A_1364 : i32
    %sign3A_1366 = arith.constant 0 : i32
    %sign3A_1367 = arith.cmpi sgt, %jit3A_1357, %sign3A_1366 : i32
    %sign3A_1368 = arith.extui %sign3A_1367 : i1 to i32
    %sign3A_1369 = arith.constant 0 : i32
    %sign3A_1370 = arith.cmpi slt, %jit3A_1357, %sign3A_1369 : i32
    %sign3A_1371 = arith.extui %sign3A_1370 : i1 to i32
    %sign3A_1372 = arith.subi %sign3A_1368, %sign3A_1371 : i32
    %ne3A_1373 = arith.cmpi ne, %sign3A_1365, %sign3A_1372 : i32
    %rem3A_1374 = arith.remsi %add3A_1356, %jit3A_1357 : i32
    %ne3A_1375 = arith.constant 0 : i32
    %ne3A_1376 = arith.cmpi ne, %rem3A_1374, %ne3A_1375 : i32
    %and3A_1377 = arith.andi %ne3A_1373, %ne3A_1376 : i1
    %sub3A_1378 = arith.constant 1 : i32
    %sub3A_1379 = arith.subi %div3A_1358, %sub3A_1378 : i32
    %select_n3A_1380 = arith.select %and3A_1377, %sub3A_1379, %div3A_1358 : i32
    %lt3A_1381 = vector.broadcast %select_n3A_1380 : i32 to vector<264x128xi32>
    %lt3A_1382 = arith.cmpi slt, %add3A, %lt3A_1381 : vector<264x128xi32>
    %and3A_1383 = arith.andi %and3A_1053, %lt3A_1382 : vector<264x128xi1>
    %jit3A_1384 = arith.constant 1 : i32
    %jit3A_1385 = arith.constant 0 : i32
    %broadcast_in_dim3A_1386 = vector.broadcast %jit3A_1384 : i32 to vector<264x128xi32>
    %broadcast_in_dim3A_1387 = vector.broadcast %jit3A_1385 : i32 to vector<264x128xi32>
    %select_n3A_1388 = arith.select %and3A_1383, %broadcast_in_dim3A_1386, %broadcast_in_dim3A_1387 : vector<264x128xi1>, vector<264x128xi32>
    %reduce_sum3A_1389 = vector.shape_cast %select_n3A_1388 : vector<264x128xi32> to vector<1x264x128xi32>
    %reduce_sum3A_1390 = arith.constant dense<0> : vector<1xi32>
    %reduce_sum3A_1391 = vector.multi_reduction <add>, %reduce_sum3A_1389, %reduce_sum3A_1390 [1, 2] : vector<1x264x128xi32> to vector<1xi32>
    %reduce_sum3A_1392 = vector.shape_cast %reduce_sum3A_1391 : vector<1xi32> to vector<1x1x1xi32>
    %reduce_sum3A_1393 = vector.extract %reduce_sum3A_1392[0, 0, 0] : i32 from vector<1x1x1xi32>
    %ge3A_1394 = arith.cmpi sge, %reduce_sum3A_1393, %select_n3A_1046 : i32
    %select_n3A_1395 = arith.select %ge3A_1394, %select_n3A_1380, %select_n3A_1352 : i32
    %add3A_1396 = arith.constant 1 : i32
    %add3A_1397 = arith.addi %select_n3A_1380, %add3A_1396 : i32
    %select_n3A_1398 = arith.select %ge3A_1394, %select_n3A_1355, %add3A_1397 : i32
    %add3A_1399 = arith.addi %select_n3A_1398, %select_n3A_1395 : i32
    %jit3A_1400 = arith.constant 2 : i32
    %div3A_1401 = arith.divsi %add3A_1399, %jit3A_1400 : i32
    %sign3A_1402 = arith.constant 0 : i32
    %sign3A_1403 = arith.cmpi sgt, %add3A_1399, %sign3A_1402 : i32
    %sign3A_1404 = arith.extui %sign3A_1403 : i1 to i32
    %sign3A_1405 = arith.constant 0 : i32
    %sign3A_1406 = arith.cmpi slt, %add3A_1399, %sign3A_1405 : i32
    %sign3A_1407 = arith.extui %sign3A_1406 : i1 to i32
    %sign3A_1408 = arith.subi %sign3A_1404, %sign3A_1407 : i32
    %sign3A_1409 = arith.constant 0 : i32
    %sign3A_1410 = arith.cmpi sgt, %jit3A_1400, %sign3A_1409 : i32
    %sign3A_1411 = arith.extui %sign3A_1410 : i1 to i32
    %sign3A_1412 = arith.constant 0 : i32
    %sign3A_1413 = arith.cmpi slt, %jit3A_1400, %sign3A_1412 : i32
    %sign3A_1414 = arith.extui %sign3A_1413 : i1 to i32
    %sign3A_1415 = arith.subi %sign3A_1411, %sign3A_1414 : i32
    %ne3A_1416 = arith.cmpi ne, %sign3A_1408, %sign3A_1415 : i32
    %rem3A_1417 = arith.remsi %add3A_1399, %jit3A_1400 : i32
    %ne3A_1418 = arith.constant 0 : i32
    %ne3A_1419 = arith.cmpi ne, %rem3A_1417, %ne3A_1418 : i32
    %and3A_1420 = arith.andi %ne3A_1416, %ne3A_1419 : i1
    %sub3A_1421 = arith.constant 1 : i32
    %sub3A_1422 = arith.subi %div3A_1401, %sub3A_1421 : i32
    %select_n3A_1423 = arith.select %and3A_1420, %sub3A_1422, %div3A_1401 : i32
    %lt3A_1424 = vector.broadcast %select_n3A_1423 : i32 to vector<264x128xi32>
    %lt3A_1425 = arith.cmpi slt, %add3A, %lt3A_1424 : vector<264x128xi32>
    %and3A_1426 = arith.andi %and3A_1053, %lt3A_1425 : vector<264x128xi1>
    %jit3A_1427 = arith.constant 1 : i32
    %jit3A_1428 = arith.constant 0 : i32
    %broadcast_in_dim3A_1429 = vector.broadcast %jit3A_1427 : i32 to vector<264x128xi32>
    %broadcast_in_dim3A_1430 = vector.broadcast %jit3A_1428 : i32 to vector<264x128xi32>
    %select_n3A_1431 = arith.select %and3A_1426, %broadcast_in_dim3A_1429, %broadcast_in_dim3A_1430 : vector<264x128xi1>, vector<264x128xi32>
    %reduce_sum3A_1432 = vector.shape_cast %select_n3A_1431 : vector<264x128xi32> to vector<1x264x128xi32>
    %reduce_sum3A_1433 = arith.constant dense<0> : vector<1xi32>
    %reduce_sum3A_1434 = vector.multi_reduction <add>, %reduce_sum3A_1432, %reduce_sum3A_1433 [1, 2] : vector<1x264x128xi32> to vector<1xi32>
    %reduce_sum3A_1435 = vector.shape_cast %reduce_sum3A_1434 : vector<1xi32> to vector<1x1x1xi32>
    %reduce_sum3A_1436 = vector.extract %reduce_sum3A_1435[0, 0, 0] : i32 from vector<1x1x1xi32>
    %ge3A_1437 = arith.cmpi sge, %reduce_sum3A_1436, %select_n3A_1046 : i32
    %select_n3A_1438 = arith.select %ge3A_1437, %select_n3A_1423, %select_n3A_1395 : i32
    %add3A_1439 = arith.constant 1 : i32
    %add3A_1440 = arith.addi %select_n3A_1423, %add3A_1439 : i32
    %select_n3A_1441 = arith.select %ge3A_1437, %select_n3A_1398, %add3A_1440 : i32
    %add3A_1442 = arith.addi %select_n3A_1441, %select_n3A_1438 : i32
    %jit3A_1443 = arith.constant 2 : i32
    %div3A_1444 = arith.divsi %add3A_1442, %jit3A_1443 : i32
    %sign3A_1445 = arith.constant 0 : i32
    %sign3A_1446 = arith.cmpi sgt, %add3A_1442, %sign3A_1445 : i32
    %sign3A_1447 = arith.extui %sign3A_1446 : i1 to i32
    %sign3A_1448 = arith.constant 0 : i32
    %sign3A_1449 = arith.cmpi slt, %add3A_1442, %sign3A_1448 : i32
    %sign3A_1450 = arith.extui %sign3A_1449 : i1 to i32
    %sign3A_1451 = arith.subi %sign3A_1447, %sign3A_1450 : i32
    %sign3A_1452 = arith.constant 0 : i32
    %sign3A_1453 = arith.cmpi sgt, %jit3A_1443, %sign3A_1452 : i32
    %sign3A_1454 = arith.extui %sign3A_1453 : i1 to i32
    %sign3A_1455 = arith.constant 0 : i32
    %sign3A_1456 = arith.cmpi slt, %jit3A_1443, %sign3A_1455 : i32
    %sign3A_1457 = arith.extui %sign3A_1456 : i1 to i32
    %sign3A_1458 = arith.subi %sign3A_1454, %sign3A_1457 : i32
    %ne3A_1459 = arith.cmpi ne, %sign3A_1451, %sign3A_1458 : i32
    %rem3A_1460 = arith.remsi %add3A_1442, %jit3A_1443 : i32
    %ne3A_1461 = arith.constant 0 : i32
    %ne3A_1462 = arith.cmpi ne, %rem3A_1460, %ne3A_1461 : i32
    %and3A_1463 = arith.andi %ne3A_1459, %ne3A_1462 : i1
    %sub3A_1464 = arith.constant 1 : i32
    %sub3A_1465 = arith.subi %div3A_1444, %sub3A_1464 : i32
    %select_n3A_1466 = arith.select %and3A_1463, %sub3A_1465, %div3A_1444 : i32
    %lt3A_1467 = vector.broadcast %select_n3A_1466 : i32 to vector<264x128xi32>
    %lt3A_1468 = arith.cmpi slt, %add3A, %lt3A_1467 : vector<264x128xi32>
    %and3A_1469 = arith.andi %and3A_1053, %lt3A_1468 : vector<264x128xi1>
    %jit3A_1470 = arith.constant 1 : i32
    %jit3A_1471 = arith.constant 0 : i32
    %broadcast_in_dim3A_1472 = vector.broadcast %jit3A_1470 : i32 to vector<264x128xi32>
    %broadcast_in_dim3A_1473 = vector.broadcast %jit3A_1471 : i32 to vector<264x128xi32>
    %select_n3A_1474 = arith.select %and3A_1469, %broadcast_in_dim3A_1472, %broadcast_in_dim3A_1473 : vector<264x128xi1>, vector<264x128xi32>
    %reduce_sum3A_1475 = vector.shape_cast %select_n3A_1474 : vector<264x128xi32> to vector<1x264x128xi32>
    %reduce_sum3A_1476 = arith.constant dense<0> : vector<1xi32>
    %reduce_sum3A_1477 = vector.multi_reduction <add>, %reduce_sum3A_1475, %reduce_sum3A_1476 [1, 2] : vector<1x264x128xi32> to vector<1xi32>
    %reduce_sum3A_1478 = vector.shape_cast %reduce_sum3A_1477 : vector<1xi32> to vector<1x1x1xi32>
    %reduce_sum3A_1479 = vector.extract %reduce_sum3A_1478[0, 0, 0] : i32 from vector<1x1x1xi32>
    %ge3A_1480 = arith.cmpi sge, %reduce_sum3A_1479, %select_n3A_1046 : i32
    %select_n3A_1481 = arith.select %ge3A_1480, %select_n3A_1466, %select_n3A_1438 : i32
    %add3A_1482 = arith.constant 1 : i32
    %add3A_1483 = arith.addi %select_n3A_1466, %add3A_1482 : i32
    %select_n3A_1484 = arith.select %ge3A_1480, %select_n3A_1441, %add3A_1483 : i32
    %add3A_1485 = arith.addi %select_n3A_1484, %select_n3A_1481 : i32
    %jit3A_1486 = arith.constant 2 : i32
    %div3A_1487 = arith.divsi %add3A_1485, %jit3A_1486 : i32
    %sign3A_1488 = arith.constant 0 : i32
    %sign3A_1489 = arith.cmpi sgt, %add3A_1485, %sign3A_1488 : i32
    %sign3A_1490 = arith.extui %sign3A_1489 : i1 to i32
    %sign3A_1491 = arith.constant 0 : i32
    %sign3A_1492 = arith.cmpi slt, %add3A_1485, %sign3A_1491 : i32
    %sign3A_1493 = arith.extui %sign3A_1492 : i1 to i32
    %sign3A_1494 = arith.subi %sign3A_1490, %sign3A_1493 : i32
    %sign3A_1495 = arith.constant 0 : i32
    %sign3A_1496 = arith.cmpi sgt, %jit3A_1486, %sign3A_1495 : i32
    %sign3A_1497 = arith.extui %sign3A_1496 : i1 to i32
    %sign3A_1498 = arith.constant 0 : i32
    %sign3A_1499 = arith.cmpi slt, %jit3A_1486, %sign3A_1498 : i32
    %sign3A_1500 = arith.extui %sign3A_1499 : i1 to i32
    %sign3A_1501 = arith.subi %sign3A_1497, %sign3A_1500 : i32
    %ne3A_1502 = arith.cmpi ne, %sign3A_1494, %sign3A_1501 : i32
    %rem3A_1503 = arith.remsi %add3A_1485, %jit3A_1486 : i32
    %ne3A_1504 = arith.constant 0 : i32
    %ne3A_1505 = arith.cmpi ne, %rem3A_1503, %ne3A_1504 : i32
    %and3A_1506 = arith.andi %ne3A_1502, %ne3A_1505 : i1
    %sub3A_1507 = arith.constant 1 : i32
    %sub3A_1508 = arith.subi %div3A_1487, %sub3A_1507 : i32
    %select_n3A_1509 = arith.select %and3A_1506, %sub3A_1508, %div3A_1487 : i32
    %lt3A_1510 = vector.broadcast %select_n3A_1509 : i32 to vector<264x128xi32>
    %lt3A_1511 = arith.cmpi slt, %add3A, %lt3A_1510 : vector<264x128xi32>
    %and3A_1512 = arith.andi %and3A_1053, %lt3A_1511 : vector<264x128xi1>
    %jit3A_1513 = arith.constant 1 : i32
    %jit3A_1514 = arith.constant 0 : i32
    %broadcast_in_dim3A_1515 = vector.broadcast %jit3A_1513 : i32 to vector<264x128xi32>
    %broadcast_in_dim3A_1516 = vector.broadcast %jit3A_1514 : i32 to vector<264x128xi32>
    %select_n3A_1517 = arith.select %and3A_1512, %broadcast_in_dim3A_1515, %broadcast_in_dim3A_1516 : vector<264x128xi1>, vector<264x128xi32>
    %reduce_sum3A_1518 = vector.shape_cast %select_n3A_1517 : vector<264x128xi32> to vector<1x264x128xi32>
    %reduce_sum3A_1519 = arith.constant dense<0> : vector<1xi32>
    %reduce_sum3A_1520 = vector.multi_reduction <add>, %reduce_sum3A_1518, %reduce_sum3A_1519 [1, 2] : vector<1x264x128xi32> to vector<1xi32>
    %reduce_sum3A_1521 = vector.shape_cast %reduce_sum3A_1520 : vector<1xi32> to vector<1x1x1xi32>
    %reduce_sum3A_1522 = vector.extract %reduce_sum3A_1521[0, 0, 0] : i32 from vector<1x1x1xi32>
    %ge3A_1523 = arith.cmpi sge, %reduce_sum3A_1522, %select_n3A_1046 : i32
    %select_n3A_1524 = arith.select %ge3A_1523, %select_n3A_1509, %select_n3A_1481 : i32
    %add3A_1525 = arith.constant 1 : i32
    %add3A_1526 = arith.addi %select_n3A_1509, %add3A_1525 : i32
    %select_n3A_1527 = arith.select %ge3A_1523, %select_n3A_1484, %add3A_1526 : i32
    %add3A_1528 = arith.addi %select_n3A_1527, %select_n3A_1524 : i32
    %jit3A_1529 = arith.constant 2 : i32
    %div3A_1530 = arith.divsi %add3A_1528, %jit3A_1529 : i32
    %sign3A_1531 = arith.constant 0 : i32
    %sign3A_1532 = arith.cmpi sgt, %add3A_1528, %sign3A_1531 : i32
    %sign3A_1533 = arith.extui %sign3A_1532 : i1 to i32
    %sign3A_1534 = arith.constant 0 : i32
    %sign3A_1535 = arith.cmpi slt, %add3A_1528, %sign3A_1534 : i32
    %sign3A_1536 = arith.extui %sign3A_1535 : i1 to i32
    %sign3A_1537 = arith.subi %sign3A_1533, %sign3A_1536 : i32
    %sign3A_1538 = arith.constant 0 : i32
    %sign3A_1539 = arith.cmpi sgt, %jit3A_1529, %sign3A_1538 : i32
    %sign3A_1540 = arith.extui %sign3A_1539 : i1 to i32
    %sign3A_1541 = arith.constant 0 : i32
    %sign3A_1542 = arith.cmpi slt, %jit3A_1529, %sign3A_1541 : i32
    %sign3A_1543 = arith.extui %sign3A_1542 : i1 to i32
    %sign3A_1544 = arith.subi %sign3A_1540, %sign3A_1543 : i32
    %ne3A_1545 = arith.cmpi ne, %sign3A_1537, %sign3A_1544 : i32
    %rem3A_1546 = arith.remsi %add3A_1528, %jit3A_1529 : i32
    %ne3A_1547 = arith.constant 0 : i32
    %ne3A_1548 = arith.cmpi ne, %rem3A_1546, %ne3A_1547 : i32
    %and3A_1549 = arith.andi %ne3A_1545, %ne3A_1548 : i1
    %sub3A_1550 = arith.constant 1 : i32
    %sub3A_1551 = arith.subi %div3A_1530, %sub3A_1550 : i32
    %select_n3A_1552 = arith.select %and3A_1549, %sub3A_1551, %div3A_1530 : i32
    %lt3A_1553 = vector.broadcast %select_n3A_1552 : i32 to vector<264x128xi32>
    %lt3A_1554 = arith.cmpi slt, %add3A, %lt3A_1553 : vector<264x128xi32>
    %and3A_1555 = arith.andi %and3A_1053, %lt3A_1554 : vector<264x128xi1>
    %jit3A_1556 = arith.constant 1 : i32
    %jit3A_1557 = arith.constant 0 : i32
    %broadcast_in_dim3A_1558 = vector.broadcast %jit3A_1556 : i32 to vector<264x128xi32>
    %broadcast_in_dim3A_1559 = vector.broadcast %jit3A_1557 : i32 to vector<264x128xi32>
    %select_n3A_1560 = arith.select %and3A_1555, %broadcast_in_dim3A_1558, %broadcast_in_dim3A_1559 : vector<264x128xi1>, vector<264x128xi32>
    %reduce_sum3A_1561 = vector.shape_cast %select_n3A_1560 : vector<264x128xi32> to vector<1x264x128xi32>
    %reduce_sum3A_1562 = arith.constant dense<0> : vector<1xi32>
    %reduce_sum3A_1563 = vector.multi_reduction <add>, %reduce_sum3A_1561, %reduce_sum3A_1562 [1, 2] : vector<1x264x128xi32> to vector<1xi32>
    %reduce_sum3A_1564 = vector.shape_cast %reduce_sum3A_1563 : vector<1xi32> to vector<1x1x1xi32>
    %reduce_sum3A_1565 = vector.extract %reduce_sum3A_1564[0, 0, 0] : i32 from vector<1x1x1xi32>
    %ge3A_1566 = arith.cmpi sge, %reduce_sum3A_1565, %select_n3A_1046 : i32
    %select_n3A_1567 = arith.select %ge3A_1566, %select_n3A_1552, %select_n3A_1524 : i32
    %add3A_1568 = arith.constant 1 : i32
    %add3A_1569 = arith.addi %select_n3A_1552, %add3A_1568 : i32
    %select_n3A_1570 = arith.select %ge3A_1566, %select_n3A_1527, %add3A_1569 : i32
    %add3A_1571 = arith.addi %select_n3A_1570, %select_n3A_1567 : i32
    %jit3A_1572 = arith.constant 2 : i32
    %div3A_1573 = arith.divsi %add3A_1571, %jit3A_1572 : i32
    %sign3A_1574 = arith.constant 0 : i32
    %sign3A_1575 = arith.cmpi sgt, %add3A_1571, %sign3A_1574 : i32
    %sign3A_1576 = arith.extui %sign3A_1575 : i1 to i32
    %sign3A_1577 = arith.constant 0 : i32
    %sign3A_1578 = arith.cmpi slt, %add3A_1571, %sign3A_1577 : i32
    %sign3A_1579 = arith.extui %sign3A_1578 : i1 to i32
    %sign3A_1580 = arith.subi %sign3A_1576, %sign3A_1579 : i32
    %sign3A_1581 = arith.constant 0 : i32
    %sign3A_1582 = arith.cmpi sgt, %jit3A_1572, %sign3A_1581 : i32
    %sign3A_1583 = arith.extui %sign3A_1582 : i1 to i32
    %sign3A_1584 = arith.constant 0 : i32
    %sign3A_1585 = arith.cmpi slt, %jit3A_1572, %sign3A_1584 : i32
    %sign3A_1586 = arith.extui %sign3A_1585 : i1 to i32
    %sign3A_1587 = arith.subi %sign3A_1583, %sign3A_1586 : i32
    %ne3A_1588 = arith.cmpi ne, %sign3A_1580, %sign3A_1587 : i32
    %rem3A_1589 = arith.remsi %add3A_1571, %jit3A_1572 : i32
    %ne3A_1590 = arith.constant 0 : i32
    %ne3A_1591 = arith.cmpi ne, %rem3A_1589, %ne3A_1590 : i32
    %and3A_1592 = arith.andi %ne3A_1588, %ne3A_1591 : i1
    %sub3A_1593 = arith.constant 1 : i32
    %sub3A_1594 = arith.subi %div3A_1573, %sub3A_1593 : i32
    %select_n3A_1595 = arith.select %and3A_1592, %sub3A_1594, %div3A_1573 : i32
    %lt3A_1596 = vector.broadcast %select_n3A_1595 : i32 to vector<264x128xi32>
    %lt3A_1597 = arith.cmpi slt, %add3A, %lt3A_1596 : vector<264x128xi32>
    %and3A_1598 = arith.andi %and3A_1053, %lt3A_1597 : vector<264x128xi1>
    %jit3A_1599 = arith.constant 1 : i32
    %jit3A_1600 = arith.constant 0 : i32
    %broadcast_in_dim3A_1601 = vector.broadcast %jit3A_1599 : i32 to vector<264x128xi32>
    %broadcast_in_dim3A_1602 = vector.broadcast %jit3A_1600 : i32 to vector<264x128xi32>
    %select_n3A_1603 = arith.select %and3A_1598, %broadcast_in_dim3A_1601, %broadcast_in_dim3A_1602 : vector<264x128xi1>, vector<264x128xi32>
    %reduce_sum3A_1604 = vector.shape_cast %select_n3A_1603 : vector<264x128xi32> to vector<1x264x128xi32>
    %reduce_sum3A_1605 = arith.constant dense<0> : vector<1xi32>
    %reduce_sum3A_1606 = vector.multi_reduction <add>, %reduce_sum3A_1604, %reduce_sum3A_1605 [1, 2] : vector<1x264x128xi32> to vector<1xi32>
    %reduce_sum3A_1607 = vector.shape_cast %reduce_sum3A_1606 : vector<1xi32> to vector<1x1x1xi32>
    %reduce_sum3A_1608 = vector.extract %reduce_sum3A_1607[0, 0, 0] : i32 from vector<1x1x1xi32>
    %ge3A_1609 = arith.cmpi sge, %reduce_sum3A_1608, %select_n3A_1046 : i32
    %select_n3A_1610 = arith.select %ge3A_1609, %select_n3A_1595, %select_n3A_1567 : i32
    %add3A_1611 = arith.constant 1 : i32
    %add3A_1612 = arith.addi %select_n3A_1595, %add3A_1611 : i32
    %select_n3A_1613 = arith.select %ge3A_1609, %select_n3A_1570, %add3A_1612 : i32
    %add3A_1614 = arith.addi %select_n3A_1613, %select_n3A_1610 : i32
    %jit3A_1615 = arith.constant 2 : i32
    %div3A_1616 = arith.divsi %add3A_1614, %jit3A_1615 : i32
    %sign3A_1617 = arith.constant 0 : i32
    %sign3A_1618 = arith.cmpi sgt, %add3A_1614, %sign3A_1617 : i32
    %sign3A_1619 = arith.extui %sign3A_1618 : i1 to i32
    %sign3A_1620 = arith.constant 0 : i32
    %sign3A_1621 = arith.cmpi slt, %add3A_1614, %sign3A_1620 : i32
    %sign3A_1622 = arith.extui %sign3A_1621 : i1 to i32
    %sign3A_1623 = arith.subi %sign3A_1619, %sign3A_1622 : i32
    %sign3A_1624 = arith.constant 0 : i32
    %sign3A_1625 = arith.cmpi sgt, %jit3A_1615, %sign3A_1624 : i32
    %sign3A_1626 = arith.extui %sign3A_1625 : i1 to i32
    %sign3A_1627 = arith.constant 0 : i32
    %sign3A_1628 = arith.cmpi slt, %jit3A_1615, %sign3A_1627 : i32
    %sign3A_1629 = arith.extui %sign3A_1628 : i1 to i32
    %sign3A_1630 = arith.subi %sign3A_1626, %sign3A_1629 : i32
    %ne3A_1631 = arith.cmpi ne, %sign3A_1623, %sign3A_1630 : i32
    %rem3A_1632 = arith.remsi %add3A_1614, %jit3A_1615 : i32
    %ne3A_1633 = arith.constant 0 : i32
    %ne3A_1634 = arith.cmpi ne, %rem3A_1632, %ne3A_1633 : i32
    %and3A_1635 = arith.andi %ne3A_1631, %ne3A_1634 : i1
    %sub3A_1636 = arith.constant 1 : i32
    %sub3A_1637 = arith.subi %div3A_1616, %sub3A_1636 : i32
    %select_n3A_1638 = arith.select %and3A_1635, %sub3A_1637, %div3A_1616 : i32
    %lt3A_1639 = vector.broadcast %select_n3A_1638 : i32 to vector<264x128xi32>
    %lt3A_1640 = arith.cmpi slt, %add3A, %lt3A_1639 : vector<264x128xi32>
    %and3A_1641 = arith.andi %and3A_1053, %lt3A_1640 : vector<264x128xi1>
    %jit3A_1642 = arith.constant 1 : i32
    %jit3A_1643 = arith.constant 0 : i32
    %broadcast_in_dim3A_1644 = vector.broadcast %jit3A_1642 : i32 to vector<264x128xi32>
    %broadcast_in_dim3A_1645 = vector.broadcast %jit3A_1643 : i32 to vector<264x128xi32>
    %select_n3A_1646 = arith.select %and3A_1641, %broadcast_in_dim3A_1644, %broadcast_in_dim3A_1645 : vector<264x128xi1>, vector<264x128xi32>
    %reduce_sum3A_1647 = vector.shape_cast %select_n3A_1646 : vector<264x128xi32> to vector<1x264x128xi32>
    %reduce_sum3A_1648 = arith.constant dense<0> : vector<1xi32>
    %reduce_sum3A_1649 = vector.multi_reduction <add>, %reduce_sum3A_1647, %reduce_sum3A_1648 [1, 2] : vector<1x264x128xi32> to vector<1xi32>
    %reduce_sum3A_1650 = vector.shape_cast %reduce_sum3A_1649 : vector<1xi32> to vector<1x1x1xi32>
    %reduce_sum3A_1651 = vector.extract %reduce_sum3A_1650[0, 0, 0] : i32 from vector<1x1x1xi32>
    %ge3A_1652 = arith.cmpi sge, %reduce_sum3A_1651, %select_n3A_1046 : i32
    %select_n3A_1653 = arith.select %ge3A_1652, %select_n3A_1638, %select_n3A_1610 : i32
    %add3A_1654 = arith.constant 1 : i32
    %add3A_1655 = arith.addi %select_n3A_1638, %add3A_1654 : i32
    %select_n3A_1656 = arith.select %ge3A_1652, %select_n3A_1613, %add3A_1655 : i32
    %add3A_1657 = arith.addi %select_n3A_1656, %select_n3A_1653 : i32
    %jit3A_1658 = arith.constant 2 : i32
    %div3A_1659 = arith.divsi %add3A_1657, %jit3A_1658 : i32
    %sign3A_1660 = arith.constant 0 : i32
    %sign3A_1661 = arith.cmpi sgt, %add3A_1657, %sign3A_1660 : i32
    %sign3A_1662 = arith.extui %sign3A_1661 : i1 to i32
    %sign3A_1663 = arith.constant 0 : i32
    %sign3A_1664 = arith.cmpi slt, %add3A_1657, %sign3A_1663 : i32
    %sign3A_1665 = arith.extui %sign3A_1664 : i1 to i32
    %sign3A_1666 = arith.subi %sign3A_1662, %sign3A_1665 : i32
    %sign3A_1667 = arith.constant 0 : i32
    %sign3A_1668 = arith.cmpi sgt, %jit3A_1658, %sign3A_1667 : i32
    %sign3A_1669 = arith.extui %sign3A_1668 : i1 to i32
    %sign3A_1670 = arith.constant 0 : i32
    %sign3A_1671 = arith.cmpi slt, %jit3A_1658, %sign3A_1670 : i32
    %sign3A_1672 = arith.extui %sign3A_1671 : i1 to i32
    %sign3A_1673 = arith.subi %sign3A_1669, %sign3A_1672 : i32
    %ne3A_1674 = arith.cmpi ne, %sign3A_1666, %sign3A_1673 : i32
    %rem3A_1675 = arith.remsi %add3A_1657, %jit3A_1658 : i32
    %ne3A_1676 = arith.constant 0 : i32
    %ne3A_1677 = arith.cmpi ne, %rem3A_1675, %ne3A_1676 : i32
    %and3A_1678 = arith.andi %ne3A_1674, %ne3A_1677 : i1
    %sub3A_1679 = arith.constant 1 : i32
    %sub3A_1680 = arith.subi %div3A_1659, %sub3A_1679 : i32
    %select_n3A_1681 = arith.select %and3A_1678, %sub3A_1680, %div3A_1659 : i32
    %lt3A_1682 = vector.broadcast %select_n3A_1681 : i32 to vector<264x128xi32>
    %lt3A_1683 = arith.cmpi slt, %add3A, %lt3A_1682 : vector<264x128xi32>
    %and3A_1684 = arith.andi %and3A_1053, %lt3A_1683 : vector<264x128xi1>
    %jit3A_1685 = arith.constant 1 : i32
    %jit3A_1686 = arith.constant 0 : i32
    %broadcast_in_dim3A_1687 = vector.broadcast %jit3A_1685 : i32 to vector<264x128xi32>
    %broadcast_in_dim3A_1688 = vector.broadcast %jit3A_1686 : i32 to vector<264x128xi32>
    %select_n3A_1689 = arith.select %and3A_1684, %broadcast_in_dim3A_1687, %broadcast_in_dim3A_1688 : vector<264x128xi1>, vector<264x128xi32>
    %reduce_sum3A_1690 = vector.shape_cast %select_n3A_1689 : vector<264x128xi32> to vector<1x264x128xi32>
    %reduce_sum3A_1691 = arith.constant dense<0> : vector<1xi32>
    %reduce_sum3A_1692 = vector.multi_reduction <add>, %reduce_sum3A_1690, %reduce_sum3A_1691 [1, 2] : vector<1x264x128xi32> to vector<1xi32>
    %reduce_sum3A_1693 = vector.shape_cast %reduce_sum3A_1692 : vector<1xi32> to vector<1x1x1xi32>
    %reduce_sum3A_1694 = vector.extract %reduce_sum3A_1693[0, 0, 0] : i32 from vector<1x1x1xi32>
    %ge3A_1695 = arith.cmpi sge, %reduce_sum3A_1694, %select_n3A_1046 : i32
    %select_n3A_1696 = arith.select %ge3A_1695, %select_n3A_1681, %select_n3A_1653 : i32
    %add3A_1697 = arith.constant 1 : i32
    %add3A_1698 = arith.addi %select_n3A_1681, %add3A_1697 : i32
    %select_n3A_1699 = arith.select %ge3A_1695, %select_n3A_1656, %add3A_1698 : i32
    %add3A_1700 = arith.addi %select_n3A_1699, %select_n3A_1696 : i32
    %jit3A_1701 = arith.constant 2 : i32
    %div3A_1702 = arith.divsi %add3A_1700, %jit3A_1701 : i32
    %sign3A_1703 = arith.constant 0 : i32
    %sign3A_1704 = arith.cmpi sgt, %add3A_1700, %sign3A_1703 : i32
    %sign3A_1705 = arith.extui %sign3A_1704 : i1 to i32
    %sign3A_1706 = arith.constant 0 : i32
    %sign3A_1707 = arith.cmpi slt, %add3A_1700, %sign3A_1706 : i32
    %sign3A_1708 = arith.extui %sign3A_1707 : i1 to i32
    %sign3A_1709 = arith.subi %sign3A_1705, %sign3A_1708 : i32
    %sign3A_1710 = arith.constant 0 : i32
    %sign3A_1711 = arith.cmpi sgt, %jit3A_1701, %sign3A_1710 : i32
    %sign3A_1712 = arith.extui %sign3A_1711 : i1 to i32
    %sign3A_1713 = arith.constant 0 : i32
    %sign3A_1714 = arith.cmpi slt, %jit3A_1701, %sign3A_1713 : i32
    %sign3A_1715 = arith.extui %sign3A_1714 : i1 to i32
    %sign3A_1716 = arith.subi %sign3A_1712, %sign3A_1715 : i32
    %ne3A_1717 = arith.cmpi ne, %sign3A_1709, %sign3A_1716 : i32
    %rem3A_1718 = arith.remsi %add3A_1700, %jit3A_1701 : i32
    %ne3A_1719 = arith.constant 0 : i32
    %ne3A_1720 = arith.cmpi ne, %rem3A_1718, %ne3A_1719 : i32
    %and3A_1721 = arith.andi %ne3A_1717, %ne3A_1720 : i1
    %sub3A_1722 = arith.constant 1 : i32
    %sub3A_1723 = arith.subi %div3A_1702, %sub3A_1722 : i32
    %select_n3A_1724 = arith.select %and3A_1721, %sub3A_1723, %div3A_1702 : i32
    %lt3A_1725 = vector.broadcast %select_n3A_1724 : i32 to vector<264x128xi32>
    %lt3A_1726 = arith.cmpi slt, %add3A, %lt3A_1725 : vector<264x128xi32>
    %and3A_1727 = arith.andi %and3A_1053, %lt3A_1726 : vector<264x128xi1>
    %jit3A_1728 = arith.constant 1 : i32
    %jit3A_1729 = arith.constant 0 : i32
    %broadcast_in_dim3A_1730 = vector.broadcast %jit3A_1728 : i32 to vector<264x128xi32>
    %broadcast_in_dim3A_1731 = vector.broadcast %jit3A_1729 : i32 to vector<264x128xi32>
    %select_n3A_1732 = arith.select %and3A_1727, %broadcast_in_dim3A_1730, %broadcast_in_dim3A_1731 : vector<264x128xi1>, vector<264x128xi32>
    %reduce_sum3A_1733 = vector.shape_cast %select_n3A_1732 : vector<264x128xi32> to vector<1x264x128xi32>
    %reduce_sum3A_1734 = arith.constant dense<0> : vector<1xi32>
    %reduce_sum3A_1735 = vector.multi_reduction <add>, %reduce_sum3A_1733, %reduce_sum3A_1734 [1, 2] : vector<1x264x128xi32> to vector<1xi32>
    %reduce_sum3A_1736 = vector.shape_cast %reduce_sum3A_1735 : vector<1xi32> to vector<1x1x1xi32>
    %reduce_sum3A_1737 = vector.extract %reduce_sum3A_1736[0, 0, 0] : i32 from vector<1x1x1xi32>
    %ge3A_1738 = arith.cmpi sge, %reduce_sum3A_1737, %select_n3A_1046 : i32
    %select_n3A_1739 = arith.select %ge3A_1738, %select_n3A_1724, %select_n3A_1696 : i32
    %lt3A_1740 = vector.broadcast %select_n3A_1739 : i32 to vector<264x128xi32>
    %lt3A_1741 = arith.cmpi slt, %add3A, %lt3A_1740 : vector<264x128xi32>
    %and3A_1742 = arith.andi %and3A_1053, %lt3A_1741 : vector<264x128xi1>
    %or3A_1743 = arith.ori %and3A_1050, %and3A_1742 : vector<264x128xi1>
    %jit3A_1744 = arith.constant 1.000000e+00 : f32
    %jit3A_1745 = arith.constant 0.000000e+00 : f32
    %broadcast_in_dim3A_1746 = vector.broadcast %jit3A_1744 : f32 to vector<264x128xf32>
    %broadcast_in_dim3A_1747 = vector.broadcast %jit3A_1745 : f32 to vector<264x128xf32>
    %select_n3A_1748 = arith.select %or3A_1743, %broadcast_in_dim3A_1746, %broadcast_in_dim3A_1747 : vector<264x128xi1>, vector<264x128xf32>
    %dot_general3A = arith.constant dense<0.000000e+00> : vector<264x128xf32>
    %dot_general3A_1749 = tpu.matmul %select_n3A_1748, %get3A_18, %dot_general3A {dimension_numbers = #tpu.dot_dimension_numbers<[1], [0], [0], [1], [0, 0, 1, 1], [], []>, precision = #tpu.contract_precision<fp32>, transpose_lhs_hint = false} : vector<264x128xf32>, vector<128x128xf32>, vector<264x128xf32> -> vector<264x128xf32>
    %reduce_sum3A_1750 = arith.constant dense<0.000000e+00> : vector<264xf32>
    %reduce_sum3A_1751 = vector.multi_reduction <add>, %select_n3A_1748, %reduce_sum3A_1750 [1] : vector<264x128xf32> to vector<264xf32>
    %broadcast_in_dim3A_1752 = vector.shape_cast %reduce_sum3A_1751 : vector<264xf32> to vector<264x1xf32>
    %dot_general3A_1753 = arith.constant dense<0.000000e+00> : vector<264x1xf32>
    %dot_general3A_1754 = tpu.matmul %get3A_21, %broadcast_in_dim3A_1752, %dot_general3A_1753 {dimension_numbers = #tpu.dot_dimension_numbers<[1], [0], [0], [1], [0, 0, 1, 1], [], []>, precision = #tpu.contract_precision<fp32>, transpose_lhs_hint = false} : vector<264x264xf32>, vector<264x1xf32>, vector<264x1xf32> -> vector<264x1xf32>
    %add3A_1755 = vector.broadcast %dot_general3A_1754 : vector<264x1xf32> to vector<264x128xf32>
    %add3A_1756 = arith.addf %add3A_1755, %dot_general3A_1749 : vector<264x128xf32>
    %convert_element_type3A = arith.fptosi %add3A_1756 : vector<264x128xf32> to vector<264x128xi32>
    %and3A_1757 = arith.constant 2047 : i32
    %and3A_1758 = vector.broadcast %and3A_1757 : i32 to vector<264x128xi32>
    %and3A_1759 = arith.andi %add3A, %and3A_1758 : vector<264x128xi32>
    %add3A_1760 = arith.constant 6016 : i32
    %add3A_1761 = vector.broadcast %add3A_1760 : i32 to vector<264x128xi32>
    %add3A_1762 = arith.addi %add3A_1761, %and3A_1759 : vector<264x128xi32>
    %select_n3A_1763 = arith.select %or3A_1743, %convert_element_type3A, %add3A_1762 : vector<264x128xi1>, vector<264x128xi32>
    %add3A_1764 = arith.constant 0 : i32
    %add3A_1765 = vector.broadcast %add3A_1764 : i32 to vector<264x128xi32>
    %add3A_1766 = arith.addi %select_n3A_1763, %add3A_1765 : vector<264x128xi32>
    %swap3A = arith.constant 0 : index
    %swap3A_1767 = arith.constant 0 : index
    %swap3A_1768 = arith.constant 0 : index
    %swap3A_1769 = vector.load %arg14[%swap3A, %swap3A_1767, %swap3A_1768] : memref<2x264x128xi32, #tpu.memory_space<vmem>>, vector<1x264x128xi32>
    %swap3A_1770 = vector.shape_cast %swap3A_1769 : vector<1x264x128xi32> to vector<264x128xi32>
    %swap3A_1771 = vector.shape_cast %add3A_1766 : vector<264x128xi32> to vector<1x264x128xi32>
    tpu.vector_store %arg14[%swap3A, %swap3A_1767, %swap3A_1768], %swap3A_1771 {strides = array<i32>} : memref<2x264x128xi32, #tpu.memory_space<vmem>>, vector<1x264x128xi32>,
    %xor3A_1772 = arith.constant -2147483648 : i32
    %xor3A_1773 = vector.broadcast %xor3A_1772 : i32 to vector<264x128xi32>
    %xor3A_1774 = arith.xori %xor3A_118, %xor3A_1773 : vector<264x128xi32>
    %shift_right_arithmetic3A = arith.constant 16 : i32
    %shift_right_arithmetic3A_1775 = vector.broadcast %shift_right_arithmetic3A : i32 to vector<264x128xi32>
    %shift_right_arithmetic3A_1776 = arith.shrsi %xor3A_1774, %shift_right_arithmetic3A_1775 : vector<264x128xi32>
    %and3A_1777 = arith.constant 65535 : i32
    %and3A_1778 = vector.broadcast %and3A_1777 : i32 to vector<264x128xi32>
    %and3A_1779 = arith.andi %shift_right_arithmetic3A_1776, %and3A_1778 : vector<264x128xi32>
    %convert_element_type3A_1780 = arith.sitofp %and3A_1779 : vector<264x128xi32> to vector<264x128xf32>
    %and3A_1781 = arith.constant 65535 : i32
    %and3A_1782 = vector.broadcast %and3A_1781 : i32 to vector<264x128xi32>
    %and3A_1783 = arith.andi %xor3A_1774, %and3A_1782 : vector<264x128xi32>
    %convert_element_type3A_1784 = arith.sitofp %and3A_1783 : vector<264x128xi32> to vector<264x128xf32>
    %broadcast_in_dim3A_1785 = arith.constant 0.000000e+00 : f32
    %broadcast_in_dim3A_1786 = vector.broadcast %broadcast_in_dim3A_1785 : f32 to vector<264x2048xf32>
    %get3A_1787 = arith.constant 0 : index
    %get3A_1788 = arith.constant 0 : index
    %get3A_1789 = arith.constant 0 : index
    %get3A_1790 = vector.load %arg12[%get3A_1787, %get3A_1788, %get3A_1789] : memref<7x128x2048xf32, #tpu.memory_space<vmem>>, vector<1x128x2048xf32>
    %get3A_1791 = vector.shape_cast %get3A_1790 : vector<1x128x2048xf32> to vector<128x2048xf32>
    %dot_general3A_1792 = arith.constant dense<0.000000e+00> : vector<264x2048xf32>
    %dot_general3A_1793 = tpu.matmul %min3A_87, %get3A_1791, %dot_general3A_1792 {dimension_numbers = #tpu.dot_dimension_numbers<[1], [0], [0], [1], [0, 0, 1, 1], [], []>, precision = #tpu.contract_precision<fp32>, transpose_lhs_hint = false} : vector<264x128xf32>, vector<128x2048xf32>, vector<264x2048xf32> -> vector<264x2048xf32>
    %add3A_1794 = arith.addf %broadcast_in_dim3A_1786, %dot_general3A_1793 : vector<264x2048xf32>
    %get3A_1795 = arith.constant 1 : index
    %get3A_1796 = arith.constant 0 : index
    %get3A_1797 = arith.constant 0 : index
    %get3A_1798 = vector.load %arg12[%get3A_1795, %get3A_1796, %get3A_1797] : memref<7x128x2048xf32, #tpu.memory_space<vmem>>, vector<1x128x2048xf32>
    %get3A_1799 = vector.shape_cast %get3A_1798 : vector<1x128x2048xf32> to vector<128x2048xf32>
    %dot_general3A_1800 = arith.constant dense<0.000000e+00> : vector<264x2048xf32>
    %dot_general3A_1801 = tpu.matmul %min3A_92, %get3A_1799, %dot_general3A_1800 {dimension_numbers = #tpu.dot_dimension_numbers<[1], [0], [0], [1], [0, 0, 1, 1], [], []>, precision = #tpu.contract_precision<fp32>, transpose_lhs_hint = false} : vector<264x128xf32>, vector<128x2048xf32>, vector<264x2048xf32> -> vector<264x2048xf32>
    %add3A_1802 = arith.addf %add3A_1794, %dot_general3A_1801 : vector<264x2048xf32>
    %get3A_1803 = arith.constant 2 : index
    %get3A_1804 = arith.constant 0 : index
    %get3A_1805 = arith.constant 0 : index
    %get3A_1806 = vector.load %arg12[%get3A_1803, %get3A_1804, %get3A_1805] : memref<7x128x2048xf32, #tpu.memory_space<vmem>>, vector<1x128x2048xf32>
    %get3A_1807 = vector.shape_cast %get3A_1806 : vector<1x128x2048xf32> to vector<128x2048xf32>
    %dot_general3A_1808 = arith.constant dense<0.000000e+00> : vector<264x2048xf32>
    %dot_general3A_1809 = tpu.matmul %min3A_97, %get3A_1807, %dot_general3A_1808 {dimension_numbers = #tpu.dot_dimension_numbers<[1], [0], [0], [1], [0, 0, 1, 1], [], []>, precision = #tpu.contract_precision<fp32>, transpose_lhs_hint = false} : vector<264x128xf32>, vector<128x2048xf32>, vector<264x2048xf32> -> vector<264x2048xf32>
    %add3A_1810 = arith.addf %add3A_1802, %dot_general3A_1809 : vector<264x2048xf32>
    %get3A_1811 = arith.constant 3 : index
    %get3A_1812 = arith.constant 0 : index
    %get3A_1813 = arith.constant 0 : index
    %get3A_1814 = vector.load %arg12[%get3A_1811, %get3A_1812, %get3A_1813] : memref<7x128x2048xf32, #tpu.memory_space<vmem>>, vector<1x128x2048xf32>
    %get3A_1815 = vector.shape_cast %get3A_1814 : vector<1x128x2048xf32> to vector<128x2048xf32>
    %dot_general3A_1816 = arith.constant dense<0.000000e+00> : vector<264x2048xf32>
    %dot_general3A_1817 = tpu.matmul %min3A_102, %get3A_1815, %dot_general3A_1816 {dimension_numbers = #tpu.dot_dimension_numbers<[1], [0], [0], [1], [0, 0, 1, 1], [], []>, precision = #tpu.contract_precision<fp32>, transpose_lhs_hint = false} : vector<264x128xf32>, vector<128x2048xf32>, vector<264x2048xf32> -> vector<264x2048xf32>
    %add3A_1818 = arith.addf %add3A_1810, %dot_general3A_1817 : vector<264x2048xf32>
    %get3A_1819 = arith.constant 4 : index
    %get3A_1820 = arith.constant 0 : index
    %get3A_1821 = arith.constant 0 : index
    %get3A_1822 = vector.load %arg12[%get3A_1819, %get3A_1820, %get3A_1821] : memref<7x128x2048xf32, #tpu.memory_space<vmem>>, vector<1x128x2048xf32>
    %get3A_1823 = vector.shape_cast %get3A_1822 : vector<1x128x2048xf32> to vector<128x2048xf32>
    %dot_general3A_1824 = arith.constant dense<0.000000e+00> : vector<264x2048xf32>
    %dot_general3A_1825 = tpu.matmul %mul3A_111, %get3A_1823, %dot_general3A_1824 {dimension_numbers = #tpu.dot_dimension_numbers<[1], [0], [0], [1], [0, 0, 1, 1], [], []>, precision = #tpu.contract_precision<fp32>, transpose_lhs_hint = false} : vector<264x128xf32>, vector<128x2048xf32>, vector<264x2048xf32> -> vector<264x2048xf32>
    %add3A_1826 = arith.addf %add3A_1818, %dot_general3A_1825 : vector<264x2048xf32>
    %get3A_1827 = arith.constant 5 : index
    %get3A_1828 = arith.constant 0 : index
    %get3A_1829 = arith.constant 0 : index
    %get3A_1830 = vector.load %arg12[%get3A_1827, %get3A_1828, %get3A_1829] : memref<7x128x2048xf32, #tpu.memory_space<vmem>>, vector<1x128x2048xf32>
    %get3A_1831 = vector.shape_cast %get3A_1830 : vector<1x128x2048xf32> to vector<128x2048xf32>
    %dot_general3A_1832 = arith.constant dense<0.000000e+00> : vector<264x2048xf32>
    %dot_general3A_1833 = tpu.matmul %convert_element_type3A_1780, %get3A_1831, %dot_general3A_1832 {dimension_numbers = #tpu.dot_dimension_numbers<[1], [0], [0], [1], [0, 0, 1, 1], [], []>, precision = #tpu.contract_precision<fp32>, transpose_lhs_hint = false} : vector<264x128xf32>, vector<128x2048xf32>, vector<264x2048xf32> -> vector<264x2048xf32>
    %add3A_1834 = arith.addf %add3A_1826, %dot_general3A_1833 : vector<264x2048xf32>
    %get3A_1835 = arith.constant 6 : index
    %get3A_1836 = arith.constant 0 : index
    %get3A_1837 = arith.constant 0 : index
    %get3A_1838 = vector.load %arg12[%get3A_1835, %get3A_1836, %get3A_1837] : memref<7x128x2048xf32, #tpu.memory_space<vmem>>, vector<1x128x2048xf32>
    %get3A_1839 = vector.shape_cast %get3A_1838 : vector<1x128x2048xf32> to vector<128x2048xf32>
    %dot_general3A_1840 = arith.constant dense<0.000000e+00> : vector<264x2048xf32>
    %dot_general3A_1841 = tpu.matmul %convert_element_type3A_1784, %get3A_1839, %dot_general3A_1840 {dimension_numbers = #tpu.dot_dimension_numbers<[1], [0], [0], [1], [0, 0, 1, 1], [], []>, precision = #tpu.contract_precision<fp32>, transpose_lhs_hint = false} : vector<264x128xf32>, vector<128x2048xf32>, vector<264x2048xf32> -> vector<264x2048xf32>
    %add3A_1842 = arith.addf %add3A_1834, %dot_general3A_1841 : vector<264x2048xf32>
    %swap3A_1843 = arith.constant 0 : index
    %swap3A_1844 = arith.constant 0 : index
    %swap3A_1845 = arith.constant 0 : index
    %swap3A_1846 = vector.load %arg13[%swap3A_1843, %swap3A_1844, %swap3A_1845] : memref<2x264x2048xf32, #tpu.memory_space<vmem>>, vector<1x264x2048xf32>
    %swap3A_1847 = vector.shape_cast %swap3A_1846 : vector<1x264x2048xf32> to vector<264x2048xf32>
    %swap3A_1848 = vector.shape_cast %add3A_1842 : vector<264x2048xf32> to vector<1x264x2048xf32>
    tpu.vector_store %arg13[%swap3A_1843, %swap3A_1844, %swap3A_1845], %swap3A_1848 {strides = array<i32>} : memref<2x264x2048xf32, #tpu.memory_space<vmem>>, vector<1x264x2048xf32>,
    %get3A_1849 = arith.constant 1 : index
    %get3A_1850 = arith.constant 0 : index
    %get3A_1851 = arith.constant 0 : index
    %get3A_1852 = vector.load %arg1[%get3A_1849, %get3A_1850, %get3A_1851] : memref<2x264x128xf32, #tpu.memory_space<vmem>>, vector<1x264x128xf32>
    %get3A_1853 = vector.shape_cast %get3A_1852 : vector<1x264x128xf32> to vector<264x128xf32>
    %get3A_1854 = arith.constant 1 : index
    %get3A_1855 = arith.constant 0 : index
    %get3A_1856 = arith.constant 0 : index
    %get3A_1857 = vector.load %arg2[%get3A_1854, %get3A_1855, %get3A_1856] : memref<2x264x128xf32, #tpu.memory_space<vmem>>, vector<1x264x128xf32>
    %get3A_1858 = vector.shape_cast %get3A_1857 : vector<1x264x128xf32> to vector<264x128xf32>
    %mul3A_1859 = arith.mulf %get3A_1858, %get3A_6 : vector<264x128xf32>
    %add3A_1860 = arith.addf %mul3A_1859, %get3A_12 : vector<264x128xf32>
    %get3A_1861 = arith.constant 1 : index
    %get3A_1862 = arith.constant 0 : index
    %get3A_1863 = arith.constant 0 : index
    %get3A_1864 = vector.load %arg3[%get3A_1861, %get3A_1862, %get3A_1863] : memref<2x264x128xf32, #tpu.memory_space<vmem>>, vector<1x264x128xf32>
    %get3A_1865 = vector.shape_cast %get3A_1864 : vector<1x264x128xf32> to vector<264x128xf32>
    %mul3A_1866 = arith.mulf %get3A_1865, %get3A_9 : vector<264x128xf32>
    %add3A_1867 = arith.addf %mul3A_1866, %get3A_15 : vector<264x128xf32>
    %get3A_1868 = arith.constant 1 : index
    %get3A_1869 = arith.constant 0 : index
    %get3A_1870 = arith.constant 0 : index
    %get3A_1871 = vector.load %arg4[%get3A_1868, %get3A_1869, %get3A_1870] : memref<2x264x128xf32, #tpu.memory_space<vmem>>, vector<1x264x128xf32>
    %get3A_1872 = vector.shape_cast %get3A_1871 : vector<1x264x128xf32> to vector<264x128xf32>
    %exp3A_1873 = math.exp %get3A_1872 : vector<264x128xf32>
    %mul3A_1874 = arith.mulf %exp3A_1873, %get3A_6 : vector<264x128xf32>
    %get3A_1875 = arith.constant 1 : index
    %get3A_1876 = arith.constant 0 : index
    %get3A_1877 = arith.constant 0 : index
    %get3A_1878 = vector.load %arg5[%get3A_1875, %get3A_1876, %get3A_1877] : memref<2x264x128xf32, #tpu.memory_space<vmem>>, vector<1x264x128xf32>
    %get3A_1879 = vector.shape_cast %get3A_1878 : vector<1x264x128xf32> to vector<264x128xf32>
    %exp3A_1880 = math.exp %get3A_1879 : vector<264x128xf32>
    %mul3A_1881 = arith.mulf %exp3A_1880, %get3A_9 : vector<264x128xf32>
    %mul3A_1882 = arith.constant 5.000000e-01 : f32
    %mul3A_1883 = vector.broadcast %mul3A_1882 : f32 to vector<264x128xf32>
    %mul3A_1884 = arith.mulf %mul3A_1883, %mul3A_1874 : vector<264x128xf32>
    %sub3A_1885 = arith.subf %add3A_1860, %mul3A_1884 : vector<264x128xf32>
    %mul3A_1886 = arith.constant 5.000000e-01 : f32
    %mul3A_1887 = vector.broadcast %mul3A_1886 : f32 to vector<264x128xf32>
    %mul3A_1888 = arith.mulf %mul3A_1887, %mul3A_1881 : vector<264x128xf32>
    %sub3A_1889 = arith.subf %add3A_1867, %mul3A_1888 : vector<264x128xf32>
    %mul3A_1890 = arith.constant 5.000000e-01 : f32
    %mul3A_1891 = vector.broadcast %mul3A_1890 : f32 to vector<264x128xf32>
    %mul3A_1892 = arith.mulf %mul3A_1891, %mul3A_1874 : vector<264x128xf32>
    %add3A_1893 = arith.addf %add3A_1860, %mul3A_1892 : vector<264x128xf32>
    %mul3A_1894 = arith.constant 5.000000e-01 : f32
    %mul3A_1895 = vector.broadcast %mul3A_1894 : f32 to vector<264x128xf32>
    %mul3A_1896 = arith.mulf %mul3A_1895, %mul3A_1881 : vector<264x128xf32>
    %add3A_1897 = arith.addf %add3A_1867, %mul3A_1896 : vector<264x128xf32>
    %get3A_1898 = arith.constant 1 : index
    %get3A_1899 = arith.constant 0 : index
    %get3A_1900 = arith.constant 0 : index
    %get3A_1901 = vector.load %arg0[%get3A_1898, %get3A_1899, %get3A_1900] : memref<2x8x128xf32, #tpu.memory_space<vmem>>, vector<1x1x128xf32>
    %get3A_1902 = vector.shape_cast %get3A_1901 : vector<1x1x128xf32> to vector<1x128xf32>
    %sub3A_1903 = arith.constant 1.000000e+00 : f32
    %sub3A_1904 = vector.broadcast %sub3A_1903 : f32 to vector<1x128xf32>
    %sub3A_1905 = arith.subf %get3A_1902, %sub3A_1904 : vector<1x128xf32>
    %get3A_1906 = arith.constant 1 : index
    %get3A_1907 = arith.constant 1 : index
    %get3A_1908 = arith.constant 0 : index
    %get3A_1909 = vector.load %arg0[%get3A_1906, %get3A_1907, %get3A_1908] : memref<2x8x128xf32, #tpu.memory_space<vmem>>, vector<1x1x128xf32>
    %get3A_1910 = vector.shape_cast %get3A_1909 : vector<1x1x128xf32> to vector<1x128xf32>
    %sub3A_1911 = arith.constant 1.000000e+00 : f32
    %sub3A_1912 = vector.broadcast %sub3A_1911 : f32 to vector<1x128xf32>
    %sub3A_1913 = arith.subf %get3A_1910, %sub3A_1912 : vector<1x128xf32>
    %max3A_1914 = arith.constant 0.000000e+00 : f32
    %max3A_1915 = vector.broadcast %max3A_1914 : f32 to vector<264x128xf32>
    %max3A_1916 = arith.maximumf %sub3A_1885, %max3A_1915 : vector<264x128xf32>
    %min3A_1917 = vector.broadcast %sub3A_1913 : vector<1x128xf32> to vector<264x128xf32>
    %min3A_1918 = arith.minimumf %max3A_1916, %min3A_1917 : vector<264x128xf32>
    %max3A_1919 = arith.constant 0.000000e+00 : f32
    %max3A_1920 = vector.broadcast %max3A_1919 : f32 to vector<264x128xf32>
    %max3A_1921 = arith.maximumf %sub3A_1889, %max3A_1920 : vector<264x128xf32>
    %min3A_1922 = vector.broadcast %sub3A_1905 : vector<1x128xf32> to vector<264x128xf32>
    %min3A_1923 = arith.minimumf %max3A_1921, %min3A_1922 : vector<264x128xf32>
    %max3A_1924 = arith.constant 0.000000e+00 : f32
    %max3A_1925 = vector.broadcast %max3A_1924 : f32 to vector<264x128xf32>
    %max3A_1926 = arith.maximumf %add3A_1893, %max3A_1925 : vector<264x128xf32>
    %min3A_1927 = vector.broadcast %sub3A_1913 : vector<1x128xf32> to vector<264x128xf32>
    %min3A_1928 = arith.minimumf %max3A_1926, %min3A_1927 : vector<264x128xf32>
    %max3A_1929 = arith.constant 0.000000e+00 : f32
    %max3A_1930 = vector.broadcast %max3A_1929 : f32 to vector<264x128xf32>
    %max3A_1931 = arith.maximumf %add3A_1897, %max3A_1930 : vector<264x128xf32>
    %min3A_1932 = vector.broadcast %sub3A_1905 : vector<1x128xf32> to vector<264x128xf32>
    %min3A_1933 = arith.minimumf %max3A_1931, %min3A_1932 : vector<264x128xf32>
    %sub3A_1934 = arith.subf %min3A_1928, %min3A_1918 : vector<264x128xf32>
    %add3A_1935 = arith.constant 1.000000e+00 : f32
    %add3A_1936 = vector.broadcast %add3A_1935 : f32 to vector<264x128xf32>
    %add3A_1937 = arith.addf %sub3A_1934, %add3A_1936 : vector<264x128xf32>
    %sub3A_1938 = arith.subf %min3A_1933, %min3A_1923 : vector<264x128xf32>
    %add3A_1939 = arith.constant 1.000000e+00 : f32
    %add3A_1940 = vector.broadcast %add3A_1939 : f32 to vector<264x128xf32>
    %add3A_1941 = arith.addf %sub3A_1938, %add3A_1940 : vector<264x128xf32>
    %mul3A_1942 = arith.mulf %add3A_1937, %add3A_1941 : vector<264x128xf32>
    %bitcast_convert_type3A_1943 = tpu.bitcast %get3A_1853 : vector<264x128xf32> -> vector<264x128xi32>
    %ge3A_1944 = arith.constant 0 : i32
    %ge3A_1945 = vector.broadcast %ge3A_1944 : i32 to vector<264x128xi32>
    %ge3A_1946 = arith.cmpi sge, %bitcast_convert_type3A_1943, %ge3A_1945 : vector<264x128xi32>
    %or3A_1947 = arith.constant -2147483648 : i32
    %or3A_1948 = vector.broadcast %or3A_1947 : i32 to vector<264x128xi32>
    %or3A_1949 = arith.ori %bitcast_convert_type3A_1943, %or3A_1948 : vector<264x128xi32>
    %not3A_1950 = arith.constant dense<-1> : vector<264x128xi32>
    %not3A_1951 = arith.xori %bitcast_convert_type3A_1943, %not3A_1950 : vector<264x128xi32>
    %select_n3A_1952 = arith.select %ge3A_1946, %or3A_1949, %not3A_1951 : vector<264x128xi1>, vector<264x128xi32>
    %xor3A_1953 = arith.constant -2147483648 : i32
    %xor3A_1954 = vector.broadcast %xor3A_1953 : i32 to vector<264x128xi32>
    %xor3A_1955 = arith.xori %select_n3A_1952, %xor3A_1954 : vector<264x128xi32>
    %and3A_1956 = arith.constant 0 : i32
    %and3A_1957 = vector.broadcast %and3A_1956 : i32 to vector<264x128xi32>
    %and3A_1958 = arith.andi %select_n3A_1952, %and3A_1957 : vector<264x128xi32>
    %eq3A_1959 = arith.constant 0 : i32
    %eq3A_1960 = vector.broadcast %eq3A_1959 : i32 to vector<264x128xi32>
    %eq3A_1961 = arith.cmpi eq, %and3A_1958, %eq3A_1960 : vector<264x128xi32>
    %and3A_1962 = arith.andi %eq3A_1961, %lt3A_4 : vector<264x128xi1>
    %and3A_1963 = arith.constant -2147483648 : i32
    %and3A_1964 = vector.broadcast %and3A_1963 : i32 to vector<264x128xi32>
    %and3A_1965 = arith.andi %select_n3A_1952, %and3A_1964 : vector<264x128xi32>
    %ne3A_1966 = arith.constant 0 : i32
    %ne3A_1967 = vector.broadcast %ne3A_1966 : i32 to vector<264x128xi32>
    %ne3A_1968 = arith.cmpi ne, %and3A_1965, %ne3A_1967 : vector<264x128xi32>
    %and3A_1969 = arith.andi %and3A_1962, %ne3A_1968 : vector<264x128xi1>
    %jit3A_1970 = arith.constant 1 : i32
    %jit3A_1971 = arith.constant 0 : i32
    %broadcast_in_dim3A_1972 = vector.broadcast %jit3A_1970 : i32 to vector<264x128xi32>
    %broadcast_in_dim3A_1973 = vector.broadcast %jit3A_1971 : i32 to vector<264x128xi32>
    %select_n3A_1974 = arith.select %and3A_1969, %broadcast_in_dim3A_1972, %broadcast_in_dim3A_1973 : vector<264x128xi1>, vector<264x128xi32>
    %reduce_sum3A_1975 = vector.shape_cast %select_n3A_1974 : vector<264x128xi32> to vector<1x264x128xi32>
    %reduce_sum3A_1976 = arith.constant dense<0> : vector<1xi32>
    %reduce_sum3A_1977 = vector.multi_reduction <add>, %reduce_sum3A_1975, %reduce_sum3A_1976 [1, 2] : vector<1x264x128xi32> to vector<1xi32>
    %reduce_sum3A_1978 = vector.shape_cast %reduce_sum3A_1977 : vector<1xi32> to vector<1x1x1xi32>
    %reduce_sum3A_1979 = vector.extract %reduce_sum3A_1978[0, 0, 0] : i32 from vector<1x1x1xi32>
    %ge3A_1980 = arith.constant 6000 : i32
    %ge3A_1981 = arith.cmpi sge, %reduce_sum3A_1979, %ge3A_1980 : i32
    %or3A_1982 = arith.constant 0 : i32
    %or3A_1983 = arith.constant -2147483648 : i32
    %or3A_1984 = arith.ori %or3A_1982, %or3A_1983 : i32
    %jit3A_1985 = arith.constant 0 : i32
    %select_n3A_1986 = arith.select %ge3A_1981, %or3A_1984, %jit3A_1985 : i32
    %sub3A_1987 = arith.constant 6000 : i32
    %sub3A_1988 = arith.subi %sub3A_1987, %reduce_sum3A_1979 : i32
    %jit3A_1989 = arith.constant 6000 : i32
    %select_n3A_1990 = arith.select %ge3A_1981, %jit3A_1989, %sub3A_1988 : i32
    %and3A_1991 = arith.constant -2147483648 : i32
    %and3A_1992 = vector.broadcast %and3A_1991 : i32 to vector<264x128xi32>
    %and3A_1993 = arith.andi %select_n3A_1952, %and3A_1992 : vector<264x128xi32>
    %eq3A_1994 = vector.broadcast %select_n3A_1986 : i32 to vector<264x128xi32>
    %eq3A_1995 = arith.cmpi eq, %and3A_1993, %eq3A_1994 : vector<264x128xi32>
    %and3A_1996 = arith.andi %eq3A_1995, %lt3A_4 : vector<264x128xi1>
    %and3A_1997 = arith.constant 1073741824 : i32
    %and3A_1998 = vector.broadcast %and3A_1997 : i32 to vector<264x128xi32>
    %and3A_1999 = arith.andi %select_n3A_1952, %and3A_1998 : vector<264x128xi32>
    %ne3A_2000 = arith.constant 0 : i32
    %ne3A_2001 = vector.broadcast %ne3A_2000 : i32 to vector<264x128xi32>
    %ne3A_2002 = arith.cmpi ne, %and3A_1999, %ne3A_2001 : vector<264x128xi32>
    %and3A_2003 = arith.andi %and3A_1996, %ne3A_2002 : vector<264x128xi1>
    %jit3A_2004 = arith.constant 1 : i32
    %jit3A_2005 = arith.constant 0 : i32
    %broadcast_in_dim3A_2006 = vector.broadcast %jit3A_2004 : i32 to vector<264x128xi32>
    %broadcast_in_dim3A_2007 = vector.broadcast %jit3A_2005 : i32 to vector<264x128xi32>
    %select_n3A_2008 = arith.select %and3A_2003, %broadcast_in_dim3A_2006, %broadcast_in_dim3A_2007 : vector<264x128xi1>, vector<264x128xi32>
    %reduce_sum3A_2009 = vector.shape_cast %select_n3A_2008 : vector<264x128xi32> to vector<1x264x128xi32>
    %reduce_sum3A_2010 = arith.constant dense<0> : vector<1xi32>
    %reduce_sum3A_2011 = vector.multi_reduction <add>, %reduce_sum3A_2009, %reduce_sum3A_2010 [1, 2] : vector<1x264x128xi32> to vector<1xi32>
    %reduce_sum3A_2012 = vector.shape_cast %reduce_sum3A_2011 : vector<1xi32> to vector<1x1x1xi32>
    %reduce_sum3A_2013 = vector.extract %reduce_sum3A_2012[0, 0, 0] : i32 from vector<1x1x1xi32>
    %ge3A_2014 = arith.cmpi sge, %reduce_sum3A_2013, %select_n3A_1990 : i32
    %or3A_2015 = arith.constant 1073741824 : i32
    %or3A_2016 = arith.ori %select_n3A_1986, %or3A_2015 : i32
    %select_n3A_2017 = arith.select %ge3A_2014, %or3A_2016, %select_n3A_1986 : i32
    %sub3A_2018 = arith.subi %select_n3A_1990, %reduce_sum3A_2013 : i32
    %select_n3A_2019 = arith.select %ge3A_2014, %select_n3A_1990, %sub3A_2018 : i32
    %and3A_2020 = arith.constant -1073741824 : i32
    %and3A_2021 = vector.broadcast %and3A_2020 : i32 to vector<264x128xi32>
    %and3A_2022 = arith.andi %select_n3A_1952, %and3A_2021 : vector<264x128xi32>
    %eq3A_2023 = vector.broadcast %select_n3A_2017 : i32 to vector<264x128xi32>
    %eq3A_2024 = arith.cmpi eq, %and3A_2022, %eq3A_2023 : vector<264x128xi32>
    %and3A_2025 = arith.andi %eq3A_2024, %lt3A_4 : vector<264x128xi1>
    %and3A_2026 = arith.constant 536870912 : i32
    %and3A_2027 = vector.broadcast %and3A_2026 : i32 to vector<264x128xi32>
    %and3A_2028 = arith.andi %select_n3A_1952, %and3A_2027 : vector<264x128xi32>
    %ne3A_2029 = arith.constant 0 : i32
    %ne3A_2030 = vector.broadcast %ne3A_2029 : i32 to vector<264x128xi32>
    %ne3A_2031 = arith.cmpi ne, %and3A_2028, %ne3A_2030 : vector<264x128xi32>
    %and3A_2032 = arith.andi %and3A_2025, %ne3A_2031 : vector<264x128xi1>
    %jit3A_2033 = arith.constant 1 : i32
    %jit3A_2034 = arith.constant 0 : i32
    %broadcast_in_dim3A_2035 = vector.broadcast %jit3A_2033 : i32 to vector<264x128xi32>
    %broadcast_in_dim3A_2036 = vector.broadcast %jit3A_2034 : i32 to vector<264x128xi32>
    %select_n3A_2037 = arith.select %and3A_2032, %broadcast_in_dim3A_2035, %broadcast_in_dim3A_2036 : vector<264x128xi1>, vector<264x128xi32>
    %reduce_sum3A_2038 = vector.shape_cast %select_n3A_2037 : vector<264x128xi32> to vector<1x264x128xi32>
    %reduce_sum3A_2039 = arith.constant dense<0> : vector<1xi32>
    %reduce_sum3A_2040 = vector.multi_reduction <add>, %reduce_sum3A_2038, %reduce_sum3A_2039 [1, 2] : vector<1x264x128xi32> to vector<1xi32>
    %reduce_sum3A_2041 = vector.shape_cast %reduce_sum3A_2040 : vector<1xi32> to vector<1x1x1xi32>
    %reduce_sum3A_2042 = vector.extract %reduce_sum3A_2041[0, 0, 0] : i32 from vector<1x1x1xi32>
    %ge3A_2043 = arith.cmpi sge, %reduce_sum3A_2042, %select_n3A_2019 : i32
    %or3A_2044 = arith.constant 536870912 : i32
    %or3A_2045 = arith.ori %select_n3A_2017, %or3A_2044 : i32
    %select_n3A_2046 = arith.select %ge3A_2043, %or3A_2045, %select_n3A_2017 : i32
    %sub3A_2047 = arith.subi %select_n3A_2019, %reduce_sum3A_2042 : i32
    %select_n3A_2048 = arith.select %ge3A_2043, %select_n3A_2019, %sub3A_2047 : i32
    %and3A_2049 = arith.constant -536870912 : i32
    %and3A_2050 = vector.broadcast %and3A_2049 : i32 to vector<264x128xi32>
    %and3A_2051 = arith.andi %select_n3A_1952, %and3A_2050 : vector<264x128xi32>
    %eq3A_2052 = vector.broadcast %select_n3A_2046 : i32 to vector<264x128xi32>
    %eq3A_2053 = arith.cmpi eq, %and3A_2051, %eq3A_2052 : vector<264x128xi32>
    %and3A_2054 = arith.andi %eq3A_2053, %lt3A_4 : vector<264x128xi1>
    %and3A_2055 = arith.constant 268435456 : i32
    %and3A_2056 = vector.broadcast %and3A_2055 : i32 to vector<264x128xi32>
    %and3A_2057 = arith.andi %select_n3A_1952, %and3A_2056 : vector<264x128xi32>
    %ne3A_2058 = arith.constant 0 : i32
    %ne3A_2059 = vector.broadcast %ne3A_2058 : i32 to vector<264x128xi32>
    %ne3A_2060 = arith.cmpi ne, %and3A_2057, %ne3A_2059 : vector<264x128xi32>
    %and3A_2061 = arith.andi %and3A_2054, %ne3A_2060 : vector<264x128xi1>
    %jit3A_2062 = arith.constant 1 : i32
    %jit3A_2063 = arith.constant 0 : i32
    %broadcast_in_dim3A_2064 = vector.broadcast %jit3A_2062 : i32 to vector<264x128xi32>
    %broadcast_in_dim3A_2065 = vector.broadcast %jit3A_2063 : i32 to vector<264x128xi32>
    %select_n3A_2066 = arith.select %and3A_2061, %broadcast_in_dim3A_2064, %broadcast_in_dim3A_2065 : vector<264x128xi1>, vector<264x128xi32>
    %reduce_sum3A_2067 = vector.shape_cast %select_n3A_2066 : vector<264x128xi32> to vector<1x264x128xi32>
    %reduce_sum3A_2068 = arith.constant dense<0> : vector<1xi32>
    %reduce_sum3A_2069 = vector.multi_reduction <add>, %reduce_sum3A_2067, %reduce_sum3A_2068 [1, 2] : vector<1x264x128xi32> to vector<1xi32>
    %reduce_sum3A_2070 = vector.shape_cast %reduce_sum3A_2069 : vector<1xi32> to vector<1x1x1xi32>
    %reduce_sum3A_2071 = vector.extract %reduce_sum3A_2070[0, 0, 0] : i32 from vector<1x1x1xi32>
    %ge3A_2072 = arith.cmpi sge, %reduce_sum3A_2071, %select_n3A_2048 : i32
    %or3A_2073 = arith.constant 268435456 : i32
    %or3A_2074 = arith.ori %select_n3A_2046, %or3A_2073 : i32
    %select_n3A_2075 = arith.select %ge3A_2072, %or3A_2074, %select_n3A_2046 : i32
    %sub3A_2076 = arith.subi %select_n3A_2048, %reduce_sum3A_2071 : i32
    %select_n3A_2077 = arith.select %ge3A_2072, %select_n3A_2048, %sub3A_2076 : i32
    %and3A_2078 = arith.constant -268435456 : i32
    %and3A_2079 = vector.broadcast %and3A_2078 : i32 to vector<264x128xi32>
    %and3A_2080 = arith.andi %select_n3A_1952, %and3A_2079 : vector<264x128xi32>
    %eq3A_2081 = vector.broadcast %select_n3A_2075 : i32 to vector<264x128xi32>
    %eq3A_2082 = arith.cmpi eq, %and3A_2080, %eq3A_2081 : vector<264x128xi32>
    %and3A_2083 = arith.andi %eq3A_2082, %lt3A_4 : vector<264x128xi1>
    %and3A_2084 = arith.constant 134217728 : i32
    %and3A_2085 = vector.broadcast %and3A_2084 : i32 to vector<264x128xi32>
    %and3A_2086 = arith.andi %select_n3A_1952, %and3A_2085 : vector<264x128xi32>
    %ne3A_2087 = arith.constant 0 : i32
    %ne3A_2088 = vector.broadcast %ne3A_2087 : i32 to vector<264x128xi32>
    %ne3A_2089 = arith.cmpi ne, %and3A_2086, %ne3A_2088 : vector<264x128xi32>
    %and3A_2090 = arith.andi %and3A_2083, %ne3A_2089 : vector<264x128xi1>
    %jit3A_2091 = arith.constant 1 : i32
    %jit3A_2092 = arith.constant 0 : i32
    %broadcast_in_dim3A_2093 = vector.broadcast %jit3A_2091 : i32 to vector<264x128xi32>
    %broadcast_in_dim3A_2094 = vector.broadcast %jit3A_2092 : i32 to vector<264x128xi32>
    %select_n3A_2095 = arith.select %and3A_2090, %broadcast_in_dim3A_2093, %broadcast_in_dim3A_2094 : vector<264x128xi1>, vector<264x128xi32>
    %reduce_sum3A_2096 = vector.shape_cast %select_n3A_2095 : vector<264x128xi32> to vector<1x264x128xi32>
    %reduce_sum3A_2097 = arith.constant dense<0> : vector<1xi32>
    %reduce_sum3A_2098 = vector.multi_reduction <add>, %reduce_sum3A_2096, %reduce_sum3A_2097 [1, 2] : vector<1x264x128xi32> to vector<1xi32>
    %reduce_sum3A_2099 = vector.shape_cast %reduce_sum3A_2098 : vector<1xi32> to vector<1x1x1xi32>
    %reduce_sum3A_2100 = vector.extract %reduce_sum3A_2099[0, 0, 0] : i32 from vector<1x1x1xi32>
    %ge3A_2101 = arith.cmpi sge, %reduce_sum3A_2100, %select_n3A_2077 : i32
    %or3A_2102 = arith.constant 134217728 : i32
    %or3A_2103 = arith.ori %select_n3A_2075, %or3A_2102 : i32
    %select_n3A_2104 = arith.select %ge3A_2101, %or3A_2103, %select_n3A_2075 : i32
    %sub3A_2105 = arith.subi %select_n3A_2077, %reduce_sum3A_2100 : i32
    %select_n3A_2106 = arith.select %ge3A_2101, %select_n3A_2077, %sub3A_2105 : i32
    %and3A_2107 = arith.constant -134217728 : i32
    %and3A_2108 = vector.broadcast %and3A_2107 : i32 to vector<264x128xi32>
    %and3A_2109 = arith.andi %select_n3A_1952, %and3A_2108 : vector<264x128xi32>
    %eq3A_2110 = vector.broadcast %select_n3A_2104 : i32 to vector<264x128xi32>
    %eq3A_2111 = arith.cmpi eq, %and3A_2109, %eq3A_2110 : vector<264x128xi32>
    %and3A_2112 = arith.andi %eq3A_2111, %lt3A_4 : vector<264x128xi1>
    %and3A_2113 = arith.constant 67108864 : i32
    %and3A_2114 = vector.broadcast %and3A_2113 : i32 to vector<264x128xi32>
    %and3A_2115 = arith.andi %select_n3A_1952, %and3A_2114 : vector<264x128xi32>
    %ne3A_2116 = arith.constant 0 : i32
    %ne3A_2117 = vector.broadcast %ne3A_2116 : i32 to vector<264x128xi32>
    %ne3A_2118 = arith.cmpi ne, %and3A_2115, %ne3A_2117 : vector<264x128xi32>
    %and3A_2119 = arith.andi %and3A_2112, %ne3A_2118 : vector<264x128xi1>
    %jit3A_2120 = arith.constant 1 : i32
    %jit3A_2121 = arith.constant 0 : i32
    %broadcast_in_dim3A_2122 = vector.broadcast %jit3A_2120 : i32 to vector<264x128xi32>
    %broadcast_in_dim3A_2123 = vector.broadcast %jit3A_2121 : i32 to vector<264x128xi32>
    %select_n3A_2124 = arith.select %and3A_2119, %broadcast_in_dim3A_2122, %broadcast_in_dim3A_2123 : vector<264x128xi1>, vector<264x128xi32>
    %reduce_sum3A_2125 = vector.shape_cast %select_n3A_2124 : vector<264x128xi32> to vector<1x264x128xi32>
    %reduce_sum3A_2126 = arith.constant dense<0> : vector<1xi32>
    %reduce_sum3A_2127 = vector.multi_reduction <add>, %reduce_sum3A_2125, %reduce_sum3A_2126 [1, 2] : vector<1x264x128xi32> to vector<1xi32>
    %reduce_sum3A_2128 = vector.shape_cast %reduce_sum3A_2127 : vector<1xi32> to vector<1x1x1xi32>
    %reduce_sum3A_2129 = vector.extract %reduce_sum3A_2128[0, 0, 0] : i32 from vector<1x1x1xi32>
    %ge3A_2130 = arith.cmpi sge, %reduce_sum3A_2129, %select_n3A_2106 : i32
    %or3A_2131 = arith.constant 67108864 : i32
    %or3A_2132 = arith.ori %select_n3A_2104, %or3A_2131 : i32
    %select_n3A_2133 = arith.select %ge3A_2130, %or3A_2132, %select_n3A_2104 : i32
    %sub3A_2134 = arith.subi %select_n3A_2106, %reduce_sum3A_2129 : i32
    %select_n3A_2135 = arith.select %ge3A_2130, %select_n3A_2106, %sub3A_2134 : i32
    %and3A_2136 = arith.constant -67108864 : i32
    %and3A_2137 = vector.broadcast %and3A_2136 : i32 to vector<264x128xi32>
    %and3A_2138 = arith.andi %select_n3A_1952, %and3A_2137 : vector<264x128xi32>
    %eq3A_2139 = vector.broadcast %select_n3A_2133 : i32 to vector<264x128xi32>
    %eq3A_2140 = arith.cmpi eq, %and3A_2138, %eq3A_2139 : vector<264x128xi32>
    %and3A_2141 = arith.andi %eq3A_2140, %lt3A_4 : vector<264x128xi1>
    %and3A_2142 = arith.constant 33554432 : i32
    %and3A_2143 = vector.broadcast %and3A_2142 : i32 to vector<264x128xi32>
    %and3A_2144 = arith.andi %select_n3A_1952, %and3A_2143 : vector<264x128xi32>
    %ne3A_2145 = arith.constant 0 : i32
    %ne3A_2146 = vector.broadcast %ne3A_2145 : i32 to vector<264x128xi32>
    %ne3A_2147 = arith.cmpi ne, %and3A_2144, %ne3A_2146 : vector<264x128xi32>
    %and3A_2148 = arith.andi %and3A_2141, %ne3A_2147 : vector<264x128xi1>
    %jit3A_2149 = arith.constant 1 : i32
    %jit3A_2150 = arith.constant 0 : i32
    %broadcast_in_dim3A_2151 = vector.broadcast %jit3A_2149 : i32 to vector<264x128xi32>
    %broadcast_in_dim3A_2152 = vector.broadcast %jit3A_2150 : i32 to vector<264x128xi32>
    %select_n3A_2153 = arith.select %and3A_2148, %broadcast_in_dim3A_2151, %broadcast_in_dim3A_2152 : vector<264x128xi1>, vector<264x128xi32>
    %reduce_sum3A_2154 = vector.shape_cast %select_n3A_2153 : vector<264x128xi32> to vector<1x264x128xi32>
    %reduce_sum3A_2155 = arith.constant dense<0> : vector<1xi32>
    %reduce_sum3A_2156 = vector.multi_reduction <add>, %reduce_sum3A_2154, %reduce_sum3A_2155 [1, 2] : vector<1x264x128xi32> to vector<1xi32>
    %reduce_sum3A_2157 = vector.shape_cast %reduce_sum3A_2156 : vector<1xi32> to vector<1x1x1xi32>
    %reduce_sum3A_2158 = vector.extract %reduce_sum3A_2157[0, 0, 0] : i32 from vector<1x1x1xi32>
    %ge3A_2159 = arith.cmpi sge, %reduce_sum3A_2158, %select_n3A_2135 : i32
    %or3A_2160 = arith.constant 33554432 : i32
    %or3A_2161 = arith.ori %select_n3A_2133, %or3A_2160 : i32
    %select_n3A_2162 = arith.select %ge3A_2159, %or3A_2161, %select_n3A_2133 : i32
    %sub3A_2163 = arith.subi %select_n3A_2135, %reduce_sum3A_2158 : i32
    %select_n3A_2164 = arith.select %ge3A_2159, %select_n3A_2135, %sub3A_2163 : i32
    %and3A_2165 = arith.constant -33554432 : i32
    %and3A_2166 = vector.broadcast %and3A_2165 : i32 to vector<264x128xi32>
    %and3A_2167 = arith.andi %select_n3A_1952, %and3A_2166 : vector<264x128xi32>
    %eq3A_2168 = vector.broadcast %select_n3A_2162 : i32 to vector<264x128xi32>
    %eq3A_2169 = arith.cmpi eq, %and3A_2167, %eq3A_2168 : vector<264x128xi32>
    %and3A_2170 = arith.andi %eq3A_2169, %lt3A_4 : vector<264x128xi1>
    %and3A_2171 = arith.constant 16777216 : i32
    %and3A_2172 = vector.broadcast %and3A_2171 : i32 to vector<264x128xi32>
    %and3A_2173 = arith.andi %select_n3A_1952, %and3A_2172 : vector<264x128xi32>
    %ne3A_2174 = arith.constant 0 : i32
    %ne3A_2175 = vector.broadcast %ne3A_2174 : i32 to vector<264x128xi32>
    %ne3A_2176 = arith.cmpi ne, %and3A_2173, %ne3A_2175 : vector<264x128xi32>
    %and3A_2177 = arith.andi %and3A_2170, %ne3A_2176 : vector<264x128xi1>
    %jit3A_2178 = arith.constant 1 : i32
    %jit3A_2179 = arith.constant 0 : i32
    %broadcast_in_dim3A_2180 = vector.broadcast %jit3A_2178 : i32 to vector<264x128xi32>
    %broadcast_in_dim3A_2181 = vector.broadcast %jit3A_2179 : i32 to vector<264x128xi32>
    %select_n3A_2182 = arith.select %and3A_2177, %broadcast_in_dim3A_2180, %broadcast_in_dim3A_2181 : vector<264x128xi1>, vector<264x128xi32>
    %reduce_sum3A_2183 = vector.shape_cast %select_n3A_2182 : vector<264x128xi32> to vector<1x264x128xi32>
    %reduce_sum3A_2184 = arith.constant dense<0> : vector<1xi32>
    %reduce_sum3A_2185 = vector.multi_reduction <add>, %reduce_sum3A_2183, %reduce_sum3A_2184 [1, 2] : vector<1x264x128xi32> to vector<1xi32>
    %reduce_sum3A_2186 = vector.shape_cast %reduce_sum3A_2185 : vector<1xi32> to vector<1x1x1xi32>
    %reduce_sum3A_2187 = vector.extract %reduce_sum3A_2186[0, 0, 0] : i32 from vector<1x1x1xi32>
    %ge3A_2188 = arith.cmpi sge, %reduce_sum3A_2187, %select_n3A_2164 : i32
    %or3A_2189 = arith.constant 16777216 : i32
    %or3A_2190 = arith.ori %select_n3A_2162, %or3A_2189 : i32
    %select_n3A_2191 = arith.select %ge3A_2188, %or3A_2190, %select_n3A_2162 : i32
    %sub3A_2192 = arith.subi %select_n3A_2164, %reduce_sum3A_2187 : i32
    %select_n3A_2193 = arith.select %ge3A_2188, %select_n3A_2164, %sub3A_2192 : i32
    %and3A_2194 = arith.constant -16777216 : i32
    %and3A_2195 = vector.broadcast %and3A_2194 : i32 to vector<264x128xi32>
    %and3A_2196 = arith.andi %select_n3A_1952, %and3A_2195 : vector<264x128xi32>
    %eq3A_2197 = vector.broadcast %select_n3A_2191 : i32 to vector<264x128xi32>
    %eq3A_2198 = arith.cmpi eq, %and3A_2196, %eq3A_2197 : vector<264x128xi32>
    %and3A_2199 = arith.andi %eq3A_2198, %lt3A_4 : vector<264x128xi1>
    %and3A_2200 = arith.constant 8388608 : i32
    %and3A_2201 = vector.broadcast %and3A_2200 : i32 to vector<264x128xi32>
    %and3A_2202 = arith.andi %select_n3A_1952, %and3A_2201 : vector<264x128xi32>
    %ne3A_2203 = arith.constant 0 : i32
    %ne3A_2204 = vector.broadcast %ne3A_2203 : i32 to vector<264x128xi32>
    %ne3A_2205 = arith.cmpi ne, %and3A_2202, %ne3A_2204 : vector<264x128xi32>
    %and3A_2206 = arith.andi %and3A_2199, %ne3A_2205 : vector<264x128xi1>
    %jit3A_2207 = arith.constant 1 : i32
    %jit3A_2208 = arith.constant 0 : i32
    %broadcast_in_dim3A_2209 = vector.broadcast %jit3A_2207 : i32 to vector<264x128xi32>
    %broadcast_in_dim3A_2210 = vector.broadcast %jit3A_2208 : i32 to vector<264x128xi32>
    %select_n3A_2211 = arith.select %and3A_2206, %broadcast_in_dim3A_2209, %broadcast_in_dim3A_2210 : vector<264x128xi1>, vector<264x128xi32>
    %reduce_sum3A_2212 = vector.shape_cast %select_n3A_2211 : vector<264x128xi32> to vector<1x264x128xi32>
    %reduce_sum3A_2213 = arith.constant dense<0> : vector<1xi32>
    %reduce_sum3A_2214 = vector.multi_reduction <add>, %reduce_sum3A_2212, %reduce_sum3A_2213 [1, 2] : vector<1x264x128xi32> to vector<1xi32>
    %reduce_sum3A_2215 = vector.shape_cast %reduce_sum3A_2214 : vector<1xi32> to vector<1x1x1xi32>
    %reduce_sum3A_2216 = vector.extract %reduce_sum3A_2215[0, 0, 0] : i32 from vector<1x1x1xi32>
    %ge3A_2217 = arith.cmpi sge, %reduce_sum3A_2216, %select_n3A_2193 : i32
    %or3A_2218 = arith.constant 8388608 : i32
    %or3A_2219 = arith.ori %select_n3A_2191, %or3A_2218 : i32
    %select_n3A_2220 = arith.select %ge3A_2217, %or3A_2219, %select_n3A_2191 : i32
    %sub3A_2221 = arith.subi %select_n3A_2193, %reduce_sum3A_2216 : i32
    %select_n3A_2222 = arith.select %ge3A_2217, %select_n3A_2193, %sub3A_2221 : i32
    %and3A_2223 = arith.constant -8388608 : i32
    %and3A_2224 = vector.broadcast %and3A_2223 : i32 to vector<264x128xi32>
    %and3A_2225 = arith.andi %select_n3A_1952, %and3A_2224 : vector<264x128xi32>
    %eq3A_2226 = vector.broadcast %select_n3A_2220 : i32 to vector<264x128xi32>
    %eq3A_2227 = arith.cmpi eq, %and3A_2225, %eq3A_2226 : vector<264x128xi32>
    %and3A_2228 = arith.andi %eq3A_2227, %lt3A_4 : vector<264x128xi1>
    %and3A_2229 = arith.constant 4194304 : i32
    %and3A_2230 = vector.broadcast %and3A_2229 : i32 to vector<264x128xi32>
    %and3A_2231 = arith.andi %select_n3A_1952, %and3A_2230 : vector<264x128xi32>
    %ne3A_2232 = arith.constant 0 : i32
    %ne3A_2233 = vector.broadcast %ne3A_2232 : i32 to vector<264x128xi32>
    %ne3A_2234 = arith.cmpi ne, %and3A_2231, %ne3A_2233 : vector<264x128xi32>
    %and3A_2235 = arith.andi %and3A_2228, %ne3A_2234 : vector<264x128xi1>
    %jit3A_2236 = arith.constant 1 : i32
    %jit3A_2237 = arith.constant 0 : i32
    %broadcast_in_dim3A_2238 = vector.broadcast %jit3A_2236 : i32 to vector<264x128xi32>
    %broadcast_in_dim3A_2239 = vector.broadcast %jit3A_2237 : i32 to vector<264x128xi32>
    %select_n3A_2240 = arith.select %and3A_2235, %broadcast_in_dim3A_2238, %broadcast_in_dim3A_2239 : vector<264x128xi1>, vector<264x128xi32>
    %reduce_sum3A_2241 = vector.shape_cast %select_n3A_2240 : vector<264x128xi32> to vector<1x264x128xi32>
    %reduce_sum3A_2242 = arith.constant dense<0> : vector<1xi32>
    %reduce_sum3A_2243 = vector.multi_reduction <add>, %reduce_sum3A_2241, %reduce_sum3A_2242 [1, 2] : vector<1x264x128xi32> to vector<1xi32>
    %reduce_sum3A_2244 = vector.shape_cast %reduce_sum3A_2243 : vector<1xi32> to vector<1x1x1xi32>
    %reduce_sum3A_2245 = vector.extract %reduce_sum3A_2244[0, 0, 0] : i32 from vector<1x1x1xi32>
    %ge3A_2246 = arith.cmpi sge, %reduce_sum3A_2245, %select_n3A_2222 : i32
    %or3A_2247 = arith.constant 4194304 : i32
    %or3A_2248 = arith.ori %select_n3A_2220, %or3A_2247 : i32
    %select_n3A_2249 = arith.select %ge3A_2246, %or3A_2248, %select_n3A_2220 : i32
    %sub3A_2250 = arith.subi %select_n3A_2222, %reduce_sum3A_2245 : i32
    %select_n3A_2251 = arith.select %ge3A_2246, %select_n3A_2222, %sub3A_2250 : i32
    %and3A_2252 = arith.constant -4194304 : i32
    %and3A_2253 = vector.broadcast %and3A_2252 : i32 to vector<264x128xi32>
    %and3A_2254 = arith.andi %select_n3A_1952, %and3A_2253 : vector<264x128xi32>
    %eq3A_2255 = vector.broadcast %select_n3A_2249 : i32 to vector<264x128xi32>
    %eq3A_2256 = arith.cmpi eq, %and3A_2254, %eq3A_2255 : vector<264x128xi32>
    %and3A_2257 = arith.andi %eq3A_2256, %lt3A_4 : vector<264x128xi1>
    %and3A_2258 = arith.constant 2097152 : i32
    %and3A_2259 = vector.broadcast %and3A_2258 : i32 to vector<264x128xi32>
    %and3A_2260 = arith.andi %select_n3A_1952, %and3A_2259 : vector<264x128xi32>
    %ne3A_2261 = arith.constant 0 : i32
    %ne3A_2262 = vector.broadcast %ne3A_2261 : i32 to vector<264x128xi32>
    %ne3A_2263 = arith.cmpi ne, %and3A_2260, %ne3A_2262 : vector<264x128xi32>
    %and3A_2264 = arith.andi %and3A_2257, %ne3A_2263 : vector<264x128xi1>
    %jit3A_2265 = arith.constant 1 : i32
    %jit3A_2266 = arith.constant 0 : i32
    %broadcast_in_dim3A_2267 = vector.broadcast %jit3A_2265 : i32 to vector<264x128xi32>
    %broadcast_in_dim3A_2268 = vector.broadcast %jit3A_2266 : i32 to vector<264x128xi32>
    %select_n3A_2269 = arith.select %and3A_2264, %broadcast_in_dim3A_2267, %broadcast_in_dim3A_2268 : vector<264x128xi1>, vector<264x128xi32>
    %reduce_sum3A_2270 = vector.shape_cast %select_n3A_2269 : vector<264x128xi32> to vector<1x264x128xi32>
    %reduce_sum3A_2271 = arith.constant dense<0> : vector<1xi32>
    %reduce_sum3A_2272 = vector.multi_reduction <add>, %reduce_sum3A_2270, %reduce_sum3A_2271 [1, 2] : vector<1x264x128xi32> to vector<1xi32>
    %reduce_sum3A_2273 = vector.shape_cast %reduce_sum3A_2272 : vector<1xi32> to vector<1x1x1xi32>
    %reduce_sum3A_2274 = vector.extract %reduce_sum3A_2273[0, 0, 0] : i32 from vector<1x1x1xi32>
    %ge3A_2275 = arith.cmpi sge, %reduce_sum3A_2274, %select_n3A_2251 : i32
    %or3A_2276 = arith.constant 2097152 : i32
    %or3A_2277 = arith.ori %select_n3A_2249, %or3A_2276 : i32
    %select_n3A_2278 = arith.select %ge3A_2275, %or3A_2277, %select_n3A_2249 : i32
    %sub3A_2279 = arith.subi %select_n3A_2251, %reduce_sum3A_2274 : i32
    %select_n3A_2280 = arith.select %ge3A_2275, %select_n3A_2251, %sub3A_2279 : i32
    %and3A_2281 = arith.constant -2097152 : i32
    %and3A_2282 = vector.broadcast %and3A_2281 : i32 to vector<264x128xi32>
    %and3A_2283 = arith.andi %select_n3A_1952, %and3A_2282 : vector<264x128xi32>
    %eq3A_2284 = vector.broadcast %select_n3A_2278 : i32 to vector<264x128xi32>
    %eq3A_2285 = arith.cmpi eq, %and3A_2283, %eq3A_2284 : vector<264x128xi32>
    %and3A_2286 = arith.andi %eq3A_2285, %lt3A_4 : vector<264x128xi1>
    %and3A_2287 = arith.constant 1048576 : i32
    %and3A_2288 = vector.broadcast %and3A_2287 : i32 to vector<264x128xi32>
    %and3A_2289 = arith.andi %select_n3A_1952, %and3A_2288 : vector<264x128xi32>
    %ne3A_2290 = arith.constant 0 : i32
    %ne3A_2291 = vector.broadcast %ne3A_2290 : i32 to vector<264x128xi32>
    %ne3A_2292 = arith.cmpi ne, %and3A_2289, %ne3A_2291 : vector<264x128xi32>
    %and3A_2293 = arith.andi %and3A_2286, %ne3A_2292 : vector<264x128xi1>
    %jit3A_2294 = arith.constant 1 : i32
    %jit3A_2295 = arith.constant 0 : i32
    %broadcast_in_dim3A_2296 = vector.broadcast %jit3A_2294 : i32 to vector<264x128xi32>
    %broadcast_in_dim3A_2297 = vector.broadcast %jit3A_2295 : i32 to vector<264x128xi32>
    %select_n3A_2298 = arith.select %and3A_2293, %broadcast_in_dim3A_2296, %broadcast_in_dim3A_2297 : vector<264x128xi1>, vector<264x128xi32>
    %reduce_sum3A_2299 = vector.shape_cast %select_n3A_2298 : vector<264x128xi32> to vector<1x264x128xi32>
    %reduce_sum3A_2300 = arith.constant dense<0> : vector<1xi32>
    %reduce_sum3A_2301 = vector.multi_reduction <add>, %reduce_sum3A_2299, %reduce_sum3A_2300 [1, 2] : vector<1x264x128xi32> to vector<1xi32>
    %reduce_sum3A_2302 = vector.shape_cast %reduce_sum3A_2301 : vector<1xi32> to vector<1x1x1xi32>
    %reduce_sum3A_2303 = vector.extract %reduce_sum3A_2302[0, 0, 0] : i32 from vector<1x1x1xi32>
    %ge3A_2304 = arith.cmpi sge, %reduce_sum3A_2303, %select_n3A_2280 : i32
    %or3A_2305 = arith.constant 1048576 : i32
    %or3A_2306 = arith.ori %select_n3A_2278, %or3A_2305 : i32
    %select_n3A_2307 = arith.select %ge3A_2304, %or3A_2306, %select_n3A_2278 : i32
    %sub3A_2308 = arith.subi %select_n3A_2280, %reduce_sum3A_2303 : i32
    %select_n3A_2309 = arith.select %ge3A_2304, %select_n3A_2280, %sub3A_2308 : i32
    %and3A_2310 = arith.constant -1048576 : i32
    %and3A_2311 = vector.broadcast %and3A_2310 : i32 to vector<264x128xi32>
    %and3A_2312 = arith.andi %select_n3A_1952, %and3A_2311 : vector<264x128xi32>
    %eq3A_2313 = vector.broadcast %select_n3A_2307 : i32 to vector<264x128xi32>
    %eq3A_2314 = arith.cmpi eq, %and3A_2312, %eq3A_2313 : vector<264x128xi32>
    %and3A_2315 = arith.andi %eq3A_2314, %lt3A_4 : vector<264x128xi1>
    %and3A_2316 = arith.constant 524288 : i32
    %and3A_2317 = vector.broadcast %and3A_2316 : i32 to vector<264x128xi32>
    %and3A_2318 = arith.andi %select_n3A_1952, %and3A_2317 : vector<264x128xi32>
    %ne3A_2319 = arith.constant 0 : i32
    %ne3A_2320 = vector.broadcast %ne3A_2319 : i32 to vector<264x128xi32>
    %ne3A_2321 = arith.cmpi ne, %and3A_2318, %ne3A_2320 : vector<264x128xi32>
    %and3A_2322 = arith.andi %and3A_2315, %ne3A_2321 : vector<264x128xi1>
    %jit3A_2323 = arith.constant 1 : i32
    %jit3A_2324 = arith.constant 0 : i32
    %broadcast_in_dim3A_2325 = vector.broadcast %jit3A_2323 : i32 to vector<264x128xi32>
    %broadcast_in_dim3A_2326 = vector.broadcast %jit3A_2324 : i32 to vector<264x128xi32>
    %select_n3A_2327 = arith.select %and3A_2322, %broadcast_in_dim3A_2325, %broadcast_in_dim3A_2326 : vector<264x128xi1>, vector<264x128xi32>
    %reduce_sum3A_2328 = vector.shape_cast %select_n3A_2327 : vector<264x128xi32> to vector<1x264x128xi32>
    %reduce_sum3A_2329 = arith.constant dense<0> : vector<1xi32>
    %reduce_sum3A_2330 = vector.multi_reduction <add>, %reduce_sum3A_2328, %reduce_sum3A_2329 [1, 2] : vector<1x264x128xi32> to vector<1xi32>
    %reduce_sum3A_2331 = vector.shape_cast %reduce_sum3A_2330 : vector<1xi32> to vector<1x1x1xi32>
    %reduce_sum3A_2332 = vector.extract %reduce_sum3A_2331[0, 0, 0] : i32 from vector<1x1x1xi32>
    %ge3A_2333 = arith.cmpi sge, %reduce_sum3A_2332, %select_n3A_2309 : i32
    %or3A_2334 = arith.constant 524288 : i32
    %or3A_2335 = arith.ori %select_n3A_2307, %or3A_2334 : i32
    %select_n3A_2336 = arith.select %ge3A_2333, %or3A_2335, %select_n3A_2307 : i32
    %sub3A_2337 = arith.subi %select_n3A_2309, %reduce_sum3A_2332 : i32
    %select_n3A_2338 = arith.select %ge3A_2333, %select_n3A_2309, %sub3A_2337 : i32
    %and3A_2339 = arith.constant -524288 : i32
    %and3A_2340 = vector.broadcast %and3A_2339 : i32 to vector<264x128xi32>
    %and3A_2341 = arith.andi %select_n3A_1952, %and3A_2340 : vector<264x128xi32>
    %eq3A_2342 = vector.broadcast %select_n3A_2336 : i32 to vector<264x128xi32>
    %eq3A_2343 = arith.cmpi eq, %and3A_2341, %eq3A_2342 : vector<264x128xi32>
    %and3A_2344 = arith.andi %eq3A_2343, %lt3A_4 : vector<264x128xi1>
    %and3A_2345 = arith.constant 262144 : i32
    %and3A_2346 = vector.broadcast %and3A_2345 : i32 to vector<264x128xi32>
    %and3A_2347 = arith.andi %select_n3A_1952, %and3A_2346 : vector<264x128xi32>
    %ne3A_2348 = arith.constant 0 : i32
    %ne3A_2349 = vector.broadcast %ne3A_2348 : i32 to vector<264x128xi32>
    %ne3A_2350 = arith.cmpi ne, %and3A_2347, %ne3A_2349 : vector<264x128xi32>
    %and3A_2351 = arith.andi %and3A_2344, %ne3A_2350 : vector<264x128xi1>
    %jit3A_2352 = arith.constant 1 : i32
    %jit3A_2353 = arith.constant 0 : i32
    %broadcast_in_dim3A_2354 = vector.broadcast %jit3A_2352 : i32 to vector<264x128xi32>
    %broadcast_in_dim3A_2355 = vector.broadcast %jit3A_2353 : i32 to vector<264x128xi32>
    %select_n3A_2356 = arith.select %and3A_2351, %broadcast_in_dim3A_2354, %broadcast_in_dim3A_2355 : vector<264x128xi1>, vector<264x128xi32>
    %reduce_sum3A_2357 = vector.shape_cast %select_n3A_2356 : vector<264x128xi32> to vector<1x264x128xi32>
    %reduce_sum3A_2358 = arith.constant dense<0> : vector<1xi32>
    %reduce_sum3A_2359 = vector.multi_reduction <add>, %reduce_sum3A_2357, %reduce_sum3A_2358 [1, 2] : vector<1x264x128xi32> to vector<1xi32>
    %reduce_sum3A_2360 = vector.shape_cast %reduce_sum3A_2359 : vector<1xi32> to vector<1x1x1xi32>
    %reduce_sum3A_2361 = vector.extract %reduce_sum3A_2360[0, 0, 0] : i32 from vector<1x1x1xi32>
    %ge3A_2362 = arith.cmpi sge, %reduce_sum3A_2361, %select_n3A_2338 : i32
    %or3A_2363 = arith.constant 262144 : i32
    %or3A_2364 = arith.ori %select_n3A_2336, %or3A_2363 : i32
    %select_n3A_2365 = arith.select %ge3A_2362, %or3A_2364, %select_n3A_2336 : i32
    %sub3A_2366 = arith.subi %select_n3A_2338, %reduce_sum3A_2361 : i32
    %select_n3A_2367 = arith.select %ge3A_2362, %select_n3A_2338, %sub3A_2366 : i32
    %and3A_2368 = arith.constant -262144 : i32
    %and3A_2369 = vector.broadcast %and3A_2368 : i32 to vector<264x128xi32>
    %and3A_2370 = arith.andi %select_n3A_1952, %and3A_2369 : vector<264x128xi32>
    %eq3A_2371 = vector.broadcast %select_n3A_2365 : i32 to vector<264x128xi32>
    %eq3A_2372 = arith.cmpi eq, %and3A_2370, %eq3A_2371 : vector<264x128xi32>
    %and3A_2373 = arith.andi %eq3A_2372, %lt3A_4 : vector<264x128xi1>
    %and3A_2374 = arith.constant 131072 : i32
    %and3A_2375 = vector.broadcast %and3A_2374 : i32 to vector<264x128xi32>
    %and3A_2376 = arith.andi %select_n3A_1952, %and3A_2375 : vector<264x128xi32>
    %ne3A_2377 = arith.constant 0 : i32
    %ne3A_2378 = vector.broadcast %ne3A_2377 : i32 to vector<264x128xi32>
    %ne3A_2379 = arith.cmpi ne, %and3A_2376, %ne3A_2378 : vector<264x128xi32>
    %and3A_2380 = arith.andi %and3A_2373, %ne3A_2379 : vector<264x128xi1>
    %jit3A_2381 = arith.constant 1 : i32
    %jit3A_2382 = arith.constant 0 : i32
    %broadcast_in_dim3A_2383 = vector.broadcast %jit3A_2381 : i32 to vector<264x128xi32>
    %broadcast_in_dim3A_2384 = vector.broadcast %jit3A_2382 : i32 to vector<264x128xi32>
    %select_n3A_2385 = arith.select %and3A_2380, %broadcast_in_dim3A_2383, %broadcast_in_dim3A_2384 : vector<264x128xi1>, vector<264x128xi32>
    %reduce_sum3A_2386 = vector.shape_cast %select_n3A_2385 : vector<264x128xi32> to vector<1x264x128xi32>
    %reduce_sum3A_2387 = arith.constant dense<0> : vector<1xi32>
    %reduce_sum3A_2388 = vector.multi_reduction <add>, %reduce_sum3A_2386, %reduce_sum3A_2387 [1, 2] : vector<1x264x128xi32> to vector<1xi32>
    %reduce_sum3A_2389 = vector.shape_cast %reduce_sum3A_2388 : vector<1xi32> to vector<1x1x1xi32>
    %reduce_sum3A_2390 = vector.extract %reduce_sum3A_2389[0, 0, 0] : i32 from vector<1x1x1xi32>
    %ge3A_2391 = arith.cmpi sge, %reduce_sum3A_2390, %select_n3A_2367 : i32
    %or3A_2392 = arith.constant 131072 : i32
    %or3A_2393 = arith.ori %select_n3A_2365, %or3A_2392 : i32
    %select_n3A_2394 = arith.select %ge3A_2391, %or3A_2393, %select_n3A_2365 : i32
    %sub3A_2395 = arith.subi %select_n3A_2367, %reduce_sum3A_2390 : i32
    %select_n3A_2396 = arith.select %ge3A_2391, %select_n3A_2367, %sub3A_2395 : i32
    %and3A_2397 = arith.constant -131072 : i32
    %and3A_2398 = vector.broadcast %and3A_2397 : i32 to vector<264x128xi32>
    %and3A_2399 = arith.andi %select_n3A_1952, %and3A_2398 : vector<264x128xi32>
    %eq3A_2400 = vector.broadcast %select_n3A_2394 : i32 to vector<264x128xi32>
    %eq3A_2401 = arith.cmpi eq, %and3A_2399, %eq3A_2400 : vector<264x128xi32>
    %and3A_2402 = arith.andi %eq3A_2401, %lt3A_4 : vector<264x128xi1>
    %and3A_2403 = arith.constant 65536 : i32
    %and3A_2404 = vector.broadcast %and3A_2403 : i32 to vector<264x128xi32>
    %and3A_2405 = arith.andi %select_n3A_1952, %and3A_2404 : vector<264x128xi32>
    %ne3A_2406 = arith.constant 0 : i32
    %ne3A_2407 = vector.broadcast %ne3A_2406 : i32 to vector<264x128xi32>
    %ne3A_2408 = arith.cmpi ne, %and3A_2405, %ne3A_2407 : vector<264x128xi32>
    %and3A_2409 = arith.andi %and3A_2402, %ne3A_2408 : vector<264x128xi1>
    %jit3A_2410 = arith.constant 1 : i32
    %jit3A_2411 = arith.constant 0 : i32
    %broadcast_in_dim3A_2412 = vector.broadcast %jit3A_2410 : i32 to vector<264x128xi32>
    %broadcast_in_dim3A_2413 = vector.broadcast %jit3A_2411 : i32 to vector<264x128xi32>
    %select_n3A_2414 = arith.select %and3A_2409, %broadcast_in_dim3A_2412, %broadcast_in_dim3A_2413 : vector<264x128xi1>, vector<264x128xi32>
    %reduce_sum3A_2415 = vector.shape_cast %select_n3A_2414 : vector<264x128xi32> to vector<1x264x128xi32>
    %reduce_sum3A_2416 = arith.constant dense<0> : vector<1xi32>
    %reduce_sum3A_2417 = vector.multi_reduction <add>, %reduce_sum3A_2415, %reduce_sum3A_2416 [1, 2] : vector<1x264x128xi32> to vector<1xi32>
    %reduce_sum3A_2418 = vector.shape_cast %reduce_sum3A_2417 : vector<1xi32> to vector<1x1x1xi32>
    %reduce_sum3A_2419 = vector.extract %reduce_sum3A_2418[0, 0, 0] : i32 from vector<1x1x1xi32>
    %ge3A_2420 = arith.cmpi sge, %reduce_sum3A_2419, %select_n3A_2396 : i32
    %or3A_2421 = arith.constant 65536 : i32
    %or3A_2422 = arith.ori %select_n3A_2394, %or3A_2421 : i32
    %select_n3A_2423 = arith.select %ge3A_2420, %or3A_2422, %select_n3A_2394 : i32
    %sub3A_2424 = arith.subi %select_n3A_2396, %reduce_sum3A_2419 : i32
    %select_n3A_2425 = arith.select %ge3A_2420, %select_n3A_2396, %sub3A_2424 : i32
    %and3A_2426 = arith.constant -65536 : i32
    %and3A_2427 = vector.broadcast %and3A_2426 : i32 to vector<264x128xi32>
    %and3A_2428 = arith.andi %select_n3A_1952, %and3A_2427 : vector<264x128xi32>
    %eq3A_2429 = vector.broadcast %select_n3A_2423 : i32 to vector<264x128xi32>
    %eq3A_2430 = arith.cmpi eq, %and3A_2428, %eq3A_2429 : vector<264x128xi32>
    %and3A_2431 = arith.andi %eq3A_2430, %lt3A_4 : vector<264x128xi1>
    %and3A_2432 = arith.constant 32768 : i32
    %and3A_2433 = vector.broadcast %and3A_2432 : i32 to vector<264x128xi32>
    %and3A_2434 = arith.andi %select_n3A_1952, %and3A_2433 : vector<264x128xi32>
    %ne3A_2435 = arith.constant 0 : i32
    %ne3A_2436 = vector.broadcast %ne3A_2435 : i32 to vector<264x128xi32>
    %ne3A_2437 = arith.cmpi ne, %and3A_2434, %ne3A_2436 : vector<264x128xi32>
    %and3A_2438 = arith.andi %and3A_2431, %ne3A_2437 : vector<264x128xi1>
    %jit3A_2439 = arith.constant 1 : i32
    %jit3A_2440 = arith.constant 0 : i32
    %broadcast_in_dim3A_2441 = vector.broadcast %jit3A_2439 : i32 to vector<264x128xi32>
    %broadcast_in_dim3A_2442 = vector.broadcast %jit3A_2440 : i32 to vector<264x128xi32>
    %select_n3A_2443 = arith.select %and3A_2438, %broadcast_in_dim3A_2441, %broadcast_in_dim3A_2442 : vector<264x128xi1>, vector<264x128xi32>
    %reduce_sum3A_2444 = vector.shape_cast %select_n3A_2443 : vector<264x128xi32> to vector<1x264x128xi32>
    %reduce_sum3A_2445 = arith.constant dense<0> : vector<1xi32>
    %reduce_sum3A_2446 = vector.multi_reduction <add>, %reduce_sum3A_2444, %reduce_sum3A_2445 [1, 2] : vector<1x264x128xi32> to vector<1xi32>
    %reduce_sum3A_2447 = vector.shape_cast %reduce_sum3A_2446 : vector<1xi32> to vector<1x1x1xi32>
    %reduce_sum3A_2448 = vector.extract %reduce_sum3A_2447[0, 0, 0] : i32 from vector<1x1x1xi32>
    %ge3A_2449 = arith.cmpi sge, %reduce_sum3A_2448, %select_n3A_2425 : i32
    %or3A_2450 = arith.constant 32768 : i32
    %or3A_2451 = arith.ori %select_n3A_2423, %or3A_2450 : i32
    %select_n3A_2452 = arith.select %ge3A_2449, %or3A_2451, %select_n3A_2423 : i32
    %sub3A_2453 = arith.subi %select_n3A_2425, %reduce_sum3A_2448 : i32
    %select_n3A_2454 = arith.select %ge3A_2449, %select_n3A_2425, %sub3A_2453 : i32
    %and3A_2455 = arith.constant -32768 : i32
    %and3A_2456 = vector.broadcast %and3A_2455 : i32 to vector<264x128xi32>
    %and3A_2457 = arith.andi %select_n3A_1952, %and3A_2456 : vector<264x128xi32>
    %eq3A_2458 = vector.broadcast %select_n3A_2452 : i32 to vector<264x128xi32>
    %eq3A_2459 = arith.cmpi eq, %and3A_2457, %eq3A_2458 : vector<264x128xi32>
    %and3A_2460 = arith.andi %eq3A_2459, %lt3A_4 : vector<264x128xi1>
    %and3A_2461 = arith.constant 16384 : i32
    %and3A_2462 = vector.broadcast %and3A_2461 : i32 to vector<264x128xi32>
    %and3A_2463 = arith.andi %select_n3A_1952, %and3A_2462 : vector<264x128xi32>
    %ne3A_2464 = arith.constant 0 : i32
    %ne3A_2465 = vector.broadcast %ne3A_2464 : i32 to vector<264x128xi32>
    %ne3A_2466 = arith.cmpi ne, %and3A_2463, %ne3A_2465 : vector<264x128xi32>
    %and3A_2467 = arith.andi %and3A_2460, %ne3A_2466 : vector<264x128xi1>
    %jit3A_2468 = arith.constant 1 : i32
    %jit3A_2469 = arith.constant 0 : i32
    %broadcast_in_dim3A_2470 = vector.broadcast %jit3A_2468 : i32 to vector<264x128xi32>
    %broadcast_in_dim3A_2471 = vector.broadcast %jit3A_2469 : i32 to vector<264x128xi32>
    %select_n3A_2472 = arith.select %and3A_2467, %broadcast_in_dim3A_2470, %broadcast_in_dim3A_2471 : vector<264x128xi1>, vector<264x128xi32>
    %reduce_sum3A_2473 = vector.shape_cast %select_n3A_2472 : vector<264x128xi32> to vector<1x264x128xi32>
    %reduce_sum3A_2474 = arith.constant dense<0> : vector<1xi32>
    %reduce_sum3A_2475 = vector.multi_reduction <add>, %reduce_sum3A_2473, %reduce_sum3A_2474 [1, 2] : vector<1x264x128xi32> to vector<1xi32>
    %reduce_sum3A_2476 = vector.shape_cast %reduce_sum3A_2475 : vector<1xi32> to vector<1x1x1xi32>
    %reduce_sum3A_2477 = vector.extract %reduce_sum3A_2476[0, 0, 0] : i32 from vector<1x1x1xi32>
    %ge3A_2478 = arith.cmpi sge, %reduce_sum3A_2477, %select_n3A_2454 : i32
    %or3A_2479 = arith.constant 16384 : i32
    %or3A_2480 = arith.ori %select_n3A_2452, %or3A_2479 : i32
    %select_n3A_2481 = arith.select %ge3A_2478, %or3A_2480, %select_n3A_2452 : i32
    %sub3A_2482 = arith.subi %select_n3A_2454, %reduce_sum3A_2477 : i32
    %select_n3A_2483 = arith.select %ge3A_2478, %select_n3A_2454, %sub3A_2482 : i32
    %and3A_2484 = arith.constant -16384 : i32
    %and3A_2485 = vector.broadcast %and3A_2484 : i32 to vector<264x128xi32>
    %and3A_2486 = arith.andi %select_n3A_1952, %and3A_2485 : vector<264x128xi32>
    %eq3A_2487 = vector.broadcast %select_n3A_2481 : i32 to vector<264x128xi32>
    %eq3A_2488 = arith.cmpi eq, %and3A_2486, %eq3A_2487 : vector<264x128xi32>
    %and3A_2489 = arith.andi %eq3A_2488, %lt3A_4 : vector<264x128xi1>
    %and3A_2490 = arith.constant 8192 : i32
    %and3A_2491 = vector.broadcast %and3A_2490 : i32 to vector<264x128xi32>
    %and3A_2492 = arith.andi %select_n3A_1952, %and3A_2491 : vector<264x128xi32>
    %ne3A_2493 = arith.constant 0 : i32
    %ne3A_2494 = vector.broadcast %ne3A_2493 : i32 to vector<264x128xi32>
    %ne3A_2495 = arith.cmpi ne, %and3A_2492, %ne3A_2494 : vector<264x128xi32>
    %and3A_2496 = arith.andi %and3A_2489, %ne3A_2495 : vector<264x128xi1>
    %jit3A_2497 = arith.constant 1 : i32
    %jit3A_2498 = arith.constant 0 : i32
    %broadcast_in_dim3A_2499 = vector.broadcast %jit3A_2497 : i32 to vector<264x128xi32>
    %broadcast_in_dim3A_2500 = vector.broadcast %jit3A_2498 : i32 to vector<264x128xi32>
    %select_n3A_2501 = arith.select %and3A_2496, %broadcast_in_dim3A_2499, %broadcast_in_dim3A_2500 : vector<264x128xi1>, vector<264x128xi32>
    %reduce_sum3A_2502 = vector.shape_cast %select_n3A_2501 : vector<264x128xi32> to vector<1x264x128xi32>
    %reduce_sum3A_2503 = arith.constant dense<0> : vector<1xi32>
    %reduce_sum3A_2504 = vector.multi_reduction <add>, %reduce_sum3A_2502, %reduce_sum3A_2503 [1, 2] : vector<1x264x128xi32> to vector<1xi32>
    %reduce_sum3A_2505 = vector.shape_cast %reduce_sum3A_2504 : vector<1xi32> to vector<1x1x1xi32>
    %reduce_sum3A_2506 = vector.extract %reduce_sum3A_2505[0, 0, 0] : i32 from vector<1x1x1xi32>
    %ge3A_2507 = arith.cmpi sge, %reduce_sum3A_2506, %select_n3A_2483 : i32
    %or3A_2508 = arith.constant 8192 : i32
    %or3A_2509 = arith.ori %select_n3A_2481, %or3A_2508 : i32
    %select_n3A_2510 = arith.select %ge3A_2507, %or3A_2509, %select_n3A_2481 : i32
    %sub3A_2511 = arith.subi %select_n3A_2483, %reduce_sum3A_2506 : i32
    %select_n3A_2512 = arith.select %ge3A_2507, %select_n3A_2483, %sub3A_2511 : i32
    %and3A_2513 = arith.constant -8192 : i32
    %and3A_2514 = vector.broadcast %and3A_2513 : i32 to vector<264x128xi32>
    %and3A_2515 = arith.andi %select_n3A_1952, %and3A_2514 : vector<264x128xi32>
    %eq3A_2516 = vector.broadcast %select_n3A_2510 : i32 to vector<264x128xi32>
    %eq3A_2517 = arith.cmpi eq, %and3A_2515, %eq3A_2516 : vector<264x128xi32>
    %and3A_2518 = arith.andi %eq3A_2517, %lt3A_4 : vector<264x128xi1>
    %and3A_2519 = arith.constant 4096 : i32
    %and3A_2520 = vector.broadcast %and3A_2519 : i32 to vector<264x128xi32>
    %and3A_2521 = arith.andi %select_n3A_1952, %and3A_2520 : vector<264x128xi32>
    %ne3A_2522 = arith.constant 0 : i32
    %ne3A_2523 = vector.broadcast %ne3A_2522 : i32 to vector<264x128xi32>
    %ne3A_2524 = arith.cmpi ne, %and3A_2521, %ne3A_2523 : vector<264x128xi32>
    %and3A_2525 = arith.andi %and3A_2518, %ne3A_2524 : vector<264x128xi1>
    %jit3A_2526 = arith.constant 1 : i32
    %jit3A_2527 = arith.constant 0 : i32
    %broadcast_in_dim3A_2528 = vector.broadcast %jit3A_2526 : i32 to vector<264x128xi32>
    %broadcast_in_dim3A_2529 = vector.broadcast %jit3A_2527 : i32 to vector<264x128xi32>
    %select_n3A_2530 = arith.select %and3A_2525, %broadcast_in_dim3A_2528, %broadcast_in_dim3A_2529 : vector<264x128xi1>, vector<264x128xi32>
    %reduce_sum3A_2531 = vector.shape_cast %select_n3A_2530 : vector<264x128xi32> to vector<1x264x128xi32>
    %reduce_sum3A_2532 = arith.constant dense<0> : vector<1xi32>
    %reduce_sum3A_2533 = vector.multi_reduction <add>, %reduce_sum3A_2531, %reduce_sum3A_2532 [1, 2] : vector<1x264x128xi32> to vector<1xi32>
    %reduce_sum3A_2534 = vector.shape_cast %reduce_sum3A_2533 : vector<1xi32> to vector<1x1x1xi32>
    %reduce_sum3A_2535 = vector.extract %reduce_sum3A_2534[0, 0, 0] : i32 from vector<1x1x1xi32>
    %ge3A_2536 = arith.cmpi sge, %reduce_sum3A_2535, %select_n3A_2512 : i32
    %or3A_2537 = arith.constant 4096 : i32
    %or3A_2538 = arith.ori %select_n3A_2510, %or3A_2537 : i32
    %select_n3A_2539 = arith.select %ge3A_2536, %or3A_2538, %select_n3A_2510 : i32
    %sub3A_2540 = arith.subi %select_n3A_2512, %reduce_sum3A_2535 : i32
    %select_n3A_2541 = arith.select %ge3A_2536, %select_n3A_2512, %sub3A_2540 : i32
    %and3A_2542 = arith.constant -4096 : i32
    %and3A_2543 = vector.broadcast %and3A_2542 : i32 to vector<264x128xi32>
    %and3A_2544 = arith.andi %select_n3A_1952, %and3A_2543 : vector<264x128xi32>
    %eq3A_2545 = vector.broadcast %select_n3A_2539 : i32 to vector<264x128xi32>
    %eq3A_2546 = arith.cmpi eq, %and3A_2544, %eq3A_2545 : vector<264x128xi32>
    %and3A_2547 = arith.andi %eq3A_2546, %lt3A_4 : vector<264x128xi1>
    %and3A_2548 = arith.constant 2048 : i32
    %and3A_2549 = vector.broadcast %and3A_2548 : i32 to vector<264x128xi32>
    %and3A_2550 = arith.andi %select_n3A_1952, %and3A_2549 : vector<264x128xi32>
    %ne3A_2551 = arith.constant 0 : i32
    %ne3A_2552 = vector.broadcast %ne3A_2551 : i32 to vector<264x128xi32>
    %ne3A_2553 = arith.cmpi ne, %and3A_2550, %ne3A_2552 : vector<264x128xi32>
    %and3A_2554 = arith.andi %and3A_2547, %ne3A_2553 : vector<264x128xi1>
    %jit3A_2555 = arith.constant 1 : i32
    %jit3A_2556 = arith.constant 0 : i32
    %broadcast_in_dim3A_2557 = vector.broadcast %jit3A_2555 : i32 to vector<264x128xi32>
    %broadcast_in_dim3A_2558 = vector.broadcast %jit3A_2556 : i32 to vector<264x128xi32>
    %select_n3A_2559 = arith.select %and3A_2554, %broadcast_in_dim3A_2557, %broadcast_in_dim3A_2558 : vector<264x128xi1>, vector<264x128xi32>
    %reduce_sum3A_2560 = vector.shape_cast %select_n3A_2559 : vector<264x128xi32> to vector<1x264x128xi32>
    %reduce_sum3A_2561 = arith.constant dense<0> : vector<1xi32>
    %reduce_sum3A_2562 = vector.multi_reduction <add>, %reduce_sum3A_2560, %reduce_sum3A_2561 [1, 2] : vector<1x264x128xi32> to vector<1xi32>
    %reduce_sum3A_2563 = vector.shape_cast %reduce_sum3A_2562 : vector<1xi32> to vector<1x1x1xi32>
    %reduce_sum3A_2564 = vector.extract %reduce_sum3A_2563[0, 0, 0] : i32 from vector<1x1x1xi32>
    %ge3A_2565 = arith.cmpi sge, %reduce_sum3A_2564, %select_n3A_2541 : i32
    %or3A_2566 = arith.constant 2048 : i32
    %or3A_2567 = arith.ori %select_n3A_2539, %or3A_2566 : i32
    %select_n3A_2568 = arith.select %ge3A_2565, %or3A_2567, %select_n3A_2539 : i32
    %sub3A_2569 = arith.subi %select_n3A_2541, %reduce_sum3A_2564 : i32
    %select_n3A_2570 = arith.select %ge3A_2565, %select_n3A_2541, %sub3A_2569 : i32
    %and3A_2571 = arith.constant -2048 : i32
    %and3A_2572 = vector.broadcast %and3A_2571 : i32 to vector<264x128xi32>
    %and3A_2573 = arith.andi %select_n3A_1952, %and3A_2572 : vector<264x128xi32>
    %eq3A_2574 = vector.broadcast %select_n3A_2568 : i32 to vector<264x128xi32>
    %eq3A_2575 = arith.cmpi eq, %and3A_2573, %eq3A_2574 : vector<264x128xi32>
    %and3A_2576 = arith.andi %eq3A_2575, %lt3A_4 : vector<264x128xi1>
    %and3A_2577 = arith.constant 1024 : i32
    %and3A_2578 = vector.broadcast %and3A_2577 : i32 to vector<264x128xi32>
    %and3A_2579 = arith.andi %select_n3A_1952, %and3A_2578 : vector<264x128xi32>
    %ne3A_2580 = arith.constant 0 : i32
    %ne3A_2581 = vector.broadcast %ne3A_2580 : i32 to vector<264x128xi32>
    %ne3A_2582 = arith.cmpi ne, %and3A_2579, %ne3A_2581 : vector<264x128xi32>
    %and3A_2583 = arith.andi %and3A_2576, %ne3A_2582 : vector<264x128xi1>
    %jit3A_2584 = arith.constant 1 : i32
    %jit3A_2585 = arith.constant 0 : i32
    %broadcast_in_dim3A_2586 = vector.broadcast %jit3A_2584 : i32 to vector<264x128xi32>
    %broadcast_in_dim3A_2587 = vector.broadcast %jit3A_2585 : i32 to vector<264x128xi32>
    %select_n3A_2588 = arith.select %and3A_2583, %broadcast_in_dim3A_2586, %broadcast_in_dim3A_2587 : vector<264x128xi1>, vector<264x128xi32>
    %reduce_sum3A_2589 = vector.shape_cast %select_n3A_2588 : vector<264x128xi32> to vector<1x264x128xi32>
    %reduce_sum3A_2590 = arith.constant dense<0> : vector<1xi32>
    %reduce_sum3A_2591 = vector.multi_reduction <add>, %reduce_sum3A_2589, %reduce_sum3A_2590 [1, 2] : vector<1x264x128xi32> to vector<1xi32>
    %reduce_sum3A_2592 = vector.shape_cast %reduce_sum3A_2591 : vector<1xi32> to vector<1x1x1xi32>
    %reduce_sum3A_2593 = vector.extract %reduce_sum3A_2592[0, 0, 0] : i32 from vector<1x1x1xi32>
    %ge3A_2594 = arith.cmpi sge, %reduce_sum3A_2593, %select_n3A_2570 : i32
    %or3A_2595 = arith.constant 1024 : i32
    %or3A_2596 = arith.ori %select_n3A_2568, %or3A_2595 : i32
    %select_n3A_2597 = arith.select %ge3A_2594, %or3A_2596, %select_n3A_2568 : i32
    %sub3A_2598 = arith.subi %select_n3A_2570, %reduce_sum3A_2593 : i32
    %select_n3A_2599 = arith.select %ge3A_2594, %select_n3A_2570, %sub3A_2598 : i32
    %and3A_2600 = arith.constant -1024 : i32
    %and3A_2601 = vector.broadcast %and3A_2600 : i32 to vector<264x128xi32>
    %and3A_2602 = arith.andi %select_n3A_1952, %and3A_2601 : vector<264x128xi32>
    %eq3A_2603 = vector.broadcast %select_n3A_2597 : i32 to vector<264x128xi32>
    %eq3A_2604 = arith.cmpi eq, %and3A_2602, %eq3A_2603 : vector<264x128xi32>
    %and3A_2605 = arith.andi %eq3A_2604, %lt3A_4 : vector<264x128xi1>
    %and3A_2606 = arith.constant 512 : i32
    %and3A_2607 = vector.broadcast %and3A_2606 : i32 to vector<264x128xi32>
    %and3A_2608 = arith.andi %select_n3A_1952, %and3A_2607 : vector<264x128xi32>
    %ne3A_2609 = arith.constant 0 : i32
    %ne3A_2610 = vector.broadcast %ne3A_2609 : i32 to vector<264x128xi32>
    %ne3A_2611 = arith.cmpi ne, %and3A_2608, %ne3A_2610 : vector<264x128xi32>
    %and3A_2612 = arith.andi %and3A_2605, %ne3A_2611 : vector<264x128xi1>
    %jit3A_2613 = arith.constant 1 : i32
    %jit3A_2614 = arith.constant 0 : i32
    %broadcast_in_dim3A_2615 = vector.broadcast %jit3A_2613 : i32 to vector<264x128xi32>
    %broadcast_in_dim3A_2616 = vector.broadcast %jit3A_2614 : i32 to vector<264x128xi32>
    %select_n3A_2617 = arith.select %and3A_2612, %broadcast_in_dim3A_2615, %broadcast_in_dim3A_2616 : vector<264x128xi1>, vector<264x128xi32>
    %reduce_sum3A_2618 = vector.shape_cast %select_n3A_2617 : vector<264x128xi32> to vector<1x264x128xi32>
    %reduce_sum3A_2619 = arith.constant dense<0> : vector<1xi32>
    %reduce_sum3A_2620 = vector.multi_reduction <add>, %reduce_sum3A_2618, %reduce_sum3A_2619 [1, 2] : vector<1x264x128xi32> to vector<1xi32>
    %reduce_sum3A_2621 = vector.shape_cast %reduce_sum3A_2620 : vector<1xi32> to vector<1x1x1xi32>
    %reduce_sum3A_2622 = vector.extract %reduce_sum3A_2621[0, 0, 0] : i32 from vector<1x1x1xi32>
    %ge3A_2623 = arith.cmpi sge, %reduce_sum3A_2622, %select_n3A_2599 : i32
    %or3A_2624 = arith.constant 512 : i32
    %or3A_2625 = arith.ori %select_n3A_2597, %or3A_2624 : i32
    %select_n3A_2626 = arith.select %ge3A_2623, %or3A_2625, %select_n3A_2597 : i32
    %sub3A_2627 = arith.subi %select_n3A_2599, %reduce_sum3A_2622 : i32
    %select_n3A_2628 = arith.select %ge3A_2623, %select_n3A_2599, %sub3A_2627 : i32
    %and3A_2629 = arith.constant -512 : i32
    %and3A_2630 = vector.broadcast %and3A_2629 : i32 to vector<264x128xi32>
    %and3A_2631 = arith.andi %select_n3A_1952, %and3A_2630 : vector<264x128xi32>
    %eq3A_2632 = vector.broadcast %select_n3A_2626 : i32 to vector<264x128xi32>
    %eq3A_2633 = arith.cmpi eq, %and3A_2631, %eq3A_2632 : vector<264x128xi32>
    %and3A_2634 = arith.andi %eq3A_2633, %lt3A_4 : vector<264x128xi1>
    %and3A_2635 = arith.constant 256 : i32
    %and3A_2636 = vector.broadcast %and3A_2635 : i32 to vector<264x128xi32>
    %and3A_2637 = arith.andi %select_n3A_1952, %and3A_2636 : vector<264x128xi32>
    %ne3A_2638 = arith.constant 0 : i32
    %ne3A_2639 = vector.broadcast %ne3A_2638 : i32 to vector<264x128xi32>
    %ne3A_2640 = arith.cmpi ne, %and3A_2637, %ne3A_2639 : vector<264x128xi32>
    %and3A_2641 = arith.andi %and3A_2634, %ne3A_2640 : vector<264x128xi1>
    %jit3A_2642 = arith.constant 1 : i32
    %jit3A_2643 = arith.constant 0 : i32
    %broadcast_in_dim3A_2644 = vector.broadcast %jit3A_2642 : i32 to vector<264x128xi32>
    %broadcast_in_dim3A_2645 = vector.broadcast %jit3A_2643 : i32 to vector<264x128xi32>
    %select_n3A_2646 = arith.select %and3A_2641, %broadcast_in_dim3A_2644, %broadcast_in_dim3A_2645 : vector<264x128xi1>, vector<264x128xi32>
    %reduce_sum3A_2647 = vector.shape_cast %select_n3A_2646 : vector<264x128xi32> to vector<1x264x128xi32>
    %reduce_sum3A_2648 = arith.constant dense<0> : vector<1xi32>
    %reduce_sum3A_2649 = vector.multi_reduction <add>, %reduce_sum3A_2647, %reduce_sum3A_2648 [1, 2] : vector<1x264x128xi32> to vector<1xi32>
    %reduce_sum3A_2650 = vector.shape_cast %reduce_sum3A_2649 : vector<1xi32> to vector<1x1x1xi32>
    %reduce_sum3A_2651 = vector.extract %reduce_sum3A_2650[0, 0, 0] : i32 from vector<1x1x1xi32>
    %ge3A_2652 = arith.cmpi sge, %reduce_sum3A_2651, %select_n3A_2628 : i32
    %or3A_2653 = arith.constant 256 : i32
    %or3A_2654 = arith.ori %select_n3A_2626, %or3A_2653 : i32
    %select_n3A_2655 = arith.select %ge3A_2652, %or3A_2654, %select_n3A_2626 : i32
    %sub3A_2656 = arith.subi %select_n3A_2628, %reduce_sum3A_2651 : i32
    %select_n3A_2657 = arith.select %ge3A_2652, %select_n3A_2628, %sub3A_2656 : i32
    %and3A_2658 = arith.constant -256 : i32
    %and3A_2659 = vector.broadcast %and3A_2658 : i32 to vector<264x128xi32>
    %and3A_2660 = arith.andi %select_n3A_1952, %and3A_2659 : vector<264x128xi32>
    %eq3A_2661 = vector.broadcast %select_n3A_2655 : i32 to vector<264x128xi32>
    %eq3A_2662 = arith.cmpi eq, %and3A_2660, %eq3A_2661 : vector<264x128xi32>
    %and3A_2663 = arith.andi %eq3A_2662, %lt3A_4 : vector<264x128xi1>
    %and3A_2664 = arith.constant 128 : i32
    %and3A_2665 = vector.broadcast %and3A_2664 : i32 to vector<264x128xi32>
    %and3A_2666 = arith.andi %select_n3A_1952, %and3A_2665 : vector<264x128xi32>
    %ne3A_2667 = arith.constant 0 : i32
    %ne3A_2668 = vector.broadcast %ne3A_2667 : i32 to vector<264x128xi32>
    %ne3A_2669 = arith.cmpi ne, %and3A_2666, %ne3A_2668 : vector<264x128xi32>
    %and3A_2670 = arith.andi %and3A_2663, %ne3A_2669 : vector<264x128xi1>
    %jit3A_2671 = arith.constant 1 : i32
    %jit3A_2672 = arith.constant 0 : i32
    %broadcast_in_dim3A_2673 = vector.broadcast %jit3A_2671 : i32 to vector<264x128xi32>
    %broadcast_in_dim3A_2674 = vector.broadcast %jit3A_2672 : i32 to vector<264x128xi32>
    %select_n3A_2675 = arith.select %and3A_2670, %broadcast_in_dim3A_2673, %broadcast_in_dim3A_2674 : vector<264x128xi1>, vector<264x128xi32>
    %reduce_sum3A_2676 = vector.shape_cast %select_n3A_2675 : vector<264x128xi32> to vector<1x264x128xi32>
    %reduce_sum3A_2677 = arith.constant dense<0> : vector<1xi32>
    %reduce_sum3A_2678 = vector.multi_reduction <add>, %reduce_sum3A_2676, %reduce_sum3A_2677 [1, 2] : vector<1x264x128xi32> to vector<1xi32>
    %reduce_sum3A_2679 = vector.shape_cast %reduce_sum3A_2678 : vector<1xi32> to vector<1x1x1xi32>
    %reduce_sum3A_2680 = vector.extract %reduce_sum3A_2679[0, 0, 0] : i32 from vector<1x1x1xi32>
    %ge3A_2681 = arith.cmpi sge, %reduce_sum3A_2680, %select_n3A_2657 : i32
    %or3A_2682 = arith.constant 128 : i32
    %or3A_2683 = arith.ori %select_n3A_2655, %or3A_2682 : i32
    %select_n3A_2684 = arith.select %ge3A_2681, %or3A_2683, %select_n3A_2655 : i32
    %sub3A_2685 = arith.subi %select_n3A_2657, %reduce_sum3A_2680 : i32
    %select_n3A_2686 = arith.select %ge3A_2681, %select_n3A_2657, %sub3A_2685 : i32
    %and3A_2687 = arith.constant -128 : i32
    %and3A_2688 = vector.broadcast %and3A_2687 : i32 to vector<264x128xi32>
    %and3A_2689 = arith.andi %select_n3A_1952, %and3A_2688 : vector<264x128xi32>
    %eq3A_2690 = vector.broadcast %select_n3A_2684 : i32 to vector<264x128xi32>
    %eq3A_2691 = arith.cmpi eq, %and3A_2689, %eq3A_2690 : vector<264x128xi32>
    %and3A_2692 = arith.andi %eq3A_2691, %lt3A_4 : vector<264x128xi1>
    %and3A_2693 = arith.constant 64 : i32
    %and3A_2694 = vector.broadcast %and3A_2693 : i32 to vector<264x128xi32>
    %and3A_2695 = arith.andi %select_n3A_1952, %and3A_2694 : vector<264x128xi32>
    %ne3A_2696 = arith.constant 0 : i32
    %ne3A_2697 = vector.broadcast %ne3A_2696 : i32 to vector<264x128xi32>
    %ne3A_2698 = arith.cmpi ne, %and3A_2695, %ne3A_2697 : vector<264x128xi32>
    %and3A_2699 = arith.andi %and3A_2692, %ne3A_2698 : vector<264x128xi1>
    %jit3A_2700 = arith.constant 1 : i32
    %jit3A_2701 = arith.constant 0 : i32
    %broadcast_in_dim3A_2702 = vector.broadcast %jit3A_2700 : i32 to vector<264x128xi32>
    %broadcast_in_dim3A_2703 = vector.broadcast %jit3A_2701 : i32 to vector<264x128xi32>
    %select_n3A_2704 = arith.select %and3A_2699, %broadcast_in_dim3A_2702, %broadcast_in_dim3A_2703 : vector<264x128xi1>, vector<264x128xi32>
    %reduce_sum3A_2705 = vector.shape_cast %select_n3A_2704 : vector<264x128xi32> to vector<1x264x128xi32>
    %reduce_sum3A_2706 = arith.constant dense<0> : vector<1xi32>
    %reduce_sum3A_2707 = vector.multi_reduction <add>, %reduce_sum3A_2705, %reduce_sum3A_2706 [1, 2] : vector<1x264x128xi32> to vector<1xi32>
    %reduce_sum3A_2708 = vector.shape_cast %reduce_sum3A_2707 : vector<1xi32> to vector<1x1x1xi32>
    %reduce_sum3A_2709 = vector.extract %reduce_sum3A_2708[0, 0, 0] : i32 from vector<1x1x1xi32>
    %ge3A_2710 = arith.cmpi sge, %reduce_sum3A_2709, %select_n3A_2686 : i32
    %or3A_2711 = arith.constant 64 : i32
    %or3A_2712 = arith.ori %select_n3A_2684, %or3A_2711 : i32
    %select_n3A_2713 = arith.select %ge3A_2710, %or3A_2712, %select_n3A_2684 : i32
    %sub3A_2714 = arith.subi %select_n3A_2686, %reduce_sum3A_2709 : i32
    %select_n3A_2715 = arith.select %ge3A_2710, %select_n3A_2686, %sub3A_2714 : i32
    %and3A_2716 = arith.constant -64 : i32
    %and3A_2717 = vector.broadcast %and3A_2716 : i32 to vector<264x128xi32>
    %and3A_2718 = arith.andi %select_n3A_1952, %and3A_2717 : vector<264x128xi32>
    %eq3A_2719 = vector.broadcast %select_n3A_2713 : i32 to vector<264x128xi32>
    %eq3A_2720 = arith.cmpi eq, %and3A_2718, %eq3A_2719 : vector<264x128xi32>
    %and3A_2721 = arith.andi %eq3A_2720, %lt3A_4 : vector<264x128xi1>
    %and3A_2722 = arith.constant 32 : i32
    %and3A_2723 = vector.broadcast %and3A_2722 : i32 to vector<264x128xi32>
    %and3A_2724 = arith.andi %select_n3A_1952, %and3A_2723 : vector<264x128xi32>
    %ne3A_2725 = arith.constant 0 : i32
    %ne3A_2726 = vector.broadcast %ne3A_2725 : i32 to vector<264x128xi32>
    %ne3A_2727 = arith.cmpi ne, %and3A_2724, %ne3A_2726 : vector<264x128xi32>
    %and3A_2728 = arith.andi %and3A_2721, %ne3A_2727 : vector<264x128xi1>
    %jit3A_2729 = arith.constant 1 : i32
    %jit3A_2730 = arith.constant 0 : i32
    %broadcast_in_dim3A_2731 = vector.broadcast %jit3A_2729 : i32 to vector<264x128xi32>
    %broadcast_in_dim3A_2732 = vector.broadcast %jit3A_2730 : i32 to vector<264x128xi32>
    %select_n3A_2733 = arith.select %and3A_2728, %broadcast_in_dim3A_2731, %broadcast_in_dim3A_2732 : vector<264x128xi1>, vector<264x128xi32>
    %reduce_sum3A_2734 = vector.shape_cast %select_n3A_2733 : vector<264x128xi32> to vector<1x264x128xi32>
    %reduce_sum3A_2735 = arith.constant dense<0> : vector<1xi32>
    %reduce_sum3A_2736 = vector.multi_reduction <add>, %reduce_sum3A_2734, %reduce_sum3A_2735 [1, 2] : vector<1x264x128xi32> to vector<1xi32>
    %reduce_sum3A_2737 = vector.shape_cast %reduce_sum3A_2736 : vector<1xi32> to vector<1x1x1xi32>
    %reduce_sum3A_2738 = vector.extract %reduce_sum3A_2737[0, 0, 0] : i32 from vector<1x1x1xi32>
    %ge3A_2739 = arith.cmpi sge, %reduce_sum3A_2738, %select_n3A_2715 : i32
    %or3A_2740 = arith.constant 32 : i32
    %or3A_2741 = arith.ori %select_n3A_2713, %or3A_2740 : i32
    %select_n3A_2742 = arith.select %ge3A_2739, %or3A_2741, %select_n3A_2713 : i32
    %sub3A_2743 = arith.subi %select_n3A_2715, %reduce_sum3A_2738 : i32
    %select_n3A_2744 = arith.select %ge3A_2739, %select_n3A_2715, %sub3A_2743 : i32
    %and3A_2745 = arith.constant -32 : i32
    %and3A_2746 = vector.broadcast %and3A_2745 : i32 to vector<264x128xi32>
    %and3A_2747 = arith.andi %select_n3A_1952, %and3A_2746 : vector<264x128xi32>
    %eq3A_2748 = vector.broadcast %select_n3A_2742 : i32 to vector<264x128xi32>
    %eq3A_2749 = arith.cmpi eq, %and3A_2747, %eq3A_2748 : vector<264x128xi32>
    %and3A_2750 = arith.andi %eq3A_2749, %lt3A_4 : vector<264x128xi1>
    %and3A_2751 = arith.constant 16 : i32
    %and3A_2752 = vector.broadcast %and3A_2751 : i32 to vector<264x128xi32>
    %and3A_2753 = arith.andi %select_n3A_1952, %and3A_2752 : vector<264x128xi32>
    %ne3A_2754 = arith.constant 0 : i32
    %ne3A_2755 = vector.broadcast %ne3A_2754 : i32 to vector<264x128xi32>
    %ne3A_2756 = arith.cmpi ne, %and3A_2753, %ne3A_2755 : vector<264x128xi32>
    %and3A_2757 = arith.andi %and3A_2750, %ne3A_2756 : vector<264x128xi1>
    %jit3A_2758 = arith.constant 1 : i32
    %jit3A_2759 = arith.constant 0 : i32
    %broadcast_in_dim3A_2760 = vector.broadcast %jit3A_2758 : i32 to vector<264x128xi32>
    %broadcast_in_dim3A_2761 = vector.broadcast %jit3A_2759 : i32 to vector<264x128xi32>
    %select_n3A_2762 = arith.select %and3A_2757, %broadcast_in_dim3A_2760, %broadcast_in_dim3A_2761 : vector<264x128xi1>, vector<264x128xi32>
    %reduce_sum3A_2763 = vector.shape_cast %select_n3A_2762 : vector<264x128xi32> to vector<1x264x128xi32>
    %reduce_sum3A_2764 = arith.constant dense<0> : vector<1xi32>
    %reduce_sum3A_2765 = vector.multi_reduction <add>, %reduce_sum3A_2763, %reduce_sum3A_2764 [1, 2] : vector<1x264x128xi32> to vector<1xi32>
    %reduce_sum3A_2766 = vector.shape_cast %reduce_sum3A_2765 : vector<1xi32> to vector<1x1x1xi32>
    %reduce_sum3A_2767 = vector.extract %reduce_sum3A_2766[0, 0, 0] : i32 from vector<1x1x1xi32>
    %ge3A_2768 = arith.cmpi sge, %reduce_sum3A_2767, %select_n3A_2744 : i32
    %or3A_2769 = arith.constant 16 : i32
    %or3A_2770 = arith.ori %select_n3A_2742, %or3A_2769 : i32
    %select_n3A_2771 = arith.select %ge3A_2768, %or3A_2770, %select_n3A_2742 : i32
    %sub3A_2772 = arith.subi %select_n3A_2744, %reduce_sum3A_2767 : i32
    %select_n3A_2773 = arith.select %ge3A_2768, %select_n3A_2744, %sub3A_2772 : i32
    %and3A_2774 = arith.constant -16 : i32
    %and3A_2775 = vector.broadcast %and3A_2774 : i32 to vector<264x128xi32>
    %and3A_2776 = arith.andi %select_n3A_1952, %and3A_2775 : vector<264x128xi32>
    %eq3A_2777 = vector.broadcast %select_n3A_2771 : i32 to vector<264x128xi32>
    %eq3A_2778 = arith.cmpi eq, %and3A_2776, %eq3A_2777 : vector<264x128xi32>
    %and3A_2779 = arith.andi %eq3A_2778, %lt3A_4 : vector<264x128xi1>
    %and3A_2780 = arith.constant 8 : i32
    %and3A_2781 = vector.broadcast %and3A_2780 : i32 to vector<264x128xi32>
    %and3A_2782 = arith.andi %select_n3A_1952, %and3A_2781 : vector<264x128xi32>
    %ne3A_2783 = arith.constant 0 : i32
    %ne3A_2784 = vector.broadcast %ne3A_2783 : i32 to vector<264x128xi32>
    %ne3A_2785 = arith.cmpi ne, %and3A_2782, %ne3A_2784 : vector<264x128xi32>
    %and3A_2786 = arith.andi %and3A_2779, %ne3A_2785 : vector<264x128xi1>
    %jit3A_2787 = arith.constant 1 : i32
    %jit3A_2788 = arith.constant 0 : i32
    %broadcast_in_dim3A_2789 = vector.broadcast %jit3A_2787 : i32 to vector<264x128xi32>
    %broadcast_in_dim3A_2790 = vector.broadcast %jit3A_2788 : i32 to vector<264x128xi32>
    %select_n3A_2791 = arith.select %and3A_2786, %broadcast_in_dim3A_2789, %broadcast_in_dim3A_2790 : vector<264x128xi1>, vector<264x128xi32>
    %reduce_sum3A_2792 = vector.shape_cast %select_n3A_2791 : vector<264x128xi32> to vector<1x264x128xi32>
    %reduce_sum3A_2793 = arith.constant dense<0> : vector<1xi32>
    %reduce_sum3A_2794 = vector.multi_reduction <add>, %reduce_sum3A_2792, %reduce_sum3A_2793 [1, 2] : vector<1x264x128xi32> to vector<1xi32>
    %reduce_sum3A_2795 = vector.shape_cast %reduce_sum3A_2794 : vector<1xi32> to vector<1x1x1xi32>
    %reduce_sum3A_2796 = vector.extract %reduce_sum3A_2795[0, 0, 0] : i32 from vector<1x1x1xi32>
    %ge3A_2797 = arith.cmpi sge, %reduce_sum3A_2796, %select_n3A_2773 : i32
    %or3A_2798 = arith.constant 8 : i32
    %or3A_2799 = arith.ori %select_n3A_2771, %or3A_2798 : i32
    %select_n3A_2800 = arith.select %ge3A_2797, %or3A_2799, %select_n3A_2771 : i32
    %sub3A_2801 = arith.subi %select_n3A_2773, %reduce_sum3A_2796 : i32
    %select_n3A_2802 = arith.select %ge3A_2797, %select_n3A_2773, %sub3A_2801 : i32
    %and3A_2803 = arith.constant -8 : i32
    %and3A_2804 = vector.broadcast %and3A_2803 : i32 to vector<264x128xi32>
    %and3A_2805 = arith.andi %select_n3A_1952, %and3A_2804 : vector<264x128xi32>
    %eq3A_2806 = vector.broadcast %select_n3A_2800 : i32 to vector<264x128xi32>
    %eq3A_2807 = arith.cmpi eq, %and3A_2805, %eq3A_2806 : vector<264x128xi32>
    %and3A_2808 = arith.andi %eq3A_2807, %lt3A_4 : vector<264x128xi1>
    %and3A_2809 = arith.constant 4 : i32
    %and3A_2810 = vector.broadcast %and3A_2809 : i32 to vector<264x128xi32>
    %and3A_2811 = arith.andi %select_n3A_1952, %and3A_2810 : vector<264x128xi32>
    %ne3A_2812 = arith.constant 0 : i32
    %ne3A_2813 = vector.broadcast %ne3A_2812 : i32 to vector<264x128xi32>
    %ne3A_2814 = arith.cmpi ne, %and3A_2811, %ne3A_2813 : vector<264x128xi32>
    %and3A_2815 = arith.andi %and3A_2808, %ne3A_2814 : vector<264x128xi1>
    %jit3A_2816 = arith.constant 1 : i32
    %jit3A_2817 = arith.constant 0 : i32
    %broadcast_in_dim3A_2818 = vector.broadcast %jit3A_2816 : i32 to vector<264x128xi32>
    %broadcast_in_dim3A_2819 = vector.broadcast %jit3A_2817 : i32 to vector<264x128xi32>
    %select_n3A_2820 = arith.select %and3A_2815, %broadcast_in_dim3A_2818, %broadcast_in_dim3A_2819 : vector<264x128xi1>, vector<264x128xi32>
    %reduce_sum3A_2821 = vector.shape_cast %select_n3A_2820 : vector<264x128xi32> to vector<1x264x128xi32>
    %reduce_sum3A_2822 = arith.constant dense<0> : vector<1xi32>
    %reduce_sum3A_2823 = vector.multi_reduction <add>, %reduce_sum3A_2821, %reduce_sum3A_2822 [1, 2] : vector<1x264x128xi32> to vector<1xi32>
    %reduce_sum3A_2824 = vector.shape_cast %reduce_sum3A_2823 : vector<1xi32> to vector<1x1x1xi32>
    %reduce_sum3A_2825 = vector.extract %reduce_sum3A_2824[0, 0, 0] : i32 from vector<1x1x1xi32>
    %ge3A_2826 = arith.cmpi sge, %reduce_sum3A_2825, %select_n3A_2802 : i32
    %or3A_2827 = arith.constant 4 : i32
    %or3A_2828 = arith.ori %select_n3A_2800, %or3A_2827 : i32
    %select_n3A_2829 = arith.select %ge3A_2826, %or3A_2828, %select_n3A_2800 : i32
    %sub3A_2830 = arith.subi %select_n3A_2802, %reduce_sum3A_2825 : i32
    %select_n3A_2831 = arith.select %ge3A_2826, %select_n3A_2802, %sub3A_2830 : i32
    %and3A_2832 = arith.constant -4 : i32
    %and3A_2833 = vector.broadcast %and3A_2832 : i32 to vector<264x128xi32>
    %and3A_2834 = arith.andi %select_n3A_1952, %and3A_2833 : vector<264x128xi32>
    %eq3A_2835 = vector.broadcast %select_n3A_2829 : i32 to vector<264x128xi32>
    %eq3A_2836 = arith.cmpi eq, %and3A_2834, %eq3A_2835 : vector<264x128xi32>
    %and3A_2837 = arith.andi %eq3A_2836, %lt3A_4 : vector<264x128xi1>
    %and3A_2838 = arith.constant 2 : i32
    %and3A_2839 = vector.broadcast %and3A_2838 : i32 to vector<264x128xi32>
    %and3A_2840 = arith.andi %select_n3A_1952, %and3A_2839 : vector<264x128xi32>
    %ne3A_2841 = arith.constant 0 : i32
    %ne3A_2842 = vector.broadcast %ne3A_2841 : i32 to vector<264x128xi32>
    %ne3A_2843 = arith.cmpi ne, %and3A_2840, %ne3A_2842 : vector<264x128xi32>
    %and3A_2844 = arith.andi %and3A_2837, %ne3A_2843 : vector<264x128xi1>
    %jit3A_2845 = arith.constant 1 : i32
    %jit3A_2846 = arith.constant 0 : i32
    %broadcast_in_dim3A_2847 = vector.broadcast %jit3A_2845 : i32 to vector<264x128xi32>
    %broadcast_in_dim3A_2848 = vector.broadcast %jit3A_2846 : i32 to vector<264x128xi32>
    %select_n3A_2849 = arith.select %and3A_2844, %broadcast_in_dim3A_2847, %broadcast_in_dim3A_2848 : vector<264x128xi1>, vector<264x128xi32>
    %reduce_sum3A_2850 = vector.shape_cast %select_n3A_2849 : vector<264x128xi32> to vector<1x264x128xi32>
    %reduce_sum3A_2851 = arith.constant dense<0> : vector<1xi32>
    %reduce_sum3A_2852 = vector.multi_reduction <add>, %reduce_sum3A_2850, %reduce_sum3A_2851 [1, 2] : vector<1x264x128xi32> to vector<1xi32>
    %reduce_sum3A_2853 = vector.shape_cast %reduce_sum3A_2852 : vector<1xi32> to vector<1x1x1xi32>
    %reduce_sum3A_2854 = vector.extract %reduce_sum3A_2853[0, 0, 0] : i32 from vector<1x1x1xi32>
    %ge3A_2855 = arith.cmpi sge, %reduce_sum3A_2854, %select_n3A_2831 : i32
    %or3A_2856 = arith.constant 2 : i32
    %or3A_2857 = arith.ori %select_n3A_2829, %or3A_2856 : i32
    %select_n3A_2858 = arith.select %ge3A_2855, %or3A_2857, %select_n3A_2829 : i32
    %sub3A_2859 = arith.subi %select_n3A_2831, %reduce_sum3A_2854 : i32
    %select_n3A_2860 = arith.select %ge3A_2855, %select_n3A_2831, %sub3A_2859 : i32
    %and3A_2861 = arith.constant -2 : i32
    %and3A_2862 = vector.broadcast %and3A_2861 : i32 to vector<264x128xi32>
    %and3A_2863 = arith.andi %select_n3A_1952, %and3A_2862 : vector<264x128xi32>
    %eq3A_2864 = vector.broadcast %select_n3A_2858 : i32 to vector<264x128xi32>
    %eq3A_2865 = arith.cmpi eq, %and3A_2863, %eq3A_2864 : vector<264x128xi32>
    %and3A_2866 = arith.andi %eq3A_2865, %lt3A_4 : vector<264x128xi1>
    %and3A_2867 = arith.constant 1 : i32
    %and3A_2868 = vector.broadcast %and3A_2867 : i32 to vector<264x128xi32>
    %and3A_2869 = arith.andi %select_n3A_1952, %and3A_2868 : vector<264x128xi32>
    %ne3A_2870 = arith.constant 0 : i32
    %ne3A_2871 = vector.broadcast %ne3A_2870 : i32 to vector<264x128xi32>
    %ne3A_2872 = arith.cmpi ne, %and3A_2869, %ne3A_2871 : vector<264x128xi32>
    %and3A_2873 = arith.andi %and3A_2866, %ne3A_2872 : vector<264x128xi1>
    %jit3A_2874 = arith.constant 1 : i32
    %jit3A_2875 = arith.constant 0 : i32
    %broadcast_in_dim3A_2876 = vector.broadcast %jit3A_2874 : i32 to vector<264x128xi32>
    %broadcast_in_dim3A_2877 = vector.broadcast %jit3A_2875 : i32 to vector<264x128xi32>
    %select_n3A_2878 = arith.select %and3A_2873, %broadcast_in_dim3A_2876, %broadcast_in_dim3A_2877 : vector<264x128xi1>, vector<264x128xi32>
    %reduce_sum3A_2879 = vector.shape_cast %select_n3A_2878 : vector<264x128xi32> to vector<1x264x128xi32>
    %reduce_sum3A_2880 = arith.constant dense<0> : vector<1xi32>
    %reduce_sum3A_2881 = vector.multi_reduction <add>, %reduce_sum3A_2879, %reduce_sum3A_2880 [1, 2] : vector<1x264x128xi32> to vector<1xi32>
    %reduce_sum3A_2882 = vector.shape_cast %reduce_sum3A_2881 : vector<1xi32> to vector<1x1x1xi32>
    %reduce_sum3A_2883 = vector.extract %reduce_sum3A_2882[0, 0, 0] : i32 from vector<1x1x1xi32>
    %ge3A_2884 = arith.cmpi sge, %reduce_sum3A_2883, %select_n3A_2860 : i32
    %or3A_2885 = arith.constant 1 : i32
    %or3A_2886 = arith.ori %select_n3A_2858, %or3A_2885 : i32
    %select_n3A_2887 = arith.select %ge3A_2884, %or3A_2886, %select_n3A_2858 : i32
    %sub3A_2888 = arith.subi %select_n3A_2860, %reduce_sum3A_2883 : i32
    %select_n3A_2889 = arith.select %ge3A_2884, %select_n3A_2860, %sub3A_2888 : i32
    %xor3A_2890 = arith.constant -2147483648 : i32
    %xor3A_2891 = arith.xori %select_n3A_2887, %xor3A_2890 : i32
    %gt3A_2892 = vector.broadcast %xor3A_2891 : i32 to vector<264x128xi32>
    %gt3A_2893 = arith.cmpi sgt, %xor3A_1955, %gt3A_2892 : vector<264x128xi32>
    %and3A_2894 = arith.andi %gt3A_2893, %lt3A_4 : vector<264x128xi1>
    %eq3A_2895 = vector.broadcast %xor3A_2891 : i32 to vector<264x128xi32>
    %eq3A_2896 = arith.cmpi eq, %xor3A_1955, %eq3A_2895 : vector<264x128xi32>
    %and3A_2897 = arith.andi %eq3A_2896, %lt3A_4 : vector<264x128xi1>
    %add3A_2898 = arith.constant 0 : i32
    %add3A_2899 = arith.constant 33750 : i32
    %add3A_2900 = arith.addi %add3A_2898, %add3A_2899 : i32
    %jit3A_2901 = arith.constant 2 : i32
    %div3A_2902 = arith.divsi %add3A_2900, %jit3A_2901 : i32
    %sign3A_2903 = arith.constant 0 : i32
    %sign3A_2904 = arith.cmpi sgt, %add3A_2900, %sign3A_2903 : i32
    %sign3A_2905 = arith.extui %sign3A_2904 : i1 to i32
    %sign3A_2906 = arith.constant 0 : i32
    %sign3A_2907 = arith.cmpi slt, %add3A_2900, %sign3A_2906 : i32
    %sign3A_2908 = arith.extui %sign3A_2907 : i1 to i32
    %sign3A_2909 = arith.subi %sign3A_2905, %sign3A_2908 : i32
    %sign3A_2910 = arith.constant 0 : i32
    %sign3A_2911 = arith.cmpi sgt, %jit3A_2901, %sign3A_2910 : i32
    %sign3A_2912 = arith.extui %sign3A_2911 : i1 to i32
    %sign3A_2913 = arith.constant 0 : i32
    %sign3A_2914 = arith.cmpi slt, %jit3A_2901, %sign3A_2913 : i32
    %sign3A_2915 = arith.extui %sign3A_2914 : i1 to i32
    %sign3A_2916 = arith.subi %sign3A_2912, %sign3A_2915 : i32
    %ne3A_2917 = arith.cmpi ne, %sign3A_2909, %sign3A_2916 : i32
    %rem3A_2918 = arith.remsi %add3A_2900, %jit3A_2901 : i32
    %ne3A_2919 = arith.constant 0 : i32
    %ne3A_2920 = arith.cmpi ne, %rem3A_2918, %ne3A_2919 : i32
    %and3A_2921 = arith.andi %ne3A_2917, %ne3A_2920 : i1
    %sub3A_2922 = arith.constant 1 : i32
    %sub3A_2923 = arith.subi %div3A_2902, %sub3A_2922 : i32
    %select_n3A_2924 = arith.select %and3A_2921, %sub3A_2923, %div3A_2902 : i32
    %lt3A_2925 = vector.broadcast %select_n3A_2924 : i32 to vector<264x128xi32>
    %lt3A_2926 = arith.cmpi slt, %add3A, %lt3A_2925 : vector<264x128xi32>
    %and3A_2927 = arith.andi %and3A_2897, %lt3A_2926 : vector<264x128xi1>
    %jit3A_2928 = arith.constant 1 : i32
    %jit3A_2929 = arith.constant 0 : i32
    %broadcast_in_dim3A_2930 = vector.broadcast %jit3A_2928 : i32 to vector<264x128xi32>
    %broadcast_in_dim3A_2931 = vector.broadcast %jit3A_2929 : i32 to vector<264x128xi32>
    %select_n3A_2932 = arith.select %and3A_2927, %broadcast_in_dim3A_2930, %broadcast_in_dim3A_2931 : vector<264x128xi1>, vector<264x128xi32>
    %reduce_sum3A_2933 = vector.shape_cast %select_n3A_2932 : vector<264x128xi32> to vector<1x264x128xi32>
    %reduce_sum3A_2934 = arith.constant dense<0> : vector<1xi32>
    %reduce_sum3A_2935 = vector.multi_reduction <add>, %reduce_sum3A_2933, %reduce_sum3A_2934 [1, 2] : vector<1x264x128xi32> to vector<1xi32>
    %reduce_sum3A_2936 = vector.shape_cast %reduce_sum3A_2935 : vector<1xi32> to vector<1x1x1xi32>
    %reduce_sum3A_2937 = vector.extract %reduce_sum3A_2936[0, 0, 0] : i32 from vector<1x1x1xi32>
    %ge3A_2938 = arith.cmpi sge, %reduce_sum3A_2937, %select_n3A_2889 : i32
    %jit3A_2939 = arith.constant 33750 : i32
    %select_n3A_2940 = arith.select %ge3A_2938, %select_n3A_2924, %jit3A_2939 : i32
    %add3A_2941 = arith.constant 1 : i32
    %add3A_2942 = arith.addi %select_n3A_2924, %add3A_2941 : i32
    %jit3A_2943 = arith.constant 0 : i32
    %select_n3A_2944 = arith.select %ge3A_2938, %jit3A_2943, %add3A_2942 : i32
    %add3A_2945 = arith.addi %select_n3A_2944, %select_n3A_2940 : i32
    %jit3A_2946 = arith.constant 2 : i32
    %div3A_2947 = arith.divsi %add3A_2945, %jit3A_2946 : i32
    %sign3A_2948 = arith.constant 0 : i32
    %sign3A_2949 = arith.cmpi sgt, %add3A_2945, %sign3A_2948 : i32
    %sign3A_2950 = arith.extui %sign3A_2949 : i1 to i32
    %sign3A_2951 = arith.constant 0 : i32
    %sign3A_2952 = arith.cmpi slt, %add3A_2945, %sign3A_2951 : i32
    %sign3A_2953 = arith.extui %sign3A_2952 : i1 to i32
    %sign3A_2954 = arith.subi %sign3A_2950, %sign3A_2953 : i32
    %sign3A_2955 = arith.constant 0 : i32
    %sign3A_2956 = arith.cmpi sgt, %jit3A_2946, %sign3A_2955 : i32
    %sign3A_2957 = arith.extui %sign3A_2956 : i1 to i32
    %sign3A_2958 = arith.constant 0 : i32
    %sign3A_2959 = arith.cmpi slt, %jit3A_2946, %sign3A_2958 : i32
    %sign3A_2960 = arith.extui %sign3A_2959 : i1 to i32
    %sign3A_2961 = arith.subi %sign3A_2957, %sign3A_2960 : i32
    %ne3A_2962 = arith.cmpi ne, %sign3A_2954, %sign3A_2961 : i32
    %rem3A_2963 = arith.remsi %add3A_2945, %jit3A_2946 : i32
    %ne3A_2964 = arith.constant 0 : i32
    %ne3A_2965 = arith.cmpi ne, %rem3A_2963, %ne3A_2964 : i32
    %and3A_2966 = arith.andi %ne3A_2962, %ne3A_2965 : i1
    %sub3A_2967 = arith.constant 1 : i32
    %sub3A_2968 = arith.subi %div3A_2947, %sub3A_2967 : i32
    %select_n3A_2969 = arith.select %and3A_2966, %sub3A_2968, %div3A_2947 : i32
    %lt3A_2970 = vector.broadcast %select_n3A_2969 : i32 to vector<264x128xi32>
    %lt3A_2971 = arith.cmpi slt, %add3A, %lt3A_2970 : vector<264x128xi32>
    %and3A_2972 = arith.andi %and3A_2897, %lt3A_2971 : vector<264x128xi1>
    %jit3A_2973 = arith.constant 1 : i32
    %jit3A_2974 = arith.constant 0 : i32
    %broadcast_in_dim3A_2975 = vector.broadcast %jit3A_2973 : i32 to vector<264x128xi32>
    %broadcast_in_dim3A_2976 = vector.broadcast %jit3A_2974 : i32 to vector<264x128xi32>
    %select_n3A_2977 = arith.select %and3A_2972, %broadcast_in_dim3A_2975, %broadcast_in_dim3A_2976 : vector<264x128xi1>, vector<264x128xi32>
    %reduce_sum3A_2978 = vector.shape_cast %select_n3A_2977 : vector<264x128xi32> to vector<1x264x128xi32>
    %reduce_sum3A_2979 = arith.constant dense<0> : vector<1xi32>
    %reduce_sum3A_2980 = vector.multi_reduction <add>, %reduce_sum3A_2978, %reduce_sum3A_2979 [1, 2] : vector<1x264x128xi32> to vector<1xi32>
    %reduce_sum3A_2981 = vector.shape_cast %reduce_sum3A_2980 : vector<1xi32> to vector<1x1x1xi32>
    %reduce_sum3A_2982 = vector.extract %reduce_sum3A_2981[0, 0, 0] : i32 from vector<1x1x1xi32>
    %ge3A_2983 = arith.cmpi sge, %reduce_sum3A_2982, %select_n3A_2889 : i32
    %select_n3A_2984 = arith.select %ge3A_2983, %select_n3A_2969, %select_n3A_2940 : i32
    %add3A_2985 = arith.constant 1 : i32
    %add3A_2986 = arith.addi %select_n3A_2969, %add3A_2985 : i32
    %select_n3A_2987 = arith.select %ge3A_2983, %select_n3A_2944, %add3A_2986 : i32
    %add3A_2988 = arith.addi %select_n3A_2987, %select_n3A_2984 : i32
    %jit3A_2989 = arith.constant 2 : i32
    %div3A_2990 = arith.divsi %add3A_2988, %jit3A_2989 : i32
    %sign3A_2991 = arith.constant 0 : i32
    %sign3A_2992 = arith.cmpi sgt, %add3A_2988, %sign3A_2991 : i32
    %sign3A_2993 = arith.extui %sign3A_2992 : i1 to i32
    %sign3A_2994 = arith.constant 0 : i32
    %sign3A_2995 = arith.cmpi slt, %add3A_2988, %sign3A_2994 : i32
    %sign3A_2996 = arith.extui %sign3A_2995 : i1 to i32
    %sign3A_2997 = arith.subi %sign3A_2993, %sign3A_2996 : i32
    %sign3A_2998 = arith.constant 0 : i32
    %sign3A_2999 = arith.cmpi sgt, %jit3A_2989, %sign3A_2998 : i32
    %sign3A_3000 = arith.extui %sign3A_2999 : i1 to i32
    %sign3A_3001 = arith.constant 0 : i32
    %sign3A_3002 = arith.cmpi slt, %jit3A_2989, %sign3A_3001 : i32
    %sign3A_3003 = arith.extui %sign3A_3002 : i1 to i32
    %sign3A_3004 = arith.subi %sign3A_3000, %sign3A_3003 : i32
    %ne3A_3005 = arith.cmpi ne, %sign3A_2997, %sign3A_3004 : i32
    %rem3A_3006 = arith.remsi %add3A_2988, %jit3A_2989 : i32
    %ne3A_3007 = arith.constant 0 : i32
    %ne3A_3008 = arith.cmpi ne, %rem3A_3006, %ne3A_3007 : i32
    %and3A_3009 = arith.andi %ne3A_3005, %ne3A_3008 : i1
    %sub3A_3010 = arith.constant 1 : i32
    %sub3A_3011 = arith.subi %div3A_2990, %sub3A_3010 : i32
    %select_n3A_3012 = arith.select %and3A_3009, %sub3A_3011, %div3A_2990 : i32
    %lt3A_3013 = vector.broadcast %select_n3A_3012 : i32 to vector<264x128xi32>
    %lt3A_3014 = arith.cmpi slt, %add3A, %lt3A_3013 : vector<264x128xi32>
    %and3A_3015 = arith.andi %and3A_2897, %lt3A_3014 : vector<264x128xi1>
    %jit3A_3016 = arith.constant 1 : i32
    %jit3A_3017 = arith.constant 0 : i32
    %broadcast_in_dim3A_3018 = vector.broadcast %jit3A_3016 : i32 to vector<264x128xi32>
    %broadcast_in_dim3A_3019 = vector.broadcast %jit3A_3017 : i32 to vector<264x128xi32>
    %select_n3A_3020 = arith.select %and3A_3015, %broadcast_in_dim3A_3018, %broadcast_in_dim3A_3019 : vector<264x128xi1>, vector<264x128xi32>
    %reduce_sum3A_3021 = vector.shape_cast %select_n3A_3020 : vector<264x128xi32> to vector<1x264x128xi32>
    %reduce_sum3A_3022 = arith.constant dense<0> : vector<1xi32>
    %reduce_sum3A_3023 = vector.multi_reduction <add>, %reduce_sum3A_3021, %reduce_sum3A_3022 [1, 2] : vector<1x264x128xi32> to vector<1xi32>
    %reduce_sum3A_3024 = vector.shape_cast %reduce_sum3A_3023 : vector<1xi32> to vector<1x1x1xi32>
    %reduce_sum3A_3025 = vector.extract %reduce_sum3A_3024[0, 0, 0] : i32 from vector<1x1x1xi32>
    %ge3A_3026 = arith.cmpi sge, %reduce_sum3A_3025, %select_n3A_2889 : i32
    %select_n3A_3027 = arith.select %ge3A_3026, %select_n3A_3012, %select_n3A_2984 : i32
    %add3A_3028 = arith.constant 1 : i32
    %add3A_3029 = arith.addi %select_n3A_3012, %add3A_3028 : i32
    %select_n3A_3030 = arith.select %ge3A_3026, %select_n3A_2987, %add3A_3029 : i32
    %add3A_3031 = arith.addi %select_n3A_3030, %select_n3A_3027 : i32
    %jit3A_3032 = arith.constant 2 : i32
    %div3A_3033 = arith.divsi %add3A_3031, %jit3A_3032 : i32
    %sign3A_3034 = arith.constant 0 : i32
    %sign3A_3035 = arith.cmpi sgt, %add3A_3031, %sign3A_3034 : i32
    %sign3A_3036 = arith.extui %sign3A_3035 : i1 to i32
    %sign3A_3037 = arith.constant 0 : i32
    %sign3A_3038 = arith.cmpi slt, %add3A_3031, %sign3A_3037 : i32
    %sign3A_3039 = arith.extui %sign3A_3038 : i1 to i32
    %sign3A_3040 = arith.subi %sign3A_3036, %sign3A_3039 : i32
    %sign3A_3041 = arith.constant 0 : i32
    %sign3A_3042 = arith.cmpi sgt, %jit3A_3032, %sign3A_3041 : i32
    %sign3A_3043 = arith.extui %sign3A_3042 : i1 to i32
    %sign3A_3044 = arith.constant 0 : i32
    %sign3A_3045 = arith.cmpi slt, %jit3A_3032, %sign3A_3044 : i32
    %sign3A_3046 = arith.extui %sign3A_3045 : i1 to i32
    %sign3A_3047 = arith.subi %sign3A_3043, %sign3A_3046 : i32
    %ne3A_3048 = arith.cmpi ne, %sign3A_3040, %sign3A_3047 : i32
    %rem3A_3049 = arith.remsi %add3A_3031, %jit3A_3032 : i32
    %ne3A_3050 = arith.constant 0 : i32
    %ne3A_3051 = arith.cmpi ne, %rem3A_3049, %ne3A_3050 : i32
    %and3A_3052 = arith.andi %ne3A_3048, %ne3A_3051 : i1
    %sub3A_3053 = arith.constant 1 : i32
    %sub3A_3054 = arith.subi %div3A_3033, %sub3A_3053 : i32
    %select_n3A_3055 = arith.select %and3A_3052, %sub3A_3054, %div3A_3033 : i32
    %lt3A_3056 = vector.broadcast %select_n3A_3055 : i32 to vector<264x128xi32>
    %lt3A_3057 = arith.cmpi slt, %add3A, %lt3A_3056 : vector<264x128xi32>
    %and3A_3058 = arith.andi %and3A_2897, %lt3A_3057 : vector<264x128xi1>
    %jit3A_3059 = arith.constant 1 : i32
    %jit3A_3060 = arith.constant 0 : i32
    %broadcast_in_dim3A_3061 = vector.broadcast %jit3A_3059 : i32 to vector<264x128xi32>
    %broadcast_in_dim3A_3062 = vector.broadcast %jit3A_3060 : i32 to vector<264x128xi32>
    %select_n3A_3063 = arith.select %and3A_3058, %broadcast_in_dim3A_3061, %broadcast_in_dim3A_3062 : vector<264x128xi1>, vector<264x128xi32>
    %reduce_sum3A_3064 = vector.shape_cast %select_n3A_3063 : vector<264x128xi32> to vector<1x264x128xi32>
    %reduce_sum3A_3065 = arith.constant dense<0> : vector<1xi32>
    %reduce_sum3A_3066 = vector.multi_reduction <add>, %reduce_sum3A_3064, %reduce_sum3A_3065 [1, 2] : vector<1x264x128xi32> to vector<1xi32>
    %reduce_sum3A_3067 = vector.shape_cast %reduce_sum3A_3066 : vector<1xi32> to vector<1x1x1xi32>
    %reduce_sum3A_3068 = vector.extract %reduce_sum3A_3067[0, 0, 0] : i32 from vector<1x1x1xi32>
    %ge3A_3069 = arith.cmpi sge, %reduce_sum3A_3068, %select_n3A_2889 : i32
    %select_n3A_3070 = arith.select %ge3A_3069, %select_n3A_3055, %select_n3A_3027 : i32
    %add3A_3071 = arith.constant 1 : i32
    %add3A_3072 = arith.addi %select_n3A_3055, %add3A_3071 : i32
    %select_n3A_3073 = arith.select %ge3A_3069, %select_n3A_3030, %add3A_3072 : i32
    %add3A_3074 = arith.addi %select_n3A_3073, %select_n3A_3070 : i32
    %jit3A_3075 = arith.constant 2 : i32
    %div3A_3076 = arith.divsi %add3A_3074, %jit3A_3075 : i32
    %sign3A_3077 = arith.constant 0 : i32
    %sign3A_3078 = arith.cmpi sgt, %add3A_3074, %sign3A_3077 : i32
    %sign3A_3079 = arith.extui %sign3A_3078 : i1 to i32
    %sign3A_3080 = arith.constant 0 : i32
    %sign3A_3081 = arith.cmpi slt, %add3A_3074, %sign3A_3080 : i32
    %sign3A_3082 = arith.extui %sign3A_3081 : i1 to i32
    %sign3A_3083 = arith.subi %sign3A_3079, %sign3A_3082 : i32
    %sign3A_3084 = arith.constant 0 : i32
    %sign3A_3085 = arith.cmpi sgt, %jit3A_3075, %sign3A_3084 : i32
    %sign3A_3086 = arith.extui %sign3A_3085 : i1 to i32
    %sign3A_3087 = arith.constant 0 : i32
    %sign3A_3088 = arith.cmpi slt, %jit3A_3075, %sign3A_3087 : i32
    %sign3A_3089 = arith.extui %sign3A_3088 : i1 to i32
    %sign3A_3090 = arith.subi %sign3A_3086, %sign3A_3089 : i32
    %ne3A_3091 = arith.cmpi ne, %sign3A_3083, %sign3A_3090 : i32
    %rem3A_3092 = arith.remsi %add3A_3074, %jit3A_3075 : i32
    %ne3A_3093 = arith.constant 0 : i32
    %ne3A_3094 = arith.cmpi ne, %rem3A_3092, %ne3A_3093 : i32
    %and3A_3095 = arith.andi %ne3A_3091, %ne3A_3094 : i1
    %sub3A_3096 = arith.constant 1 : i32
    %sub3A_3097 = arith.subi %div3A_3076, %sub3A_3096 : i32
    %select_n3A_3098 = arith.select %and3A_3095, %sub3A_3097, %div3A_3076 : i32
    %lt3A_3099 = vector.broadcast %select_n3A_3098 : i32 to vector<264x128xi32>
    %lt3A_3100 = arith.cmpi slt, %add3A, %lt3A_3099 : vector<264x128xi32>
    %and3A_3101 = arith.andi %and3A_2897, %lt3A_3100 : vector<264x128xi1>
    %jit3A_3102 = arith.constant 1 : i32
    %jit3A_3103 = arith.constant 0 : i32
    %broadcast_in_dim3A_3104 = vector.broadcast %jit3A_3102 : i32 to vector<264x128xi32>
    %broadcast_in_dim3A_3105 = vector.broadcast %jit3A_3103 : i32 to vector<264x128xi32>
    %select_n3A_3106 = arith.select %and3A_3101, %broadcast_in_dim3A_3104, %broadcast_in_dim3A_3105 : vector<264x128xi1>, vector<264x128xi32>
    %reduce_sum3A_3107 = vector.shape_cast %select_n3A_3106 : vector<264x128xi32> to vector<1x264x128xi32>
    %reduce_sum3A_3108 = arith.constant dense<0> : vector<1xi32>
    %reduce_sum3A_3109 = vector.multi_reduction <add>, %reduce_sum3A_3107, %reduce_sum3A_3108 [1, 2] : vector<1x264x128xi32> to vector<1xi32>
    %reduce_sum3A_3110 = vector.shape_cast %reduce_sum3A_3109 : vector<1xi32> to vector<1x1x1xi32>
    %reduce_sum3A_3111 = vector.extract %reduce_sum3A_3110[0, 0, 0] : i32 from vector<1x1x1xi32>
    %ge3A_3112 = arith.cmpi sge, %reduce_sum3A_3111, %select_n3A_2889 : i32
    %select_n3A_3113 = arith.select %ge3A_3112, %select_n3A_3098, %select_n3A_3070 : i32
    %add3A_3114 = arith.constant 1 : i32
    %add3A_3115 = arith.addi %select_n3A_3098, %add3A_3114 : i32
    %select_n3A_3116 = arith.select %ge3A_3112, %select_n3A_3073, %add3A_3115 : i32
    %add3A_3117 = arith.addi %select_n3A_3116, %select_n3A_3113 : i32
    %jit3A_3118 = arith.constant 2 : i32
    %div3A_3119 = arith.divsi %add3A_3117, %jit3A_3118 : i32
    %sign3A_3120 = arith.constant 0 : i32
    %sign3A_3121 = arith.cmpi sgt, %add3A_3117, %sign3A_3120 : i32
    %sign3A_3122 = arith.extui %sign3A_3121 : i1 to i32
    %sign3A_3123 = arith.constant 0 : i32
    %sign3A_3124 = arith.cmpi slt, %add3A_3117, %sign3A_3123 : i32
    %sign3A_3125 = arith.extui %sign3A_3124 : i1 to i32
    %sign3A_3126 = arith.subi %sign3A_3122, %sign3A_3125 : i32
    %sign3A_3127 = arith.constant 0 : i32
    %sign3A_3128 = arith.cmpi sgt, %jit3A_3118, %sign3A_3127 : i32
    %sign3A_3129 = arith.extui %sign3A_3128 : i1 to i32
    %sign3A_3130 = arith.constant 0 : i32
    %sign3A_3131 = arith.cmpi slt, %jit3A_3118, %sign3A_3130 : i32
    %sign3A_3132 = arith.extui %sign3A_3131 : i1 to i32
    %sign3A_3133 = arith.subi %sign3A_3129, %sign3A_3132 : i32
    %ne3A_3134 = arith.cmpi ne, %sign3A_3126, %sign3A_3133 : i32
    %rem3A_3135 = arith.remsi %add3A_3117, %jit3A_3118 : i32
    %ne3A_3136 = arith.constant 0 : i32
    %ne3A_3137 = arith.cmpi ne, %rem3A_3135, %ne3A_3136 : i32
    %and3A_3138 = arith.andi %ne3A_3134, %ne3A_3137 : i1
    %sub3A_3139 = arith.constant 1 : i32
    %sub3A_3140 = arith.subi %div3A_3119, %sub3A_3139 : i32
    %select_n3A_3141 = arith.select %and3A_3138, %sub3A_3140, %div3A_3119 : i32
    %lt3A_3142 = vector.broadcast %select_n3A_3141 : i32 to vector<264x128xi32>
    %lt3A_3143 = arith.cmpi slt, %add3A, %lt3A_3142 : vector<264x128xi32>
    %and3A_3144 = arith.andi %and3A_2897, %lt3A_3143 : vector<264x128xi1>
    %jit3A_3145 = arith.constant 1 : i32
    %jit3A_3146 = arith.constant 0 : i32
    %broadcast_in_dim3A_3147 = vector.broadcast %jit3A_3145 : i32 to vector<264x128xi32>
    %broadcast_in_dim3A_3148 = vector.broadcast %jit3A_3146 : i32 to vector<264x128xi32>
    %select_n3A_3149 = arith.select %and3A_3144, %broadcast_in_dim3A_3147, %broadcast_in_dim3A_3148 : vector<264x128xi1>, vector<264x128xi32>
    %reduce_sum3A_3150 = vector.shape_cast %select_n3A_3149 : vector<264x128xi32> to vector<1x264x128xi32>
    %reduce_sum3A_3151 = arith.constant dense<0> : vector<1xi32>
    %reduce_sum3A_3152 = vector.multi_reduction <add>, %reduce_sum3A_3150, %reduce_sum3A_3151 [1, 2] : vector<1x264x128xi32> to vector<1xi32>
    %reduce_sum3A_3153 = vector.shape_cast %reduce_sum3A_3152 : vector<1xi32> to vector<1x1x1xi32>
    %reduce_sum3A_3154 = vector.extract %reduce_sum3A_3153[0, 0, 0] : i32 from vector<1x1x1xi32>
    %ge3A_3155 = arith.cmpi sge, %reduce_sum3A_3154, %select_n3A_2889 : i32
    %select_n3A_3156 = arith.select %ge3A_3155, %select_n3A_3141, %select_n3A_3113 : i32
    %add3A_3157 = arith.constant 1 : i32
    %add3A_3158 = arith.addi %select_n3A_3141, %add3A_3157 : i32
    %select_n3A_3159 = arith.select %ge3A_3155, %select_n3A_3116, %add3A_3158 : i32
    %add3A_3160 = arith.addi %select_n3A_3159, %select_n3A_3156 : i32
    %jit3A_3161 = arith.constant 2 : i32
    %div3A_3162 = arith.divsi %add3A_3160, %jit3A_3161 : i32
    %sign3A_3163 = arith.constant 0 : i32
    %sign3A_3164 = arith.cmpi sgt, %add3A_3160, %sign3A_3163 : i32
    %sign3A_3165 = arith.extui %sign3A_3164 : i1 to i32
    %sign3A_3166 = arith.constant 0 : i32
    %sign3A_3167 = arith.cmpi slt, %add3A_3160, %sign3A_3166 : i32
    %sign3A_3168 = arith.extui %sign3A_3167 : i1 to i32
    %sign3A_3169 = arith.subi %sign3A_3165, %sign3A_3168 : i32
    %sign3A_3170 = arith.constant 0 : i32
    %sign3A_3171 = arith.cmpi sgt, %jit3A_3161, %sign3A_3170 : i32
    %sign3A_3172 = arith.extui %sign3A_3171 : i1 to i32
    %sign3A_3173 = arith.constant 0 : i32
    %sign3A_3174 = arith.cmpi slt, %jit3A_3161, %sign3A_3173 : i32
    %sign3A_3175 = arith.extui %sign3A_3174 : i1 to i32
    %sign3A_3176 = arith.subi %sign3A_3172, %sign3A_3175 : i32
    %ne3A_3177 = arith.cmpi ne, %sign3A_3169, %sign3A_3176 : i32
    %rem3A_3178 = arith.remsi %add3A_3160, %jit3A_3161 : i32
    %ne3A_3179 = arith.constant 0 : i32
    %ne3A_3180 = arith.cmpi ne, %rem3A_3178, %ne3A_3179 : i32
    %and3A_3181 = arith.andi %ne3A_3177, %ne3A_3180 : i1
    %sub3A_3182 = arith.constant 1 : i32
    %sub3A_3183 = arith.subi %div3A_3162, %sub3A_3182 : i32
    %select_n3A_3184 = arith.select %and3A_3181, %sub3A_3183, %div3A_3162 : i32
    %lt3A_3185 = vector.broadcast %select_n3A_3184 : i32 to vector<264x128xi32>
    %lt3A_3186 = arith.cmpi slt, %add3A, %lt3A_3185 : vector<264x128xi32>
    %and3A_3187 = arith.andi %and3A_2897, %lt3A_3186 : vector<264x128xi1>
    %jit3A_3188 = arith.constant 1 : i32
    %jit3A_3189 = arith.constant 0 : i32
    %broadcast_in_dim3A_3190 = vector.broadcast %jit3A_3188 : i32 to vector<264x128xi32>
    %broadcast_in_dim3A_3191 = vector.broadcast %jit3A_3189 : i32 to vector<264x128xi32>
    %select_n3A_3192 = arith.select %and3A_3187, %broadcast_in_dim3A_3190, %broadcast_in_dim3A_3191 : vector<264x128xi1>, vector<264x128xi32>
    %reduce_sum3A_3193 = vector.shape_cast %select_n3A_3192 : vector<264x128xi32> to vector<1x264x128xi32>
    %reduce_sum3A_3194 = arith.constant dense<0> : vector<1xi32>
    %reduce_sum3A_3195 = vector.multi_reduction <add>, %reduce_sum3A_3193, %reduce_sum3A_3194 [1, 2] : vector<1x264x128xi32> to vector<1xi32>
    %reduce_sum3A_3196 = vector.shape_cast %reduce_sum3A_3195 : vector<1xi32> to vector<1x1x1xi32>
    %reduce_sum3A_3197 = vector.extract %reduce_sum3A_3196[0, 0, 0] : i32 from vector<1x1x1xi32>
    %ge3A_3198 = arith.cmpi sge, %reduce_sum3A_3197, %select_n3A_2889 : i32
    %select_n3A_3199 = arith.select %ge3A_3198, %select_n3A_3184, %select_n3A_3156 : i32
    %add3A_3200 = arith.constant 1 : i32
    %add3A_3201 = arith.addi %select_n3A_3184, %add3A_3200 : i32
    %select_n3A_3202 = arith.select %ge3A_3198, %select_n3A_3159, %add3A_3201 : i32
    %add3A_3203 = arith.addi %select_n3A_3202, %select_n3A_3199 : i32
    %jit3A_3204 = arith.constant 2 : i32
    %div3A_3205 = arith.divsi %add3A_3203, %jit3A_3204 : i32
    %sign3A_3206 = arith.constant 0 : i32
    %sign3A_3207 = arith.cmpi sgt, %add3A_3203, %sign3A_3206 : i32
    %sign3A_3208 = arith.extui %sign3A_3207 : i1 to i32
    %sign3A_3209 = arith.constant 0 : i32
    %sign3A_3210 = arith.cmpi slt, %add3A_3203, %sign3A_3209 : i32
    %sign3A_3211 = arith.extui %sign3A_3210 : i1 to i32
    %sign3A_3212 = arith.subi %sign3A_3208, %sign3A_3211 : i32
    %sign3A_3213 = arith.constant 0 : i32
    %sign3A_3214 = arith.cmpi sgt, %jit3A_3204, %sign3A_3213 : i32
    %sign3A_3215 = arith.extui %sign3A_3214 : i1 to i32
    %sign3A_3216 = arith.constant 0 : i32
    %sign3A_3217 = arith.cmpi slt, %jit3A_3204, %sign3A_3216 : i32
    %sign3A_3218 = arith.extui %sign3A_3217 : i1 to i32
    %sign3A_3219 = arith.subi %sign3A_3215, %sign3A_3218 : i32
    %ne3A_3220 = arith.cmpi ne, %sign3A_3212, %sign3A_3219 : i32
    %rem3A_3221 = arith.remsi %add3A_3203, %jit3A_3204 : i32
    %ne3A_3222 = arith.constant 0 : i32
    %ne3A_3223 = arith.cmpi ne, %rem3A_3221, %ne3A_3222 : i32
    %and3A_3224 = arith.andi %ne3A_3220, %ne3A_3223 : i1
    %sub3A_3225 = arith.constant 1 : i32
    %sub3A_3226 = arith.subi %div3A_3205, %sub3A_3225 : i32
    %select_n3A_3227 = arith.select %and3A_3224, %sub3A_3226, %div3A_3205 : i32
    %lt3A_3228 = vector.broadcast %select_n3A_3227 : i32 to vector<264x128xi32>
    %lt3A_3229 = arith.cmpi slt, %add3A, %lt3A_3228 : vector<264x128xi32>
    %and3A_3230 = arith.andi %and3A_2897, %lt3A_3229 : vector<264x128xi1>
    %jit3A_3231 = arith.constant 1 : i32
    %jit3A_3232 = arith.constant 0 : i32
    %broadcast_in_dim3A_3233 = vector.broadcast %jit3A_3231 : i32 to vector<264x128xi32>
    %broadcast_in_dim3A_3234 = vector.broadcast %jit3A_3232 : i32 to vector<264x128xi32>
    %select_n3A_3235 = arith.select %and3A_3230, %broadcast_in_dim3A_3233, %broadcast_in_dim3A_3234 : vector<264x128xi1>, vector<264x128xi32>
    %reduce_sum3A_3236 = vector.shape_cast %select_n3A_3235 : vector<264x128xi32> to vector<1x264x128xi32>
    %reduce_sum3A_3237 = arith.constant dense<0> : vector<1xi32>
    %reduce_sum3A_3238 = vector.multi_reduction <add>, %reduce_sum3A_3236, %reduce_sum3A_3237 [1, 2] : vector<1x264x128xi32> to vector<1xi32>
    %reduce_sum3A_3239 = vector.shape_cast %reduce_sum3A_3238 : vector<1xi32> to vector<1x1x1xi32>
    %reduce_sum3A_3240 = vector.extract %reduce_sum3A_3239[0, 0, 0] : i32 from vector<1x1x1xi32>
    %ge3A_3241 = arith.cmpi sge, %reduce_sum3A_3240, %select_n3A_2889 : i32
    %select_n3A_3242 = arith.select %ge3A_3241, %select_n3A_3227, %select_n3A_3199 : i32
    %add3A_3243 = arith.constant 1 : i32
    %add3A_3244 = arith.addi %select_n3A_3227, %add3A_3243 : i32
    %select_n3A_3245 = arith.select %ge3A_3241, %select_n3A_3202, %add3A_3244 : i32
    %add3A_3246 = arith.addi %select_n3A_3245, %select_n3A_3242 : i32
    %jit3A_3247 = arith.constant 2 : i32
    %div3A_3248 = arith.divsi %add3A_3246, %jit3A_3247 : i32
    %sign3A_3249 = arith.constant 0 : i32
    %sign3A_3250 = arith.cmpi sgt, %add3A_3246, %sign3A_3249 : i32
    %sign3A_3251 = arith.extui %sign3A_3250 : i1 to i32
    %sign3A_3252 = arith.constant 0 : i32
    %sign3A_3253 = arith.cmpi slt, %add3A_3246, %sign3A_3252 : i32
    %sign3A_3254 = arith.extui %sign3A_3253 : i1 to i32
    %sign3A_3255 = arith.subi %sign3A_3251, %sign3A_3254 : i32
    %sign3A_3256 = arith.constant 0 : i32
    %sign3A_3257 = arith.cmpi sgt, %jit3A_3247, %sign3A_3256 : i32
    %sign3A_3258 = arith.extui %sign3A_3257 : i1 to i32
    %sign3A_3259 = arith.constant 0 : i32
    %sign3A_3260 = arith.cmpi slt, %jit3A_3247, %sign3A_3259 : i32
    %sign3A_3261 = arith.extui %sign3A_3260 : i1 to i32
    %sign3A_3262 = arith.subi %sign3A_3258, %sign3A_3261 : i32
    %ne3A_3263 = arith.cmpi ne, %sign3A_3255, %sign3A_3262 : i32
    %rem3A_3264 = arith.remsi %add3A_3246, %jit3A_3247 : i32
    %ne3A_3265 = arith.constant 0 : i32
    %ne3A_3266 = arith.cmpi ne, %rem3A_3264, %ne3A_3265 : i32
    %and3A_3267 = arith.andi %ne3A_3263, %ne3A_3266 : i1
    %sub3A_3268 = arith.constant 1 : i32
    %sub3A_3269 = arith.subi %div3A_3248, %sub3A_3268 : i32
    %select_n3A_3270 = arith.select %and3A_3267, %sub3A_3269, %div3A_3248 : i32
    %lt3A_3271 = vector.broadcast %select_n3A_3270 : i32 to vector<264x128xi32>
    %lt3A_3272 = arith.cmpi slt, %add3A, %lt3A_3271 : vector<264x128xi32>
    %and3A_3273 = arith.andi %and3A_2897, %lt3A_3272 : vector<264x128xi1>
    %jit3A_3274 = arith.constant 1 : i32
    %jit3A_3275 = arith.constant 0 : i32
    %broadcast_in_dim3A_3276 = vector.broadcast %jit3A_3274 : i32 to vector<264x128xi32>
    %broadcast_in_dim3A_3277 = vector.broadcast %jit3A_3275 : i32 to vector<264x128xi32>
    %select_n3A_3278 = arith.select %and3A_3273, %broadcast_in_dim3A_3276, %broadcast_in_dim3A_3277 : vector<264x128xi1>, vector<264x128xi32>
    %reduce_sum3A_3279 = vector.shape_cast %select_n3A_3278 : vector<264x128xi32> to vector<1x264x128xi32>
    %reduce_sum3A_3280 = arith.constant dense<0> : vector<1xi32>
    %reduce_sum3A_3281 = vector.multi_reduction <add>, %reduce_sum3A_3279, %reduce_sum3A_3280 [1, 2] : vector<1x264x128xi32> to vector<1xi32>
    %reduce_sum3A_3282 = vector.shape_cast %reduce_sum3A_3281 : vector<1xi32> to vector<1x1x1xi32>
    %reduce_sum3A_3283 = vector.extract %reduce_sum3A_3282[0, 0, 0] : i32 from vector<1x1x1xi32>
    %ge3A_3284 = arith.cmpi sge, %reduce_sum3A_3283, %select_n3A_2889 : i32
    %select_n3A_3285 = arith.select %ge3A_3284, %select_n3A_3270, %select_n3A_3242 : i32
    %add3A_3286 = arith.constant 1 : i32
    %add3A_3287 = arith.addi %select_n3A_3270, %add3A_3286 : i32
    %select_n3A_3288 = arith.select %ge3A_3284, %select_n3A_3245, %add3A_3287 : i32
    %add3A_3289 = arith.addi %select_n3A_3288, %select_n3A_3285 : i32
    %jit3A_3290 = arith.constant 2 : i32
    %div3A_3291 = arith.divsi %add3A_3289, %jit3A_3290 : i32
    %sign3A_3292 = arith.constant 0 : i32
    %sign3A_3293 = arith.cmpi sgt, %add3A_3289, %sign3A_3292 : i32
    %sign3A_3294 = arith.extui %sign3A_3293 : i1 to i32
    %sign3A_3295 = arith.constant 0 : i32
    %sign3A_3296 = arith.cmpi slt, %add3A_3289, %sign3A_3295 : i32
    %sign3A_3297 = arith.extui %sign3A_3296 : i1 to i32
    %sign3A_3298 = arith.subi %sign3A_3294, %sign3A_3297 : i32
    %sign3A_3299 = arith.constant 0 : i32
    %sign3A_3300 = arith.cmpi sgt, %jit3A_3290, %sign3A_3299 : i32
    %sign3A_3301 = arith.extui %sign3A_3300 : i1 to i32
    %sign3A_3302 = arith.constant 0 : i32
    %sign3A_3303 = arith.cmpi slt, %jit3A_3290, %sign3A_3302 : i32
    %sign3A_3304 = arith.extui %sign3A_3303 : i1 to i32
    %sign3A_3305 = arith.subi %sign3A_3301, %sign3A_3304 : i32
    %ne3A_3306 = arith.cmpi ne, %sign3A_3298, %sign3A_3305 : i32
    %rem3A_3307 = arith.remsi %add3A_3289, %jit3A_3290 : i32
    %ne3A_3308 = arith.constant 0 : i32
    %ne3A_3309 = arith.cmpi ne, %rem3A_3307, %ne3A_3308 : i32
    %and3A_3310 = arith.andi %ne3A_3306, %ne3A_3309 : i1
    %sub3A_3311 = arith.constant 1 : i32
    %sub3A_3312 = arith.subi %div3A_3291, %sub3A_3311 : i32
    %select_n3A_3313 = arith.select %and3A_3310, %sub3A_3312, %div3A_3291 : i32
    %lt3A_3314 = vector.broadcast %select_n3A_3313 : i32 to vector<264x128xi32>
    %lt3A_3315 = arith.cmpi slt, %add3A, %lt3A_3314 : vector<264x128xi32>
    %and3A_3316 = arith.andi %and3A_2897, %lt3A_3315 : vector<264x128xi1>
    %jit3A_3317 = arith.constant 1 : i32
    %jit3A_3318 = arith.constant 0 : i32
    %broadcast_in_dim3A_3319 = vector.broadcast %jit3A_3317 : i32 to vector<264x128xi32>
    %broadcast_in_dim3A_3320 = vector.broadcast %jit3A_3318 : i32 to vector<264x128xi32>
    %select_n3A_3321 = arith.select %and3A_3316, %broadcast_in_dim3A_3319, %broadcast_in_dim3A_3320 : vector<264x128xi1>, vector<264x128xi32>
    %reduce_sum3A_3322 = vector.shape_cast %select_n3A_3321 : vector<264x128xi32> to vector<1x264x128xi32>
    %reduce_sum3A_3323 = arith.constant dense<0> : vector<1xi32>
    %reduce_sum3A_3324 = vector.multi_reduction <add>, %reduce_sum3A_3322, %reduce_sum3A_3323 [1, 2] : vector<1x264x128xi32> to vector<1xi32>
    %reduce_sum3A_3325 = vector.shape_cast %reduce_sum3A_3324 : vector<1xi32> to vector<1x1x1xi32>
    %reduce_sum3A_3326 = vector.extract %reduce_sum3A_3325[0, 0, 0] : i32 from vector<1x1x1xi32>
    %ge3A_3327 = arith.cmpi sge, %reduce_sum3A_3326, %select_n3A_2889 : i32
    %select_n3A_3328 = arith.select %ge3A_3327, %select_n3A_3313, %select_n3A_3285 : i32
    %add3A_3329 = arith.constant 1 : i32
    %add3A_3330 = arith.addi %select_n3A_3313, %add3A_3329 : i32
    %select_n3A_3331 = arith.select %ge3A_3327, %select_n3A_3288, %add3A_3330 : i32
    %add3A_3332 = arith.addi %select_n3A_3331, %select_n3A_3328 : i32
    %jit3A_3333 = arith.constant 2 : i32
    %div3A_3334 = arith.divsi %add3A_3332, %jit3A_3333 : i32
    %sign3A_3335 = arith.constant 0 : i32
    %sign3A_3336 = arith.cmpi sgt, %add3A_3332, %sign3A_3335 : i32
    %sign3A_3337 = arith.extui %sign3A_3336 : i1 to i32
    %sign3A_3338 = arith.constant 0 : i32
    %sign3A_3339 = arith.cmpi slt, %add3A_3332, %sign3A_3338 : i32
    %sign3A_3340 = arith.extui %sign3A_3339 : i1 to i32
    %sign3A_3341 = arith.subi %sign3A_3337, %sign3A_3340 : i32
    %sign3A_3342 = arith.constant 0 : i32
    %sign3A_3343 = arith.cmpi sgt, %jit3A_3333, %sign3A_3342 : i32
    %sign3A_3344 = arith.extui %sign3A_3343 : i1 to i32
    %sign3A_3345 = arith.constant 0 : i32
    %sign3A_3346 = arith.cmpi slt, %jit3A_3333, %sign3A_3345 : i32
    %sign3A_3347 = arith.extui %sign3A_3346 : i1 to i32
    %sign3A_3348 = arith.subi %sign3A_3344, %sign3A_3347 : i32
    %ne3A_3349 = arith.cmpi ne, %sign3A_3341, %sign3A_3348 : i32
    %rem3A_3350 = arith.remsi %add3A_3332, %jit3A_3333 : i32
    %ne3A_3351 = arith.constant 0 : i32
    %ne3A_3352 = arith.cmpi ne, %rem3A_3350, %ne3A_3351 : i32
    %and3A_3353 = arith.andi %ne3A_3349, %ne3A_3352 : i1
    %sub3A_3354 = arith.constant 1 : i32
    %sub3A_3355 = arith.subi %div3A_3334, %sub3A_3354 : i32
    %select_n3A_3356 = arith.select %and3A_3353, %sub3A_3355, %div3A_3334 : i32
    %lt3A_3357 = vector.broadcast %select_n3A_3356 : i32 to vector<264x128xi32>
    %lt3A_3358 = arith.cmpi slt, %add3A, %lt3A_3357 : vector<264x128xi32>
    %and3A_3359 = arith.andi %and3A_2897, %lt3A_3358 : vector<264x128xi1>
    %jit3A_3360 = arith.constant 1 : i32
    %jit3A_3361 = arith.constant 0 : i32
    %broadcast_in_dim3A_3362 = vector.broadcast %jit3A_3360 : i32 to vector<264x128xi32>
    %broadcast_in_dim3A_3363 = vector.broadcast %jit3A_3361 : i32 to vector<264x128xi32>
    %select_n3A_3364 = arith.select %and3A_3359, %broadcast_in_dim3A_3362, %broadcast_in_dim3A_3363 : vector<264x128xi1>, vector<264x128xi32>
    %reduce_sum3A_3365 = vector.shape_cast %select_n3A_3364 : vector<264x128xi32> to vector<1x264x128xi32>
    %reduce_sum3A_3366 = arith.constant dense<0> : vector<1xi32>
    %reduce_sum3A_3367 = vector.multi_reduction <add>, %reduce_sum3A_3365, %reduce_sum3A_3366 [1, 2] : vector<1x264x128xi32> to vector<1xi32>
    %reduce_sum3A_3368 = vector.shape_cast %reduce_sum3A_3367 : vector<1xi32> to vector<1x1x1xi32>
    %reduce_sum3A_3369 = vector.extract %reduce_sum3A_3368[0, 0, 0] : i32 from vector<1x1x1xi32>
    %ge3A_3370 = arith.cmpi sge, %reduce_sum3A_3369, %select_n3A_2889 : i32
    %select_n3A_3371 = arith.select %ge3A_3370, %select_n3A_3356, %select_n3A_3328 : i32
    %add3A_3372 = arith.constant 1 : i32
    %add3A_3373 = arith.addi %select_n3A_3356, %add3A_3372 : i32
    %select_n3A_3374 = arith.select %ge3A_3370, %select_n3A_3331, %add3A_3373 : i32
    %add3A_3375 = arith.addi %select_n3A_3374, %select_n3A_3371 : i32
    %jit3A_3376 = arith.constant 2 : i32
    %div3A_3377 = arith.divsi %add3A_3375, %jit3A_3376 : i32
    %sign3A_3378 = arith.constant 0 : i32
    %sign3A_3379 = arith.cmpi sgt, %add3A_3375, %sign3A_3378 : i32
    %sign3A_3380 = arith.extui %sign3A_3379 : i1 to i32
    %sign3A_3381 = arith.constant 0 : i32
    %sign3A_3382 = arith.cmpi slt, %add3A_3375, %sign3A_3381 : i32
    %sign3A_3383 = arith.extui %sign3A_3382 : i1 to i32
    %sign3A_3384 = arith.subi %sign3A_3380, %sign3A_3383 : i32
    %sign3A_3385 = arith.constant 0 : i32
    %sign3A_3386 = arith.cmpi sgt, %jit3A_3376, %sign3A_3385 : i32
    %sign3A_3387 = arith.extui %sign3A_3386 : i1 to i32
    %sign3A_3388 = arith.constant 0 : i32
    %sign3A_3389 = arith.cmpi slt, %jit3A_3376, %sign3A_3388 : i32
    %sign3A_3390 = arith.extui %sign3A_3389 : i1 to i32
    %sign3A_3391 = arith.subi %sign3A_3387, %sign3A_3390 : i32
    %ne3A_3392 = arith.cmpi ne, %sign3A_3384, %sign3A_3391 : i32
    %rem3A_3393 = arith.remsi %add3A_3375, %jit3A_3376 : i32
    %ne3A_3394 = arith.constant 0 : i32
    %ne3A_3395 = arith.cmpi ne, %rem3A_3393, %ne3A_3394 : i32
    %and3A_3396 = arith.andi %ne3A_3392, %ne3A_3395 : i1
    %sub3A_3397 = arith.constant 1 : i32
    %sub3A_3398 = arith.subi %div3A_3377, %sub3A_3397 : i32
    %select_n3A_3399 = arith.select %and3A_3396, %sub3A_3398, %div3A_3377 : i32
    %lt3A_3400 = vector.broadcast %select_n3A_3399 : i32 to vector<264x128xi32>
    %lt3A_3401 = arith.cmpi slt, %add3A, %lt3A_3400 : vector<264x128xi32>
    %and3A_3402 = arith.andi %and3A_2897, %lt3A_3401 : vector<264x128xi1>
    %jit3A_3403 = arith.constant 1 : i32
    %jit3A_3404 = arith.constant 0 : i32
    %broadcast_in_dim3A_3405 = vector.broadcast %jit3A_3403 : i32 to vector<264x128xi32>
    %broadcast_in_dim3A_3406 = vector.broadcast %jit3A_3404 : i32 to vector<264x128xi32>
    %select_n3A_3407 = arith.select %and3A_3402, %broadcast_in_dim3A_3405, %broadcast_in_dim3A_3406 : vector<264x128xi1>, vector<264x128xi32>
    %reduce_sum3A_3408 = vector.shape_cast %select_n3A_3407 : vector<264x128xi32> to vector<1x264x128xi32>
    %reduce_sum3A_3409 = arith.constant dense<0> : vector<1xi32>
    %reduce_sum3A_3410 = vector.multi_reduction <add>, %reduce_sum3A_3408, %reduce_sum3A_3409 [1, 2] : vector<1x264x128xi32> to vector<1xi32>
    %reduce_sum3A_3411 = vector.shape_cast %reduce_sum3A_3410 : vector<1xi32> to vector<1x1x1xi32>
    %reduce_sum3A_3412 = vector.extract %reduce_sum3A_3411[0, 0, 0] : i32 from vector<1x1x1xi32>
    %ge3A_3413 = arith.cmpi sge, %reduce_sum3A_3412, %select_n3A_2889 : i32
    %select_n3A_3414 = arith.select %ge3A_3413, %select_n3A_3399, %select_n3A_3371 : i32
    %add3A_3415 = arith.constant 1 : i32
    %add3A_3416 = arith.addi %select_n3A_3399, %add3A_3415 : i32
    %select_n3A_3417 = arith.select %ge3A_3413, %select_n3A_3374, %add3A_3416 : i32
    %add3A_3418 = arith.addi %select_n3A_3417, %select_n3A_3414 : i32
    %jit3A_3419 = arith.constant 2 : i32
    %div3A_3420 = arith.divsi %add3A_3418, %jit3A_3419 : i32
    %sign3A_3421 = arith.constant 0 : i32
    %sign3A_3422 = arith.cmpi sgt, %add3A_3418, %sign3A_3421 : i32
    %sign3A_3423 = arith.extui %sign3A_3422 : i1 to i32
    %sign3A_3424 = arith.constant 0 : i32
    %sign3A_3425 = arith.cmpi slt, %add3A_3418, %sign3A_3424 : i32
    %sign3A_3426 = arith.extui %sign3A_3425 : i1 to i32
    %sign3A_3427 = arith.subi %sign3A_3423, %sign3A_3426 : i32
    %sign3A_3428 = arith.constant 0 : i32
    %sign3A_3429 = arith.cmpi sgt, %jit3A_3419, %sign3A_3428 : i32
    %sign3A_3430 = arith.extui %sign3A_3429 : i1 to i32
    %sign3A_3431 = arith.constant 0 : i32
    %sign3A_3432 = arith.cmpi slt, %jit3A_3419, %sign3A_3431 : i32
    %sign3A_3433 = arith.extui %sign3A_3432 : i1 to i32
    %sign3A_3434 = arith.subi %sign3A_3430, %sign3A_3433 : i32
    %ne3A_3435 = arith.cmpi ne, %sign3A_3427, %sign3A_3434 : i32
    %rem3A_3436 = arith.remsi %add3A_3418, %jit3A_3419 : i32
    %ne3A_3437 = arith.constant 0 : i32
    %ne3A_3438 = arith.cmpi ne, %rem3A_3436, %ne3A_3437 : i32
    %and3A_3439 = arith.andi %ne3A_3435, %ne3A_3438 : i1
    %sub3A_3440 = arith.constant 1 : i32
    %sub3A_3441 = arith.subi %div3A_3420, %sub3A_3440 : i32
    %select_n3A_3442 = arith.select %and3A_3439, %sub3A_3441, %div3A_3420 : i32
    %lt3A_3443 = vector.broadcast %select_n3A_3442 : i32 to vector<264x128xi32>
    %lt3A_3444 = arith.cmpi slt, %add3A, %lt3A_3443 : vector<264x128xi32>
    %and3A_3445 = arith.andi %and3A_2897, %lt3A_3444 : vector<264x128xi1>
    %jit3A_3446 = arith.constant 1 : i32
    %jit3A_3447 = arith.constant 0 : i32
    %broadcast_in_dim3A_3448 = vector.broadcast %jit3A_3446 : i32 to vector<264x128xi32>
    %broadcast_in_dim3A_3449 = vector.broadcast %jit3A_3447 : i32 to vector<264x128xi32>
    %select_n3A_3450 = arith.select %and3A_3445, %broadcast_in_dim3A_3448, %broadcast_in_dim3A_3449 : vector<264x128xi1>, vector<264x128xi32>
    %reduce_sum3A_3451 = vector.shape_cast %select_n3A_3450 : vector<264x128xi32> to vector<1x264x128xi32>
    %reduce_sum3A_3452 = arith.constant dense<0> : vector<1xi32>
    %reduce_sum3A_3453 = vector.multi_reduction <add>, %reduce_sum3A_3451, %reduce_sum3A_3452 [1, 2] : vector<1x264x128xi32> to vector<1xi32>
    %reduce_sum3A_3454 = vector.shape_cast %reduce_sum3A_3453 : vector<1xi32> to vector<1x1x1xi32>
    %reduce_sum3A_3455 = vector.extract %reduce_sum3A_3454[0, 0, 0] : i32 from vector<1x1x1xi32>
    %ge3A_3456 = arith.cmpi sge, %reduce_sum3A_3455, %select_n3A_2889 : i32
    %select_n3A_3457 = arith.select %ge3A_3456, %select_n3A_3442, %select_n3A_3414 : i32
    %add3A_3458 = arith.constant 1 : i32
    %add3A_3459 = arith.addi %select_n3A_3442, %add3A_3458 : i32
    %select_n3A_3460 = arith.select %ge3A_3456, %select_n3A_3417, %add3A_3459 : i32
    %add3A_3461 = arith.addi %select_n3A_3460, %select_n3A_3457 : i32
    %jit3A_3462 = arith.constant 2 : i32
    %div3A_3463 = arith.divsi %add3A_3461, %jit3A_3462 : i32
    %sign3A_3464 = arith.constant 0 : i32
    %sign3A_3465 = arith.cmpi sgt, %add3A_3461, %sign3A_3464 : i32
    %sign3A_3466 = arith.extui %sign3A_3465 : i1 to i32
    %sign3A_3467 = arith.constant 0 : i32
    %sign3A_3468 = arith.cmpi slt, %add3A_3461, %sign3A_3467 : i32
    %sign3A_3469 = arith.extui %sign3A_3468 : i1 to i32
    %sign3A_3470 = arith.subi %sign3A_3466, %sign3A_3469 : i32
    %sign3A_3471 = arith.constant 0 : i32
    %sign3A_3472 = arith.cmpi sgt, %jit3A_3462, %sign3A_3471 : i32
    %sign3A_3473 = arith.extui %sign3A_3472 : i1 to i32
    %sign3A_3474 = arith.constant 0 : i32
    %sign3A_3475 = arith.cmpi slt, %jit3A_3462, %sign3A_3474 : i32
    %sign3A_3476 = arith.extui %sign3A_3475 : i1 to i32
    %sign3A_3477 = arith.subi %sign3A_3473, %sign3A_3476 : i32
    %ne3A_3478 = arith.cmpi ne, %sign3A_3470, %sign3A_3477 : i32
    %rem3A_3479 = arith.remsi %add3A_3461, %jit3A_3462 : i32
    %ne3A_3480 = arith.constant 0 : i32
    %ne3A_3481 = arith.cmpi ne, %rem3A_3479, %ne3A_3480 : i32
    %and3A_3482 = arith.andi %ne3A_3478, %ne3A_3481 : i1
    %sub3A_3483 = arith.constant 1 : i32
    %sub3A_3484 = arith.subi %div3A_3463, %sub3A_3483 : i32
    %select_n3A_3485 = arith.select %and3A_3482, %sub3A_3484, %div3A_3463 : i32
    %lt3A_3486 = vector.broadcast %select_n3A_3485 : i32 to vector<264x128xi32>
    %lt3A_3487 = arith.cmpi slt, %add3A, %lt3A_3486 : vector<264x128xi32>
    %and3A_3488 = arith.andi %and3A_2897, %lt3A_3487 : vector<264x128xi1>
    %jit3A_3489 = arith.constant 1 : i32
    %jit3A_3490 = arith.constant 0 : i32
    %broadcast_in_dim3A_3491 = vector.broadcast %jit3A_3489 : i32 to vector<264x128xi32>
    %broadcast_in_dim3A_3492 = vector.broadcast %jit3A_3490 : i32 to vector<264x128xi32>
    %select_n3A_3493 = arith.select %and3A_3488, %broadcast_in_dim3A_3491, %broadcast_in_dim3A_3492 : vector<264x128xi1>, vector<264x128xi32>
    %reduce_sum3A_3494 = vector.shape_cast %select_n3A_3493 : vector<264x128xi32> to vector<1x264x128xi32>
    %reduce_sum3A_3495 = arith.constant dense<0> : vector<1xi32>
    %reduce_sum3A_3496 = vector.multi_reduction <add>, %reduce_sum3A_3494, %reduce_sum3A_3495 [1, 2] : vector<1x264x128xi32> to vector<1xi32>
    %reduce_sum3A_3497 = vector.shape_cast %reduce_sum3A_3496 : vector<1xi32> to vector<1x1x1xi32>
    %reduce_sum3A_3498 = vector.extract %reduce_sum3A_3497[0, 0, 0] : i32 from vector<1x1x1xi32>
    %ge3A_3499 = arith.cmpi sge, %reduce_sum3A_3498, %select_n3A_2889 : i32
    %select_n3A_3500 = arith.select %ge3A_3499, %select_n3A_3485, %select_n3A_3457 : i32
    %add3A_3501 = arith.constant 1 : i32
    %add3A_3502 = arith.addi %select_n3A_3485, %add3A_3501 : i32
    %select_n3A_3503 = arith.select %ge3A_3499, %select_n3A_3460, %add3A_3502 : i32
    %add3A_3504 = arith.addi %select_n3A_3503, %select_n3A_3500 : i32
    %jit3A_3505 = arith.constant 2 : i32
    %div3A_3506 = arith.divsi %add3A_3504, %jit3A_3505 : i32
    %sign3A_3507 = arith.constant 0 : i32
    %sign3A_3508 = arith.cmpi sgt, %add3A_3504, %sign3A_3507 : i32
    %sign3A_3509 = arith.extui %sign3A_3508 : i1 to i32
    %sign3A_3510 = arith.constant 0 : i32
    %sign3A_3511 = arith.cmpi slt, %add3A_3504, %sign3A_3510 : i32
    %sign3A_3512 = arith.extui %sign3A_3511 : i1 to i32
    %sign3A_3513 = arith.subi %sign3A_3509, %sign3A_3512 : i32
    %sign3A_3514 = arith.constant 0 : i32
    %sign3A_3515 = arith.cmpi sgt, %jit3A_3505, %sign3A_3514 : i32
    %sign3A_3516 = arith.extui %sign3A_3515 : i1 to i32
    %sign3A_3517 = arith.constant 0 : i32
    %sign3A_3518 = arith.cmpi slt, %jit3A_3505, %sign3A_3517 : i32
    %sign3A_3519 = arith.extui %sign3A_3518 : i1 to i32
    %sign3A_3520 = arith.subi %sign3A_3516, %sign3A_3519 : i32
    %ne3A_3521 = arith.cmpi ne, %sign3A_3513, %sign3A_3520 : i32
    %rem3A_3522 = arith.remsi %add3A_3504, %jit3A_3505 : i32
    %ne3A_3523 = arith.constant 0 : i32
    %ne3A_3524 = arith.cmpi ne, %rem3A_3522, %ne3A_3523 : i32
    %and3A_3525 = arith.andi %ne3A_3521, %ne3A_3524 : i1
    %sub3A_3526 = arith.constant 1 : i32
    %sub3A_3527 = arith.subi %div3A_3506, %sub3A_3526 : i32
    %select_n3A_3528 = arith.select %and3A_3525, %sub3A_3527, %div3A_3506 : i32
    %lt3A_3529 = vector.broadcast %select_n3A_3528 : i32 to vector<264x128xi32>
    %lt3A_3530 = arith.cmpi slt, %add3A, %lt3A_3529 : vector<264x128xi32>
    %and3A_3531 = arith.andi %and3A_2897, %lt3A_3530 : vector<264x128xi1>
    %jit3A_3532 = arith.constant 1 : i32
    %jit3A_3533 = arith.constant 0 : i32
    %broadcast_in_dim3A_3534 = vector.broadcast %jit3A_3532 : i32 to vector<264x128xi32>
    %broadcast_in_dim3A_3535 = vector.broadcast %jit3A_3533 : i32 to vector<264x128xi32>
    %select_n3A_3536 = arith.select %and3A_3531, %broadcast_in_dim3A_3534, %broadcast_in_dim3A_3535 : vector<264x128xi1>, vector<264x128xi32>
    %reduce_sum3A_3537 = vector.shape_cast %select_n3A_3536 : vector<264x128xi32> to vector<1x264x128xi32>
    %reduce_sum3A_3538 = arith.constant dense<0> : vector<1xi32>
    %reduce_sum3A_3539 = vector.multi_reduction <add>, %reduce_sum3A_3537, %reduce_sum3A_3538 [1, 2] : vector<1x264x128xi32> to vector<1xi32>
    %reduce_sum3A_3540 = vector.shape_cast %reduce_sum3A_3539 : vector<1xi32> to vector<1x1x1xi32>
    %reduce_sum3A_3541 = vector.extract %reduce_sum3A_3540[0, 0, 0] : i32 from vector<1x1x1xi32>
    %ge3A_3542 = arith.cmpi sge, %reduce_sum3A_3541, %select_n3A_2889 : i32
    %select_n3A_3543 = arith.select %ge3A_3542, %select_n3A_3528, %select_n3A_3500 : i32
    %add3A_3544 = arith.constant 1 : i32
    %add3A_3545 = arith.addi %select_n3A_3528, %add3A_3544 : i32
    %select_n3A_3546 = arith.select %ge3A_3542, %select_n3A_3503, %add3A_3545 : i32
    %add3A_3547 = arith.addi %select_n3A_3546, %select_n3A_3543 : i32
    %jit3A_3548 = arith.constant 2 : i32
    %div3A_3549 = arith.divsi %add3A_3547, %jit3A_3548 : i32
    %sign3A_3550 = arith.constant 0 : i32
    %sign3A_3551 = arith.cmpi sgt, %add3A_3547, %sign3A_3550 : i32
    %sign3A_3552 = arith.extui %sign3A_3551 : i1 to i32
    %sign3A_3553 = arith.constant 0 : i32
    %sign3A_3554 = arith.cmpi slt, %add3A_3547, %sign3A_3553 : i32
    %sign3A_3555 = arith.extui %sign3A_3554 : i1 to i32
    %sign3A_3556 = arith.subi %sign3A_3552, %sign3A_3555 : i32
    %sign3A_3557 = arith.constant 0 : i32
    %sign3A_3558 = arith.cmpi sgt, %jit3A_3548, %sign3A_3557 : i32
    %sign3A_3559 = arith.extui %sign3A_3558 : i1 to i32
    %sign3A_3560 = arith.constant 0 : i32
    %sign3A_3561 = arith.cmpi slt, %jit3A_3548, %sign3A_3560 : i32
    %sign3A_3562 = arith.extui %sign3A_3561 : i1 to i32
    %sign3A_3563 = arith.subi %sign3A_3559, %sign3A_3562 : i32
    %ne3A_3564 = arith.cmpi ne, %sign3A_3556, %sign3A_3563 : i32
    %rem3A_3565 = arith.remsi %add3A_3547, %jit3A_3548 : i32
    %ne3A_3566 = arith.constant 0 : i32
    %ne3A_3567 = arith.cmpi ne, %rem3A_3565, %ne3A_3566 : i32
    %and3A_3568 = arith.andi %ne3A_3564, %ne3A_3567 : i1
    %sub3A_3569 = arith.constant 1 : i32
    %sub3A_3570 = arith.subi %div3A_3549, %sub3A_3569 : i32
    %select_n3A_3571 = arith.select %and3A_3568, %sub3A_3570, %div3A_3549 : i32
    %lt3A_3572 = vector.broadcast %select_n3A_3571 : i32 to vector<264x128xi32>
    %lt3A_3573 = arith.cmpi slt, %add3A, %lt3A_3572 : vector<264x128xi32>
    %and3A_3574 = arith.andi %and3A_2897, %lt3A_3573 : vector<264x128xi1>
    %jit3A_3575 = arith.constant 1 : i32
    %jit3A_3576 = arith.constant 0 : i32
    %broadcast_in_dim3A_3577 = vector.broadcast %jit3A_3575 : i32 to vector<264x128xi32>
    %broadcast_in_dim3A_3578 = vector.broadcast %jit3A_3576 : i32 to vector<264x128xi32>
    %select_n3A_3579 = arith.select %and3A_3574, %broadcast_in_dim3A_3577, %broadcast_in_dim3A_3578 : vector<264x128xi1>, vector<264x128xi32>
    %reduce_sum3A_3580 = vector.shape_cast %select_n3A_3579 : vector<264x128xi32> to vector<1x264x128xi32>
    %reduce_sum3A_3581 = arith.constant dense<0> : vector<1xi32>
    %reduce_sum3A_3582 = vector.multi_reduction <add>, %reduce_sum3A_3580, %reduce_sum3A_3581 [1, 2] : vector<1x264x128xi32> to vector<1xi32>
    %reduce_sum3A_3583 = vector.shape_cast %reduce_sum3A_3582 : vector<1xi32> to vector<1x1x1xi32>
    %reduce_sum3A_3584 = vector.extract %reduce_sum3A_3583[0, 0, 0] : i32 from vector<1x1x1xi32>
    %ge3A_3585 = arith.cmpi sge, %reduce_sum3A_3584, %select_n3A_2889 : i32
    %select_n3A_3586 = arith.select %ge3A_3585, %select_n3A_3571, %select_n3A_3543 : i32
    %lt3A_3587 = vector.broadcast %select_n3A_3586 : i32 to vector<264x128xi32>
    %lt3A_3588 = arith.cmpi slt, %add3A, %lt3A_3587 : vector<264x128xi32>
    %and3A_3589 = arith.andi %and3A_2897, %lt3A_3588 : vector<264x128xi1>
    %or3A_3590 = arith.ori %and3A_2894, %and3A_3589 : vector<264x128xi1>
    %jit3A_3591 = arith.constant 1.000000e+00 : f32
    %jit3A_3592 = arith.constant 0.000000e+00 : f32
    %broadcast_in_dim3A_3593 = vector.broadcast %jit3A_3591 : f32 to vector<264x128xf32>
    %broadcast_in_dim3A_3594 = vector.broadcast %jit3A_3592 : f32 to vector<264x128xf32>
    %select_n3A_3595 = arith.select %or3A_3590, %broadcast_in_dim3A_3593, %broadcast_in_dim3A_3594 : vector<264x128xi1>, vector<264x128xf32>
    %dot_general3A_3596 = arith.constant dense<0.000000e+00> : vector<264x128xf32>
    %dot_general3A_3597 = tpu.matmul %select_n3A_3595, %get3A_18, %dot_general3A_3596 {dimension_numbers = #tpu.dot_dimension_numbers<[1], [0], [0], [1], [0, 0, 1, 1], [], []>, precision = #tpu.contract_precision<fp32>, transpose_lhs_hint = false} : vector<264x128xf32>, vector<128x128xf32>, vector<264x128xf32> -> vector<264x128xf32>
    %reduce_sum3A_3598 = arith.constant dense<0.000000e+00> : vector<264xf32>
    %reduce_sum3A_3599 = vector.multi_reduction <add>, %select_n3A_3595, %reduce_sum3A_3598 [1] : vector<264x128xf32> to vector<264xf32>
    %broadcast_in_dim3A_3600 = vector.shape_cast %reduce_sum3A_3599 : vector<264xf32> to vector<264x1xf32>
    %dot_general3A_3601 = arith.constant dense<0.000000e+00> : vector<264x1xf32>
    %dot_general3A_3602 = tpu.matmul %get3A_21, %broadcast_in_dim3A_3600, %dot_general3A_3601 {dimension_numbers = #tpu.dot_dimension_numbers<[1], [0], [0], [1], [0, 0, 1, 1], [], []>, precision = #tpu.contract_precision<fp32>, transpose_lhs_hint = false} : vector<264x264xf32>, vector<264x1xf32>, vector<264x1xf32> -> vector<264x1xf32>
    %add3A_3603 = vector.broadcast %dot_general3A_3602 : vector<264x1xf32> to vector<264x128xf32>
    %add3A_3604 = arith.addf %add3A_3603, %dot_general3A_3597 : vector<264x128xf32>
    %convert_element_type3A_3605 = arith.fptosi %add3A_3604 : vector<264x128xf32> to vector<264x128xi32>
    %and3A_3606 = arith.constant 2047 : i32
    %and3A_3607 = vector.broadcast %and3A_3606 : i32 to vector<264x128xi32>
    %and3A_3608 = arith.andi %add3A, %and3A_3607 : vector<264x128xi32>
    %add3A_3609 = arith.constant 6016 : i32
    %add3A_3610 = vector.broadcast %add3A_3609 : i32 to vector<264x128xi32>
    %add3A_3611 = arith.addi %add3A_3610, %and3A_3608 : vector<264x128xi32>
    %select_n3A_3612 = arith.select %or3A_3590, %convert_element_type3A_3605, %add3A_3611 : vector<264x128xi1>, vector<264x128xi32>
    %add3A_3613 = arith.constant 8192 : i32
    %add3A_3614 = vector.broadcast %add3A_3613 : i32 to vector<264x128xi32>
    %add3A_3615 = arith.addi %select_n3A_3612, %add3A_3614 : vector<264x128xi32>
    %swap3A_3616 = arith.constant 1 : index
    %swap3A_3617 = arith.constant 0 : index
    %swap3A_3618 = arith.constant 0 : index
    %swap3A_3619 = vector.load %arg14[%swap3A_3616, %swap3A_3617, %swap3A_3618] : memref<2x264x128xi32, #tpu.memory_space<vmem>>, vector<1x264x128xi32>
    %swap3A_3620 = vector.shape_cast %swap3A_3619 : vector<1x264x128xi32> to vector<264x128xi32>
    %swap3A_3621 = vector.shape_cast %add3A_3615 : vector<264x128xi32> to vector<1x264x128xi32>
    tpu.vector_store %arg14[%swap3A_3616, %swap3A_3617, %swap3A_3618], %swap3A_3621 {strides = array<i32>} : memref<2x264x128xi32, #tpu.memory_space<vmem>>, vector<1x264x128xi32>,
    %xor3A_3622 = arith.constant -2147483648 : i32
    %xor3A_3623 = vector.broadcast %xor3A_3622 : i32 to vector<264x128xi32>
    %xor3A_3624 = arith.xori %xor3A_1955, %xor3A_3623 : vector<264x128xi32>
    %shift_right_arithmetic3A_3625 = arith.constant 16 : i32
    %shift_right_arithmetic3A_3626 = vector.broadcast %shift_right_arithmetic3A_3625 : i32 to vector<264x128xi32>
    %shift_right_arithmetic3A_3627 = arith.shrsi %xor3A_3624, %shift_right_arithmetic3A_3626 : vector<264x128xi32>
    %and3A_3628 = arith.constant 65535 : i32
    %and3A_3629 = vector.broadcast %and3A_3628 : i32 to vector<264x128xi32>
    %and3A_3630 = arith.andi %shift_right_arithmetic3A_3627, %and3A_3629 : vector<264x128xi32>
    %convert_element_type3A_3631 = arith.sitofp %and3A_3630 : vector<264x128xi32> to vector<264x128xf32>
    %and3A_3632 = arith.constant 65535 : i32
    %and3A_3633 = vector.broadcast %and3A_3632 : i32 to vector<264x128xi32>
    %and3A_3634 = arith.andi %xor3A_3624, %and3A_3633 : vector<264x128xi32>
    %convert_element_type3A_3635 = arith.sitofp %and3A_3634 : vector<264x128xi32> to vector<264x128xf32>
    %broadcast_in_dim3A_3636 = arith.constant 0.000000e+00 : f32
    %broadcast_in_dim3A_3637 = vector.broadcast %broadcast_in_dim3A_3636 : f32 to vector<264x2048xf32>
    %get3A_3638 = arith.constant 0 : index
    %get3A_3639 = arith.constant 0 : index
    %get3A_3640 = arith.constant 0 : index
    %get3A_3641 = vector.load %arg12[%get3A_3638, %get3A_3639, %get3A_3640] : memref<7x128x2048xf32, #tpu.memory_space<vmem>>, vector<1x128x2048xf32>
    %get3A_3642 = vector.shape_cast %get3A_3641 : vector<1x128x2048xf32> to vector<128x2048xf32>
    %dot_general3A_3643 = arith.constant dense<0.000000e+00> : vector<264x2048xf32>
    %dot_general3A_3644 = tpu.matmul %min3A_1918, %get3A_3642, %dot_general3A_3643 {dimension_numbers = #tpu.dot_dimension_numbers<[1], [0], [0], [1], [0, 0, 1, 1], [], []>, precision = #tpu.contract_precision<fp32>, transpose_lhs_hint = false} : vector<264x128xf32>, vector<128x2048xf32>, vector<264x2048xf32> -> vector<264x2048xf32>
    %add3A_3645 = arith.addf %broadcast_in_dim3A_3637, %dot_general3A_3644 : vector<264x2048xf32>
    %get3A_3646 = arith.constant 1 : index
    %get3A_3647 = arith.constant 0 : index
    %get3A_3648 = arith.constant 0 : index
    %get3A_3649 = vector.load %arg12[%get3A_3646, %get3A_3647, %get3A_3648] : memref<7x128x2048xf32, #tpu.memory_space<vmem>>, vector<1x128x2048xf32>
    %get3A_3650 = vector.shape_cast %get3A_3649 : vector<1x128x2048xf32> to vector<128x2048xf32>
    %dot_general3A_3651 = arith.constant dense<0.000000e+00> : vector<264x2048xf32>
    %dot_general3A_3652 = tpu.matmul %min3A_1923, %get3A_3650, %dot_general3A_3651 {dimension_numbers = #tpu.dot_dimension_numbers<[1], [0], [0], [1], [0, 0, 1, 1], [], []>, precision = #tpu.contract_precision<fp32>, transpose_lhs_hint = false} : vector<264x128xf32>, vector<128x2048xf32>, vector<264x2048xf32> -> vector<264x2048xf32>
    %add3A_3653 = arith.addf %add3A_3645, %dot_general3A_3652 : vector<264x2048xf32>
    %get3A_3654 = arith.constant 2 : index
    %get3A_3655 = arith.constant 0 : index
    %get3A_3656 = arith.constant 0 : index
    %get3A_3657 = vector.load %arg12[%get3A_3654, %get3A_3655, %get3A_3656] : memref<7x128x2048xf32, #tpu.memory_space<vmem>>, vector<1x128x2048xf32>
    %get3A_3658 = vector.shape_cast %get3A_3657 : vector<1x128x2048xf32> to vector<128x2048xf32>
    %dot_general3A_3659 = arith.constant dense<0.000000e+00> : vector<264x2048xf32>
    %dot_general3A_3660 = tpu.matmul %min3A_1928, %get3A_3658, %dot_general3A_3659 {dimension_numbers = #tpu.dot_dimension_numbers<[1], [0], [0], [1], [0, 0, 1, 1], [], []>, precision = #tpu.contract_precision<fp32>, transpose_lhs_hint = false} : vector<264x128xf32>, vector<128x2048xf32>, vector<264x2048xf32> -> vector<264x2048xf32>
    %add3A_3661 = arith.addf %add3A_3653, %dot_general3A_3660 : vector<264x2048xf32>
    %get3A_3662 = arith.constant 3 : index
    %get3A_3663 = arith.constant 0 : index
    %get3A_3664 = arith.constant 0 : index
    %get3A_3665 = vector.load %arg12[%get3A_3662, %get3A_3663, %get3A_3664] : memref<7x128x2048xf32, #tpu.memory_space<vmem>>, vector<1x128x2048xf32>
    %get3A_3666 = vector.shape_cast %get3A_3665 : vector<1x128x2048xf32> to vector<128x2048xf32>
    %dot_general3A_3667 = arith.constant dense<0.000000e+00> : vector<264x2048xf32>
    %dot_general3A_3668 = tpu.matmul %min3A_1933, %get3A_3666, %dot_general3A_3667 {dimension_numbers = #tpu.dot_dimension_numbers<[1], [0], [0], [1], [0, 0, 1, 1], [], []>, precision = #tpu.contract_precision<fp32>, transpose_lhs_hint = false} : vector<264x128xf32>, vector<128x2048xf32>, vector<264x2048xf32> -> vector<264x2048xf32>
    %add3A_3669 = arith.addf %add3A_3661, %dot_general3A_3668 : vector<264x2048xf32>
    %get3A_3670 = arith.constant 4 : index
    %get3A_3671 = arith.constant 0 : index
    %get3A_3672 = arith.constant 0 : index
    %get3A_3673 = vector.load %arg12[%get3A_3670, %get3A_3671, %get3A_3672] : memref<7x128x2048xf32, #tpu.memory_space<vmem>>, vector<1x128x2048xf32>
    %get3A_3674 = vector.shape_cast %get3A_3673 : vector<1x128x2048xf32> to vector<128x2048xf32>
    %dot_general3A_3675 = arith.constant dense<0.000000e+00> : vector<264x2048xf32>
    %dot_general3A_3676 = tpu.matmul %mul3A_1942, %get3A_3674, %dot_general3A_3675 {dimension_numbers = #tpu.dot_dimension_numbers<[1], [0], [0], [1], [0, 0, 1, 1], [], []>, precision = #tpu.contract_precision<fp32>, transpose_lhs_hint = false} : vector<264x128xf32>, vector<128x2048xf32>, vector<264x2048xf32> -> vector<264x2048xf32>
    %add3A_3677 = arith.addf %add3A_3669, %dot_general3A_3676 : vector<264x2048xf32>
    %get3A_3678 = arith.constant 5 : index
    %get3A_3679 = arith.constant 0 : index
    %get3A_3680 = arith.constant 0 : index
    %get3A_3681 = vector.load %arg12[%get3A_3678, %get3A_3679, %get3A_3680] : memref<7x128x2048xf32, #tpu.memory_space<vmem>>, vector<1x128x2048xf32>
    %get3A_3682 = vector.shape_cast %get3A_3681 : vector<1x128x2048xf32> to vector<128x2048xf32>
    %dot_general3A_3683 = arith.constant dense<0.000000e+00> : vector<264x2048xf32>
    %dot_general3A_3684 = tpu.matmul %convert_element_type3A_3631, %get3A_3682, %dot_general3A_3683 {dimension_numbers = #tpu.dot_dimension_numbers<[1], [0], [0], [1], [0, 0, 1, 1], [], []>, precision = #tpu.contract_precision<fp32>, transpose_lhs_hint = false} : vector<264x128xf32>, vector<128x2048xf32>, vector<264x2048xf32> -> vector<264x2048xf32>
    %add3A_3685 = arith.addf %add3A_3677, %dot_general3A_3684 : vector<264x2048xf32>
    %get3A_3686 = arith.constant 6 : index
    %get3A_3687 = arith.constant 0 : index
    %get3A_3688 = arith.constant 0 : index
    %get3A_3689 = vector.load %arg12[%get3A_3686, %get3A_3687, %get3A_3688] : memref<7x128x2048xf32, #tpu.memory_space<vmem>>, vector<1x128x2048xf32>
    %get3A_3690 = vector.shape_cast %get3A_3689 : vector<1x128x2048xf32> to vector<128x2048xf32>
    %dot_general3A_3691 = arith.constant dense<0.000000e+00> : vector<264x2048xf32>
    %dot_general3A_3692 = tpu.matmul %convert_element_type3A_3635, %get3A_3690, %dot_general3A_3691 {dimension_numbers = #tpu.dot_dimension_numbers<[1], [0], [0], [1], [0, 0, 1, 1], [], []>, precision = #tpu.contract_precision<fp32>, transpose_lhs_hint = false} : vector<264x128xf32>, vector<128x2048xf32>, vector<264x2048xf32> -> vector<264x2048xf32>
    %add3A_3693 = arith.addf %add3A_3685, %dot_general3A_3692 : vector<264x2048xf32>
    %swap3A_3694 = arith.constant 1 : index
    %swap3A_3695 = arith.constant 0 : index
    %swap3A_3696 = arith.constant 0 : index
    %swap3A_3697 = vector.load %arg13[%swap3A_3694, %swap3A_3695, %swap3A_3696] : memref<2x264x2048xf32, #tpu.memory_space<vmem>>, vector<1x264x2048xf32>
    %swap3A_3698 = vector.shape_cast %swap3A_3697 : vector<1x264x2048xf32> to vector<264x2048xf32>
    %swap3A_3699 = vector.shape_cast %add3A_3693 : vector<264x2048xf32> to vector<1x264x2048xf32>
    tpu.vector_store %arg13[%swap3A_3694, %swap3A_3695, %swap3A_3696], %swap3A_3699 {strides = array<i32>} : memref<2x264x2048xf32, #tpu.memory_space<vmem>>, vector<1x264x2048xf32>,
    return
  }
}

module attributes {stable_mosaic.version = 14 : i64} {
  func.func @_tc2_body(%arg0: memref<2x47x2048xf32, #tpu.memory_space<vmem>>, %arg1: memref<7x2048x128xf32, #tpu.memory_space<vmem>>, %arg2: memref<304x128xf32, #tpu.memory_space<vmem>>, %arg3: memref<304x128xf32, #tpu.memory_space<vmem>>, %arg4: memref<5x47x128xf32, #tpu.memory_space<vmem>>, %arg5: memref<5x47x128xf32, #tpu.memory_space<vmem>>) attributes {dimension_semantics = [], scalar_prefetch = 0 : i64, scratch_operands = 2 : i64, tpu.core_type = #tpu.core_type<tc>} {
    %iota3A = tpu.iota {dimensions = array<i32: 0>} : vector<47x128xi32>
    %mul3A = arith.constant 128 : i32
    %mul3A_0 = vector.broadcast %mul3A : i32 to vector<47x128xi32>
    %mul3A_1 = arith.muli %iota3A, %mul3A_0 : vector<47x128xi32>
    %iota3A_2 = tpu.iota {dimensions = array<i32: 1>} : vector<47x128xi32>
    %add3A = arith.addi %mul3A_1, %iota3A_2 : vector<47x128xi32>
    %iota3A_3 = tpu.iota {dimensions = array<i32: 1>} : vector<1x128xi32>
    %get3A = arith.constant 0 : index
    %get3A_4 = arith.constant 0 : index
    %get3A_5 = arith.constant 0 : index
    %get3A_6 = vector.load %arg0[%get3A, %get3A_4, %get3A_5] : memref<2x47x2048xf32, #tpu.memory_space<vmem>>, vector<1x47x2048xf32>
    %get3A_7 = vector.shape_cast %get3A_6 : vector<1x47x2048xf32> to vector<47x2048xf32>
    %get3A_8 = arith.constant 0 : index
    %get3A_9 = arith.constant 0 : index
    %get3A_10 = arith.constant 0 : index
    %get3A_11 = vector.load %arg1[%get3A_8, %get3A_9, %get3A_10] : memref<7x2048x128xf32, #tpu.memory_space<vmem>>, vector<1x2048x128xf32>
    %get3A_12 = vector.shape_cast %get3A_11 : vector<1x2048x128xf32> to vector<2048x128xf32>
    %dot_general3A = arith.constant dense<0.000000e+00> : vector<47x128xf32>
    %dot_general3A_13 = tpu.matmul %get3A_7, %get3A_12, %dot_general3A {dimension_numbers = #tpu.dot_dimension_numbers<[1], [0], [0], [1], [0, 0, 1, 1], [], []>, precision = #tpu.contract_precision<fp32>, transpose_lhs_hint = false} : vector<47x2048xf32>, vector<2048x128xf32>, vector<47x128xf32> -> vector<47x128xf32>
    %swap3A = arith.constant 0 : index
    %swap3A_14 = arith.constant 0 : index
    %swap3A_15 = arith.constant 0 : index
    %swap3A_16 = vector.load %arg4[%swap3A, %swap3A_14, %swap3A_15] : memref<5x47x128xf32, #tpu.memory_space<vmem>>, vector<1x47x128xf32>
    %swap3A_17 = vector.shape_cast %swap3A_16 : vector<1x47x128xf32> to vector<47x128xf32>
    %swap3A_18 = vector.shape_cast %dot_general3A_13 : vector<47x128xf32> to vector<1x47x128xf32>
    tpu.vector_store %arg4[%swap3A, %swap3A_14, %swap3A_15], %swap3A_18 {strides = array<i32>} : memref<5x47x128xf32, #tpu.memory_space<vmem>>, vector<1x47x128xf32>,
    %get3A_19 = arith.constant 1 : index
    %get3A_20 = arith.constant 0 : index
    %get3A_21 = arith.constant 0 : index
    %get3A_22 = vector.load %arg1[%get3A_19, %get3A_20, %get3A_21] : memref<7x2048x128xf32, #tpu.memory_space<vmem>>, vector<1x2048x128xf32>
    %get3A_23 = vector.shape_cast %get3A_22 : vector<1x2048x128xf32> to vector<2048x128xf32>
    %dot_general3A_24 = arith.constant dense<0.000000e+00> : vector<47x128xf32>
    %dot_general3A_25 = tpu.matmul %get3A_7, %get3A_23, %dot_general3A_24 {dimension_numbers = #tpu.dot_dimension_numbers<[1], [0], [0], [1], [0, 0, 1, 1], [], []>, precision = #tpu.contract_precision<fp32>, transpose_lhs_hint = false} : vector<47x2048xf32>, vector<2048x128xf32>, vector<47x128xf32> -> vector<47x128xf32>
    %swap3A_26 = arith.constant 1 : index
    %swap3A_27 = arith.constant 0 : index
    %swap3A_28 = arith.constant 0 : index
    %swap3A_29 = vector.load %arg4[%swap3A_26, %swap3A_27, %swap3A_28] : memref<5x47x128xf32, #tpu.memory_space<vmem>>, vector<1x47x128xf32>
    %swap3A_30 = vector.shape_cast %swap3A_29 : vector<1x47x128xf32> to vector<47x128xf32>
    %swap3A_31 = vector.shape_cast %dot_general3A_25 : vector<47x128xf32> to vector<1x47x128xf32>
    tpu.vector_store %arg4[%swap3A_26, %swap3A_27, %swap3A_28], %swap3A_31 {strides = array<i32>} : memref<5x47x128xf32, #tpu.memory_space<vmem>>, vector<1x47x128xf32>,
    %get3A_32 = arith.constant 2 : index
    %get3A_33 = arith.constant 0 : index
    %get3A_34 = arith.constant 0 : index
    %get3A_35 = vector.load %arg1[%get3A_32, %get3A_33, %get3A_34] : memref<7x2048x128xf32, #tpu.memory_space<vmem>>, vector<1x2048x128xf32>
    %get3A_36 = vector.shape_cast %get3A_35 : vector<1x2048x128xf32> to vector<2048x128xf32>
    %dot_general3A_37 = arith.constant dense<0.000000e+00> : vector<47x128xf32>
    %dot_general3A_38 = tpu.matmul %get3A_7, %get3A_36, %dot_general3A_37 {dimension_numbers = #tpu.dot_dimension_numbers<[1], [0], [0], [1], [0, 0, 1, 1], [], []>, precision = #tpu.contract_precision<fp32>, transpose_lhs_hint = false} : vector<47x2048xf32>, vector<2048x128xf32>, vector<47x128xf32> -> vector<47x128xf32>
    %swap3A_39 = arith.constant 2 : index
    %swap3A_40 = arith.constant 0 : index
    %swap3A_41 = arith.constant 0 : index
    %swap3A_42 = vector.load %arg4[%swap3A_39, %swap3A_40, %swap3A_41] : memref<5x47x128xf32, #tpu.memory_space<vmem>>, vector<1x47x128xf32>
    %swap3A_43 = vector.shape_cast %swap3A_42 : vector<1x47x128xf32> to vector<47x128xf32>
    %swap3A_44 = vector.shape_cast %dot_general3A_38 : vector<47x128xf32> to vector<1x47x128xf32>
    tpu.vector_store %arg4[%swap3A_39, %swap3A_40, %swap3A_41], %swap3A_44 {strides = array<i32>} : memref<5x47x128xf32, #tpu.memory_space<vmem>>, vector<1x47x128xf32>,
    %get3A_45 = arith.constant 3 : index
    %get3A_46 = arith.constant 0 : index
    %get3A_47 = arith.constant 0 : index
    %get3A_48 = vector.load %arg1[%get3A_45, %get3A_46, %get3A_47] : memref<7x2048x128xf32, #tpu.memory_space<vmem>>, vector<1x2048x128xf32>
    %get3A_49 = vector.shape_cast %get3A_48 : vector<1x2048x128xf32> to vector<2048x128xf32>
    %dot_general3A_50 = arith.constant dense<0.000000e+00> : vector<47x128xf32>
    %dot_general3A_51 = tpu.matmul %get3A_7, %get3A_49, %dot_general3A_50 {dimension_numbers = #tpu.dot_dimension_numbers<[1], [0], [0], [1], [0, 0, 1, 1], [], []>, precision = #tpu.contract_precision<fp32>, transpose_lhs_hint = false} : vector<47x2048xf32>, vector<2048x128xf32>, vector<47x128xf32> -> vector<47x128xf32>
    %swap3A_52 = arith.constant 3 : index
    %swap3A_53 = arith.constant 0 : index
    %swap3A_54 = arith.constant 0 : index
    %swap3A_55 = vector.load %arg4[%swap3A_52, %swap3A_53, %swap3A_54] : memref<5x47x128xf32, #tpu.memory_space<vmem>>, vector<1x47x128xf32>
    %swap3A_56 = vector.shape_cast %swap3A_55 : vector<1x47x128xf32> to vector<47x128xf32>
    %swap3A_57 = vector.shape_cast %dot_general3A_51 : vector<47x128xf32> to vector<1x47x128xf32>
    tpu.vector_store %arg4[%swap3A_52, %swap3A_53, %swap3A_54], %swap3A_57 {strides = array<i32>} : memref<5x47x128xf32, #tpu.memory_space<vmem>>, vector<1x47x128xf32>,
    %get3A_58 = arith.constant 4 : index
    %get3A_59 = arith.constant 0 : index
    %get3A_60 = arith.constant 0 : index
    %get3A_61 = vector.load %arg1[%get3A_58, %get3A_59, %get3A_60] : memref<7x2048x128xf32, #tpu.memory_space<vmem>>, vector<1x2048x128xf32>
    %get3A_62 = vector.shape_cast %get3A_61 : vector<1x2048x128xf32> to vector<2048x128xf32>
    %dot_general3A_63 = arith.constant dense<0.000000e+00> : vector<47x128xf32>
    %dot_general3A_64 = tpu.matmul %get3A_7, %get3A_62, %dot_general3A_63 {dimension_numbers = #tpu.dot_dimension_numbers<[1], [0], [0], [1], [0, 0, 1, 1], [], []>, precision = #tpu.contract_precision<fp32>, transpose_lhs_hint = false} : vector<47x2048xf32>, vector<2048x128xf32>, vector<47x128xf32> -> vector<47x128xf32>
    %swap3A_65 = arith.constant 4 : index
    %swap3A_66 = arith.constant 0 : index
    %swap3A_67 = arith.constant 0 : index
    %swap3A_68 = vector.load %arg4[%swap3A_65, %swap3A_66, %swap3A_67] : memref<5x47x128xf32, #tpu.memory_space<vmem>>, vector<1x47x128xf32>
    %swap3A_69 = vector.shape_cast %swap3A_68 : vector<1x47x128xf32> to vector<47x128xf32>
    %swap3A_70 = vector.shape_cast %dot_general3A_64 : vector<47x128xf32> to vector<1x47x128xf32>
    tpu.vector_store %arg4[%swap3A_65, %swap3A_66, %swap3A_67], %swap3A_70 {strides = array<i32>} : memref<5x47x128xf32, #tpu.memory_space<vmem>>, vector<1x47x128xf32>,
    %get3A_71 = arith.constant 5 : index
    %get3A_72 = arith.constant 0 : index
    %get3A_73 = arith.constant 0 : index
    %get3A_74 = vector.load %arg1[%get3A_71, %get3A_72, %get3A_73] : memref<7x2048x128xf32, #tpu.memory_space<vmem>>, vector<1x2048x128xf32>
    %get3A_75 = vector.shape_cast %get3A_74 : vector<1x2048x128xf32> to vector<2048x128xf32>
    %dot_general3A_76 = arith.constant dense<0.000000e+00> : vector<47x128xf32>
    %dot_general3A_77 = tpu.matmul %get3A_7, %get3A_75, %dot_general3A_76 {dimension_numbers = #tpu.dot_dimension_numbers<[1], [0], [0], [1], [0, 0, 1, 1], [], []>, precision = #tpu.contract_precision<fp32>, transpose_lhs_hint = false} : vector<47x2048xf32>, vector<2048x128xf32>, vector<47x128xf32> -> vector<47x128xf32>
    %get3A_78 = arith.constant 6 : index
    %get3A_79 = arith.constant 0 : index
    %get3A_80 = arith.constant 0 : index
    %get3A_81 = vector.load %arg1[%get3A_78, %get3A_79, %get3A_80] : memref<7x2048x128xf32, #tpu.memory_space<vmem>>, vector<1x2048x128xf32>
    %get3A_82 = vector.shape_cast %get3A_81 : vector<1x2048x128xf32> to vector<2048x128xf32>
    %dot_general3A_83 = arith.constant dense<0.000000e+00> : vector<47x128xf32>
    %dot_general3A_84 = tpu.matmul %get3A_7, %get3A_82, %dot_general3A_83 {dimension_numbers = #tpu.dot_dimension_numbers<[1], [0], [0], [1], [0, 0, 1, 1], [], []>, precision = #tpu.contract_precision<fp32>, transpose_lhs_hint = false} : vector<47x2048xf32>, vector<2048x128xf32>, vector<47x128xf32> -> vector<47x128xf32>
    %convert_element_type3A = arith.fptosi %dot_general3A_77 : vector<47x128xf32> to vector<47x128xi32>
    %shift_left3A = arith.constant 16 : i32
    %shift_left3A_85 = vector.broadcast %shift_left3A : i32 to vector<47x128xi32>
    %shift_left3A_86 = arith.shli %convert_element_type3A, %shift_left3A_85 : vector<47x128xi32>
    %convert_element_type3A_87 = arith.fptosi %dot_general3A_84 : vector<47x128xf32> to vector<47x128xi32>
    %or3A = arith.ori %shift_left3A_86, %convert_element_type3A_87 : vector<47x128xi32>
    %xor3A = arith.constant -2147483648 : i32
    %xor3A_88 = vector.broadcast %xor3A : i32 to vector<47x128xi32>
    %xor3A_89 = arith.xori %or3A, %xor3A_88 : vector<47x128xi32>
    %get3A_90 = arith.constant 1 : index
    %get3A_91 = arith.constant 0 : index
    %get3A_92 = arith.constant 0 : index
    %get3A_93 = vector.load %arg0[%get3A_90, %get3A_91, %get3A_92] : memref<2x47x2048xf32, #tpu.memory_space<vmem>>, vector<1x47x2048xf32>
    %get3A_94 = vector.shape_cast %get3A_93 : vector<1x47x2048xf32> to vector<47x2048xf32>
    %get3A_95 = arith.constant 0 : index
    %get3A_96 = arith.constant 0 : index
    %get3A_97 = arith.constant 0 : index
    %get3A_98 = vector.load %arg1[%get3A_95, %get3A_96, %get3A_97] : memref<7x2048x128xf32, #tpu.memory_space<vmem>>, vector<1x2048x128xf32>
    %get3A_99 = vector.shape_cast %get3A_98 : vector<1x2048x128xf32> to vector<2048x128xf32>
    %dot_general3A_100 = arith.constant dense<0.000000e+00> : vector<47x128xf32>
    %dot_general3A_101 = tpu.matmul %get3A_94, %get3A_99, %dot_general3A_100 {dimension_numbers = #tpu.dot_dimension_numbers<[1], [0], [0], [1], [0, 0, 1, 1], [], []>, precision = #tpu.contract_precision<fp32>, transpose_lhs_hint = false} : vector<47x2048xf32>, vector<2048x128xf32>, vector<47x128xf32> -> vector<47x128xf32>
    %swap3A_102 = arith.constant 0 : index
    %swap3A_103 = arith.constant 0 : index
    %swap3A_104 = arith.constant 0 : index
    %swap3A_105 = vector.load %arg5[%swap3A_102, %swap3A_103, %swap3A_104] : memref<5x47x128xf32, #tpu.memory_space<vmem>>, vector<1x47x128xf32>
    %swap3A_106 = vector.shape_cast %swap3A_105 : vector<1x47x128xf32> to vector<47x128xf32>
    %swap3A_107 = vector.shape_cast %dot_general3A_101 : vector<47x128xf32> to vector<1x47x128xf32>
    tpu.vector_store %arg5[%swap3A_102, %swap3A_103, %swap3A_104], %swap3A_107 {strides = array<i32>} : memref<5x47x128xf32, #tpu.memory_space<vmem>>, vector<1x47x128xf32>,
    %get3A_108 = arith.constant 1 : index
    %get3A_109 = arith.constant 0 : index
    %get3A_110 = arith.constant 0 : index
    %get3A_111 = vector.load %arg1[%get3A_108, %get3A_109, %get3A_110] : memref<7x2048x128xf32, #tpu.memory_space<vmem>>, vector<1x2048x128xf32>
    %get3A_112 = vector.shape_cast %get3A_111 : vector<1x2048x128xf32> to vector<2048x128xf32>
    %dot_general3A_113 = arith.constant dense<0.000000e+00> : vector<47x128xf32>
    %dot_general3A_114 = tpu.matmul %get3A_94, %get3A_112, %dot_general3A_113 {dimension_numbers = #tpu.dot_dimension_numbers<[1], [0], [0], [1], [0, 0, 1, 1], [], []>, precision = #tpu.contract_precision<fp32>, transpose_lhs_hint = false} : vector<47x2048xf32>, vector<2048x128xf32>, vector<47x128xf32> -> vector<47x128xf32>
    %swap3A_115 = arith.constant 1 : index
    %swap3A_116 = arith.constant 0 : index
    %swap3A_117 = arith.constant 0 : index
    %swap3A_118 = vector.load %arg5[%swap3A_115, %swap3A_116, %swap3A_117] : memref<5x47x128xf32, #tpu.memory_space<vmem>>, vector<1x47x128xf32>
    %swap3A_119 = vector.shape_cast %swap3A_118 : vector<1x47x128xf32> to vector<47x128xf32>
    %swap3A_120 = vector.shape_cast %dot_general3A_114 : vector<47x128xf32> to vector<1x47x128xf32>
    tpu.vector_store %arg5[%swap3A_115, %swap3A_116, %swap3A_117], %swap3A_120 {strides = array<i32>} : memref<5x47x128xf32, #tpu.memory_space<vmem>>, vector<1x47x128xf32>,
    %get3A_121 = arith.constant 2 : index
    %get3A_122 = arith.constant 0 : index
    %get3A_123 = arith.constant 0 : index
    %get3A_124 = vector.load %arg1[%get3A_121, %get3A_122, %get3A_123] : memref<7x2048x128xf32, #tpu.memory_space<vmem>>, vector<1x2048x128xf32>
    %get3A_125 = vector.shape_cast %get3A_124 : vector<1x2048x128xf32> to vector<2048x128xf32>
    %dot_general3A_126 = arith.constant dense<0.000000e+00> : vector<47x128xf32>
    %dot_general3A_127 = tpu.matmul %get3A_94, %get3A_125, %dot_general3A_126 {dimension_numbers = #tpu.dot_dimension_numbers<[1], [0], [0], [1], [0, 0, 1, 1], [], []>, precision = #tpu.contract_precision<fp32>, transpose_lhs_hint = false} : vector<47x2048xf32>, vector<2048x128xf32>, vector<47x128xf32> -> vector<47x128xf32>
    %swap3A_128 = arith.constant 2 : index
    %swap3A_129 = arith.constant 0 : index
    %swap3A_130 = arith.constant 0 : index
    %swap3A_131 = vector.load %arg5[%swap3A_128, %swap3A_129, %swap3A_130] : memref<5x47x128xf32, #tpu.memory_space<vmem>>, vector<1x47x128xf32>
    %swap3A_132 = vector.shape_cast %swap3A_131 : vector<1x47x128xf32> to vector<47x128xf32>
    %swap3A_133 = vector.shape_cast %dot_general3A_127 : vector<47x128xf32> to vector<1x47x128xf32>
    tpu.vector_store %arg5[%swap3A_128, %swap3A_129, %swap3A_130], %swap3A_133 {strides = array<i32>} : memref<5x47x128xf32, #tpu.memory_space<vmem>>, vector<1x47x128xf32>,
    %get3A_134 = arith.constant 3 : index
    %get3A_135 = arith.constant 0 : index
    %get3A_136 = arith.constant 0 : index
    %get3A_137 = vector.load %arg1[%get3A_134, %get3A_135, %get3A_136] : memref<7x2048x128xf32, #tpu.memory_space<vmem>>, vector<1x2048x128xf32>
    %get3A_138 = vector.shape_cast %get3A_137 : vector<1x2048x128xf32> to vector<2048x128xf32>
    %dot_general3A_139 = arith.constant dense<0.000000e+00> : vector<47x128xf32>
    %dot_general3A_140 = tpu.matmul %get3A_94, %get3A_138, %dot_general3A_139 {dimension_numbers = #tpu.dot_dimension_numbers<[1], [0], [0], [1], [0, 0, 1, 1], [], []>, precision = #tpu.contract_precision<fp32>, transpose_lhs_hint = false} : vector<47x2048xf32>, vector<2048x128xf32>, vector<47x128xf32> -> vector<47x128xf32>
    %swap3A_141 = arith.constant 3 : index
    %swap3A_142 = arith.constant 0 : index
    %swap3A_143 = arith.constant 0 : index
    %swap3A_144 = vector.load %arg5[%swap3A_141, %swap3A_142, %swap3A_143] : memref<5x47x128xf32, #tpu.memory_space<vmem>>, vector<1x47x128xf32>
    %swap3A_145 = vector.shape_cast %swap3A_144 : vector<1x47x128xf32> to vector<47x128xf32>
    %swap3A_146 = vector.shape_cast %dot_general3A_140 : vector<47x128xf32> to vector<1x47x128xf32>
    tpu.vector_store %arg5[%swap3A_141, %swap3A_142, %swap3A_143], %swap3A_146 {strides = array<i32>} : memref<5x47x128xf32, #tpu.memory_space<vmem>>, vector<1x47x128xf32>,
    %get3A_147 = arith.constant 4 : index
    %get3A_148 = arith.constant 0 : index
    %get3A_149 = arith.constant 0 : index
    %get3A_150 = vector.load %arg1[%get3A_147, %get3A_148, %get3A_149] : memref<7x2048x128xf32, #tpu.memory_space<vmem>>, vector<1x2048x128xf32>
    %get3A_151 = vector.shape_cast %get3A_150 : vector<1x2048x128xf32> to vector<2048x128xf32>
    %dot_general3A_152 = arith.constant dense<0.000000e+00> : vector<47x128xf32>
    %dot_general3A_153 = tpu.matmul %get3A_94, %get3A_151, %dot_general3A_152 {dimension_numbers = #tpu.dot_dimension_numbers<[1], [0], [0], [1], [0, 0, 1, 1], [], []>, precision = #tpu.contract_precision<fp32>, transpose_lhs_hint = false} : vector<47x2048xf32>, vector<2048x128xf32>, vector<47x128xf32> -> vector<47x128xf32>
    %swap3A_154 = arith.constant 4 : index
    %swap3A_155 = arith.constant 0 : index
    %swap3A_156 = arith.constant 0 : index
    %swap3A_157 = vector.load %arg5[%swap3A_154, %swap3A_155, %swap3A_156] : memref<5x47x128xf32, #tpu.memory_space<vmem>>, vector<1x47x128xf32>
    %swap3A_158 = vector.shape_cast %swap3A_157 : vector<1x47x128xf32> to vector<47x128xf32>
    %swap3A_159 = vector.shape_cast %dot_general3A_153 : vector<47x128xf32> to vector<1x47x128xf32>
    tpu.vector_store %arg5[%swap3A_154, %swap3A_155, %swap3A_156], %swap3A_159 {strides = array<i32>} : memref<5x47x128xf32, #tpu.memory_space<vmem>>, vector<1x47x128xf32>,
    %get3A_160 = arith.constant 5 : index
    %get3A_161 = arith.constant 0 : index
    %get3A_162 = arith.constant 0 : index
    %get3A_163 = vector.load %arg1[%get3A_160, %get3A_161, %get3A_162] : memref<7x2048x128xf32, #tpu.memory_space<vmem>>, vector<1x2048x128xf32>
    %get3A_164 = vector.shape_cast %get3A_163 : vector<1x2048x128xf32> to vector<2048x128xf32>
    %dot_general3A_165 = arith.constant dense<0.000000e+00> : vector<47x128xf32>
    %dot_general3A_166 = tpu.matmul %get3A_94, %get3A_164, %dot_general3A_165 {dimension_numbers = #tpu.dot_dimension_numbers<[1], [0], [0], [1], [0, 0, 1, 1], [], []>, precision = #tpu.contract_precision<fp32>, transpose_lhs_hint = false} : vector<47x2048xf32>, vector<2048x128xf32>, vector<47x128xf32> -> vector<47x128xf32>
    %get3A_167 = arith.constant 6 : index
    %get3A_168 = arith.constant 0 : index
    %get3A_169 = arith.constant 0 : index
    %get3A_170 = vector.load %arg1[%get3A_167, %get3A_168, %get3A_169] : memref<7x2048x128xf32, #tpu.memory_space<vmem>>, vector<1x2048x128xf32>
    %get3A_171 = vector.shape_cast %get3A_170 : vector<1x2048x128xf32> to vector<2048x128xf32>
    %dot_general3A_172 = arith.constant dense<0.000000e+00> : vector<47x128xf32>
    %dot_general3A_173 = tpu.matmul %get3A_94, %get3A_171, %dot_general3A_172 {dimension_numbers = #tpu.dot_dimension_numbers<[1], [0], [0], [1], [0, 0, 1, 1], [], []>, precision = #tpu.contract_precision<fp32>, transpose_lhs_hint = false} : vector<47x2048xf32>, vector<2048x128xf32>, vector<47x128xf32> -> vector<47x128xf32>
    %convert_element_type3A_174 = arith.fptosi %dot_general3A_166 : vector<47x128xf32> to vector<47x128xi32>
    %shift_left3A_175 = arith.constant 16 : i32
    %shift_left3A_176 = vector.broadcast %shift_left3A_175 : i32 to vector<47x128xi32>
    %shift_left3A_177 = arith.shli %convert_element_type3A_174, %shift_left3A_176 : vector<47x128xi32>
    %convert_element_type3A_178 = arith.fptosi %dot_general3A_173 : vector<47x128xf32> to vector<47x128xi32>
    %or3A_179 = arith.ori %shift_left3A_177, %convert_element_type3A_178 : vector<47x128xi32>
    %xor3A_180 = arith.constant -2147483648 : i32
    %xor3A_181 = vector.broadcast %xor3A_180 : i32 to vector<47x128xi32>
    %xor3A_182 = arith.xori %or3A_179, %xor3A_181 : vector<47x128xi32>
    %lt3A = arith.constant 6000 : i32
    %lt3A_183 = vector.broadcast %lt3A : i32 to vector<47x128xi32>
    %lt3A_184 = arith.cmpi slt, %add3A, %lt3A_183 : vector<47x128xi32>
    %jit3A = arith.constant 1 : i32
    %jit3A_185 = arith.constant 0 : i32
    %broadcast_in_dim3A = vector.broadcast %jit3A : i32 to vector<47x128xi32>
    %broadcast_in_dim3A_186 = vector.broadcast %jit3A_185 : i32 to vector<47x128xi32>
    %select_n3A = arith.select %lt3A_184, %broadcast_in_dim3A, %broadcast_in_dim3A_186 : vector<47x128xi1>, vector<47x128xi32>
    %scan3A = arith.constant -2147483648 : i32
    %scan3A_187 = arith.constant 2147483647 : i32
    %scan3A_188 = arith.constant 0 : i32
    %scan3A_189 = arith.constant 300 : i32
    %scan3A_190 = arith.addi %scan3A_188, %scan3A_189 : i32
    %scan3A_191 = arith.constant 1 : i32
    %scan3A_192:2 = scf.for %scan3A_194 = %scan3A_188 to %scan3A_190 step %scan3A_191 iter_args(%scan3A_195 = %select_n3A, %scan3A_196 = %select_n3A) -> (vector<47x128xi32>, vector<47x128xi32>)  : i32 {
      %ne3A = arith.constant 0 : i32
      %ne3A_197 = vector.broadcast %ne3A : i32 to vector<47x128xi32>
      %ne3A_198 = arith.cmpi ne, %scan3A_195, %ne3A_197 : vector<47x128xi32>
      %broadcast_in_dim3A_199 = vector.broadcast %scan3A : i32 to vector<47x128xi32>
      %select_n3A_200 = arith.select %ne3A_198, %xor3A_89, %broadcast_in_dim3A_199 : vector<47x128xi1>, vector<47x128xi32>
      %reduce_max3A = vector.shape_cast %select_n3A_200 : vector<47x128xi32> to vector<1x47x128xi32>
      %reduce_max3A_201 = arith.constant dense<-2147483648> : vector<1xi32>
      %reduce_max3A_202 = vector.multi_reduction <maxsi>, %reduce_max3A, %reduce_max3A_201 [1, 2] : vector<1x47x128xi32> to vector<1xi32>
      %reduce_max3A_203 = vector.shape_cast %reduce_max3A_202 : vector<1xi32> to vector<1x1x1xi32>
      %reduce_max3A_204 = vector.extract %reduce_max3A_203[0, 0, 0] : i32 from vector<1x1x1xi32>
      %ne3A_205 = arith.cmpi ne, %reduce_max3A_204, %scan3A : i32
      %eq3A = vector.broadcast %reduce_max3A_204 : i32 to vector<47x128xi32>
      %eq3A_206 = arith.cmpi eq, %xor3A_89, %eq3A : vector<47x128xi32>
      %and3A = arith.andi %ne3A_198, %eq3A_206 : vector<47x128xi1>
      %broadcast_in_dim3A_207 = vector.broadcast %scan3A_187 : i32 to vector<47x128xi32>
      %select_n3A_208 = arith.select %and3A, %add3A, %broadcast_in_dim3A_207 : vector<47x128xi1>, vector<47x128xi32>
      %reduce_min3A = vector.shape_cast %select_n3A_208 : vector<47x128xi32> to vector<1x47x128xi32>
      %reduce_min3A_209 = arith.constant dense<2147483647> : vector<1xi32>
      %reduce_min3A_210 = vector.multi_reduction <minsi>, %reduce_min3A, %reduce_min3A_209 [1, 2] : vector<1x47x128xi32> to vector<1xi32>
      %reduce_min3A_211 = vector.shape_cast %reduce_min3A_210 : vector<1xi32> to vector<1x1x1xi32>
      %reduce_min3A_212 = vector.extract %reduce_min3A_211[0, 0, 0] : i32 from vector<1x1x1xi32>
      %min3A = arith.constant 6015 : i32
      %min3A_213 = arith.minsi %reduce_min3A_212, %min3A : i32
      %jit3A_214 = arith.constant 128 : i32
      %div3A = arith.divsi %min3A_213, %jit3A_214 : i32
      %sign3A = arith.constant 0 : i32
      %sign3A_215 = arith.cmpi sgt, %min3A_213, %sign3A : i32
      %sign3A_216 = arith.extui %sign3A_215 : i1 to i32
      %sign3A_217 = arith.constant 0 : i32
      %sign3A_218 = arith.cmpi slt, %min3A_213, %sign3A_217 : i32
      %sign3A_219 = arith.extui %sign3A_218 : i1 to i32
      %sign3A_220 = arith.subi %sign3A_216, %sign3A_219 : i32
      %sign3A_221 = arith.constant 0 : i32
      %sign3A_222 = arith.cmpi sgt, %jit3A_214, %sign3A_221 : i32
      %sign3A_223 = arith.extui %sign3A_222 : i1 to i32
      %sign3A_224 = arith.constant 0 : i32
      %sign3A_225 = arith.cmpi slt, %jit3A_214, %sign3A_224 : i32
      %sign3A_226 = arith.extui %sign3A_225 : i1 to i32
      %sign3A_227 = arith.subi %sign3A_223, %sign3A_226 : i32
      %ne3A_228 = arith.cmpi ne, %sign3A_220, %sign3A_227 : i32
      %rem3A = arith.remsi %min3A_213, %jit3A_214 : i32
      %ne3A_229 = arith.constant 0 : i32
      %ne3A_230 = arith.cmpi ne, %rem3A, %ne3A_229 : i32
      %and3A_231 = arith.andi %ne3A_228, %ne3A_230 : i1
      %sub3A = arith.constant 1 : i32
      %sub3A_232 = arith.subi %div3A, %sub3A : i32
      %select_n3A_233 = arith.select %and3A_231, %sub3A_232, %div3A : i32
      %mul3A_234 = arith.constant 128 : i32
      %mul3A_235 = arith.muli %select_n3A_233, %mul3A_234 : i32
      %sub3A_236 = arith.subi %min3A_213, %mul3A_235 : i32
      %eq3A_237 = vector.broadcast %sub3A_236 : i32 to vector<1x128xi32>
      %eq3A_238 = arith.cmpi eq, %iota3A_3, %eq3A_237 : vector<1x128xi32>
      %get3A_239 = arith.constant 0 : index
      %get3A_240 = arith.index_cast %select_n3A_233 : i32 to index
      %get3A_241 = arith.constant 0 : index
      %get3A_242 = vector.load %arg4[%get3A_239, %get3A_240, %get3A_241] : memref<5x47x128xf32, #tpu.memory_space<vmem>>, vector<1x1x128xf32>
      %get3A_243 = vector.shape_cast %get3A_242 : vector<1x1x128xf32> to vector<1x128xf32>
      %jit3A_244 = arith.constant 0.000000e+00 : f32
      %broadcast_in_dim3A_245 = vector.broadcast %jit3A_244 : f32 to vector<1x128xf32>
      %select_n3A_246 = arith.select %eq3A_238, %get3A_243, %broadcast_in_dim3A_245 : vector<1x128xi1>, vector<1x128xf32>
      %reduce_sum3A = vector.shape_cast %select_n3A_246 : vector<1x128xf32> to vector<1x1x128xf32>
      %reduce_sum3A_247 = arith.constant dense<0.000000e+00> : vector<1xf32>
      %reduce_sum3A_248 = vector.multi_reduction <add>, %reduce_sum3A, %reduce_sum3A_247 [1, 2] : vector<1x1x128xf32> to vector<1xf32>
      %reduce_sum3A_249 = vector.shape_cast %reduce_sum3A_248 : vector<1xf32> to vector<1x1x1xf32>
      %reduce_sum3A_250 = vector.extract %reduce_sum3A_249[0, 0, 0] : f32 from vector<1x1x1xf32>
      %get3A_251 = arith.constant 1 : index
      %get3A_252 = arith.index_cast %select_n3A_233 : i32 to index
      %get3A_253 = arith.constant 0 : index
      %get3A_254 = vector.load %arg4[%get3A_251, %get3A_252, %get3A_253] : memref<5x47x128xf32, #tpu.memory_space<vmem>>, vector<1x1x128xf32>
      %get3A_255 = vector.shape_cast %get3A_254 : vector<1x1x128xf32> to vector<1x128xf32>
      %jit3A_256 = arith.constant 0.000000e+00 : f32
      %broadcast_in_dim3A_257 = vector.broadcast %jit3A_256 : f32 to vector<1x128xf32>
      %select_n3A_258 = arith.select %eq3A_238, %get3A_255, %broadcast_in_dim3A_257 : vector<1x128xi1>, vector<1x128xf32>
      %reduce_sum3A_259 = vector.shape_cast %select_n3A_258 : vector<1x128xf32> to vector<1x1x128xf32>
      %reduce_sum3A_260 = arith.constant dense<0.000000e+00> : vector<1xf32>
      %reduce_sum3A_261 = vector.multi_reduction <add>, %reduce_sum3A_259, %reduce_sum3A_260 [1, 2] : vector<1x1x128xf32> to vector<1xf32>
      %reduce_sum3A_262 = vector.shape_cast %reduce_sum3A_261 : vector<1xf32> to vector<1x1x1xf32>
      %reduce_sum3A_263 = vector.extract %reduce_sum3A_262[0, 0, 0] : f32 from vector<1x1x1xf32>
      %get3A_264 = arith.constant 2 : index
      %get3A_265 = arith.index_cast %select_n3A_233 : i32 to index
      %get3A_266 = arith.constant 0 : index
      %get3A_267 = vector.load %arg4[%get3A_264, %get3A_265, %get3A_266] : memref<5x47x128xf32, #tpu.memory_space<vmem>>, vector<1x1x128xf32>
      %get3A_268 = vector.shape_cast %get3A_267 : vector<1x1x128xf32> to vector<1x128xf32>
      %jit3A_269 = arith.constant 0.000000e+00 : f32
      %broadcast_in_dim3A_270 = vector.broadcast %jit3A_269 : f32 to vector<1x128xf32>
      %select_n3A_271 = arith.select %eq3A_238, %get3A_268, %broadcast_in_dim3A_270 : vector<1x128xi1>, vector<1x128xf32>
      %reduce_sum3A_272 = vector.shape_cast %select_n3A_271 : vector<1x128xf32> to vector<1x1x128xf32>
      %reduce_sum3A_273 = arith.constant dense<0.000000e+00> : vector<1xf32>
      %reduce_sum3A_274 = vector.multi_reduction <add>, %reduce_sum3A_272, %reduce_sum3A_273 [1, 2] : vector<1x1x128xf32> to vector<1xf32>
      %reduce_sum3A_275 = vector.shape_cast %reduce_sum3A_274 : vector<1xf32> to vector<1x1x1xf32>
      %reduce_sum3A_276 = vector.extract %reduce_sum3A_275[0, 0, 0] : f32 from vector<1x1x1xf32>
      %get3A_277 = arith.constant 3 : index
      %get3A_278 = arith.index_cast %select_n3A_233 : i32 to index
      %get3A_279 = arith.constant 0 : index
      %get3A_280 = vector.load %arg4[%get3A_277, %get3A_278, %get3A_279] : memref<5x47x128xf32, #tpu.memory_space<vmem>>, vector<1x1x128xf32>
      %get3A_281 = vector.shape_cast %get3A_280 : vector<1x1x128xf32> to vector<1x128xf32>
      %jit3A_282 = arith.constant 0.000000e+00 : f32
      %broadcast_in_dim3A_283 = vector.broadcast %jit3A_282 : f32 to vector<1x128xf32>
      %select_n3A_284 = arith.select %eq3A_238, %get3A_281, %broadcast_in_dim3A_283 : vector<1x128xi1>, vector<1x128xf32>
      %reduce_sum3A_285 = vector.shape_cast %select_n3A_284 : vector<1x128xf32> to vector<1x1x128xf32>
      %reduce_sum3A_286 = arith.constant dense<0.000000e+00> : vector<1xf32>
      %reduce_sum3A_287 = vector.multi_reduction <add>, %reduce_sum3A_285, %reduce_sum3A_286 [1, 2] : vector<1x1x128xf32> to vector<1xf32>
      %reduce_sum3A_288 = vector.shape_cast %reduce_sum3A_287 : vector<1xf32> to vector<1x1x1xf32>
      %reduce_sum3A_289 = vector.extract %reduce_sum3A_288[0, 0, 0] : f32 from vector<1x1x1xf32>
      %get3A_290 = arith.constant 4 : index
      %get3A_291 = arith.index_cast %select_n3A_233 : i32 to index
      %get3A_292 = arith.constant 0 : index
      %get3A_293 = vector.load %arg4[%get3A_290, %get3A_291, %get3A_292] : memref<5x47x128xf32, #tpu.memory_space<vmem>>, vector<1x1x128xf32>
      %get3A_294 = vector.shape_cast %get3A_293 : vector<1x1x128xf32> to vector<1x128xf32>
      %jit3A_295 = arith.constant 0.000000e+00 : f32
      %broadcast_in_dim3A_296 = vector.broadcast %jit3A_295 : f32 to vector<1x128xf32>
      %select_n3A_297 = arith.select %eq3A_238, %get3A_294, %broadcast_in_dim3A_296 : vector<1x128xi1>, vector<1x128xf32>
      %reduce_sum3A_298 = vector.shape_cast %select_n3A_297 : vector<1x128xf32> to vector<1x1x128xf32>
      %reduce_sum3A_299 = arith.constant dense<0.000000e+00> : vector<1xf32>
      %reduce_sum3A_300 = vector.multi_reduction <add>, %reduce_sum3A_298, %reduce_sum3A_299 [1, 2] : vector<1x1x128xf32> to vector<1xf32>
      %reduce_sum3A_301 = vector.shape_cast %reduce_sum3A_300 : vector<1xf32> to vector<1x1x1xf32>
      %reduce_sum3A_302 = vector.extract %reduce_sum3A_301[0, 0, 0] : f32 from vector<1x1x1xf32>
      %get3A_303 = arith.constant 0 : index
      %get3A_304 = arith.constant 0 : index
      %get3A_305 = arith.constant 0 : index
      %get3A_306 = vector.load %arg4[%get3A_303, %get3A_304, %get3A_305] : memref<5x47x128xf32, #tpu.memory_space<vmem>>, vector<1x47x128xf32>
      %get3A_307 = vector.shape_cast %get3A_306 : vector<1x47x128xf32> to vector<47x128xf32>
      %get3A_308 = arith.constant 1 : index
      %get3A_309 = arith.constant 0 : index
      %get3A_310 = arith.constant 0 : index
      %get3A_311 = vector.load %arg4[%get3A_308, %get3A_309, %get3A_310] : memref<5x47x128xf32, #tpu.memory_space<vmem>>, vector<1x47x128xf32>
      %get3A_312 = vector.shape_cast %get3A_311 : vector<1x47x128xf32> to vector<47x128xf32>
      %get3A_313 = arith.constant 2 : index
      %get3A_314 = arith.constant 0 : index
      %get3A_315 = arith.constant 0 : index
      %get3A_316 = vector.load %arg4[%get3A_313, %get3A_314, %get3A_315] : memref<5x47x128xf32, #tpu.memory_space<vmem>>, vector<1x47x128xf32>
      %get3A_317 = vector.shape_cast %get3A_316 : vector<1x47x128xf32> to vector<47x128xf32>
      %get3A_318 = arith.constant 3 : index
      %get3A_319 = arith.constant 0 : index
      %get3A_320 = arith.constant 0 : index
      %get3A_321 = vector.load %arg4[%get3A_318, %get3A_319, %get3A_320] : memref<5x47x128xf32, #tpu.memory_space<vmem>>, vector<1x47x128xf32>
      %get3A_322 = vector.shape_cast %get3A_321 : vector<1x47x128xf32> to vector<47x128xf32>
      %get3A_323 = arith.constant 4 : index
      %get3A_324 = arith.constant 0 : index
      %get3A_325 = arith.constant 0 : index
      %get3A_326 = vector.load %arg4[%get3A_323, %get3A_324, %get3A_325] : memref<5x47x128xf32, #tpu.memory_space<vmem>>, vector<1x47x128xf32>
      %get3A_327 = vector.shape_cast %get3A_326 : vector<1x47x128xf32> to vector<47x128xf32>
      %max3A = vector.broadcast %reduce_sum3A_250 : f32 to vector<47x128xf32>
      %max3A_328 = arith.maximumf %max3A, %get3A_307 : vector<47x128xf32>
      %max3A_329 = vector.broadcast %reduce_sum3A_263 : f32 to vector<47x128xf32>
      %max3A_330 = arith.maximumf %max3A_329, %get3A_312 : vector<47x128xf32>
      %min3A_331 = vector.broadcast %reduce_sum3A_276 : f32 to vector<47x128xf32>
      %min3A_332 = arith.minimumf %min3A_331, %get3A_317 : vector<47x128xf32>
      %min3A_333 = vector.broadcast %reduce_sum3A_289 : f32 to vector<47x128xf32>
      %min3A_334 = arith.minimumf %min3A_333, %get3A_322 : vector<47x128xf32>
      %sub3A_335 = arith.subf %min3A_332, %max3A_328 : vector<47x128xf32>
      %add3A_336 = arith.constant 1.000000e+00 : f32
      %add3A_337 = vector.broadcast %add3A_336 : f32 to vector<47x128xf32>
      %add3A_338 = arith.addf %sub3A_335, %add3A_337 : vector<47x128xf32>
      %max3A_339 = arith.constant 0.000000e+00 : f32
      %max3A_340 = vector.broadcast %max3A_339 : f32 to vector<47x128xf32>
      %max3A_341 = arith.maximumf %add3A_338, %max3A_340 : vector<47x128xf32>
      %sub3A_342 = arith.subf %min3A_334, %max3A_330 : vector<47x128xf32>
      %add3A_343 = arith.constant 1.000000e+00 : f32
      %add3A_344 = vector.broadcast %add3A_343 : f32 to vector<47x128xf32>
      %add3A_345 = arith.addf %sub3A_342, %add3A_344 : vector<47x128xf32>
      %max3A_346 = arith.constant 0.000000e+00 : f32
      %max3A_347 = vector.broadcast %max3A_346 : f32 to vector<47x128xf32>
      %max3A_348 = arith.maximumf %add3A_345, %max3A_347 : vector<47x128xf32>
      %mul3A_349 = arith.mulf %max3A_341, %max3A_348 : vector<47x128xf32>
      %add3A_350 = vector.broadcast %reduce_sum3A_302 : f32 to vector<47x128xf32>
      %add3A_351 = arith.addf %add3A_350, %get3A_327 : vector<47x128xf32>
      %sub3A_352 = arith.subf %add3A_351, %mul3A_349 : vector<47x128xf32>
      %div3A_353 = arith.divf %mul3A_349, %sub3A_352 : vector<47x128xf32>
      %le3A = arith.constant 0.699999988 : f32
      %le3A_354 = vector.broadcast %le3A : f32 to vector<47x128xf32>
      %le3A_355 = arith.cmpf ole, %div3A_353, %le3A_354 : vector<47x128xf32>
      %and3A_356 = arith.andi %ne3A_198, %le3A_355 : vector<47x128xi1>
      %jit3A_357 = arith.constant 1.000000e+00 : f32
      %jit3A_358 = arith.constant 0.000000e+00 : f32
      %select_n3A_359 = arith.select %ne3A_205, %jit3A_357, %jit3A_358 : f32
      %eq3A_360 = arith.constant 0 : i32
      %eq3A_361 = vector.broadcast %eq3A_360 : i32 to vector<1x128xi32>
      %eq3A_362 = arith.cmpi eq, %iota3A_3, %eq3A_361 : vector<1x128xi32>
      %jit3A_363 = arith.constant 0.000000e+00 : f32
      %broadcast_in_dim3A_364 = vector.broadcast %reduce_sum3A_250 : f32 to vector<1x128xf32>
      %broadcast_in_dim3A_365 = vector.broadcast %jit3A_363 : f32 to vector<1x128xf32>
      %select_n3A_366 = arith.select %eq3A_362, %broadcast_in_dim3A_364, %broadcast_in_dim3A_365 : vector<1x128xi1>, vector<1x128xf32>
      %eq3A_367 = arith.constant 1 : i32
      %eq3A_368 = vector.broadcast %eq3A_367 : i32 to vector<1x128xi32>
      %eq3A_369 = arith.cmpi eq, %iota3A_3, %eq3A_368 : vector<1x128xi32>
      %jit3A_370 = arith.constant 0.000000e+00 : f32
      %broadcast_in_dim3A_371 = vector.broadcast %reduce_sum3A_263 : f32 to vector<1x128xf32>
      %broadcast_in_dim3A_372 = vector.broadcast %jit3A_370 : f32 to vector<1x128xf32>
      %select_n3A_373 = arith.select %eq3A_369, %broadcast_in_dim3A_371, %broadcast_in_dim3A_372 : vector<1x128xi1>, vector<1x128xf32>
      %add3A_374 = arith.addf %select_n3A_366, %select_n3A_373 : vector<1x128xf32>
      %eq3A_375 = arith.constant 2 : i32
      %eq3A_376 = vector.broadcast %eq3A_375 : i32 to vector<1x128xi32>
      %eq3A_377 = arith.cmpi eq, %iota3A_3, %eq3A_376 : vector<1x128xi32>
      %jit3A_378 = arith.constant 0.000000e+00 : f32
      %broadcast_in_dim3A_379 = vector.broadcast %reduce_sum3A_276 : f32 to vector<1x128xf32>
      %broadcast_in_dim3A_380 = vector.broadcast %jit3A_378 : f32 to vector<1x128xf32>
      %select_n3A_381 = arith.select %eq3A_377, %broadcast_in_dim3A_379, %broadcast_in_dim3A_380 : vector<1x128xi1>, vector<1x128xf32>
      %add3A_382 = arith.addf %add3A_374, %select_n3A_381 : vector<1x128xf32>
      %eq3A_383 = arith.constant 3 : i32
      %eq3A_384 = vector.broadcast %eq3A_383 : i32 to vector<1x128xi32>
      %eq3A_385 = arith.cmpi eq, %iota3A_3, %eq3A_384 : vector<1x128xi32>
      %jit3A_386 = arith.constant 0.000000e+00 : f32
      %broadcast_in_dim3A_387 = vector.broadcast %reduce_sum3A_289 : f32 to vector<1x128xf32>
      %broadcast_in_dim3A_388 = vector.broadcast %jit3A_386 : f32 to vector<1x128xf32>
      %select_n3A_389 = arith.select %eq3A_385, %broadcast_in_dim3A_387, %broadcast_in_dim3A_388 : vector<1x128xi1>, vector<1x128xf32>
      %add3A_390 = arith.addf %add3A_382, %select_n3A_389 : vector<1x128xf32>
      %mul3A_391 = vector.broadcast %select_n3A_359 : f32 to vector<1x128xf32>
      %mul3A_392 = arith.mulf %add3A_390, %mul3A_391 : vector<1x128xf32>
      %swap3A_393 = arith.index_cast %scan3A_194 : i32 to index
      %swap3A_394 = arith.constant 0 : index
      %swap3A_395 = vector.load %arg2[%swap3A_393, %swap3A_394] : memref<304x128xf32, #tpu.memory_space<vmem>>, vector<1x128xf32>
      tpu.vector_store %arg2[%swap3A_393, %swap3A_394], %mul3A_392 {strides = array<i32>} : memref<304x128xf32, #tpu.memory_space<vmem>>, vector<1x128xf32>,
      %jit3A_396 = arith.constant 1 : i32
      %jit3A_397 = arith.constant 0 : i32
      %broadcast_in_dim3A_398 = vector.broadcast %jit3A_396 : i32 to vector<47x128xi32>
      %broadcast_in_dim3A_399 = vector.broadcast %jit3A_397 : i32 to vector<47x128xi32>
      %select_n3A_400 = arith.select %and3A_356, %broadcast_in_dim3A_398, %broadcast_in_dim3A_399 : vector<47x128xi1>, vector<47x128xi32>
      %ne3A_401 = arith.constant 0 : i32
      %ne3A_402 = vector.broadcast %ne3A_401 : i32 to vector<47x128xi32>
      %ne3A_403 = arith.cmpi ne, %scan3A_196, %ne3A_402 : vector<47x128xi32>
      %broadcast_in_dim3A_404 = vector.broadcast %scan3A : i32 to vector<47x128xi32>
      %select_n3A_405 = arith.select %ne3A_403, %xor3A_182, %broadcast_in_dim3A_404 : vector<47x128xi1>, vector<47x128xi32>
      %reduce_max3A_406 = vector.shape_cast %select_n3A_405 : vector<47x128xi32> to vector<1x47x128xi32>
      %reduce_max3A_407 = arith.constant dense<-2147483648> : vector<1xi32>
      %reduce_max3A_408 = vector.multi_reduction <maxsi>, %reduce_max3A_406, %reduce_max3A_407 [1, 2] : vector<1x47x128xi32> to vector<1xi32>
      %reduce_max3A_409 = vector.shape_cast %reduce_max3A_408 : vector<1xi32> to vector<1x1x1xi32>
      %reduce_max3A_410 = vector.extract %reduce_max3A_409[0, 0, 0] : i32 from vector<1x1x1xi32>
      %ne3A_411 = arith.cmpi ne, %reduce_max3A_410, %scan3A : i32
      %eq3A_412 = vector.broadcast %reduce_max3A_410 : i32 to vector<47x128xi32>
      %eq3A_413 = arith.cmpi eq, %xor3A_182, %eq3A_412 : vector<47x128xi32>
      %and3A_414 = arith.andi %ne3A_403, %eq3A_413 : vector<47x128xi1>
      %broadcast_in_dim3A_415 = vector.broadcast %scan3A_187 : i32 to vector<47x128xi32>
      %select_n3A_416 = arith.select %and3A_414, %add3A, %broadcast_in_dim3A_415 : vector<47x128xi1>, vector<47x128xi32>
      %reduce_min3A_417 = vector.shape_cast %select_n3A_416 : vector<47x128xi32> to vector<1x47x128xi32>
      %reduce_min3A_418 = arith.constant dense<2147483647> : vector<1xi32>
      %reduce_min3A_419 = vector.multi_reduction <minsi>, %reduce_min3A_417, %reduce_min3A_418 [1, 2] : vector<1x47x128xi32> to vector<1xi32>
      %reduce_min3A_420 = vector.shape_cast %reduce_min3A_419 : vector<1xi32> to vector<1x1x1xi32>
      %reduce_min3A_421 = vector.extract %reduce_min3A_420[0, 0, 0] : i32 from vector<1x1x1xi32>
      %min3A_422 = arith.constant 6015 : i32
      %min3A_423 = arith.minsi %reduce_min3A_421, %min3A_422 : i32
      %jit3A_424 = arith.constant 128 : i32
      %div3A_425 = arith.divsi %min3A_423, %jit3A_424 : i32
      %sign3A_426 = arith.constant 0 : i32
      %sign3A_427 = arith.cmpi sgt, %min3A_423, %sign3A_426 : i32
      %sign3A_428 = arith.extui %sign3A_427 : i1 to i32
      %sign3A_429 = arith.constant 0 : i32
      %sign3A_430 = arith.cmpi slt, %min3A_423, %sign3A_429 : i32
      %sign3A_431 = arith.extui %sign3A_430 : i1 to i32
      %sign3A_432 = arith.subi %sign3A_428, %sign3A_431 : i32
      %sign3A_433 = arith.constant 0 : i32
      %sign3A_434 = arith.cmpi sgt, %jit3A_424, %sign3A_433 : i32
      %sign3A_435 = arith.extui %sign3A_434 : i1 to i32
      %sign3A_436 = arith.constant 0 : i32
      %sign3A_437 = arith.cmpi slt, %jit3A_424, %sign3A_436 : i32
      %sign3A_438 = arith.extui %sign3A_437 : i1 to i32
      %sign3A_439 = arith.subi %sign3A_435, %sign3A_438 : i32
      %ne3A_440 = arith.cmpi ne, %sign3A_432, %sign3A_439 : i32
      %rem3A_441 = arith.remsi %min3A_423, %jit3A_424 : i32
      %ne3A_442 = arith.constant 0 : i32
      %ne3A_443 = arith.cmpi ne, %rem3A_441, %ne3A_442 : i32
      %and3A_444 = arith.andi %ne3A_440, %ne3A_443 : i1
      %sub3A_445 = arith.constant 1 : i32
      %sub3A_446 = arith.subi %div3A_425, %sub3A_445 : i32
      %select_n3A_447 = arith.select %and3A_444, %sub3A_446, %div3A_425 : i32
      %mul3A_448 = arith.constant 128 : i32
      %mul3A_449 = arith.muli %select_n3A_447, %mul3A_448 : i32
      %sub3A_450 = arith.subi %min3A_423, %mul3A_449 : i32
      %eq3A_451 = vector.broadcast %sub3A_450 : i32 to vector<1x128xi32>
      %eq3A_452 = arith.cmpi eq, %iota3A_3, %eq3A_451 : vector<1x128xi32>
      %get3A_453 = arith.constant 0 : index
      %get3A_454 = arith.index_cast %select_n3A_447 : i32 to index
      %get3A_455 = arith.constant 0 : index
      %get3A_456 = vector.load %arg5[%get3A_453, %get3A_454, %get3A_455] : memref<5x47x128xf32, #tpu.memory_space<vmem>>, vector<1x1x128xf32>
      %get3A_457 = vector.shape_cast %get3A_456 : vector<1x1x128xf32> to vector<1x128xf32>
      %jit3A_458 = arith.constant 0.000000e+00 : f32
      %broadcast_in_dim3A_459 = vector.broadcast %jit3A_458 : f32 to vector<1x128xf32>
      %select_n3A_460 = arith.select %eq3A_452, %get3A_457, %broadcast_in_dim3A_459 : vector<1x128xi1>, vector<1x128xf32>
      %reduce_sum3A_461 = vector.shape_cast %select_n3A_460 : vector<1x128xf32> to vector<1x1x128xf32>
      %reduce_sum3A_462 = arith.constant dense<0.000000e+00> : vector<1xf32>
      %reduce_sum3A_463 = vector.multi_reduction <add>, %reduce_sum3A_461, %reduce_sum3A_462 [1, 2] : vector<1x1x128xf32> to vector<1xf32>
      %reduce_sum3A_464 = vector.shape_cast %reduce_sum3A_463 : vector<1xf32> to vector<1x1x1xf32>
      %reduce_sum3A_465 = vector.extract %reduce_sum3A_464[0, 0, 0] : f32 from vector<1x1x1xf32>
      %get3A_466 = arith.constant 1 : index
      %get3A_467 = arith.index_cast %select_n3A_447 : i32 to index
      %get3A_468 = arith.constant 0 : index
      %get3A_469 = vector.load %arg5[%get3A_466, %get3A_467, %get3A_468] : memref<5x47x128xf32, #tpu.memory_space<vmem>>, vector<1x1x128xf32>
      %get3A_470 = vector.shape_cast %get3A_469 : vector<1x1x128xf32> to vector<1x128xf32>
      %jit3A_471 = arith.constant 0.000000e+00 : f32
      %broadcast_in_dim3A_472 = vector.broadcast %jit3A_471 : f32 to vector<1x128xf32>
      %select_n3A_473 = arith.select %eq3A_452, %get3A_470, %broadcast_in_dim3A_472 : vector<1x128xi1>, vector<1x128xf32>
      %reduce_sum3A_474 = vector.shape_cast %select_n3A_473 : vector<1x128xf32> to vector<1x1x128xf32>
      %reduce_sum3A_475 = arith.constant dense<0.000000e+00> : vector<1xf32>
      %reduce_sum3A_476 = vector.multi_reduction <add>, %reduce_sum3A_474, %reduce_sum3A_475 [1, 2] : vector<1x1x128xf32> to vector<1xf32>
      %reduce_sum3A_477 = vector.shape_cast %reduce_sum3A_476 : vector<1xf32> to vector<1x1x1xf32>
      %reduce_sum3A_478 = vector.extract %reduce_sum3A_477[0, 0, 0] : f32 from vector<1x1x1xf32>
      %get3A_479 = arith.constant 2 : index
      %get3A_480 = arith.index_cast %select_n3A_447 : i32 to index
      %get3A_481 = arith.constant 0 : index
      %get3A_482 = vector.load %arg5[%get3A_479, %get3A_480, %get3A_481] : memref<5x47x128xf32, #tpu.memory_space<vmem>>, vector<1x1x128xf32>
      %get3A_483 = vector.shape_cast %get3A_482 : vector<1x1x128xf32> to vector<1x128xf32>
      %jit3A_484 = arith.constant 0.000000e+00 : f32
      %broadcast_in_dim3A_485 = vector.broadcast %jit3A_484 : f32 to vector<1x128xf32>
      %select_n3A_486 = arith.select %eq3A_452, %get3A_483, %broadcast_in_dim3A_485 : vector<1x128xi1>, vector<1x128xf32>
      %reduce_sum3A_487 = vector.shape_cast %select_n3A_486 : vector<1x128xf32> to vector<1x1x128xf32>
      %reduce_sum3A_488 = arith.constant dense<0.000000e+00> : vector<1xf32>
      %reduce_sum3A_489 = vector.multi_reduction <add>, %reduce_sum3A_487, %reduce_sum3A_488 [1, 2] : vector<1x1x128xf32> to vector<1xf32>
      %reduce_sum3A_490 = vector.shape_cast %reduce_sum3A_489 : vector<1xf32> to vector<1x1x1xf32>
      %reduce_sum3A_491 = vector.extract %reduce_sum3A_490[0, 0, 0] : f32 from vector<1x1x1xf32>
      %get3A_492 = arith.constant 3 : index
      %get3A_493 = arith.index_cast %select_n3A_447 : i32 to index
      %get3A_494 = arith.constant 0 : index
      %get3A_495 = vector.load %arg5[%get3A_492, %get3A_493, %get3A_494] : memref<5x47x128xf32, #tpu.memory_space<vmem>>, vector<1x1x128xf32>
      %get3A_496 = vector.shape_cast %get3A_495 : vector<1x1x128xf32> to vector<1x128xf32>
      %jit3A_497 = arith.constant 0.000000e+00 : f32
      %broadcast_in_dim3A_498 = vector.broadcast %jit3A_497 : f32 to vector<1x128xf32>
      %select_n3A_499 = arith.select %eq3A_452, %get3A_496, %broadcast_in_dim3A_498 : vector<1x128xi1>, vector<1x128xf32>
      %reduce_sum3A_500 = vector.shape_cast %select_n3A_499 : vector<1x128xf32> to vector<1x1x128xf32>
      %reduce_sum3A_501 = arith.constant dense<0.000000e+00> : vector<1xf32>
      %reduce_sum3A_502 = vector.multi_reduction <add>, %reduce_sum3A_500, %reduce_sum3A_501 [1, 2] : vector<1x1x128xf32> to vector<1xf32>
      %reduce_sum3A_503 = vector.shape_cast %reduce_sum3A_502 : vector<1xf32> to vector<1x1x1xf32>
      %reduce_sum3A_504 = vector.extract %reduce_sum3A_503[0, 0, 0] : f32 from vector<1x1x1xf32>
      %get3A_505 = arith.constant 4 : index
      %get3A_506 = arith.index_cast %select_n3A_447 : i32 to index
      %get3A_507 = arith.constant 0 : index
      %get3A_508 = vector.load %arg5[%get3A_505, %get3A_506, %get3A_507] : memref<5x47x128xf32, #tpu.memory_space<vmem>>, vector<1x1x128xf32>
      %get3A_509 = vector.shape_cast %get3A_508 : vector<1x1x128xf32> to vector<1x128xf32>
      %jit3A_510 = arith.constant 0.000000e+00 : f32
      %broadcast_in_dim3A_511 = vector.broadcast %jit3A_510 : f32 to vector<1x128xf32>
      %select_n3A_512 = arith.select %eq3A_452, %get3A_509, %broadcast_in_dim3A_511 : vector<1x128xi1>, vector<1x128xf32>
      %reduce_sum3A_513 = vector.shape_cast %select_n3A_512 : vector<1x128xf32> to vector<1x1x128xf32>
      %reduce_sum3A_514 = arith.constant dense<0.000000e+00> : vector<1xf32>
      %reduce_sum3A_515 = vector.multi_reduction <add>, %reduce_sum3A_513, %reduce_sum3A_514 [1, 2] : vector<1x1x128xf32> to vector<1xf32>
      %reduce_sum3A_516 = vector.shape_cast %reduce_sum3A_515 : vector<1xf32> to vector<1x1x1xf32>
      %reduce_sum3A_517 = vector.extract %reduce_sum3A_516[0, 0, 0] : f32 from vector<1x1x1xf32>
      %get3A_518 = arith.constant 0 : index
      %get3A_519 = arith.constant 0 : index
      %get3A_520 = arith.constant 0 : index
      %get3A_521 = vector.load %arg5[%get3A_518, %get3A_519, %get3A_520] : memref<5x47x128xf32, #tpu.memory_space<vmem>>, vector<1x47x128xf32>
      %get3A_522 = vector.shape_cast %get3A_521 : vector<1x47x128xf32> to vector<47x128xf32>
      %get3A_523 = arith.constant 1 : index
      %get3A_524 = arith.constant 0 : index
      %get3A_525 = arith.constant 0 : index
      %get3A_526 = vector.load %arg5[%get3A_523, %get3A_524, %get3A_525] : memref<5x47x128xf32, #tpu.memory_space<vmem>>, vector<1x47x128xf32>
      %get3A_527 = vector.shape_cast %get3A_526 : vector<1x47x128xf32> to vector<47x128xf32>
      %get3A_528 = arith.constant 2 : index
      %get3A_529 = arith.constant 0 : index
      %get3A_530 = arith.constant 0 : index
      %get3A_531 = vector.load %arg5[%get3A_528, %get3A_529, %get3A_530] : memref<5x47x128xf32, #tpu.memory_space<vmem>>, vector<1x47x128xf32>
      %get3A_532 = vector.shape_cast %get3A_531 : vector<1x47x128xf32> to vector<47x128xf32>
      %get3A_533 = arith.constant 3 : index
      %get3A_534 = arith.constant 0 : index
      %get3A_535 = arith.constant 0 : index
      %get3A_536 = vector.load %arg5[%get3A_533, %get3A_534, %get3A_535] : memref<5x47x128xf32, #tpu.memory_space<vmem>>, vector<1x47x128xf32>
      %get3A_537 = vector.shape_cast %get3A_536 : vector<1x47x128xf32> to vector<47x128xf32>
      %get3A_538 = arith.constant 4 : index
      %get3A_539 = arith.constant 0 : index
      %get3A_540 = arith.constant 0 : index
      %get3A_541 = vector.load %arg5[%get3A_538, %get3A_539, %get3A_540] : memref<5x47x128xf32, #tpu.memory_space<vmem>>, vector<1x47x128xf32>
      %get3A_542 = vector.shape_cast %get3A_541 : vector<1x47x128xf32> to vector<47x128xf32>
      %max3A_543 = vector.broadcast %reduce_sum3A_465 : f32 to vector<47x128xf32>
      %max3A_544 = arith.maximumf %max3A_543, %get3A_522 : vector<47x128xf32>
      %max3A_545 = vector.broadcast %reduce_sum3A_478 : f32 to vector<47x128xf32>
      %max3A_546 = arith.maximumf %max3A_545, %get3A_527 : vector<47x128xf32>
      %min3A_547 = vector.broadcast %reduce_sum3A_491 : f32 to vector<47x128xf32>
      %min3A_548 = arith.minimumf %min3A_547, %get3A_532 : vector<47x128xf32>
      %min3A_549 = vector.broadcast %reduce_sum3A_504 : f32 to vector<47x128xf32>
      %min3A_550 = arith.minimumf %min3A_549, %get3A_537 : vector<47x128xf32>
      %sub3A_551 = arith.subf %min3A_548, %max3A_544 : vector<47x128xf32>
      %add3A_552 = arith.constant 1.000000e+00 : f32
      %add3A_553 = vector.broadcast %add3A_552 : f32 to vector<47x128xf32>
      %add3A_554 = arith.addf %sub3A_551, %add3A_553 : vector<47x128xf32>
      %max3A_555 = arith.constant 0.000000e+00 : f32
      %max3A_556 = vector.broadcast %max3A_555 : f32 to vector<47x128xf32>
      %max3A_557 = arith.maximumf %add3A_554, %max3A_556 : vector<47x128xf32>
      %sub3A_558 = arith.subf %min3A_550, %max3A_546 : vector<47x128xf32>
      %add3A_559 = arith.constant 1.000000e+00 : f32
      %add3A_560 = vector.broadcast %add3A_559 : f32 to vector<47x128xf32>
      %add3A_561 = arith.addf %sub3A_558, %add3A_560 : vector<47x128xf32>
      %max3A_562 = arith.constant 0.000000e+00 : f32
      %max3A_563 = vector.broadcast %max3A_562 : f32 to vector<47x128xf32>
      %max3A_564 = arith.maximumf %add3A_561, %max3A_563 : vector<47x128xf32>
      %mul3A_565 = arith.mulf %max3A_557, %max3A_564 : vector<47x128xf32>
      %add3A_566 = vector.broadcast %reduce_sum3A_517 : f32 to vector<47x128xf32>
      %add3A_567 = arith.addf %add3A_566, %get3A_542 : vector<47x128xf32>
      %sub3A_568 = arith.subf %add3A_567, %mul3A_565 : vector<47x128xf32>
      %div3A_569 = arith.divf %mul3A_565, %sub3A_568 : vector<47x128xf32>
      %le3A_570 = arith.constant 0.699999988 : f32
      %le3A_571 = vector.broadcast %le3A_570 : f32 to vector<47x128xf32>
      %le3A_572 = arith.cmpf ole, %div3A_569, %le3A_571 : vector<47x128xf32>
      %and3A_573 = arith.andi %ne3A_403, %le3A_572 : vector<47x128xi1>
      %jit3A_574 = arith.constant 1.000000e+00 : f32
      %jit3A_575 = arith.constant 0.000000e+00 : f32
      %select_n3A_576 = arith.select %ne3A_411, %jit3A_574, %jit3A_575 : f32
      %eq3A_577 = arith.constant 0 : i32
      %eq3A_578 = vector.broadcast %eq3A_577 : i32 to vector<1x128xi32>
      %eq3A_579 = arith.cmpi eq, %iota3A_3, %eq3A_578 : vector<1x128xi32>
      %jit3A_580 = arith.constant 0.000000e+00 : f32
      %broadcast_in_dim3A_581 = vector.broadcast %reduce_sum3A_465 : f32 to vector<1x128xf32>
      %broadcast_in_dim3A_582 = vector.broadcast %jit3A_580 : f32 to vector<1x128xf32>
      %select_n3A_583 = arith.select %eq3A_579, %broadcast_in_dim3A_581, %broadcast_in_dim3A_582 : vector<1x128xi1>, vector<1x128xf32>
      %eq3A_584 = arith.constant 1 : i32
      %eq3A_585 = vector.broadcast %eq3A_584 : i32 to vector<1x128xi32>
      %eq3A_586 = arith.cmpi eq, %iota3A_3, %eq3A_585 : vector<1x128xi32>
      %jit3A_587 = arith.constant 0.000000e+00 : f32
      %broadcast_in_dim3A_588 = vector.broadcast %reduce_sum3A_478 : f32 to vector<1x128xf32>
      %broadcast_in_dim3A_589 = vector.broadcast %jit3A_587 : f32 to vector<1x128xf32>
      %select_n3A_590 = arith.select %eq3A_586, %broadcast_in_dim3A_588, %broadcast_in_dim3A_589 : vector<1x128xi1>, vector<1x128xf32>
      %add3A_591 = arith.addf %select_n3A_583, %select_n3A_590 : vector<1x128xf32>
      %eq3A_592 = arith.constant 2 : i32
      %eq3A_593 = vector.broadcast %eq3A_592 : i32 to vector<1x128xi32>
      %eq3A_594 = arith.cmpi eq, %iota3A_3, %eq3A_593 : vector<1x128xi32>
      %jit3A_595 = arith.constant 0.000000e+00 : f32
      %broadcast_in_dim3A_596 = vector.broadcast %reduce_sum3A_491 : f32 to vector<1x128xf32>
      %broadcast_in_dim3A_597 = vector.broadcast %jit3A_595 : f32 to vector<1x128xf32>
      %select_n3A_598 = arith.select %eq3A_594, %broadcast_in_dim3A_596, %broadcast_in_dim3A_597 : vector<1x128xi1>, vector<1x128xf32>
      %add3A_599 = arith.addf %add3A_591, %select_n3A_598 : vector<1x128xf32>
      %eq3A_600 = arith.constant 3 : i32
      %eq3A_601 = vector.broadcast %eq3A_600 : i32 to vector<1x128xi32>
      %eq3A_602 = arith.cmpi eq, %iota3A_3, %eq3A_601 : vector<1x128xi32>
      %jit3A_603 = arith.constant 0.000000e+00 : f32
      %broadcast_in_dim3A_604 = vector.broadcast %reduce_sum3A_504 : f32 to vector<1x128xf32>
      %broadcast_in_dim3A_605 = vector.broadcast %jit3A_603 : f32 to vector<1x128xf32>
      %select_n3A_606 = arith.select %eq3A_602, %broadcast_in_dim3A_604, %broadcast_in_dim3A_605 : vector<1x128xi1>, vector<1x128xf32>
      %add3A_607 = arith.addf %add3A_599, %select_n3A_606 : vector<1x128xf32>
      %mul3A_608 = vector.broadcast %select_n3A_576 : f32 to vector<1x128xf32>
      %mul3A_609 = arith.mulf %add3A_607, %mul3A_608 : vector<1x128xf32>
      %swap3A_610 = arith.index_cast %scan3A_194 : i32 to index
      %swap3A_611 = arith.constant 0 : index
      %swap3A_612 = vector.load %arg3[%swap3A_610, %swap3A_611] : memref<304x128xf32, #tpu.memory_space<vmem>>, vector<1x128xf32>
      tpu.vector_store %arg3[%swap3A_610, %swap3A_611], %mul3A_609 {strides = array<i32>} : memref<304x128xf32, #tpu.memory_space<vmem>>, vector<1x128xf32>,
      %jit3A_613 = arith.constant 1 : i32
      %jit3A_614 = arith.constant 0 : i32
      %broadcast_in_dim3A_615 = vector.broadcast %jit3A_613 : i32 to vector<47x128xi32>
      %broadcast_in_dim3A_616 = vector.broadcast %jit3A_614 : i32 to vector<47x128xi32>
      %select_n3A_617 = arith.select %and3A_573, %broadcast_in_dim3A_615, %broadcast_in_dim3A_616 : vector<47x128xi1>, vector<47x128xi32>
      scf.yield %select_n3A_400, %select_n3A_617 : vector<47x128xi32>, vector<47x128xi32>
    }
    %scan3A_193 = arith.constant 300 : i32
    return
  }
}

</mosaic_0001>

<sc_bundles>
// kernel: kernel.5.cloned.1.call-start
scs
__scs_entry_jumppad:
0x0: {  	(pc) =	sbr.rel $0x88, $3  }
0x1: {  	(tag) =	ssettag $0x0;
	lr =	simm.s32 $0x1  }
0x2: {  	[smem:$0x3F9D] =	sst lr;
	_ =	strace $0xD0000000  }
0x3: {  	_ = 	snop  }
0x4: {  	_ = 	snop  }
0x5: {  	_ = 	snop  }
0x6: {  	_ = 	snop  }
0x7: {  	_ = 	snop  }
__scs_overlays_trampoline_lowered:
0x8: {  	[smem:$0x3FAC] =	sst s0  }
0x9: {  	[smem:$0x3FAD] =	sst s1  }
0xa: {  	[smem:$0x3FAE] =	sst s2  }
0xb: {  	[smem:$0x3FAF] =	sst s3  }
0xc: {  	[smem:$0x3FB0] =	sst s4  }
0xd: {  	[smem:$0x3FB1] =	sst s5  }
0xe: {  	[smem:$0x3FB2] =	sst s6  }
0xf: {  	[smem:$0x3FB3] =	sst s7  }
0x10: {  	[smem:$0x3FB4] =	sst s8  }
0x11: {  	[smem:$0x3FB5] =	sst s9;
	s0 =	simm.s32 @!p0 $0x0  }
0x12: {  	s1 =	sld [smem:$0x3F9B];
	s0 =	simm.s32 @p0 $0x1  }
0x13: {  	[smem:$0x3FB6] =	sst s0;
	s0 =	simm.s32 @!p1 $0x0  }
0x14: {  	s2 =	sld [smem:$0x3F9A];
	s0 =	simm.s32 @p1 $0x1  }
0x15: {  	[smem:$0x3FB7] =	sst s0;
	s0 =	simm.s32 @!p2 $0x0  }
0x16: {  	s3 =	sld [smem:$0x3FDB];
	s0 =	simm.s32 @p2 $0x1  }
0x17: {  	s4 =	simm.s32 $0x1BF5;
	[smem:$0x3FB9] =	sst s0  }
0x18: {  	s0 =	sld [smem:$0x3F9C];
	_ =	swait.ge [sflag:s4], $0x0  }
0x19: {  	s7 =	sld [smem:$0x3F9D]  }
0x1a: {  	s8 =	sadd.s32 $0xFFFFE003, lr  }
0x1b: {  	s9 =	sadd.s32 $0xFFFFFEF7, lr;
	s5 =	simm.s32 $0xFFFFFFFF;
	p2 =	slt.u32 s8, $0xFFFFF086  }
0x1c: {  	p1 =	slt.u32 s9, $0xF7A;
	s5 =	simm.s32 @!p2 $0x0  }
0x1d: {  	s5 =	simm.s32 @p1 $0x1;
	p0 =	seq.s32 s7, s2  }
0x1e: {  	s7 =	smul.u32 @!p0 $0xF7A, s2;
	p2 =	seq.s32 @!p0 s5, $0x0  }
0x1f: {  	s9 =	smul.u32 $0xF7A, s1;
	s8 =	simm.s32 @!p0 $0x1BF5;
	p2 =	por !p2, p0  }
0x20: {  	[sflag:s8] =	ssyncset.s32 @!p0 $0xFFFFF086;
	s6 =	sadd.s32 @!p0 s3, s7;
	s7 =	simm.s32 @!p0 $0x108  }
0x21: {  	s3 =	sadd.s32 s3, s9;
	s6 =	sadd.s32 @!p0 $0x88, s6;
	s7 =	simm.s32 @p2 $0x1082  }
0x22: {  	[simem:s7], [sflag:s8] =	dma.local @!p0 [hbm:s6], $0xF7A  }
0x23: {  	s9 =	sor.u32 $0xD0000000, s2;
	s6 =	simm.s32 $0x108;
	_ =	swait.ge @!p0 [sflag:s8], $0x0  }
0x24: {  	s3 =	sadd.s32 $0x88, s3;
	s6 =	simm.s32 @!p1 $0x1082;
	[sflag:s4] =	ssyncset.s32 $0xFFFFF086  }
0x25: {  	[simem:s6], [sflag:s4] =	dma.local [hbm:s3], $0xF7A  }
0x26: {  	[smem:$0x3F9D] =	sst s1;
	(tag) =	ssettag s2;
	_ =	strace s9  }
0x27: {  	s1 =	sld [smem:$0x3FAD]  }
0x28: {  	s2 =	sld [smem:$0x3FAE]  }
0x29: {  	s4 =	sld [smem:$0x3FB0]  }
0x2a: {  	p0 =	seq.s32 s5, $0x0;
	s5 =	sld [smem:$0x3FB1]  }
0x2b: {  	s6 =	sld [smem:$0x3FB2]  }
0x2c: {  	s7 =	sld [smem:$0x3FB3]  }
0x2d: {  	s3 =	simm.s32 $0x108;
	s8 =	sld [smem:$0x3FB4]  }
0x2e: {  	s3 =	simm.s32 @!p0 $0x1082;
	s9 =	sld [smem:$0x3FB5]  }
0x2f: {  	lr =	sadd.s32 s0, s3;
	s0 =	sld [smem:$0x3FAC]  }
0x30: {  	s3 =	sld [smem:$0x3FAF]  }
0x31: {  	[smem:$0x3FB8] =	sst s10  }
0x32: {  	s10 =	sld [smem:$0x3FB6];
	_ =	sdelay $0x3  }
0x33: {  	p0 =	seq.s32 s10, $0x1;
	s10 =	sld [smem:$0x3FB8];
	_ =	sdelay $0x3  }
0x34: {  	[smem:$0x3FB8] =	sst s10  }
0x35: {  	s10 =	sld [smem:$0x3FB7];
	_ =	sdelay $0x3  }
0x36: {  	p1 =	seq.s32 s10, $0x1;
	s10 =	sld [smem:$0x3FB8];
	_ =	sdelay $0x3  }
0x37: {  	[smem:$0x3FB8] =	sst s10  }
0x38: {  	s10 =	sld [smem:$0x3FB9]  }
0x39: {  	_ = 	snop;
	(pc) =	sbr.ind lr, $3  }
0x3a: {  	_ = 	snop  }
0x3b: {  	_ = 	snop  }
0x3c: {  	p2 =	seq.s32 s10, $0x1;
	s10 =	sld [smem:$0x3FB8]  }
0x3d: {  	_ =	shalt  }
0x3e: {  	_ =	shalt  }
0x3f: {  	_ =	shalt  }
0x40: {  	_ =	shalt  }
0x41: {  	_ =	shalt  }
0x42: {  	_ =	shalt  }
0x43: {  	_ =	shalt  }
0x44: {  	_ =	shalt  }
0x45: {  	_ =	shalt  }
0x46: {  	_ =	shalt  }
0x47: {  	_ =	shalt  }
0x48: {  	_ =	shalt  }
0x49: {  	_ =	shalt  }
0x4a: {  	_ =	shalt  }
0x4b: {  	_ =	shalt  }
0x4c: {  	_ =	shalt  }
0x4d: {  	_ =	shalt  }
0x4e: {  	_ =	shalt  }
0x4f: {  	_ =	shalt  }
0x50: {  	_ =	shalt  }
0x51: {  	_ =	shalt  }
0x52: {  	_ =	shalt  }
0x53: {  	_ =	shalt  }
0x54: {  	_ =	shalt  }
0x55: {  	_ =	shalt  }
0x56: {  	_ =	shalt  }
0x57: {  	_ =	shalt  }
0x58: {  	_ =	shalt  }
0x59: {  	_ =	shalt  }
0x5a: {  	_ =	shalt  }
0x5b: {  	_ =	shalt  }
0x5c: {  	_ =	shalt  }
0x5d: {  	_ =	shalt  }
0x5e: {  	_ =	shalt  }
0x5f: {  	_ =	shalt  }
0x60: {  	_ =	shalt  }
0x61: {  	_ =	shalt  }
0x62: {  	_ =	shalt  }
0x63: {  	_ =	shalt  }
0x64: {  	_ =	shalt  }
0x65: {  	_ =	shalt  }
0x66: {  	_ =	shalt  }
0x67: {  	_ =	shalt  }
0x68: {  	_ =	shalt  }
0x69: {  	_ =	shalt  }
0x6a: {  	_ =	shalt  }
0x6b: {  	_ =	shalt  }
0x6c: {  	_ =	shalt  }
0x6d: {  	_ =	shalt  }
0x6e: {  	_ =	shalt  }
0x6f: {  	_ =	shalt  }
0x70: {  	_ =	shalt  }
0x71: {  	_ =	shalt  }
0x72: {  	_ =	shalt  }
0x73: {  	_ =	shalt  }
0x74: {  	_ =	shalt  }
0x75: {  	_ =	shalt  }
0x76: {  	_ =	shalt  }
0x77: {  	_ =	shalt  }
0x78: {  	_ =	shalt  }
0x79: {  	_ =	shalt  }
0x7a: {  	_ =	shalt  }
0x7b: {  	_ =	shalt  }
0x7c: {  	_ =	shalt  }
0x7d: {  	_ =	shalt  }
0x7e: {  	_ =	shalt  }
0x7f: {  	_ =	shalt  }
0x80: {  	_ =	shalt  }
0x81: {  	_ =	shalt  }
0x82: {  	_ =	shalt  }
0x83: {  	_ =	shalt  }
0x84: {  	_ =	shalt  }
0x85: {  	_ =	shalt  }
0x86: {  	_ =	shalt  }
0x87: {  	_ =	shalt  }
.Lfunc_end0:
.L_simem_size_0:
called_computation_lowered:
.L_overlay_start_0:
0x88: {  	s2 =	sld [smem:$0x3FD9]  }
0x89: {  	s3 =	sld [smem:$0x3FFE];
	_ =	sdelay $0x1  }
0x8a: {  	s1 =	srdreg.scid  }
0x8b: {  	s0 =	sand.u32 $0x1, s1  }
0x8c: {  	s16 =	sshll.u32 s0, $0xA;
	s2 =	sadd.s32 s3, s2  }
0x8d: {  	s2 =	sadd.s32 s2, s16  }
0x8e: {  	[smem:$0x3FC4] =	sst s2  }
0x8f: {  	_ = 	snop  }
0x90: {  	(tm) =	ssettm $0x1  }
0x91: {  	s17 =	sld [smem:$0x3FFB];
	_ =	sdelay $0x3  }
0x92: {  	_ =	strace s17  }
0x93: {  	s2 =	sld [smem:$0x3FFC];
	_ =	sdelay $0x3  }
0x94: {  	_ =	strace s2  }
0x95: {  	s2 =	sld [smem:$0x3FFD];
	_ =	sdelay $0x3  }
0x96: {  	_ =	strace s2  }
0x97: {  	_ =	strace $0x8FFFFFFF  }
0x98: {  	s18 =	sld [smem:$0x3FDB];
	_ =	sdelay $0x1  }
0x99: {  	s19 =	simm.s32 $_scs_section_size  }
0x9a: {  	s4 =	simm.s32 $_size__tile_overlayer_lowered;
	s5 =	simm.s32 $_tile_overlayer_lowered  }
0x9b: {  	s22 =	simm.s32 $0x1BFF;
	s21 =	sshll.u32 s5, $0x1;
	s2 =	sadd.s32 s19, s18  }
0x9c: {  	s6 =	simm.s32 $0x0;
	s20 =	sshll.u32 s4, $0x1;
	s4 =	sadd.s32 s21, s2  }
0x9d: {  	[timem:s6], [sflag:s22] =	dma.local [hbm:s4], s20  }
0x9e: {  	_ =	swait.ge [sflag:s22], s20  }
0x9f: {  	s3 =	ssub.s32 $0x0, s20;
	[sflag:s22] =	ssyncset.done $0x0  }
0xa0: {  	[sflag:s22] =	ssyncadd.s32 s3;
	_ =	sdelay $0x1  }
0xa1: {  	s23 =	simm.s32 $0x1B8B  }
0xa2: {  	_ =	swait.ge [sflag:s23], $0x1  }
0xa3: {  	[sflag:s23] =	ssyncset.done $0x0  }
0xa4: {  	s25 =	simm.s32 $0x1B8E;
	s24 =	sld [smem:$0x3FFE];
	[sflag:s23] =	ssyncadd.s32 $0xFFFFFFFF  }
0xa5: {  	s26 =	simm.s32 $execute0_lowered;
	[smem:$0x3FD2] =	sst s25  }
0xa6: {  	s4 =	sshll.u32 s26, $0x1;
	_ =	strace $0x80000046;
	[dreg:$0x1] =	wrdreg $0xFFFFFFFF  }
0xa7: {  	s28 =	simm.s32 $_size_execute0_lowered;
	s2 =	sadd.s32 s2, s4;
	[dreg:$0x0] =	wrdreg $0x0  }
0xa8: {  	s4 =	sshll.u32 s28, $0x1;
	[dreg:$0x2] =	wrdreg s2  }
0xa9: {  	[dreg:$0x3] =	wrdreg s4  }
0xaa: {  	[dreg:$0x4] =	wrdreg $0xC0  }
0xab: {  	_ =	task [dreg:s6], $0x5FFFF  }
0xac: {  	[dreg:$0x1] =	wrdreg $0xFFFFFFFF  }
0xad: {  	[dreg:$0x0] =	wrdreg $0x60  }
0xae: {  	[dreg:$0x2] =	wrdreg s24  }
0xaf: {  	[dreg:$0x3] =	wrdreg $0x9  }
0xb0: {  	_ =	task.clear_ibuf [dreg:s6], $0x4FFFF;
	_ =	strace $0x90000046  }
0xb1: {  	s29 =	simm.s32 $0x9;
	_ =	strace $0x80000048  }
0xb2: {  	_ =	swait.ge [sflag:s29], $0x1  }
0xb3: {  	[sflag:s29] =	ssyncadd.s32 $0xFFFFFFFF  }
0xb4: {  	_ =	strace $0x90000048  }
0xb5: {  	_ =	sfence  }
0xb6: {  	s30 =	sld [smem:$0x0];
	_ =	sdelay $0x2  }
0xb7: {  	s31 =	sshll.u32 s1, $0xD;
	s1 =	sshrl.u32 s1, $0x2  }
0xb8: {  	s3 =	sand.u32 $0x4000, s31;
	s1 =	sadd.s32 s1, s30  }
0xb9: {  	s0 =	sor.u32 s3, s0;
	s1 =	sshll.u32 s1, $0x11  }
0xba: {  	s0 =	sor.u32 s1, s0  }
0xbb: {  	s0 =	sadd.s32 $0x8F2B, s0  }
0xbc: {  	[sflag:s0] =	ssyncadd.remote.s32 $0x1  }
0xbd: {  	_ =	sfence.sel $0xFFFF  }
0xbe: {  	[dreg:$0x0] =	wrdreg $0xFFFFFFFF;
	(pc) =	sbr.abs _section_cstart, $3  }
0xbf: {  	[dreg:$0x1] =	wrdreg $0xFFFFFFFF  }
0xc0: {  	_ =	task.clear_ibuf [dreg:s6], $0x2FFFF;
	_ =	strace $0x9FFFFFFF  }
0xc1: {  	(tm) =	ssettm $0x7FFFFFFF  }
tec
execute0_lowered:
.L_overlay_start_1:
0x0: {  	(tag) =	ssettag $0x1  }
0x1: {  	s0 =	srdreg.scid  }
0x2: {  	s1 =	sand.u32 $0x1, s0  }
0x3: {  	s12 =	stileid.u32;
	s2 =	sshll.u32 s1, $0x4  }
0x4: {  	s5 =	rddreg [dreg:$0x0];
	s3 =	sor.u32 s12, s2;
	s2 =	simm.s32 $0x0  }
0x5: {  	s13 =	simm.s32 $0x1080;
	[smem:$0x7FF] =	sst s2  }
0x6: {  	s14 =	simm.s32 $0x100;
	_ =	strace $0x80000047;
	[dreg:$0x4] =	wrdreg s13  }
0x7: {  	s15 =	simm.s32 $0x1880;
	[dreg:$0x5] =	wrdreg s14  }
0x8: {  	s16 =	simm.s32 $0x180;
	[dreg:$0x6] =	wrdreg s15  }
0x9: {  	s17 =	simm.s32 $0x2080;
	[dreg:$0x7] =	wrdreg s16  }
0xa: {  	s18 =	simm.s32 $0x200;
	s4 =	smul.u32 $0x110, s3;
	[dreg:$0x8] =	wrdreg s17  }
0xb: {  	s19 =	simm.s32 $0x2880;
	s3 =	smul.u32 $0x1080, s3;
	[dreg:$0x9] =	wrdreg s18  }
0xc: {  	s6 =	simm.s32 $0x280;
	[dreg:$0xa] =	wrdreg s19;
	s4 =	sadd.s32 s4, s5  }
0xd: {  	[dreg:$0xb] =	wrdreg s6;
	s3 =	sadd.s32 s3, s5;
	s4 =	sadd.s32 $0x21E00, s4  }
0xe: {  	s3 =	sadd.s32 $0xE00, s3;
	[dreg:$0x2] =	wrdreg s4  }
0xf: {  	[dreg:$0x3] =	wrdreg s3  }
0x10: {  	s3 =	simm.s32 $0x2;
	s4 =	rddreg [dreg:$0x2]  }
0x11: {  	[tilespmem:s2], [sflag:$0x2] =	stream.linear.gather [hbm4b:s4+s2], $0x880, $0x38;
	[tilespmem:$0x9080] =	vst v63  }
0x12: {  	_ =	swait.ge [sflag:s3], $0x880  }
0x13: {  	[sflag:s3] =	ssyncset.done $0x0  }
0x14: {  	s4 =	simm.s32 $0x880;
	s20 =	rddreg [dreg:$0x3];
	[sflag:s3] =	ssyncadd.s32 $0xFFFFF780  }
0x15: {  	[tilespmem:s4], [sflag:$0x2] =	stream.linear.gather [hbm4b:s20+s2], $0x8400, $0x38;
	[tilespmem:$0x9080] =	vst v63  }
0x16: {  	_ =	swait.ge [sflag:s3], $0x8400  }
0x17: {  	s7 =	rddreg [dreg:$0xa]  }
0x18: {  	s6 =	simm.s32 $0x80;
	s8 =	rddreg [dreg:$0x5];
	[sflag:s3] =	ssyncset.done $0x0  }
0x19: {  	s5 =	sadd.s32 $0x24000, s5;
	s9 =	rddreg [dreg:$0x4];
	[sflag:s3] =	ssyncadd.s32 $0xFFFF7C00  }
0x1a: {  	[hbm4b:s5+s6] =	stream.indirect.scatter [tilespmem:s4], [sflag:$0x1], $0x10, s2, s6, $0xb8;
	[tilespmem:$0x9080] =	vst v63  }
0x1b: {  	s10 =	rddreg [dreg:$0x6]  }
0x1c: {  	[hbm4b:s5+s6] =	stream.indirect.scatter [tilespmem:s9], [sflag:$0x1], $0x10, s6, s6, $0xb8;
	[tilespmem:$0x9080] =	vst v63  }
0x1d: {  	s11 =	rddreg [dreg:$0x8]  }
0x1e: {  	[hbm4b:s5+s6] =	stream.indirect.scatter [tilespmem:s10], [sflag:$0x1], $0x10, s8, s6, $0xb8;
	[tilespmem:$0x9080] =	vst v63  }
0x1f: {  	s21 =	rddreg [dreg:$0x7]  }
0x20: {  	[hbm4b:s5+s6] =	stream.indirect.scatter [tilespmem:s11], [sflag:$0x1], $0x10, s21, s6, $0xb8;
	[tilespmem:$0x9080] =	vst v63  }
0x21: {  	s22 =	rddreg [dreg:$0x9]  }
0x22: {  	[hbm4b:s5+s6] =	stream.indirect.scatter [tilespmem:s7], [sflag:$0x1], $0x10, s22, s6, $0xb8;
	[tilespmem:$0x9080] =	vst v63  }
0x23: {  	s24 =	simm.s32 $0x3080;
	s23 =	rddreg [dreg:$0xb]  }
0x24: {  	[hbm4b:s5+s6] =	stream.indirect.scatter [tilespmem:s24], [sflag:$0x1], $0x10, s23, s6, $0xb8;
	[tilespmem:$0x9080] =	vst v63  }
0x25: {  	s25 =	simm.s32 $0x300;
	s26 =	simm.s32 $0x3880  }
0x26: {  	[hbm4b:s5+s6] =	stream.indirect.scatter [tilespmem:s26], [sflag:$0x1], $0x10, s25, s6, $0xb8;
	[tilespmem:$0x9080] =	vst v63  }
0x27: {  	s9 =	simm.s32 $0x4080;
	s8 =	simm.s32 $0x380  }
0x28: {  	[hbm4b:s5+s6] =	stream.indirect.scatter [tilespmem:s9], [sflag:$0x1], $0x10, s8, s6, $0xb8;
	[tilespmem:$0x9080] =	vst v63  }
0x29: {  	s12 =	simm.s32 $0x400;
	s13 =	simm.s32 $0x4880  }
0x2a: {  	[hbm4b:s5+s6] =	stream.indirect.scatter [tilespmem:s13], [sflag:$0x1], $0x10, s12, s6, $0xb8;
	[tilespmem:$0x9080] =	vst v63  }
0x2b: {  	s14 =	simm.s32 $0x480;
	s15 =	simm.s32 $0x5080  }
0x2c: {  	[hbm4b:s5+s6] =	stream.indirect.scatter [tilespmem:s15], [sflag:$0x1], $0x10, s14, s6, $0xb8;
	[tilespmem:$0x9080] =	vst v63  }
0x2d: {  	s16 =	simm.s32 $0x500;
	s17 =	simm.s32 $0x5880  }
0x2e: {  	[hbm4b:s5+s6] =	stream.indirect.scatter [tilespmem:s17], [sflag:$0x1], $0x10, s16, s6, $0xb8;
	[tilespmem:$0x9080] =	vst v63  }
0x2f: {  	s18 =	simm.s32 $0x580;
	s19 =	simm.s32 $0x6080  }
0x30: {  	[hbm4b:s5+s6] =	stream.indirect.scatter [tilespmem:s19], [sflag:$0x1], $0x10, s18, s6, $0xb8;
	[tilespmem:$0x9080] =	vst v63  }
0x31: {  	s20 =	simm.s32 $0x600;
	s21 =	simm.s32 $0x6880  }
0x32: {  	[hbm4b:s5+s6] =	stream.indirect.scatter [tilespmem:s21], [sflag:$0x1], $0x10, s20, s6, $0xb8;
	[tilespmem:$0x9080] =	vst v63  }
0x33: {  	s22 =	simm.s32 $0x680;
	s23 =	simm.s32 $0x7080  }
0x34: {  	[hbm4b:s5+s6] =	stream.indirect.scatter [tilespmem:s23], [sflag:$0x1], $0x10, s22, s6, $0xb8;
	[tilespmem:$0x9080] =	vst v63  }
0x35: {  	s24 =	simm.s32 $0x700;
	s25 =	simm.s32 $0x7880  }
0x36: {  	[hbm4b:s5+s6] =	stream.indirect.scatter [tilespmem:s25], [sflag:$0x1], $0x10, s24, s6, $0xb8;
	[tilespmem:$0x9080] =	vst v63  }
0x37: {  	s28 =	simm.s32 $0x8080;
	s26 =	simm.s32 $0x780  }
0x38: {  	[hbm4b:s5+s6] =	stream.indirect.scatter [tilespmem:s28], [sflag:$0x1], $0x10, s26, s6, $0xb8;
	[tilespmem:$0x9080] =	vst v63  }
0x39: {  	s30 =	simm.s32 $0x800;
	s31 =	simm.s32 $0x8880;
	s29 =	simm.s32 $0x1  }
0x3a: {  	[hbm4b:s5+s6] =	stream.indirect.scatter [tilespmem:s31], [sflag:$0x1], $0x10, s30, s6, $0xb8;
	[tilespmem:$0x9080] =	vst v63  }
0x3b: {  	_ =	swait.ge [sflag:s29], $0x800  }
0x3c: {  	[sflag:s29] =	ssyncset.done $0x0  }
0x3d: {  	[sflag:s29] =	ssyncadd.s32 $0xFFFFF800  }
0x3e: {  	_ =	swait.ge [sflag:s29], $0x800  }
0x3f: {  	[sflag:s29] =	ssyncset.done $0x0  }
0x40: {  	[sflag:s29] =	ssyncadd.s32 $0xFFFFF800  }
0x41: {  	_ =	swait.ge [sflag:s29], $0x800  }
0x42: {  	[sflag:s29] =	ssyncset.done $0x0  }
0x43: {  	[sflag:s29] =	ssyncadd.s32 $0xFFFFF800  }
0x44: {  	_ =	swait.ge [sflag:s29], $0x800  }
0x45: {  	[sflag:s29] =	ssyncset.done $0x0  }
0x46: {  	[sflag:s29] =	ssyncadd.s32 $0xFFFFF800  }
0x47: {  	_ =	swait.ge [sflag:s29], $0x800  }
0x48: {  	[sflag:s29] =	ssyncset.done $0x0  }
0x49: {  	[sflag:s29] =	ssyncadd.s32 $0xFFFFF800  }
0x4a: {  	_ =	swait.ge [sflag:s29], $0x800  }
0x4b: {  	[sflag:s29] =	ssyncset.done $0x0  }
0x4c: {  	[sflag:s29] =	ssyncadd.s32 $0xFFFFF800  }
0x4d: {  	_ =	swait.ge [sflag:s29], $0x800  }
0x4e: {  	[sflag:s29] =	ssyncset.done $0x0  }
0x4f: {  	[sflag:s29] =	ssyncadd.s32 $0xFFFFF800  }
0x50: {  	_ =	swait.ge [sflag:s29], $0x800  }
0x51: {  	[sflag:s29] =	ssyncset.done $0x0  }
0x52: {  	[sflag:s29] =	ssyncadd.s32 $0xFFFFF800  }
0x53: {  	_ =	swait.ge [sflag:s29], $0x800  }
0x54: {  	[sflag:s29] =	ssyncset.done $0x0  }
0x55: {  	[sflag:s29] =	ssyncadd.s32 $0xFFFFF800  }
0x56: {  	_ =	swait.ge [sflag:s29], $0x800  }
0x57: {  	[sflag:s29] =	ssyncset.done $0x0  }
0x58: {  	[sflag:s29] =	ssyncadd.s32 $0xFFFFF800  }
0x59: {  	_ =	swait.ge [sflag:s29], $0x800  }
0x5a: {  	[sflag:s29] =	ssyncset.done $0x0  }
0x5b: {  	[sflag:s29] =	ssyncadd.s32 $0xFFFFF800  }
0x5c: {  	_ =	swait.ge [sflag:s29], $0x800  }
0x5d: {  	[sflag:s29] =	ssyncset.done $0x0  }
0x5e: {  	[sflag:s29] =	ssyncadd.s32 $0xFFFFF800  }
0x5f: {  	_ =	swait.ge [sflag:s29], $0x800  }
0x60: {  	s1 =	ssub.s32 $0x2, s1;
	[sflag:s29] =	ssyncset.done $0x0  }
0x61: {  	s10 =	sshrl.u32 s1, $0x1;
	[sflag:s29] =	ssyncadd.s32 $0xFFFFF800  }
0x62: {  	s0 =	ssub.s32 s1, s10;
	_ =	swait.ge [sflag:s29], $0x800  }
0x63: {  	s0 =	smax.u32 s0, $0x1;
	[sflag:s29] =	ssyncset.done $0x0  }
0x64: {  	p0 =	sne.s32 s0, $0x1;
	[sflag:s29] =	ssyncadd.s32 $0xFFFFF800  }
.Ltmp0:
0x65: {  	_ =	swait.ge [sflag:s29], $0x800;
	(pc) =	sbr.rel @!p0 .LBB2_2-.Ltmp0, $4  }
0x66: {  	[sflag:s29] =	ssyncset.done $0x0  }
0x67: {  	[sflag:s29] =	ssyncadd.s32 $0xFFFFF800  }
0x68: {  	_ =	swait.ge [sflag:s29], $0x800  }
0x69: {  	s11 =	simm.s32 $0x4080;
	s1 =	sadd.s32 $0xFFFFFFFF, s0;
	[sflag:s29] =	ssyncset.done $0x0  }
.LBB2_1:
0x6a: {  	[sflag:s29] =	ssyncadd.s32 $0xFFFFF800  }
0x6b: {  	_ =	swait.ge [sflag:s29], $0x800  }
0x6c: {  	[sflag:s29] =	ssyncset.done $0x0  }
0x6d: {  	s0 =	rddreg [dreg:$0x2];
	[sflag:s29] =	ssyncadd.s32 $0xFFFFF800  }
0x6e: {  	[tilespmem:s2], [sflag:$0x2] =	stream.linear.gather [hbm4b:s0+s2], $0x880, $0x38;
	[tilespmem:$0x9080] =	vst v63  }
0x6f: {  	_ =	swait.ge [sflag:s3], $0x880  }
0x70: {  	[sflag:s3] =	ssyncset.done $0x0  }
0x71: {  	s8 =	rddreg [dreg:$0x3];
	[sflag:s3] =	ssyncadd.s32 $0xFFFFF780  }
0x72: {  	[tilespmem:s4], [sflag:$0x2] =	stream.linear.gather [hbm4b:s8+s2], $0x8400, $0x38;
	[tilespmem:$0x9080] =	vst v63  }
0x73: {  	_ =	swait.ge [sflag:s3], $0x8400  }
0x74: {  	s0 =	rddreg [dreg:$0xa]  }
0x75: {  	s7 =	rddreg [dreg:$0x5];
	[sflag:s3] =	ssyncset.done $0x0  }
0x76: {  	s8 =	rddreg [dreg:$0x4];
	[sflag:s3] =	ssyncadd.s32 $0xFFFF7C00  }
0x77: {  	[hbm4b:s5+s6] =	stream.indirect.scatter [tilespmem:s4], [sflag:$0x1], $0x10, s2, s6, $0xb8;
	[tilespmem:$0x9080] =	vst v63  }
0x78: {  	s9 =	rddreg [dreg:$0x6]  }
0x79: {  	[hbm4b:s5+s6] =	stream.indirect.scatter [tilespmem:s8], [sflag:$0x1], $0x10, s6, s6, $0xb8;
	[tilespmem:$0x9080] =	vst v63  }
0x7a: {  	s10 =	rddreg [dreg:$0x8]  }
0x7b: {  	[hbm4b:s5+s6] =	stream.indirect.scatter [tilespmem:s9], [sflag:$0x1], $0x10, s7, s6, $0xb8;
	[tilespmem:$0x9080] =	vst v63  }
0x7c: {  	s8 =	rddreg [dreg:$0x7]  }
0x7d: {  	[hbm4b:s5+s6] =	stream.indirect.scatter [tilespmem:s10], [sflag:$0x1], $0x10, s8, s6, $0xb8;
	[tilespmem:$0x9080] =	vst v63  }
0x7e: {  	s9 =	rddreg [dreg:$0x9]  }
0x7f: {  	[hbm4b:s5+s6] =	stream.indirect.scatter [tilespmem:s0], [sflag:$0x1], $0x10, s9, s6, $0xb8;
	[tilespmem:$0x9080] =	vst v63  }
0x80: {  	s7 =	simm.s32 $0x3080;
	s10 =	rddreg [dreg:$0xb]  }
0x81: {  	[hbm4b:s5+s6] =	stream.indirect.scatter [tilespmem:s7], [sflag:$0x1], $0x10, s10, s6, $0xb8;
	[tilespmem:$0x9080] =	vst v63  }
0x82: {  	s8 =	simm.s32 $0x300;
	s9 =	simm.s32 $0x3880  }
0x83: {  	[hbm4b:s5+s6] =	stream.indirect.scatter [tilespmem:s9], [sflag:$0x1], $0x10, s8, s6, $0xb8;
	[tilespmem:$0x9080] =	vst v63  }
0x84: {  	s10 =	simm.s32 $0x380  }
0x85: {  	[hbm4b:s5+s6] =	stream.indirect.scatter [tilespmem:s11], [sflag:$0x1], $0x10, s10, s6, $0xb8;
	[tilespmem:$0x9080] =	vst v63  }
0x86: {  	_ = 	snop  }
0x87: {  	[hbm4b:s5+s6] =	stream.indirect.scatter [tilespmem:s13], [sflag:$0x1], $0x10, s12, s6, $0xb8;
	[tilespmem:$0x9080] =	vst v63  }
0x88: {  	_ = 	snop  }
0x89: {  	[hbm4b:s5+s6] =	stream.indirect.scatter [tilespmem:s15], [sflag:$0x1], $0x10, s14, s6, $0xb8;
	[tilespmem:$0x9080] =	vst v63  }
0x8a: {  	_ = 	snop  }
0x8b: {  	[hbm4b:s5+s6] =	stream.indirect.scatter [tilespmem:s17], [sflag:$0x1], $0x10, s16, s6, $0xb8;
	[tilespmem:$0x9080] =	vst v63  }
0x8c: {  	_ = 	snop  }
0x8d: {  	[hbm4b:s5+s6] =	stream.indirect.scatter [tilespmem:s19], [sflag:$0x1], $0x10, s18, s6, $0xb8;
	[tilespmem:$0x9080] =	vst v63  }
0x8e: {  	_ = 	snop  }
0x8f: {  	[hbm4b:s5+s6] =	stream.indirect.scatter [tilespmem:s21], [sflag:$0x1], $0x10, s20, s6, $0xb8;
	[tilespmem:$0x9080] =	vst v63  }
0x90: {  	_ = 	snop  }
0x91: {  	[hbm4b:s5+s6] =	stream.indirect.scatter [tilespmem:s23], [sflag:$0x1], $0x10, s22, s6, $0xb8;
	[tilespmem:$0x9080] =	vst v63  }
0x92: {  	_ = 	snop  }
0x93: {  	[hbm4b:s5+s6] =	stream.indirect.scatter [tilespmem:s25], [sflag:$0x1], $0x10, s24, s6, $0xb8;
	[tilespmem:$0x9080] =	vst v63  }
0x94: {  	_ = 	snop  }
0x95: {  	[hbm4b:s5+s6] =	stream.indirect.scatter [tilespmem:s28], [sflag:$0x1], $0x10, s26, s6, $0xb8;
	[tilespmem:$0x9080] =	vst v63  }
0x96: {  	_ = 	snop  }
0x97: {  	[hbm4b:s5+s6] =	stream.indirect.scatter [tilespmem:s31], [sflag:$0x1], $0x10, s30, s6, $0xb8;
	[tilespmem:$0x9080] =	vst v63  }
0x98: {  	_ =	swait.ge [sflag:s29], $0x800  }
0x99: {  	[sflag:s29] =	ssyncset.done $0x0  }
0x9a: {  	[sflag:s29] =	ssyncadd.s32 $0xFFFFF800  }
0x9b: {  	_ =	swait.ge [sflag:s29], $0x800  }
0x9c: {  	[sflag:s29] =	ssyncset.done $0x0  }
0x9d: {  	[sflag:s29] =	ssyncadd.s32 $0xFFFFF800  }
0x9e: {  	_ =	swait.ge [sflag:s29], $0x800  }
0x9f: {  	[sflag:s29] =	ssyncset.done $0x0  }
0xa0: {  	[sflag:s29] =	ssyncadd.s32 $0xFFFFF800  }
0xa1: {  	_ =	swait.ge [sflag:s29], $0x800  }
0xa2: {  	[sflag:s29] =	ssyncset.done $0x0  }
0xa3: {  	[sflag:s29] =	ssyncadd.s32 $0xFFFFF800  }
0xa4: {  	_ =	swait.ge [sflag:s29], $0x800  }
0xa5: {  	[sflag:s29] =	ssyncset.done $0x0  }
0xa6: {  	[sflag:s29] =	ssyncadd.s32 $0xFFFFF800  }
0xa7: {  	_ =	swait.ge [sflag:s29], $0x800  }
0xa8: {  	[sflag:s29] =	ssyncset.done $0x0  }
0xa9: {  	[sflag:s29] =	ssyncadd.s32 $0xFFFFF800  }
0xaa: {  	_ =	swait.ge [sflag:s29], $0x800  }
0xab: {  	[sflag:s29] =	ssyncset.done $0x0  }
0xac: {  	[sflag:s29] =	ssyncadd.s32 $0xFFFFF800  }
0xad: {  	_ =	swait.ge [sflag:s29], $0x800  }
0xae: {  	[sflag:s29] =	ssyncset.done $0x0  }
0xaf: {  	[sflag:s29] =	ssyncadd.s32 $0xFFFFF800  }
0xb0: {  	_ =	swait.ge [sflag:s29], $0x800  }
0xb1: {  	[sflag:s29] =	ssyncset.done $0x0  }
0xb2: {  	[sflag:s29] =	ssyncadd.s32 $0xFFFFF800  }
0xb3: {  	_ =	swait.ge [sflag:s29], $0x800  }
0xb4: {  	[sflag:s29] =	ssyncset.done $0x0  }
0xb5: {  	[sflag:s29] =	ssyncadd.s32 $0xFFFFF800  }
0xb6: {  	_ =	swait.ge [sflag:s29], $0x800  }
0xb7: {  	[sflag:s29] =	ssyncset.done $0x0  }
0xb8: {  	[sflag:s29] =	ssyncadd.s32 $0xFFFFF800  }
0xb9: {  	_ =	swait.ge [sflag:s29], $0x800  }
0xba: {  	[sflag:s29] =	ssyncset.done $0x0  }
0xbb: {  	[sflag:s29] =	ssyncadd.s32 $0xFFFFF800  }
0xbc: {  	_ =	swait.ge [sflag:s29], $0x800  }
0xbd: {  	[sflag:s29] =	ssyncset.done $0x0  }
0xbe: {  	[sflag:s29] =	ssyncadd.s32 $0xFFFFF800  }
0xbf: {  	_ =	swait.ge [sflag:s29], $0x800  }
0xc0: {  	[sflag:s29] =	ssyncset.done $0x0  }
0xc1: {  	p0 =	sne.s32 s1, $0x1;
	[sflag:s29] =	ssyncadd.s32 $0xFFFFF800  }
.Ltmp1:
0xc2: {  	_ =	swait.ge [sflag:s29], $0x800;
	(pc) =	sbr.rel @p0 .LBB2_1-.Ltmp1, $4  }
0xc3: {  	[sflag:s29] =	ssyncset.done $0x0  }
0xc4: {  	[sflag:s29] =	ssyncadd.s32 $0xFFFFF800  }
0xc5: {  	_ =	swait.ge [sflag:s29], $0x800  }
0xc6: {  	s1 =	sadd.s32 $0xFFFFFFFF, s1;
	[sflag:s29] =	ssyncset.done $0x0  }
.LBB2_2:
0xc7: {  	[sflag:s29] =	ssyncadd.s32 $0xFFFFF800  }
0xc8: {  	_ =	swait.ge [sflag:s29], $0x800  }
0xc9: {  	[sflag:s29] =	ssyncset.done $0x0  }
0xca: {  	[sflag:s29] =	ssyncadd.s32 $0xFFFFF800  }
0xcb: {  	_ =	sfence.sel $0x180000  }
0xcc: {  	[bflag:$0x0] =	sbarrier.arrive $0xFFFF  }
0xcd: {  	_ =	strace $0x90000047  }
0xce: {  	s0 =	stileid.u32;
	[bflag:$0x2] =	sbarrier.arrive $0xFFFF  }
0xcf: {  	p0 =	sne.s32 s0, $0x0;
	s0 =	rddreg [dreg:$0x1]  }
0xd0: {  	s0 =	sadd.s32 @!p0 $0x100000, s0  }
0xd1: {  	[sflag:s0] =	ssyncadd.tile.s32 @!p0 $0x1;
	_ =	shalt  }
.Lfunc_end2:
_tile_overlayer_lowered:
.L_overlay_start_2:
0xd2: {  	(tag) =	ssettag $0x2  }
0xd3: {  	s0 =	rddreg [dreg:$0x0];
	s2 =	stileid.u32  }
0xd4: {  	s1 =	rddreg [dreg:$0x1];
	p0 =	sne.s32 s2, $0x0  }
0xd5: {  	s3 =	rddreg [dreg:$0x2];
	[bflag:$0x3] =	sbarrier.arrive $0xFFFF;
	s2 =	simm.s32 @!p0 $0x1C02  }
0xd6: {  	[timem:s3], [sflag:s2] =	dma.local @!p0 [hbm:s0], s1  }
0xd7: {  	s0 =	simm.s32 @!p0 $0x2  }
0xd8: {  	_ =	swait.ge @!p0 [sflag:s0], s1  }
0xd9: {  	s1 =	ssub.s32 @!p0 $0x0, s1;
	[sflag:s0] =	ssyncset.done @!p0 $0x0  }
0xda: {  	[sflag:s0] =	ssyncadd.s32 @!p0 s1  }
0xdb: {  	[bflag:$0x3] =	sbarrier.arrive $0xFFFF  }
0xdc: {  	_ =	shalt  }

</sc_bundles>
